<compile_context>
chip_gen: v7x
topology: tpu7x:2x2x1
jax: 0.10.2.dev20260603
libtpu: 0.0.44.dev20260713+nightly
codegen_flags: <defaults>
</compile_context>

<pallas_src>
import functools

import jax
import jax.numpy as jnp
from jax import lax
from jax.experimental import pallas as pl
from jax.experimental.pallas import tpu as pltpu
from jax.experimental.pallas import tpu_sc as plsc

N = 10000
E = 160000
NC = 2
NS = 16
NW = NC * NS
CH = 128
NCHUNK = 40
EPW = NCHUNK * CH
E_PAD = NW * EPW
RPT = 632
N_PAD = NS * RPT
F32 = jnp.float32


def _mesh():
    return plsc.VectorSubcoreMesh(core_axis_name="c", subcore_axis_name="s",
                                  num_cores=NC, num_subcores=NS)



def _sc_edge_stats(ea_ext, col_r, zeros128):
    @functools.partial(
        pl.kernel,
        mesh=_mesh(),
        out_type=jax.ShapeDtypeStruct((NC, N, 128), F32),
        scratch_types=[
            pltpu.VMEM((NCHUNK, CH), jnp.int32),
            pltpu.VMEM((CH, 128), F32),
            pltpu.MemorySpace.VMEM_SHARED((N_PAD, 128), F32),
        ],
    )
    def k(ea_hbm, col_hbm, z32_hbm, se_hbm, col_v, ebuf, acce):
        c = lax.axis_index("c")
        s = lax.axis_index("s")
        w = s * NC + c
        base = s * RPT
        pltpu.sync_copy(z32_hbm.at[pl.ds(base, RPT)], acce.at[pl.ds(base, RPT)])
        pltpu.sync_copy(col_hbm.at[w], col_v)
        plsc.subcore_barrier()

        def chunk(j, carry):
            pltpu.sync_copy(ea_hbm.at[pl.ds(w * EPW + j * CH, CH)], ebuf)
            pltpu.sync_copy(ebuf, acce.at[col_v.at[j]], add=True)
            return carry

        lax.fori_loop(0, NCHUNK, chunk, 0)
        plsc.subcore_barrier()

        @pl.when(s < NS - 1)
        def _():
            pltpu.sync_copy(acce.at[pl.ds(base, RPT)], se_hbm.at[c, pl.ds(base, RPT)])

        @pl.when(s == NS - 1)
        def _():
            last = N - (NS - 1) * RPT
            pltpu.sync_copy(acce.at[pl.ds(base, last)], se_hbm.at[c, pl.ds(base, last)])

    return k(ea_ext, col_r, zeros128)


def _sc_segsum(tables, row_r, col_r, zeros128):
    P = len(tables)

    @functools.partial(
        pl.kernel,
        mesh=_mesh(),
        out_type=jax.ShapeDtypeStruct((P, NC, N, 128), F32),
        scratch_types=[
            pltpu.VMEM((NCHUNK, CH), jnp.int32),
            pltpu.VMEM((NCHUNK, CH), jnp.int32),
            pltpu.VMEM((CH, 128), F32),
            pltpu.SemaphoreType.DMA,
            pltpu.MemorySpace.VMEM_SHARED((N_PAD, 128), F32),
        ],
    )
    def k(*refs):
        tabs = refs[:P]
        row_hbm, col_hbm, z128_hbm, out_hbm = refs[P:P + 4]
        row_v, col_v, gbuf, sem, acc = refs[P + 4:]
        c = lax.axis_index("c")
        s = lax.axis_index("s")
        w = s * NC + c
        base = s * RPT
        pltpu.sync_copy(row_hbm.at[w], row_v)
        pltpu.sync_copy(col_hbm.at[w], col_v)
        for p in range(P):
            pltpu.sync_copy(z128_hbm.at[pl.ds(base, RPT)], acc.at[pl.ds(base, RPT)])
            plsc.subcore_barrier()

            def chunk(j, carry):
                pltpu.async_copy(tabs[p].at[row_v.at[j]], gbuf, sem).wait()
                pltpu.sync_copy(gbuf, acc.at[col_v.at[j]], add=True)
                return carry

            lax.fori_loop(0, NCHUNK, chunk, 0)
            plsc.subcore_barrier()

            @pl.when(s < NS - 1)
            def _():
                pltpu.sync_copy(acc.at[pl.ds(base, RPT)],
                                out_hbm.at[p, c, pl.ds(base, RPT)])

            @pl.when(s == NS - 1)
            def _():
                last = N - (NS - 1) * RPT
                pltpu.sync_copy(acc.at[pl.ds(base, last)],
                                out_hbm.at[p, c, pl.ds(base, last)])

            plsc.subcore_barrier()

    return k(*tables, row_r, col_r, zeros128)



def _dotT(a, b):
    return lax.dot_general(a.astype(jnp.bfloat16), b.astype(jnp.bfloat16),
                           (((1,), (1,)), ((), ())),
                           preferred_element_type=F32)


def _tc1(x, Wx):
    def body(x_ref, w_ref, o_ref):
        o_ref[...] = _dotT(x_ref[...], w_ref[...])

    return pl.pallas_call(
        body, out_shape=jax.ShapeDtypeStruct((N, 128), F32))(x, Wx)


def _tc1b(ea, We, b_int):
    R = 2000
    G = E // R

    def body(ea_ref, w_ref, b_ref, o_ref):
        o_ref[...] = _dotT(ea_ref[...], w_ref[...]) + b_ref[...]

    return pl.pallas_call(
        body,
        grid=(G,),
        in_specs=[
            pl.BlockSpec((R, 16), lambda i: (i, 0)),
            pl.BlockSpec((128, 16), lambda i: (0, 0)),
            pl.BlockSpec((1, 128), lambda i: (0, 0)),
        ],
        out_specs=pl.BlockSpec((R, 128), lambda i: (i, 0)),
        out_shape=jax.ShapeDtypeStruct((E, 128), F32),
    )(ea, We, b_int)


def _sc_edge_combined(y, ue_ext, row_r, col_r, zeros128):
    @functools.partial(
        pl.kernel,
        mesh=_mesh(),
        out_type=jax.ShapeDtypeStruct((NC, N, 128), F32),
        scratch_types=[
            pltpu.VMEM((NCHUNK, CH), jnp.int32),
            pltpu.VMEM((NCHUNK, CH), jnp.int32),
            pltpu.VMEM((CH, 128), F32),
            pltpu.VMEM((CH, 128), F32),
            pltpu.SemaphoreType.DMA,
            pltpu.MemorySpace.VMEM_SHARED((N_PAD, 128), F32),
        ],
    )
    def k(y_hbm, ue_hbm, row_hbm, col_hbm, z128_hbm, s_hbm,
          row_v, col_v, gbuf, ubuf, sem, acc):
        c = lax.axis_index("c")
        s = lax.axis_index("s")
        w = s * NC + c
        base = s * RPT
        pltpu.sync_copy(z128_hbm.at[pl.ds(base, RPT)], acc.at[pl.ds(base, RPT)])
        pltpu.sync_copy(row_hbm.at[w], row_v)
        pltpu.sync_copy(col_hbm.at[w], col_v)
        plsc.subcore_barrier()

        def chunk(j, carry):
            pltpu.async_copy(y_hbm.at[row_v.at[j]], gbuf, sem).wait()
            pltpu.sync_copy(ue_hbm.at[pl.ds(w * EPW + j * CH, CH)], ubuf)
            pltpu.sync_copy(gbuf, acc.at[col_v.at[j]], add=True)
            pltpu.sync_copy(ubuf, acc.at[col_v.at[j]], add=True)
            return carry

        lax.fori_loop(0, NCHUNK, chunk, 0)
        plsc.subcore_barrier()

        @pl.when(s < NS - 1)
        def _():
            pltpu.sync_copy(acc.at[pl.ds(base, RPT)], s_hbm.at[c, pl.ds(base, RPT)])

        @pl.when(s == NS - 1)
        def _():
            last = N - (NS - 1) * RPT
            pltpu.sync_copy(acc.at[pl.ds(base, last)], s_hbm.at[c, pl.ds(base, last)])

    return k(y, ue_ext, row_r, col_r, zeros128)


def _tc2(sy, se, preW, preb, preg, prebe, prea):
    def body(sy_ref, se_ref, pw_ref, pb_ref, pg_ref,
             pbe_ref, pa_ref, h_ref, inv_ref):
        syt = sy_ref[0] + sy_ref[1]
        cnt_raw = se_ref[0][:, 16:17] + se_ref[1][:, 16:17]
        cnt = jnp.maximum(cnt_raw, 1.0)
        h = syt / cnt
        for i in range(8):
            z = _dotT(h, pw_ref[i]) + pb_ref[i]
            m = jnp.mean(z, axis=0, keepdims=True)
            v = jnp.mean((z - m) ** 2, axis=0, keepdims=True)
            zn = pg_ref[i] * (z - m) / jnp.sqrt(v + 1e-5) + pbe_ref[i]
            h = jnp.where(zn >= 0, zn, pa_ref[i] * zn)
        h_ref[...] = h
        inv_ref[...] = jnp.broadcast_to(cnt, (N, 128))

    return pl.pallas_call(
        body,
        out_shape=[jax.ShapeDtypeStruct((N, 128), F32),
                   jax.ShapeDtypeStruct((N, 128), F32)],
    )(sy, se, preW, preb, preg, prebe, prea)


def _tc3(agg1, h, inv_b, Wl1, Wr1, bl1):
    R = 2000
    G = N // R

    def body(a_ref, h_ref, inv_ref, wl_ref, wr_ref, bl_ref, *o_refs):
        a = (a_ref[0] + a_ref[1]) / inv_ref[...]
        z = _dotT(a, wl_ref[...]) + _dotT(h_ref[...], wr_ref[...]) + bl_ref[...]
        z = jnp.maximum(z, 0.0)
        for c in range(8):
            o_refs[c][...] = z[:, c * 128:(c + 1) * 128]

    return pl.pallas_call(
        body,
        grid=(G,),
        in_specs=[
            pl.BlockSpec((2, R, 128), lambda i: (0, i, 0)),
            pl.BlockSpec((R, 128), lambda i: (i, 0)),
            pl.BlockSpec((R, 128), lambda i: (i, 0)),
            pl.BlockSpec((1024, 128), lambda i: (0, 0)),
            pl.BlockSpec((1024, 128), lambda i: (0, 0)),
            pl.BlockSpec((1, 1024), lambda i: (0, 0)),
        ],
        out_specs=[pl.BlockSpec((R, 128), lambda i: (i, 0))] * 8,
        out_shape=[jax.ShapeDtypeStruct((N, 128), F32)] * 8,
    )(agg1, h, inv_b, Wl1, Wr1, bl1)


def _tc4(agg2, h1p, inv_b, Wl2, Wr2, bl2, pW0, pb0):
    R = 400
    G = N // R

    def body(a_ref, *refs):
        h1_refs = refs[:8]
        inv_ref, wl_ref, wr_ref, bl_ref, pw_ref, pb_ref, z3_ref, st_ref = refs[8:]
        i = pl.program_id(0)
        aggf = jnp.concatenate([a_ref[c, 0] + a_ref[c, 1] for c in range(8)],
                               axis=1)
        h1f = jnp.concatenate([h1_refs[c][...] for c in range(8)], axis=1)
        z = (_dotT(aggf / inv_ref[:, :1], wl_ref[...])
             + _dotT(h1f, wr_ref[...]) + bl_ref[...])
        h2 = jnp.maximum(z, 0.0)
        z3 = _dotT(h2, pw_ref[...]) + pb_ref[...]
        z3_ref[...] = z3

        @pl.when(i == 0)
        def _():
            st_ref[...] = jnp.zeros_like(st_ref)
            st_ref[2:3, :] = jnp.mean(z3, axis=0, keepdims=True)

        d = z3 - st_ref[2:3, :]
        st_ref[0:1, :] += jnp.sum(d, axis=0, keepdims=True)
        st_ref[1:2, :] += jnp.sum(d * d, axis=0, keepdims=True)

    return pl.pallas_call(
        body,
        grid=(G,),
        in_specs=[pl.BlockSpec((8, 2, R, 128), lambda i: (0, 0, i, 0))]
        + [pl.BlockSpec((R, 128), lambda i: (i, 0))] * 8
        + [
            pl.BlockSpec((R, 128), lambda i: (i, 0)),
            pl.BlockSpec((1024, 1024), lambda i: (0, 0)),
            pl.BlockSpec((1024, 1024), lambda i: (0, 0)),
            pl.BlockSpec((1, 1024), lambda i: (0, 0)),
            pl.BlockSpec((1024, 1024), lambda i: (0, 0)),
            pl.BlockSpec((1, 1024), lambda i: (0, 0)),
        ],
        out_specs=[pl.BlockSpec((R, 1024), lambda i: (i, 0)),
                   pl.BlockSpec((8, 1024), lambda i: (0, 0))],
        out_shape=[jax.ShapeDtypeStruct((N, 1024), F32),
                   jax.ShapeDtypeStruct((8, 1024), F32)],
    )(agg2, *h1p, inv_b, Wl2, Wr2, bl2, pW0, pb0)


def _tc5(z3, st3, pg0, pbe0, pa0, pW1, pb1):
    R = 2000
    G = N // R

    def body(z3_ref, st3_ref, pg_ref, pbe_ref, pa_ref, pw_ref, pb_ref,
             z4_ref, st_ref):
        i = pl.program_id(0)
        dm = st3_ref[0:1, :] * (1.0 / N)
        m = st3_ref[2:3, :] + dm
        v = st3_ref[1:2, :] * (1.0 / N) - dm * dm
        zn = pg_ref[...] * (z3_ref[...] - m) / jnp.sqrt(v + 1e-5) + pbe_ref[...]
        h3 = jnp.where(zn >= 0, zn, pa_ref[...] * zn)
        z4 = _dotT(h3, pw_ref[...]) + pb_ref[...]
        z4_ref[...] = z4

        @pl.when(i == 0)
        def _():
            st_ref[...] = jnp.zeros_like(st_ref)
            st_ref[2:3, :] = jnp.mean(z4, axis=0, keepdims=True)

        d = z4 - st_ref[2:3, :]
        st_ref[0:1, :] += jnp.sum(d, axis=0, keepdims=True)
        st_ref[1:2, :] += jnp.sum(d * d, axis=0, keepdims=True)

    return pl.pallas_call(
        body,
        grid=(G,),
        in_specs=[
            pl.BlockSpec((R, 1024), lambda i: (i, 0)),
            pl.BlockSpec((8, 1024), lambda i: (0, 0)),
            pl.BlockSpec((1, 1024), lambda i: (0, 0)),
            pl.BlockSpec((1, 1024), lambda i: (0, 0)),
            pl.BlockSpec((1, 1024), lambda i: (0, 0)),
            pl.BlockSpec((128, 1024), lambda i: (0, 0)),
            pl.BlockSpec((1, 128), lambda i: (0, 0)),
        ],
        out_specs=[pl.BlockSpec((R, 128), lambda i: (i, 0)),
                   pl.BlockSpec((8, 128), lambda i: (0, 0))],
        out_shape=[jax.ShapeDtypeStruct((N, 128), F32),
                   jax.ShapeDtypeStruct((8, 128), F32)],
    )(z3, st3, pg0, pbe0, pa0, pW1, pb1)


def _tc6(z4, st4, pg1, pbe1, pa1, Wo, bo):
    def body(z4_ref, st_ref, pg_ref, pbe_ref, pa_ref, wo_ref, bo_ref, o_ref):
        dm = st_ref[0:1, :] * (1.0 / N)
        m = st_ref[2:3, :] + dm
        v = st_ref[1:2, :] * (1.0 / N) - dm * dm
        zn = pg_ref[...] * (z4_ref[...] - m) / jnp.sqrt(v + 1e-5) + pbe_ref[...]
        h4 = jnp.where(zn >= 0, zn, pa_ref[...] * zn)
        h4_16 = h4.astype(jnp.bfloat16).astype(F32)
        w16 = wo_ref[...].astype(jnp.bfloat16).astype(F32)
        o_ref[...] = jnp.sum(h4_16 * w16, axis=1) + bo_ref[0, 0]

    return pl.pallas_call(
        body, out_shape=jax.ShapeDtypeStruct((N,), F32))(
            z4, st4, pg1, pbe1, pa1, Wo, bo)



def kernel(x, edge_index, edge_attr, W_int, b_int, pre_W, pre_b, pre_g,
           pre_be, pre_a, Wl1, bl1, Wr1, Wl2, bl2, Wr2, post_W, post_b,
           post_g, post_be, post_a, W_out, b_out):
    W_x = W_int[:, :256]
    W_e = W_int[:, 256:]
    row = edge_index[0]
    col = edge_index[1]
    pad = E_PAD - E
    row_r = jnp.concatenate([row, jnp.zeros((pad,), jnp.int32)]).reshape(
        NW, NCHUNK, CH)
    col_r = jnp.concatenate([col, jnp.full((pad,), N, jnp.int32)]).reshape(
        NW, NCHUNK, CH)
    ones_ext = jnp.zeros((E_PAD, 128), F32).at[:, 16].set(1.0)
    z128 = jnp.zeros((N_PAD, 128), F32)

    preW = jnp.stack(pre_W)
    preb = jnp.stack(pre_b)
    preg = jnp.stack(pre_g)
    prebe = jnp.stack(pre_be)
    prea = jnp.broadcast_to(jnp.stack(pre_a)[:, None], (8, 128))

    y = _tc1(x, W_x)
    ue = _tc1b(edge_attr, W_e, b_int.reshape(1, 128))
    ue_ext = jnp.concatenate([ue, jnp.zeros((E_PAD - E, 128), F32)])
    sy = _sc_edge_combined(y, ue_ext, row_r, col_r, z128)
    se = _sc_edge_stats(ones_ext, col_r, z128)
    h, inv_b = _tc2(sy, se, preW, preb, preg, prebe, prea)
    agg1 = _sc_segsum([h], row_r, col_r, z128)[0]
    h1p = _tc3(agg1, h, inv_b, Wl1, Wr1, bl1.reshape(1, 1024))
    agg2 = _sc_segsum(h1p, row_r, col_r, z128)
    z3, st3 = _tc4(agg2, h1p, inv_b, Wl2, Wr2, bl2.reshape(1, 1024), post_W[0],
                   post_b[0].reshape(1, 1024))
    z4, st4 = _tc5(z3, st3, post_g[0].reshape(1, 1024),
                   post_be[0].reshape(1, 1024),
                   jnp.broadcast_to(post_a[0], (1, 1024)), post_W[1],
                   post_b[1].reshape(1, 128))
    out = _tc6(z4, st4, post_g[1].reshape(1, 128), post_be[1].reshape(1, 128),
               jnp.broadcast_to(post_a[1], (1, 128)), W_out,
               b_out.reshape(1, 1))
    return out

# --- scband reference (transcript-rebuilt; emitter-appended) ---
"""Pipeline reference for scband-model-46840913330369 (READ-ONLY COPY).

The authoritative reference and input builder live on the scoring server;
editing this copy changes nothing except your own understanding.
"""

import jax, jax.numpy as jnp
import numpy as np

N = 10000
E = 160000
D_FEAT = 256
D_EDGE = 16
N_PRE = 8

def _w(key, out_f, in_f):
    return jax.random.normal(key, (out_f, in_f), dtype=jnp.float32) * (in_f ** -0.5)

def setup_inputs(seed: int = 0):
    key = jax.random.key(seed)
    ks = iter(jax.random.split(key, 96))
    inp = {}
    inp["x"] = jax.random.normal(next(ks), (N, D_FEAT), dtype=jnp.float32)
    inp["edge_index"] = jax.random.randint(next(ks), (2, E), 0, N, dtype=jnp.int32)
    inp["edge_attr"] = jax.random.normal(next(ks), (E, D_EDGE), dtype=jnp.float32)
    inp["W_int"] = _w(next(ks), 128, D_FEAT + D_EDGE)
    inp["b_int"] = jnp.zeros((128,), jnp.float32)
    inp["pre_W"] = [_w(next(ks), 128, 128) for _ in range(N_PRE)]
    inp["pre_b"] = [jnp.zeros((128,), jnp.float32) for _ in range(N_PRE)]
    inp["pre_g"] = [jnp.ones((128,), jnp.float32) for _ in range(N_PRE)]
    inp["pre_be"] = [jnp.zeros((128,), jnp.float32) for _ in range(N_PRE)]
    inp["pre_a"] = [jnp.array(0.25, jnp.float32) for _ in range(N_PRE)]
    inp["Wl1"] = _w(next(ks), 1024, 128)
    inp["bl1"] = jnp.zeros((1024,), jnp.float32)
    inp["Wr1"] = _w(next(ks), 1024, 128)
    inp["Wl2"] = _w(next(ks), 1024, 1024)
    inp["bl2"] = jnp.zeros((1024,), jnp.float32)
    inp["Wr2"] = _w(next(ks), 1024, 1024)
    post_dims = [(1024, 1024), (128, 1024)]
    inp["post_W"] = [_w(next(ks), o, i) for (o, i) in post_dims]
    inp["post_b"] = [jnp.zeros((o,), jnp.float32) for (o, i) in post_dims]
    inp["post_g"] = [jnp.ones((o,), jnp.float32) for (o, i) in post_dims]
    inp["post_be"] = [jnp.zeros((o,), jnp.float32) for (o, i) in post_dims]
    inp["post_a"] = [jnp.array(0.25, jnp.float32) for _ in post_dims]
    inp["W_out"] = _w(next(ks), 1, 128)
    inp["b_out"] = jnp.zeros((1,), jnp.float32)
    return inp

def _bn(h, g, b):
    m = jnp.mean(h, axis=0)
    v = jnp.var(h, axis=0)
    return g * (h - m) / jnp.sqrt(v + 1e-5) + b

def _prelu(h, a):
    return jnp.where(h >= 0, h, a * h)

def _forward(fl, edge_index):
    (x, edge_attr, W_int, b_int, pre_W, pre_b, pre_g, pre_be, pre_a,
     Wl1, bl1, Wr1, Wl2, bl2, Wr2,
     post_W, post_b, post_g, post_be, post_a, W_out, b_out) = fl
    row = edge_index[0]
    col = edge_index[1]
    n = x.shape[0]
    ones = jnp.ones((row.shape[0], 1), jnp.float32)
    cnt = jnp.maximum(jax.ops.segment_sum(ones, col, num_segments=n), 1.0)
    # AtomEdgeInteraction: gather src features, concat edge_attr, linear, scatter_mean to dst
    comb = jnp.concatenate([x[row], edge_attr], axis=-1)
    upd = comb @ W_int.T + b_int
    h = jax.ops.segment_sum(upd, col, num_segments=n) / cnt
    # preprocess MLP stack: Linear + BatchNorm (batch stats) + PReLU (dropout p=0)
    for i in range(len(pre_W)):
        h = _prelu(_bn(h @ pre_W[i].T + pre_b[i], pre_g[i], pre_be[i]), pre_a[i])
    # SAGEConv 1: mean-aggregate neighbors, lin_l(agg) + lin_r(x), then relu
    agg = jax.ops.segment_sum(h[row], col, num_segments=n) / cnt
    h = jax.nn.relu(agg @ Wl1.T + bl1 + h @ Wr1.T)
    # SAGEConv 2
    agg = jax.ops.segment_sum(h[row], col, num_segments=n) / cnt
    h = jax.nn.relu(agg @ Wl2.T + bl2 + h @ Wr2.T)
    # postprocess
    for i in range(len(post_W)):
        h = _prelu(_bn(h @ post_W[i].T + post_b[i], post_g[i], post_be[i]), post_a[i])
    return (h @ W_out.T + b_out).squeeze(-1)

def reference(x, edge_index, edge_attr, W_int, b_int, pre_W, pre_b, pre_g, pre_be, pre_a, Wl1, bl1, Wr1, Wl2, bl2, Wr2, post_W, post_b, post_g, post_be, post_a, W_out, b_out):
    fl = (x, edge_attr, W_int, b_int, pre_W, pre_b, pre_g, pre_be, pre_a,
          Wl1, bl1, Wr1, Wl2, bl2, Wr2,
          post_W, post_b, post_g, post_be, post_a, W_out, b_out)
    return _forward(fl, edge_index)

if __name__ == "__main__":
    import jax
    _d = setup_inputs()
    print(jax.jit(kernel)(*tuple(_d.values())))

</pallas_src>

<mosaic_0001>
#map = affine_map<(d0, d1) -> (0, 0)>
#map1 = affine_map<(d0, d1) -> (0, 0, 0)>
module attributes {stable_mosaic.version = 14 : i64} {
  func.func @k(%arg0: i32, %arg1: i32, %arg2: memref<10000x128xf32, #tpu.memory_space<hbm>>, %arg3: memref<163840x128xf32, #tpu.memory_space<hbm>>, %arg4: memref<32x40x128xi32, #tpu.memory_space<hbm>>, %arg5: memref<32x40x128xi32, #tpu.memory_space<hbm>>, %arg6: memref<10112x128xf32, #tpu.memory_space<hbm>>, %arg7: memref<2x10000x128xf32, #tpu.memory_space<hbm>>, %arg8: memref<40x128xi32, #tpu.memory_space<vmem>>, %arg9: memref<40x128xi32, #tpu.memory_space<vmem>>, %arg10: memref<128x128xf32, #tpu.memory_space<vmem>>, %arg11: memref<128x128xf32, #tpu.memory_space<vmem>>, %arg12: memref<!tpu.dma_semaphore, #tpu.memory_space<semaphore_mem>>, %arg13: memref<10112x128xf32, #tpu.memory_space<vmem_shared>>) attributes {dimension_semantics = [#tpu.dimension_semantics<core_parallel>, #tpu.dimension_semantics<subcore_parallel>], iteration_bounds = array<i64: 2, 16>, scalar_prefetch = 0 : i64, scratch_operands = 6 : i64, tpu.core_type = #tpu.core_type<sc_vector_subcore>, window_params = [{transform_indices = #map}, {transform_indices = #map}, {transform_indices = #map1}, {transform_indices = #map1}, {transform_indices = #map}, {transform_indices = #map1}]} {
    %mul3A = arith.constant 2 : i32
    %mul3A_0 = arith.muli %arg1, %mul3A : i32
    %add3A = arith.addi %mul3A_0, %arg0 : i32
    %mul3A_1 = arith.constant 632 : i32
    %mul3A_2 = arith.muli %arg1, %mul3A_1 : i32
    "tpu.region"() ({
      %run_scoped3A = tpu.sem_alloc : memref<!tpu.dma_semaphore, #tpu.memory_space<semaphore_mem>>
      %dma_start3A = arith.constant 0 : i32
      %dma_start3A_15 = tpu.memref_slice %arg13[%mul3A_2, %dma_start3A] : memref<10112x128xf32, #tpu.memory_space<vmem_shared>> -> memref<632x128xf32, #tpu.memory_space<vmem_shared>>
      %dma_start3A_16 = arith.constant 0 : i32
      %dma_start3A_17 = tpu.memref_slice %arg6[%mul3A_2, %dma_start3A_16] : memref<10112x128xf32, #tpu.memory_space<hbm>> -> memref<632x128xf32, #tpu.memory_space<hbm>>
      tpu.enqueue_dma source(%dma_start3A_17 : memref<632x128xf32, #tpu.memory_space<hbm>>) target(%dma_start3A_15 : memref<632x128xf32, #tpu.memory_space<vmem_shared>>) target_semaphore(%run_scoped3A : memref<!tpu.dma_semaphore, #tpu.memory_space<semaphore_mem>>)
      %dma_wait3A = arith.constant 0 : i32
      %dma_wait3A_18 = tpu.memref_slice %arg13[%mul3A_2, %dma_wait3A] : memref<10112x128xf32, #tpu.memory_space<vmem_shared>> -> memref<632x128xf32, #tpu.memory_space<vmem_shared>>
      %dma_wait3A_19 = arith.constant 0 : i32
      %dma_wait3A_20 = tpu.memref_slice %arg6[%mul3A_2, %dma_wait3A_19] : memref<10112x128xf32, #tpu.memory_space<hbm>> -> memref<632x128xf32, #tpu.memory_space<hbm>>
      tpu.wait_dma2 semaphore(%run_scoped3A : memref<!tpu.dma_semaphore, #tpu.memory_space<semaphore_mem>>) src(%dma_wait3A_20 : memref<632x128xf32, #tpu.memory_space<hbm>>) dst(%dma_wait3A_18 : memref<632x128xf32, #tpu.memory_space<vmem_shared>>)
      tpu.yield
    }) : () -> ()
    "tpu.region"() ({
      %run_scoped3A = tpu.sem_alloc : memref<!tpu.dma_semaphore, #tpu.memory_space<semaphore_mem>>
      %dma_start3A = arith.constant 0 : i32
      %dma_start3A_15 = arith.constant 0 : i32
      %dma_start3A_16 = tpu.memref_slice %arg4[%add3A, %dma_start3A, %dma_start3A_15] : memref<32x40x128xi32, #tpu.memory_space<hbm>> -> memref<1x40x128xi32, #tpu.memory_space<hbm>>
      %dma_start3A_17 = tpu.memref_squeeze %dma_start3A_16 : memref<1x40x128xi32, #tpu.memory_space<hbm>> -> memref<40x128xi32, #tpu.memory_space<hbm>>
      %dma_start3A_18 = arith.constant 0 : i32
      %dma_start3A_19 = arith.constant 0 : i32
      %dma_start3A_20 = tpu.memref_slice %arg4[%add3A, %dma_start3A_18, %dma_start3A_19] : memref<32x40x128xi32, #tpu.memory_space<hbm>> -> memref<1x40x128xi32, #tpu.memory_space<hbm>>
      %dma_start3A_21 = tpu.memref_squeeze %dma_start3A_20 : memref<1x40x128xi32, #tpu.memory_space<hbm>> -> memref<40x128xi32, #tpu.memory_space<hbm>>
      tpu.enqueue_dma source(%dma_start3A_21 : memref<40x128xi32, #tpu.memory_space<hbm>>) target(%arg8 : memref<40x128xi32, #tpu.memory_space<vmem>>) target_semaphore(%run_scoped3A : memref<!tpu.dma_semaphore, #tpu.memory_space<semaphore_mem>>)
      %dma_wait3A = arith.constant 0 : i32
      %dma_wait3A_22 = arith.constant 0 : i32
      %dma_wait3A_23 = tpu.memref_slice %arg4[%add3A, %dma_wait3A, %dma_wait3A_22] : memref<32x40x128xi32, #tpu.memory_space<hbm>> -> memref<1x40x128xi32, #tpu.memory_space<hbm>>
      %dma_wait3A_24 = tpu.memref_squeeze %dma_wait3A_23 : memref<1x40x128xi32, #tpu.memory_space<hbm>> -> memref<40x128xi32, #tpu.memory_space<hbm>>
      %dma_wait3A_25 = arith.constant 0 : i32
      %dma_wait3A_26 = arith.constant 0 : i32
      %dma_wait3A_27 = tpu.memref_slice %arg4[%add3A, %dma_wait3A_25, %dma_wait3A_26] : memref<32x40x128xi32, #tpu.memory_space<hbm>> -> memref<1x40x128xi32, #tpu.memory_space<hbm>>
      %dma_wait3A_28 = tpu.memref_squeeze %dma_wait3A_27 : memref<1x40x128xi32, #tpu.memory_space<hbm>> -> memref<40x128xi32, #tpu.memory_space<hbm>>
      tpu.wait_dma2 semaphore(%run_scoped3A : memref<!tpu.dma_semaphore, #tpu.memory_space<semaphore_mem>>) src(%dma_wait3A_28 : memref<40x128xi32, #tpu.memory_space<hbm>>) dst(%arg8 : memref<40x128xi32, #tpu.memory_space<vmem>>)
      tpu.yield
    }) : () -> ()
    "tpu.region"() ({
      %run_scoped3A = tpu.sem_alloc : memref<!tpu.dma_semaphore, #tpu.memory_space<semaphore_mem>>
      %dma_start3A = arith.constant 0 : i32
      %dma_start3A_15 = arith.constant 0 : i32
      %dma_start3A_16 = tpu.memref_slice %arg5[%add3A, %dma_start3A, %dma_start3A_15] : memref<32x40x128xi32, #tpu.memory_space<hbm>> -> memref<1x40x128xi32, #tpu.memory_space<hbm>>
      %dma_start3A_17 = tpu.memref_squeeze %dma_start3A_16 : memref<1x40x128xi32, #tpu.memory_space<hbm>> -> memref<40x128xi32, #tpu.memory_space<hbm>>
      %dma_start3A_18 = arith.constant 0 : i32
      %dma_start3A_19 = arith.constant 0 : i32
      %dma_start3A_20 = tpu.memref_slice %arg5[%add3A, %dma_start3A_18, %dma_start3A_19] : memref<32x40x128xi32, #tpu.memory_space<hbm>> -> memref<1x40x128xi32, #tpu.memory_space<hbm>>
      %dma_start3A_21 = tpu.memref_squeeze %dma_start3A_20 : memref<1x40x128xi32, #tpu.memory_space<hbm>> -> memref<40x128xi32, #tpu.memory_space<hbm>>
      tpu.enqueue_dma source(%dma_start3A_21 : memref<40x128xi32, #tpu.memory_space<hbm>>) target(%arg9 : memref<40x128xi32, #tpu.memory_space<vmem>>) target_semaphore(%run_scoped3A : memref<!tpu.dma_semaphore, #tpu.memory_space<semaphore_mem>>)
      %dma_wait3A = arith.constant 0 : i32
      %dma_wait3A_22 = arith.constant 0 : i32
      %dma_wait3A_23 = tpu.memref_slice %arg5[%add3A, %dma_wait3A, %dma_wait3A_22] : memref<32x40x128xi32, #tpu.memory_space<hbm>> -> memref<1x40x128xi32, #tpu.memory_space<hbm>>
      %dma_wait3A_24 = tpu.memref_squeeze %dma_wait3A_23 : memref<1x40x128xi32, #tpu.memory_space<hbm>> -> memref<40x128xi32, #tpu.memory_space<hbm>>
      %dma_wait3A_25 = arith.constant 0 : i32
      %dma_wait3A_26 = arith.constant 0 : i32
      %dma_wait3A_27 = tpu.memref_slice %arg5[%add3A, %dma_wait3A_25, %dma_wait3A_26] : memref<32x40x128xi32, #tpu.memory_space<hbm>> -> memref<1x40x128xi32, #tpu.memory_space<hbm>>
      %dma_wait3A_28 = tpu.memref_squeeze %dma_wait3A_27 : memref<1x40x128xi32, #tpu.memory_space<hbm>> -> memref<40x128xi32, #tpu.memory_space<hbm>>
      tpu.wait_dma2 semaphore(%run_scoped3A : memref<!tpu.dma_semaphore, #tpu.memory_space<semaphore_mem>>) src(%dma_wait3A_28 : memref<40x128xi32, #tpu.memory_space<hbm>>) dst(%arg9 : memref<40x128xi32, #tpu.memory_space<vmem>>)
      tpu.yield
    }) : () -> ()
    %barrier3A = arith.constant 0 : index
    tpu.barrier barrier_id(%barrier3A)
    %scan3A = arith.constant 0 : i32
    %scan3A_3 = arith.constant 0 : i32
    %scan3A_4 = arith.constant 40 : i32
    %scan3A_5 = arith.addi %scan3A_3, %scan3A_4 : i32
    %scan3A_6 = arith.constant 1 : i32
    scf.for %scan3A_15 = %scan3A_3 to %scan3A_5 step %scan3A_6  : i32 {
      %dma_start3A = arith.constant 0 : i32
      %dma_start3A_16 = tpu.memref_slice %arg8[%scan3A_15, %dma_start3A] : memref<40x128xi32, #tpu.memory_space<vmem>> -> memref<1x128xi32, #tpu.memory_space<vmem>>
      %dma_start3A_17 = tpu.memref_squeeze %dma_start3A_16 : memref<1x128xi32, #tpu.memory_space<vmem>> -> memref<128xi32, #tpu.memory_space<vmem>>
      %dma_start3A_18 = arith.constant 0 : i32
      %dma_start3A_19 = arith.constant 0 : i32
      %dma_start3A_20 = tpu.memref_slice %arg2[%dma_start3A_18, %dma_start3A_19] : memref<10000x128xf32, #tpu.memory_space<hbm>> -> memref<10000x128xf32, #tpu.memory_space<hbm>>
      tpu.enqueue_indirect_dma source(%dma_start3A_20 : memref<10000x128xf32, #tpu.memory_space<hbm>>) target(%arg10 : memref<128x128xf32, #tpu.memory_space<vmem>>) offsets(%dma_start3A_17 : memref<128xi32, #tpu.memory_space<vmem>>) semaphore(%arg12 : memref<!tpu.dma_semaphore, #tpu.memory_space<semaphore_mem>>)
      %dma_wait3A = arith.constant 0 : i32
      %dma_wait3A_21 = tpu.memref_slice %arg8[%scan3A_15, %dma_wait3A] : memref<40x128xi32, #tpu.memory_space<vmem>> -> memref<1x128xi32, #tpu.memory_space<vmem>>
      %dma_wait3A_22 = tpu.memref_squeeze %dma_wait3A_21 : memref<1x128xi32, #tpu.memory_space<vmem>> -> memref<128xi32, #tpu.memory_space<vmem>>
      %dma_wait3A_23 = arith.constant 0 : i32
      %dma_wait3A_24 = arith.constant 0 : i32
      %dma_wait3A_25 = tpu.memref_slice %arg2[%dma_wait3A_23, %dma_wait3A_24] : memref<10000x128xf32, #tpu.memory_space<hbm>> -> memref<10000x128xf32, #tpu.memory_space<hbm>>
      tpu.wait_indirect_dma semaphore(%arg12 : memref<!tpu.dma_semaphore, #tpu.memory_space<semaphore_mem>>) src(%dma_wait3A_25 : memref<10000x128xf32, #tpu.memory_space<hbm>>) dst(%arg10 : memref<128x128xf32, #tpu.memory_space<vmem>>)
      %mul3A_26 = arith.constant 5120 : i32
      %mul3A_27 = arith.muli %add3A, %mul3A_26 : i32
      %mul3A_28 = arith.constant 128 : i32
      %mul3A_29 = arith.muli %scan3A_15, %mul3A_28 : i32
      %add3A_30 = arith.addi %mul3A_27, %mul3A_29 : i32
      "tpu.region"() ({
        %run_scoped3A = tpu.sem_alloc : memref<!tpu.dma_semaphore, #tpu.memory_space<semaphore_mem>>
        %dma_start3A_31 = arith.constant 0 : i32
        %dma_start3A_32 = tpu.memref_slice %arg3[%add3A_30, %dma_start3A_31] : memref<163840x128xf32, #tpu.memory_space<hbm>> -> memref<128x128xf32, #tpu.memory_space<hbm>>
        %dma_start3A_33 = arith.constant 0 : i32
        %dma_start3A_34 = tpu.memref_slice %arg3[%add3A_30, %dma_start3A_33] : memref<163840x128xf32, #tpu.memory_space<hbm>> -> memref<128x128xf32, #tpu.memory_space<hbm>>
        tpu.enqueue_dma source(%dma_start3A_34 : memref<128x128xf32, #tpu.memory_space<hbm>>) target(%arg11 : memref<128x128xf32, #tpu.memory_space<vmem>>) target_semaphore(%run_scoped3A : memref<!tpu.dma_semaphore, #tpu.memory_space<semaphore_mem>>)
        %dma_wait3A_35 = arith.constant 0 : i32
        %dma_wait3A_36 = tpu.memref_slice %arg3[%add3A_30, %dma_wait3A_35] : memref<163840x128xf32, #tpu.memory_space<hbm>> -> memref<128x128xf32, #tpu.memory_space<hbm>>
        %dma_wait3A_37 = arith.constant 0 : i32
        %dma_wait3A_38 = tpu.memref_slice %arg3[%add3A_30, %dma_wait3A_37] : memref<163840x128xf32, #tpu.memory_space<hbm>> -> memref<128x128xf32, #tpu.memory_space<hbm>>
        tpu.wait_dma2 semaphore(%run_scoped3A : memref<!tpu.dma_semaphore, #tpu.memory_space<semaphore_mem>>) src(%dma_wait3A_38 : memref<128x128xf32, #tpu.memory_space<hbm>>) dst(%arg11 : memref<128x128xf32, #tpu.memory_space<vmem>>)
        tpu.yield
      }) : () -> ()
      "tpu.region"() ({
        %run_scoped3A = tpu.sem_alloc : memref<!tpu.dma_semaphore, #tpu.memory_space<semaphore_mem>>
        %dma_start3A_31 = arith.constant 0 : i32
        %dma_start3A_32 = tpu.memref_slice %arg9[%scan3A_15, %dma_start3A_31] : memref<40x128xi32, #tpu.memory_space<vmem>> -> memref<1x128xi32, #tpu.memory_space<vmem>>
        %dma_start3A_33 = tpu.memref_squeeze %dma_start3A_32 : memref<1x128xi32, #tpu.memory_space<vmem>> -> memref<128xi32, #tpu.memory_space<vmem>>
        %dma_start3A_34 = arith.constant 0 : i32
        %dma_start3A_35 = arith.constant 0 : i32
        %dma_start3A_36 = tpu.memref_slice %arg13[%dma_start3A_34, %dma_start3A_35] : memref<10112x128xf32, #tpu.memory_space<vmem_shared>> -> memref<10112x128xf32, #tpu.memory_space<vmem_shared>>
        tpu.enqueue_indirect_dma source(%arg10 : memref<128x128xf32, #tpu.memory_space<vmem>>) target(%dma_start3A_36 : memref<10112x128xf32, #tpu.memory_space<vmem_shared>>) offsets(%dma_start3A_33 : memref<128xi32, #tpu.memory_space<vmem>>) semaphore(%run_scoped3A : memref<!tpu.dma_semaphore, #tpu.memory_space<semaphore_mem>>) {add = true}
        %dma_wait3A_37 = arith.constant 0 : i32
        %dma_wait3A_38 = tpu.memref_slice %arg9[%scan3A_15, %dma_wait3A_37] : memref<40x128xi32, #tpu.memory_space<vmem>> -> memref<1x128xi32, #tpu.memory_space<vmem>>
        %dma_wait3A_39 = tpu.memref_squeeze %dma_wait3A_38 : memref<1x128xi32, #tpu.memory_space<vmem>> -> memref<128xi32, #tpu.memory_space<vmem>>
        %dma_wait3A_40 = arith.constant 0 : i32
        %dma_wait3A_41 = arith.constant 0 : i32
        %dma_wait3A_42 = tpu.memref_slice %arg13[%dma_wait3A_40, %dma_wait3A_41] : memref<10112x128xf32, #tpu.memory_space<vmem_shared>> -> memref<10112x128xf32, #tpu.memory_space<vmem_shared>>
        tpu.wait_indirect_dma semaphore(%run_scoped3A : memref<!tpu.dma_semaphore, #tpu.memory_space<semaphore_mem>>) src(%arg10 : memref<128x128xf32, #tpu.memory_space<vmem>>) dst(%dma_wait3A_42 : memref<10112x128xf32, #tpu.memory_space<vmem_shared>>)
        tpu.yield
      }) : () -> ()
      "tpu.region"() ({
        %run_scoped3A = tpu.sem_alloc : memref<!tpu.dma_semaphore, #tpu.memory_space<semaphore_mem>>
        %dma_start3A_31 = arith.constant 0 : i32
        %dma_start3A_32 = tpu.memref_slice %arg9[%scan3A_15, %dma_start3A_31] : memref<40x128xi32, #tpu.memory_space<vmem>> -> memref<1x128xi32, #tpu.memory_space<vmem>>
        %dma_start3A_33 = tpu.memref_squeeze %dma_start3A_32 : memref<1x128xi32, #tpu.memory_space<vmem>> -> memref<128xi32, #tpu.memory_space<vmem>>
        %dma_start3A_34 = arith.constant 0 : i32
        %dma_start3A_35 = arith.constant 0 : i32
        %dma_start3A_36 = tpu.memref_slice %arg13[%dma_start3A_34, %dma_start3A_35] : memref<10112x128xf32, #tpu.memory_space<vmem_shared>> -> memref<10112x128xf32, #tpu.memory_space<vmem_shared>>
        tpu.enqueue_indirect_dma source(%arg11 : memref<128x128xf32, #tpu.memory_space<vmem>>) target(%dma_start3A_36 : memref<10112x128xf32, #tpu.memory_space<vmem_shared>>) offsets(%dma_start3A_33 : memref<128xi32, #tpu.memory_space<vmem>>) semaphore(%run_scoped3A : memref<!tpu.dma_semaphore, #tpu.memory_space<semaphore_mem>>) {add = true}
        %dma_wait3A_37 = arith.constant 0 : i32
        %dma_wait3A_38 = tpu.memref_slice %arg9[%scan3A_15, %dma_wait3A_37] : memref<40x128xi32, #tpu.memory_space<vmem>> -> memref<1x128xi32, #tpu.memory_space<vmem>>
        %dma_wait3A_39 = tpu.memref_squeeze %dma_wait3A_38 : memref<1x128xi32, #tpu.memory_space<vmem>> -> memref<128xi32, #tpu.memory_space<vmem>>
        %dma_wait3A_40 = arith.constant 0 : i32
        %dma_wait3A_41 = arith.constant 0 : i32
        %dma_wait3A_42 = tpu.memref_slice %arg13[%dma_wait3A_40, %dma_wait3A_41] : memref<10112x128xf32, #tpu.memory_space<vmem_shared>> -> memref<10112x128xf32, #tpu.memory_space<vmem_shared>>
        tpu.wait_indirect_dma semaphore(%run_scoped3A : memref<!tpu.dma_semaphore, #tpu.memory_space<semaphore_mem>>) src(%arg11 : memref<128x128xf32, #tpu.memory_space<vmem>>) dst(%dma_wait3A_42 : memref<10112x128xf32, #tpu.memory_space<vmem_shared>>)
        tpu.yield
      }) : () -> ()
    }
    %scan3A_7 = arith.constant 40 : i32
    %barrier3A_8 = arith.constant 0 : index
    tpu.barrier barrier_id(%barrier3A_8)
    %lt3A = arith.constant 15 : i32
    %lt3A_9 = arith.cmpi slt, %arg1, %lt3A : i32
    %convert_element_type3A = arith.extui %lt3A_9 : i1 to i32
    %cond3A = arith.constant 0 : i32
    %cond3A_10 = arith.cmpi ne, %convert_element_type3A, %cond3A : i32
    scf.if %cond3A_10 {
      "tpu.region"() ({
        %run_scoped3A = tpu.sem_alloc : memref<!tpu.dma_semaphore, #tpu.memory_space<semaphore_mem>>
        %dma_start3A = arith.constant 0 : i32
        %dma_start3A_15 = tpu.memref_slice %arg7[%arg0, %mul3A_2, %dma_start3A] : memref<2x10000x128xf32, #tpu.memory_space<hbm>> -> memref<1x632x128xf32, #tpu.memory_space<hbm>>
        %dma_start3A_16 = tpu.memref_squeeze %dma_start3A_15 : memref<1x632x128xf32, #tpu.memory_space<hbm>> -> memref<632x128xf32, #tpu.memory_space<hbm>>
        %dma_start3A_17 = arith.constant 0 : i32
        %dma_start3A_18 = tpu.memref_slice %arg13[%mul3A_2, %dma_start3A_17] : memref<10112x128xf32, #tpu.memory_space<vmem_shared>> -> memref<632x128xf32, #tpu.memory_space<vmem_shared>>
        tpu.enqueue_dma source(%dma_start3A_18 : memref<632x128xf32, #tpu.memory_space<vmem_shared>>) target(%dma_start3A_16 : memref<632x128xf32, #tpu.memory_space<hbm>>) target_semaphore(%run_scoped3A : memref<!tpu.dma_semaphore, #tpu.memory_space<semaphore_mem>>)
        %dma_wait3A = arith.constant 0 : i32
        %dma_wait3A_19 = tpu.memref_slice %arg7[%arg0, %mul3A_2, %dma_wait3A] : memref<2x10000x128xf32, #tpu.memory_space<hbm>> -> memref<1x632x128xf32, #tpu.memory_space<hbm>>
        %dma_wait3A_20 = tpu.memref_squeeze %dma_wait3A_19 : memref<1x632x128xf32, #tpu.memory_space<hbm>> -> memref<632x128xf32, #tpu.memory_space<hbm>>
        %dma_wait3A_21 = arith.constant 0 : i32
        %dma_wait3A_22 = tpu.memref_slice %arg13[%mul3A_2, %dma_wait3A_21] : memref<10112x128xf32, #tpu.memory_space<vmem_shared>> -> memref<632x128xf32, #tpu.memory_space<vmem_shared>>
        tpu.wait_dma2 semaphore(%run_scoped3A : memref<!tpu.dma_semaphore, #tpu.memory_space<semaphore_mem>>) src(%dma_wait3A_22 : memref<632x128xf32, #tpu.memory_space<vmem_shared>>) dst(%dma_wait3A_20 : memref<632x128xf32, #tpu.memory_space<hbm>>)
        tpu.yield
      }) : () -> ()
    } else {
    }
    %eq3A = arith.constant 15 : i32
    %eq3A_11 = arith.cmpi eq, %arg1, %eq3A : i32
    %convert_element_type3A_12 = arith.extui %eq3A_11 : i1 to i32
    %cond3A_13 = arith.constant 0 : i32
    %cond3A_14 = arith.cmpi ne, %convert_element_type3A_12, %cond3A_13 : i32
    scf.if %cond3A_14 {
      "tpu.region"() ({
        %run_scoped3A = tpu.sem_alloc : memref<!tpu.dma_semaphore, #tpu.memory_space<semaphore_mem>>
        %dma_start3A = arith.constant 0 : i32
        %dma_start3A_15 = tpu.memref_slice %arg7[%arg0, %mul3A_2, %dma_start3A] : memref<2x10000x128xf32, #tpu.memory_space<hbm>> -> memref<1x520x128xf32, #tpu.memory_space<hbm>>
        %dma_start3A_16 = tpu.memref_squeeze %dma_start3A_15 : memref<1x520x128xf32, #tpu.memory_space<hbm>> -> memref<520x128xf32, #tpu.memory_space<hbm>>
        %dma_start3A_17 = arith.constant 0 : i32
        %dma_start3A_18 = tpu.memref_slice %arg13[%mul3A_2, %dma_start3A_17] : memref<10112x128xf32, #tpu.memory_space<vmem_shared>> -> memref<520x128xf32, #tpu.memory_space<vmem_shared>>
        tpu.enqueue_dma source(%dma_start3A_18 : memref<520x128xf32, #tpu.memory_space<vmem_shared>>) target(%dma_start3A_16 : memref<520x128xf32, #tpu.memory_space<hbm>>) target_semaphore(%run_scoped3A : memref<!tpu.dma_semaphore, #tpu.memory_space<semaphore_mem>>)
        %dma_wait3A = arith.constant 0 : i32
        %dma_wait3A_19 = tpu.memref_slice %arg7[%arg0, %mul3A_2, %dma_wait3A] : memref<2x10000x128xf32, #tpu.memory_space<hbm>> -> memref<1x520x128xf32, #tpu.memory_space<hbm>>
        %dma_wait3A_20 = tpu.memref_squeeze %dma_wait3A_19 : memref<1x520x128xf32, #tpu.memory_space<hbm>> -> memref<520x128xf32, #tpu.memory_space<hbm>>
        %dma_wait3A_21 = arith.constant 0 : i32
        %dma_wait3A_22 = tpu.memref_slice %arg13[%mul3A_2, %dma_wait3A_21] : memref<10112x128xf32, #tpu.memory_space<vmem_shared>> -> memref<520x128xf32, #tpu.memory_space<vmem_shared>>
        tpu.wait_dma2 semaphore(%run_scoped3A : memref<!tpu.dma_semaphore, #tpu.memory_space<semaphore_mem>>) src(%dma_wait3A_22 : memref<520x128xf32, #tpu.memory_space<vmem_shared>>) dst(%dma_wait3A_20 : memref<520x128xf32, #tpu.memory_space<hbm>>)
        tpu.yield
      }) : () -> ()
    } else {
    }
    return
  }
}

#map = affine_map<(d0, d1) -> (0, 0)>
#map1 = affine_map<(d0, d1) -> (0, 0, 0)>
#map2 = affine_map<(d0, d1) -> (0, 0, 0, 0)>
module attributes {stable_mosaic.version = 14 : i64} {
  func.func @k(%arg0: i32, %arg1: i32, %arg2: memref<10000x128xf32, #tpu.memory_space<hbm>>, %arg3: memref<32x40x128xi32, #tpu.memory_space<hbm>>, %arg4: memref<32x40x128xi32, #tpu.memory_space<hbm>>, %arg5: memref<10112x128xf32, #tpu.memory_space<hbm>>, %arg6: memref<1x2x10000x128xf32, #tpu.memory_space<hbm>>, %arg7: memref<40x128xi32, #tpu.memory_space<vmem>>, %arg8: memref<40x128xi32, #tpu.memory_space<vmem>>, %arg9: memref<128x128xf32, #tpu.memory_space<vmem>>, %arg10: memref<!tpu.dma_semaphore, #tpu.memory_space<semaphore_mem>>, %arg11: memref<10112x128xf32, #tpu.memory_space<vmem_shared>>) attributes {dimension_semantics = [#tpu.dimension_semantics<core_parallel>, #tpu.dimension_semantics<subcore_parallel>], iteration_bounds = array<i64: 2, 16>, scalar_prefetch = 0 : i64, scratch_operands = 5 : i64, tpu.core_type = #tpu.core_type<sc_vector_subcore>, window_params = [{transform_indices = #map}, {transform_indices = #map1}, {transform_indices = #map1}, {transform_indices = #map}, {transform_indices = #map2}]} {
    %mul3A = arith.constant 2 : i32
    %mul3A_0 = arith.muli %arg1, %mul3A : i32
    %add3A = arith.addi %mul3A_0, %arg0 : i32
    %mul3A_1 = arith.constant 632 : i32
    %mul3A_2 = arith.muli %arg1, %mul3A_1 : i32
    "tpu.region"() ({
      %run_scoped3A = tpu.sem_alloc : memref<!tpu.dma_semaphore, #tpu.memory_space<semaphore_mem>>
      %dma_start3A = arith.constant 0 : i32
      %dma_start3A_16 = arith.constant 0 : i32
      %dma_start3A_17 = tpu.memref_slice %arg3[%add3A, %dma_start3A, %dma_start3A_16] : memref<32x40x128xi32, #tpu.memory_space<hbm>> -> memref<1x40x128xi32, #tpu.memory_space<hbm>>
      %dma_start3A_18 = tpu.memref_squeeze %dma_start3A_17 : memref<1x40x128xi32, #tpu.memory_space<hbm>> -> memref<40x128xi32, #tpu.memory_space<hbm>>
      %dma_start3A_19 = arith.constant 0 : i32
      %dma_start3A_20 = arith.constant 0 : i32
      %dma_start3A_21 = tpu.memref_slice %arg3[%add3A, %dma_start3A_19, %dma_start3A_20] : memref<32x40x128xi32, #tpu.memory_space<hbm>> -> memref<1x40x128xi32, #tpu.memory_space<hbm>>
      %dma_start3A_22 = tpu.memref_squeeze %dma_start3A_21 : memref<1x40x128xi32, #tpu.memory_space<hbm>> -> memref<40x128xi32, #tpu.memory_space<hbm>>
      tpu.enqueue_dma source(%dma_start3A_22 : memref<40x128xi32, #tpu.memory_space<hbm>>) target(%arg7 : memref<40x128xi32, #tpu.memory_space<vmem>>) target_semaphore(%run_scoped3A : memref<!tpu.dma_semaphore, #tpu.memory_space<semaphore_mem>>)
      %dma_wait3A = arith.constant 0 : i32
      %dma_wait3A_23 = arith.constant 0 : i32
      %dma_wait3A_24 = tpu.memref_slice %arg3[%add3A, %dma_wait3A, %dma_wait3A_23] : memref<32x40x128xi32, #tpu.memory_space<hbm>> -> memref<1x40x128xi32, #tpu.memory_space<hbm>>
      %dma_wait3A_25 = tpu.memref_squeeze %dma_wait3A_24 : memref<1x40x128xi32, #tpu.memory_space<hbm>> -> memref<40x128xi32, #tpu.memory_space<hbm>>
      %dma_wait3A_26 = arith.constant 0 : i32
      %dma_wait3A_27 = arith.constant 0 : i32
      %dma_wait3A_28 = tpu.memref_slice %arg3[%add3A, %dma_wait3A_26, %dma_wait3A_27] : memref<32x40x128xi32, #tpu.memory_space<hbm>> -> memref<1x40x128xi32, #tpu.memory_space<hbm>>
      %dma_wait3A_29 = tpu.memref_squeeze %dma_wait3A_28 : memref<1x40x128xi32, #tpu.memory_space<hbm>> -> memref<40x128xi32, #tpu.memory_space<hbm>>
      tpu.wait_dma2 semaphore(%run_scoped3A : memref<!tpu.dma_semaphore, #tpu.memory_space<semaphore_mem>>) src(%dma_wait3A_29 : memref<40x128xi32, #tpu.memory_space<hbm>>) dst(%arg7 : memref<40x128xi32, #tpu.memory_space<vmem>>)
      tpu.yield
    }) : () -> ()
    "tpu.region"() ({
      %run_scoped3A = tpu.sem_alloc : memref<!tpu.dma_semaphore, #tpu.memory_space<semaphore_mem>>
      %dma_start3A = arith.constant 0 : i32
      %dma_start3A_16 = arith.constant 0 : i32
      %dma_start3A_17 = tpu.memref_slice %arg4[%add3A, %dma_start3A, %dma_start3A_16] : memref<32x40x128xi32, #tpu.memory_space<hbm>> -> memref<1x40x128xi32, #tpu.memory_space<hbm>>
      %dma_start3A_18 = tpu.memref_squeeze %dma_start3A_17 : memref<1x40x128xi32, #tpu.memory_space<hbm>> -> memref<40x128xi32, #tpu.memory_space<hbm>>
      %dma_start3A_19 = arith.constant 0 : i32
      %dma_start3A_20 = arith.constant 0 : i32
      %dma_start3A_21 = tpu.memref_slice %arg4[%add3A, %dma_start3A_19, %dma_start3A_20] : memref<32x40x128xi32, #tpu.memory_space<hbm>> -> memref<1x40x128xi32, #tpu.memory_space<hbm>>
      %dma_start3A_22 = tpu.memref_squeeze %dma_start3A_21 : memref<1x40x128xi32, #tpu.memory_space<hbm>> -> memref<40x128xi32, #tpu.memory_space<hbm>>
      tpu.enqueue_dma source(%dma_start3A_22 : memref<40x128xi32, #tpu.memory_space<hbm>>) target(%arg8 : memref<40x128xi32, #tpu.memory_space<vmem>>) target_semaphore(%run_scoped3A : memref<!tpu.dma_semaphore, #tpu.memory_space<semaphore_mem>>)
      %dma_wait3A = arith.constant 0 : i32
      %dma_wait3A_23 = arith.constant 0 : i32
      %dma_wait3A_24 = tpu.memref_slice %arg4[%add3A, %dma_wait3A, %dma_wait3A_23] : memref<32x40x128xi32, #tpu.memory_space<hbm>> -> memref<1x40x128xi32, #tpu.memory_space<hbm>>
      %dma_wait3A_25 = tpu.memref_squeeze %dma_wait3A_24 : memref<1x40x128xi32, #tpu.memory_space<hbm>> -> memref<40x128xi32, #tpu.memory_space<hbm>>
      %dma_wait3A_26 = arith.constant 0 : i32
      %dma_wait3A_27 = arith.constant 0 : i32
      %dma_wait3A_28 = tpu.memref_slice %arg4[%add3A, %dma_wait3A_26, %dma_wait3A_27] : memref<32x40x128xi32, #tpu.memory_space<hbm>> -> memref<1x40x128xi32, #tpu.memory_space<hbm>>
      %dma_wait3A_29 = tpu.memref_squeeze %dma_wait3A_28 : memref<1x40x128xi32, #tpu.memory_space<hbm>> -> memref<40x128xi32, #tpu.memory_space<hbm>>
      tpu.wait_dma2 semaphore(%run_scoped3A : memref<!tpu.dma_semaphore, #tpu.memory_space<semaphore_mem>>) src(%dma_wait3A_29 : memref<40x128xi32, #tpu.memory_space<hbm>>) dst(%arg8 : memref<40x128xi32, #tpu.memory_space<vmem>>)
      tpu.yield
    }) : () -> ()
    "tpu.region"() ({
      %run_scoped3A = tpu.sem_alloc : memref<!tpu.dma_semaphore, #tpu.memory_space<semaphore_mem>>
      %dma_start3A = arith.constant 0 : i32
      %dma_start3A_16 = tpu.memref_slice %arg11[%mul3A_2, %dma_start3A] : memref<10112x128xf32, #tpu.memory_space<vmem_shared>> -> memref<632x128xf32, #tpu.memory_space<vmem_shared>>
      %dma_start3A_17 = arith.constant 0 : i32
      %dma_start3A_18 = tpu.memref_slice %arg5[%mul3A_2, %dma_start3A_17] : memref<10112x128xf32, #tpu.memory_space<hbm>> -> memref<632x128xf32, #tpu.memory_space<hbm>>
      tpu.enqueue_dma source(%dma_start3A_18 : memref<632x128xf32, #tpu.memory_space<hbm>>) target(%dma_start3A_16 : memref<632x128xf32, #tpu.memory_space<vmem_shared>>) target_semaphore(%run_scoped3A : memref<!tpu.dma_semaphore, #tpu.memory_space<semaphore_mem>>)
      %dma_wait3A = arith.constant 0 : i32
      %dma_wait3A_19 = tpu.memref_slice %arg11[%mul3A_2, %dma_wait3A] : memref<10112x128xf32, #tpu.memory_space<vmem_shared>> -> memref<632x128xf32, #tpu.memory_space<vmem_shared>>
      %dma_wait3A_20 = arith.constant 0 : i32
      %dma_wait3A_21 = tpu.memref_slice %arg5[%mul3A_2, %dma_wait3A_20] : memref<10112x128xf32, #tpu.memory_space<hbm>> -> memref<632x128xf32, #tpu.memory_space<hbm>>
      tpu.wait_dma2 semaphore(%run_scoped3A : memref<!tpu.dma_semaphore, #tpu.memory_space<semaphore_mem>>) src(%dma_wait3A_21 : memref<632x128xf32, #tpu.memory_space<hbm>>) dst(%dma_wait3A_19 : memref<632x128xf32, #tpu.memory_space<vmem_shared>>)
      tpu.yield
    }) : () -> ()
    %barrier3A = arith.constant 0 : index
    tpu.barrier barrier_id(%barrier3A)
    %scan3A = arith.constant 0 : i32
    %scan3A_3 = arith.constant 0 : i32
    %scan3A_4 = arith.constant 40 : i32
    %scan3A_5 = arith.addi %scan3A_3, %scan3A_4 : i32
    %scan3A_6 = arith.constant 1 : i32
    scf.for %scan3A_16 = %scan3A_3 to %scan3A_5 step %scan3A_6  : i32 {
      %dma_start3A = arith.constant 0 : i32
      %dma_start3A_17 = tpu.memref_slice %arg7[%scan3A_16, %dma_start3A] : memref<40x128xi32, #tpu.memory_space<vmem>> -> memref<1x128xi32, #tpu.memory_space<vmem>>
      %dma_start3A_18 = tpu.memref_squeeze %dma_start3A_17 : memref<1x128xi32, #tpu.memory_space<vmem>> -> memref<128xi32, #tpu.memory_space<vmem>>
      %dma_start3A_19 = arith.constant 0 : i32
      %dma_start3A_20 = arith.constant 0 : i32
      %dma_start3A_21 = tpu.memref_slice %arg2[%dma_start3A_19, %dma_start3A_20] : memref<10000x128xf32, #tpu.memory_space<hbm>> -> memref<10000x128xf32, #tpu.memory_space<hbm>>
      tpu.enqueue_indirect_dma source(%dma_start3A_21 : memref<10000x128xf32, #tpu.memory_space<hbm>>) target(%arg9 : memref<128x128xf32, #tpu.memory_space<vmem>>) offsets(%dma_start3A_18 : memref<128xi32, #tpu.memory_space<vmem>>) semaphore(%arg10 : memref<!tpu.dma_semaphore, #tpu.memory_space<semaphore_mem>>)
      %dma_wait3A = arith.constant 0 : i32
      %dma_wait3A_22 = tpu.memref_slice %arg7[%scan3A_16, %dma_wait3A] : memref<40x128xi32, #tpu.memory_space<vmem>> -> memref<1x128xi32, #tpu.memory_space<vmem>>
      %dma_wait3A_23 = tpu.memref_squeeze %dma_wait3A_22 : memref<1x128xi32, #tpu.memory_space<vmem>> -> memref<128xi32, #tpu.memory_space<vmem>>
      %dma_wait3A_24 = arith.constant 0 : i32
      %dma_wait3A_25 = arith.constant 0 : i32
      %dma_wait3A_26 = tpu.memref_slice %arg2[%dma_wait3A_24, %dma_wait3A_25] : memref<10000x128xf32, #tpu.memory_space<hbm>> -> memref<10000x128xf32, #tpu.memory_space<hbm>>
      tpu.wait_indirect_dma semaphore(%arg10 : memref<!tpu.dma_semaphore, #tpu.memory_space<semaphore_mem>>) src(%dma_wait3A_26 : memref<10000x128xf32, #tpu.memory_space<hbm>>) dst(%arg9 : memref<128x128xf32, #tpu.memory_space<vmem>>)
      "tpu.region"() ({
        %run_scoped3A = tpu.sem_alloc : memref<!tpu.dma_semaphore, #tpu.memory_space<semaphore_mem>>
        %dma_start3A_27 = arith.constant 0 : i32
        %dma_start3A_28 = tpu.memref_slice %arg8[%scan3A_16, %dma_start3A_27] : memref<40x128xi32, #tpu.memory_space<vmem>> -> memref<1x128xi32, #tpu.memory_space<vmem>>
        %dma_start3A_29 = tpu.memref_squeeze %dma_start3A_28 : memref<1x128xi32, #tpu.memory_space<vmem>> -> memref<128xi32, #tpu.memory_space<vmem>>
        %dma_start3A_30 = arith.constant 0 : i32
        %dma_start3A_31 = arith.constant 0 : i32
        %dma_start3A_32 = tpu.memref_slice %arg11[%dma_start3A_30, %dma_start3A_31] : memref<10112x128xf32, #tpu.memory_space<vmem_shared>> -> memref<10112x128xf32, #tpu.memory_space<vmem_shared>>
        tpu.enqueue_indirect_dma source(%arg9 : memref<128x128xf32, #tpu.memory_space<vmem>>) target(%dma_start3A_32 : memref<10112x128xf32, #tpu.memory_space<vmem_shared>>) offsets(%dma_start3A_29 : memref<128xi32, #tpu.memory_space<vmem>>) semaphore(%run_scoped3A : memref<!tpu.dma_semaphore, #tpu.memory_space<semaphore_mem>>) {add = true}
        %dma_wait3A_33 = arith.constant 0 : i32
        %dma_wait3A_34 = tpu.memref_slice %arg8[%scan3A_16, %dma_wait3A_33] : memref<40x128xi32, #tpu.memory_space<vmem>> -> memref<1x128xi32, #tpu.memory_space<vmem>>
        %dma_wait3A_35 = tpu.memref_squeeze %dma_wait3A_34 : memref<1x128xi32, #tpu.memory_space<vmem>> -> memref<128xi32, #tpu.memory_space<vmem>>
        %dma_wait3A_36 = arith.constant 0 : i32
        %dma_wait3A_37 = arith.constant 0 : i32
        %dma_wait3A_38 = tpu.memref_slice %arg11[%dma_wait3A_36, %dma_wait3A_37] : memref<10112x128xf32, #tpu.memory_space<vmem_shared>> -> memref<10112x128xf32, #tpu.memory_space<vmem_shared>>
        tpu.wait_indirect_dma semaphore(%run_scoped3A : memref<!tpu.dma_semaphore, #tpu.memory_space<semaphore_mem>>) src(%arg9 : memref<128x128xf32, #tpu.memory_space<vmem>>) dst(%dma_wait3A_38 : memref<10112x128xf32, #tpu.memory_space<vmem_shared>>)
        tpu.yield
      }) : () -> ()
    }
    %scan3A_7 = arith.constant 40 : i32
    %barrier3A_8 = arith.constant 0 : index
    tpu.barrier barrier_id(%barrier3A_8)
    %lt3A = arith.constant 15 : i32
    %lt3A_9 = arith.cmpi slt, %arg1, %lt3A : i32
    %convert_element_type3A = arith.extui %lt3A_9 : i1 to i32
    %cond3A = arith.constant 0 : i32
    %cond3A_10 = arith.cmpi ne, %convert_element_type3A, %cond3A : i32
    scf.if %cond3A_10 {
      %run_scoped3A = arith.constant 0 : i32
      "tpu.region"() ({
        %run_scoped3A_16 = tpu.sem_alloc : memref<!tpu.dma_semaphore, #tpu.memory_space<semaphore_mem>>
        %dma_start3A = arith.constant 0 : i32
        %dma_start3A_17 = tpu.memref_slice %arg6[%run_scoped3A, %arg0, %mul3A_2, %dma_start3A] : memref<1x2x10000x128xf32, #tpu.memory_space<hbm>> -> memref<1x1x632x128xf32, #tpu.memory_space<hbm>>
        %dma_start3A_18 = tpu.memref_squeeze %dma_start3A_17 : memref<1x1x632x128xf32, #tpu.memory_space<hbm>> -> memref<632x128xf32, #tpu.memory_space<hbm>>
        %dma_start3A_19 = arith.constant 0 : i32
        %dma_start3A_20 = tpu.memref_slice %arg11[%mul3A_2, %dma_start3A_19] : memref<10112x128xf32, #tpu.memory_space<vmem_shared>> -> memref<632x128xf32, #tpu.memory_space<vmem_shared>>
        tpu.enqueue_dma source(%dma_start3A_20 : memref<632x128xf32, #tpu.memory_space<vmem_shared>>) target(%dma_start3A_18 : memref<632x128xf32, #tpu.memory_space<hbm>>) target_semaphore(%run_scoped3A_16 : memref<!tpu.dma_semaphore, #tpu.memory_space<semaphore_mem>>)
        %dma_wait3A = arith.constant 0 : i32
        %dma_wait3A_21 = tpu.memref_slice %arg6[%run_scoped3A, %arg0, %mul3A_2, %dma_wait3A] : memref<1x2x10000x128xf32, #tpu.memory_space<hbm>> -> memref<1x1x632x128xf32, #tpu.memory_space<hbm>>
        %dma_wait3A_22 = tpu.memref_squeeze %dma_wait3A_21 : memref<1x1x632x128xf32, #tpu.memory_space<hbm>> -> memref<632x128xf32, #tpu.memory_space<hbm>>
        %dma_wait3A_23 = arith.constant 0 : i32
        %dma_wait3A_24 = tpu.memref_slice %arg11[%mul3A_2, %dma_wait3A_23] : memref<10112x128xf32, #tpu.memory_space<vmem_shared>> -> memref<632x128xf32, #tpu.memory_space<vmem_shared>>
        tpu.wait_dma2 semaphore(%run_scoped3A_16 : memref<!tpu.dma_semaphore, #tpu.memory_space<semaphore_mem>>) src(%dma_wait3A_24 : memref<632x128xf32, #tpu.memory_space<vmem_shared>>) dst(%dma_wait3A_22 : memref<632x128xf32, #tpu.memory_space<hbm>>)
        tpu.yield
      }) : () -> ()
    } else {
    }
    %eq3A = arith.constant 15 : i32
    %eq3A_11 = arith.cmpi eq, %arg1, %eq3A : i32
    %convert_element_type3A_12 = arith.extui %eq3A_11 : i1 to i32
    %cond3A_13 = arith.constant 0 : i32
    %cond3A_14 = arith.cmpi ne, %convert_element_type3A_12, %cond3A_13 : i32
    scf.if %cond3A_14 {
      %run_scoped3A = arith.constant 0 : i32
      "tpu.region"() ({
        %run_scoped3A_16 = tpu.sem_alloc : memref<!tpu.dma_semaphore, #tpu.memory_space<semaphore_mem>>
        %dma_start3A = arith.constant 0 : i32
        %dma_start3A_17 = tpu.memref_slice %arg6[%run_scoped3A, %arg0, %mul3A_2, %dma_start3A] : memref<1x2x10000x128xf32, #tpu.memory_space<hbm>> -> memref<1x1x520x128xf32, #tpu.memory_space<hbm>>
        %dma_start3A_18 = tpu.memref_squeeze %dma_start3A_17 : memref<1x1x520x128xf32, #tpu.memory_space<hbm>> -> memref<520x128xf32, #tpu.memory_space<hbm>>
        %dma_start3A_19 = arith.constant 0 : i32
        %dma_start3A_20 = tpu.memref_slice %arg11[%mul3A_2, %dma_start3A_19] : memref<10112x128xf32, #tpu.memory_space<vmem_shared>> -> memref<520x128xf32, #tpu.memory_space<vmem_shared>>
        tpu.enqueue_dma source(%dma_start3A_20 : memref<520x128xf32, #tpu.memory_space<vmem_shared>>) target(%dma_start3A_18 : memref<520x128xf32, #tpu.memory_space<hbm>>) target_semaphore(%run_scoped3A_16 : memref<!tpu.dma_semaphore, #tpu.memory_space<semaphore_mem>>)
        %dma_wait3A = arith.constant 0 : i32
        %dma_wait3A_21 = tpu.memref_slice %arg6[%run_scoped3A, %arg0, %mul3A_2, %dma_wait3A] : memref<1x2x10000x128xf32, #tpu.memory_space<hbm>> -> memref<1x1x520x128xf32, #tpu.memory_space<hbm>>
        %dma_wait3A_22 = tpu.memref_squeeze %dma_wait3A_21 : memref<1x1x520x128xf32, #tpu.memory_space<hbm>> -> memref<520x128xf32, #tpu.memory_space<hbm>>
        %dma_wait3A_23 = arith.constant 0 : i32
        %dma_wait3A_24 = tpu.memref_slice %arg11[%mul3A_2, %dma_wait3A_23] : memref<10112x128xf32, #tpu.memory_space<vmem_shared>> -> memref<520x128xf32, #tpu.memory_space<vmem_shared>>
        tpu.wait_dma2 semaphore(%run_scoped3A_16 : memref<!tpu.dma_semaphore, #tpu.memory_space<semaphore_mem>>) src(%dma_wait3A_24 : memref<520x128xf32, #tpu.memory_space<vmem_shared>>) dst(%dma_wait3A_22 : memref<520x128xf32, #tpu.memory_space<hbm>>)
        tpu.yield
      }) : () -> ()
    } else {
    }
    %barrier3A_15 = arith.constant 0 : index
    tpu.barrier barrier_id(%barrier3A_15)
    return
  }
}

#map = affine_map<(d0, d1) -> (0, 0)>
#map1 = affine_map<(d0, d1) -> (0, 0, 0)>
module attributes {stable_mosaic.version = 14 : i64} {
  func.func @k(%arg0: i32, %arg1: i32, %arg2: memref<163840x128xf32, #tpu.memory_space<hbm>>, %arg3: memref<32x40x128xi32, #tpu.memory_space<hbm>>, %arg4: memref<10112x128xf32, #tpu.memory_space<hbm>>, %arg5: memref<2x10000x128xf32, #tpu.memory_space<hbm>>, %arg6: memref<40x128xi32, #tpu.memory_space<vmem>>, %arg7: memref<128x128xf32, #tpu.memory_space<vmem>>, %arg8: memref<10112x128xf32, #tpu.memory_space<vmem_shared>>) attributes {dimension_semantics = [#tpu.dimension_semantics<core_parallel>, #tpu.dimension_semantics<subcore_parallel>], iteration_bounds = array<i64: 2, 16>, scalar_prefetch = 0 : i64, scratch_operands = 3 : i64, tpu.core_type = #tpu.core_type<sc_vector_subcore>, window_params = [{transform_indices = #map}, {transform_indices = #map1}, {transform_indices = #map}, {transform_indices = #map1}]} {
    %mul3A = arith.constant 2 : i32
    %mul3A_0 = arith.muli %arg1, %mul3A : i32
    %add3A = arith.addi %mul3A_0, %arg0 : i32
    %mul3A_1 = arith.constant 632 : i32
    %mul3A_2 = arith.muli %arg1, %mul3A_1 : i32
    "tpu.region"() ({
      %run_scoped3A = tpu.sem_alloc : memref<!tpu.dma_semaphore, #tpu.memory_space<semaphore_mem>>
      %dma_start3A = arith.constant 0 : i32
      %dma_start3A_15 = tpu.memref_slice %arg8[%mul3A_2, %dma_start3A] : memref<10112x128xf32, #tpu.memory_space<vmem_shared>> -> memref<632x128xf32, #tpu.memory_space<vmem_shared>>
      %dma_start3A_16 = arith.constant 0 : i32
      %dma_start3A_17 = tpu.memref_slice %arg4[%mul3A_2, %dma_start3A_16] : memref<10112x128xf32, #tpu.memory_space<hbm>> -> memref<632x128xf32, #tpu.memory_space<hbm>>
      tpu.enqueue_dma source(%dma_start3A_17 : memref<632x128xf32, #tpu.memory_space<hbm>>) target(%dma_start3A_15 : memref<632x128xf32, #tpu.memory_space<vmem_shared>>) target_semaphore(%run_scoped3A : memref<!tpu.dma_semaphore, #tpu.memory_space<semaphore_mem>>)
      %dma_wait3A = arith.constant 0 : i32
      %dma_wait3A_18 = tpu.memref_slice %arg8[%mul3A_2, %dma_wait3A] : memref<10112x128xf32, #tpu.memory_space<vmem_shared>> -> memref<632x128xf32, #tpu.memory_space<vmem_shared>>
      %dma_wait3A_19 = arith.constant 0 : i32
      %dma_wait3A_20 = tpu.memref_slice %arg4[%mul3A_2, %dma_wait3A_19] : memref<10112x128xf32, #tpu.memory_space<hbm>> -> memref<632x128xf32, #tpu.memory_space<hbm>>
      tpu.wait_dma2 semaphore(%run_scoped3A : memref<!tpu.dma_semaphore, #tpu.memory_space<semaphore_mem>>) src(%dma_wait3A_20 : memref<632x128xf32, #tpu.memory_space<hbm>>) dst(%dma_wait3A_18 : memref<632x128xf32, #tpu.memory_space<vmem_shared>>)
      tpu.yield
    }) : () -> ()
    "tpu.region"() ({
      %run_scoped3A = tpu.sem_alloc : memref<!tpu.dma_semaphore, #tpu.memory_space<semaphore_mem>>
      %dma_start3A = arith.constant 0 : i32
      %dma_start3A_15 = arith.constant 0 : i32
      %dma_start3A_16 = tpu.memref_slice %arg3[%add3A, %dma_start3A, %dma_start3A_15] : memref<32x40x128xi32, #tpu.memory_space<hbm>> -> memref<1x40x128xi32, #tpu.memory_space<hbm>>
      %dma_start3A_17 = tpu.memref_squeeze %dma_start3A_16 : memref<1x40x128xi32, #tpu.memory_space<hbm>> -> memref<40x128xi32, #tpu.memory_space<hbm>>
      %dma_start3A_18 = arith.constant 0 : i32
      %dma_start3A_19 = arith.constant 0 : i32
      %dma_start3A_20 = tpu.memref_slice %arg3[%add3A, %dma_start3A_18, %dma_start3A_19] : memref<32x40x128xi32, #tpu.memory_space<hbm>> -> memref<1x40x128xi32, #tpu.memory_space<hbm>>
      %dma_start3A_21 = tpu.memref_squeeze %dma_start3A_20 : memref<1x40x128xi32, #tpu.memory_space<hbm>> -> memref<40x128xi32, #tpu.memory_space<hbm>>
      tpu.enqueue_dma source(%dma_start3A_21 : memref<40x128xi32, #tpu.memory_space<hbm>>) target(%arg6 : memref<40x128xi32, #tpu.memory_space<vmem>>) target_semaphore(%run_scoped3A : memref<!tpu.dma_semaphore, #tpu.memory_space<semaphore_mem>>)
      %dma_wait3A = arith.constant 0 : i32
      %dma_wait3A_22 = arith.constant 0 : i32
      %dma_wait3A_23 = tpu.memref_slice %arg3[%add3A, %dma_wait3A, %dma_wait3A_22] : memref<32x40x128xi32, #tpu.memory_space<hbm>> -> memref<1x40x128xi32, #tpu.memory_space<hbm>>
      %dma_wait3A_24 = tpu.memref_squeeze %dma_wait3A_23 : memref<1x40x128xi32, #tpu.memory_space<hbm>> -> memref<40x128xi32, #tpu.memory_space<hbm>>
      %dma_wait3A_25 = arith.constant 0 : i32
      %dma_wait3A_26 = arith.constant 0 : i32
      %dma_wait3A_27 = tpu.memref_slice %arg3[%add3A, %dma_wait3A_25, %dma_wait3A_26] : memref<32x40x128xi32, #tpu.memory_space<hbm>> -> memref<1x40x128xi32, #tpu.memory_space<hbm>>
      %dma_wait3A_28 = tpu.memref_squeeze %dma_wait3A_27 : memref<1x40x128xi32, #tpu.memory_space<hbm>> -> memref<40x128xi32, #tpu.memory_space<hbm>>
      tpu.wait_dma2 semaphore(%run_scoped3A : memref<!tpu.dma_semaphore, #tpu.memory_space<semaphore_mem>>) src(%dma_wait3A_28 : memref<40x128xi32, #tpu.memory_space<hbm>>) dst(%arg6 : memref<40x128xi32, #tpu.memory_space<vmem>>)
      tpu.yield
    }) : () -> ()
    %barrier3A = arith.constant 0 : index
    tpu.barrier barrier_id(%barrier3A)
    %scan3A = arith.constant 0 : i32
    %scan3A_3 = arith.constant 0 : i32
    %scan3A_4 = arith.constant 40 : i32
    %scan3A_5 = arith.addi %scan3A_3, %scan3A_4 : i32
    %scan3A_6 = arith.constant 1 : i32
    scf.for %scan3A_15 = %scan3A_3 to %scan3A_5 step %scan3A_6  : i32 {
      %mul3A_16 = arith.constant 5120 : i32
      %mul3A_17 = arith.muli %add3A, %mul3A_16 : i32
      %mul3A_18 = arith.constant 128 : i32
      %mul3A_19 = arith.muli %scan3A_15, %mul3A_18 : i32
      %add3A_20 = arith.addi %mul3A_17, %mul3A_19 : i32
      "tpu.region"() ({
        %run_scoped3A = tpu.sem_alloc : memref<!tpu.dma_semaphore, #tpu.memory_space<semaphore_mem>>
        %dma_start3A = arith.constant 0 : i32
        %dma_start3A_21 = tpu.memref_slice %arg2[%add3A_20, %dma_start3A] : memref<163840x128xf32, #tpu.memory_space<hbm>> -> memref<128x128xf32, #tpu.memory_space<hbm>>
        %dma_start3A_22 = arith.constant 0 : i32
        %dma_start3A_23 = tpu.memref_slice %arg2[%add3A_20, %dma_start3A_22] : memref<163840x128xf32, #tpu.memory_space<hbm>> -> memref<128x128xf32, #tpu.memory_space<hbm>>
        tpu.enqueue_dma source(%dma_start3A_23 : memref<128x128xf32, #tpu.memory_space<hbm>>) target(%arg7 : memref<128x128xf32, #tpu.memory_space<vmem>>) target_semaphore(%run_scoped3A : memref<!tpu.dma_semaphore, #tpu.memory_space<semaphore_mem>>)
        %dma_wait3A = arith.constant 0 : i32
        %dma_wait3A_24 = tpu.memref_slice %arg2[%add3A_20, %dma_wait3A] : memref<163840x128xf32, #tpu.memory_space<hbm>> -> memref<128x128xf32, #tpu.memory_space<hbm>>
        %dma_wait3A_25 = arith.constant 0 : i32
        %dma_wait3A_26 = tpu.memref_slice %arg2[%add3A_20, %dma_wait3A_25] : memref<163840x128xf32, #tpu.memory_space<hbm>> -> memref<128x128xf32, #tpu.memory_space<hbm>>
        tpu.wait_dma2 semaphore(%run_scoped3A : memref<!tpu.dma_semaphore, #tpu.memory_space<semaphore_mem>>) src(%dma_wait3A_26 : memref<128x128xf32, #tpu.memory_space<hbm>>) dst(%arg7 : memref<128x128xf32, #tpu.memory_space<vmem>>)
        tpu.yield
      }) : () -> ()
      "tpu.region"() ({
        %run_scoped3A = tpu.sem_alloc : memref<!tpu.dma_semaphore, #tpu.memory_space<semaphore_mem>>
        %dma_start3A = arith.constant 0 : i32
        %dma_start3A_21 = tpu.memref_slice %arg6[%scan3A_15, %dma_start3A] : memref<40x128xi32, #tpu.memory_space<vmem>> -> memref<1x128xi32, #tpu.memory_space<vmem>>
        %dma_start3A_22 = tpu.memref_squeeze %dma_start3A_21 : memref<1x128xi32, #tpu.memory_space<vmem>> -> memref<128xi32, #tpu.memory_space<vmem>>
        %dma_start3A_23 = arith.constant 0 : i32
        %dma_start3A_24 = arith.constant 0 : i32
        %dma_start3A_25 = tpu.memref_slice %arg8[%dma_start3A_23, %dma_start3A_24] : memref<10112x128xf32, #tpu.memory_space<vmem_shared>> -> memref<10112x128xf32, #tpu.memory_space<vmem_shared>>
        tpu.enqueue_indirect_dma source(%arg7 : memref<128x128xf32, #tpu.memory_space<vmem>>) target(%dma_start3A_25 : memref<10112x128xf32, #tpu.memory_space<vmem_shared>>) offsets(%dma_start3A_22 : memref<128xi32, #tpu.memory_space<vmem>>) semaphore(%run_scoped3A : memref<!tpu.dma_semaphore, #tpu.memory_space<semaphore_mem>>) {add = true}
        %dma_wait3A = arith.constant 0 : i32
        %dma_wait3A_26 = tpu.memref_slice %arg6[%scan3A_15, %dma_wait3A] : memref<40x128xi32, #tpu.memory_space<vmem>> -> memref<1x128xi32, #tpu.memory_space<vmem>>
        %dma_wait3A_27 = tpu.memref_squeeze %dma_wait3A_26 : memref<1x128xi32, #tpu.memory_space<vmem>> -> memref<128xi32, #tpu.memory_space<vmem>>
        %dma_wait3A_28 = arith.constant 0 : i32
        %dma_wait3A_29 = arith.constant 0 : i32
        %dma_wait3A_30 = tpu.memref_slice %arg8[%dma_wait3A_28, %dma_wait3A_29] : memref<10112x128xf32, #tpu.memory_space<vmem_shared>> -> memref<10112x128xf32, #tpu.memory_space<vmem_shared>>
        tpu.wait_indirect_dma semaphore(%run_scoped3A : memref<!tpu.dma_semaphore, #tpu.memory_space<semaphore_mem>>) src(%arg7 : memref<128x128xf32, #tpu.memory_space<vmem>>) dst(%dma_wait3A_30 : memref<10112x128xf32, #tpu.memory_space<vmem_shared>>)
        tpu.yield
      }) : () -> ()
    }
    %scan3A_7 = arith.constant 40 : i32
    %barrier3A_8 = arith.constant 0 : index
    tpu.barrier barrier_id(%barrier3A_8)
    %lt3A = arith.constant 15 : i32
    %lt3A_9 = arith.cmpi slt, %arg1, %lt3A : i32
    %convert_element_type3A = arith.extui %lt3A_9 : i1 to i32
    %cond3A = arith.constant 0 : i32
    %cond3A_10 = arith.cmpi ne, %convert_element_type3A, %cond3A : i32
    scf.if %cond3A_10 {
      "tpu.region"() ({
        %run_scoped3A = tpu.sem_alloc : memref<!tpu.dma_semaphore, #tpu.memory_space<semaphore_mem>>
        %dma_start3A = arith.constant 0 : i32
        %dma_start3A_15 = tpu.memref_slice %arg5[%arg0, %mul3A_2, %dma_start3A] : memref<2x10000x128xf32, #tpu.memory_space<hbm>> -> memref<1x632x128xf32, #tpu.memory_space<hbm>>
        %dma_start3A_16 = tpu.memref_squeeze %dma_start3A_15 : memref<1x632x128xf32, #tpu.memory_space<hbm>> -> memref<632x128xf32, #tpu.memory_space<hbm>>
        %dma_start3A_17 = arith.constant 0 : i32
        %dma_start3A_18 = tpu.memref_slice %arg8[%mul3A_2, %dma_start3A_17] : memref<10112x128xf32, #tpu.memory_space<vmem_shared>> -> memref<632x128xf32, #tpu.memory_space<vmem_shared>>
        tpu.enqueue_dma source(%dma_start3A_18 : memref<632x128xf32, #tpu.memory_space<vmem_shared>>) target(%dma_start3A_16 : memref<632x128xf32, #tpu.memory_space<hbm>>) target_semaphore(%run_scoped3A : memref<!tpu.dma_semaphore, #tpu.memory_space<semaphore_mem>>)
        %dma_wait3A = arith.constant 0 : i32
        %dma_wait3A_19 = tpu.memref_slice %arg5[%arg0, %mul3A_2, %dma_wait3A] : memref<2x10000x128xf32, #tpu.memory_space<hbm>> -> memref<1x632x128xf32, #tpu.memory_space<hbm>>
        %dma_wait3A_20 = tpu.memref_squeeze %dma_wait3A_19 : memref<1x632x128xf32, #tpu.memory_space<hbm>> -> memref<632x128xf32, #tpu.memory_space<hbm>>
        %dma_wait3A_21 = arith.constant 0 : i32
        %dma_wait3A_22 = tpu.memref_slice %arg8[%mul3A_2, %dma_wait3A_21] : memref<10112x128xf32, #tpu.memory_space<vmem_shared>> -> memref<632x128xf32, #tpu.memory_space<vmem_shared>>
        tpu.wait_dma2 semaphore(%run_scoped3A : memref<!tpu.dma_semaphore, #tpu.memory_space<semaphore_mem>>) src(%dma_wait3A_22 : memref<632x128xf32, #tpu.memory_space<vmem_shared>>) dst(%dma_wait3A_20 : memref<632x128xf32, #tpu.memory_space<hbm>>)
        tpu.yield
      }) : () -> ()
    } else {
    }
    %eq3A = arith.constant 15 : i32
    %eq3A_11 = arith.cmpi eq, %arg1, %eq3A : i32
    %convert_element_type3A_12 = arith.extui %eq3A_11 : i1 to i32
    %cond3A_13 = arith.constant 0 : i32
    %cond3A_14 = arith.cmpi ne, %convert_element_type3A_12, %cond3A_13 : i32
    scf.if %cond3A_14 {
      "tpu.region"() ({
        %run_scoped3A = tpu.sem_alloc : memref<!tpu.dma_semaphore, #tpu.memory_space<semaphore_mem>>
        %dma_start3A = arith.constant 0 : i32
        %dma_start3A_15 = tpu.memref_slice %arg5[%arg0, %mul3A_2, %dma_start3A] : memref<2x10000x128xf32, #tpu.memory_space<hbm>> -> memref<1x520x128xf32, #tpu.memory_space<hbm>>
        %dma_start3A_16 = tpu.memref_squeeze %dma_start3A_15 : memref<1x520x128xf32, #tpu.memory_space<hbm>> -> memref<520x128xf32, #tpu.memory_space<hbm>>
        %dma_start3A_17 = arith.constant 0 : i32
        %dma_start3A_18 = tpu.memref_slice %arg8[%mul3A_2, %dma_start3A_17] : memref<10112x128xf32, #tpu.memory_space<vmem_shared>> -> memref<520x128xf32, #tpu.memory_space<vmem_shared>>
        tpu.enqueue_dma source(%dma_start3A_18 : memref<520x128xf32, #tpu.memory_space<vmem_shared>>) target(%dma_start3A_16 : memref<520x128xf32, #tpu.memory_space<hbm>>) target_semaphore(%run_scoped3A : memref<!tpu.dma_semaphore, #tpu.memory_space<semaphore_mem>>)
        %dma_wait3A = arith.constant 0 : i32
        %dma_wait3A_19 = tpu.memref_slice %arg5[%arg0, %mul3A_2, %dma_wait3A] : memref<2x10000x128xf32, #tpu.memory_space<hbm>> -> memref<1x520x128xf32, #tpu.memory_space<hbm>>
        %dma_wait3A_20 = tpu.memref_squeeze %dma_wait3A_19 : memref<1x520x128xf32, #tpu.memory_space<hbm>> -> memref<520x128xf32, #tpu.memory_space<hbm>>
        %dma_wait3A_21 = arith.constant 0 : i32
        %dma_wait3A_22 = tpu.memref_slice %arg8[%mul3A_2, %dma_wait3A_21] : memref<10112x128xf32, #tpu.memory_space<vmem_shared>> -> memref<520x128xf32, #tpu.memory_space<vmem_shared>>
        tpu.wait_dma2 semaphore(%run_scoped3A : memref<!tpu.dma_semaphore, #tpu.memory_space<semaphore_mem>>) src(%dma_wait3A_22 : memref<520x128xf32, #tpu.memory_space<vmem_shared>>) dst(%dma_wait3A_20 : memref<520x128xf32, #tpu.memory_space<hbm>>)
        tpu.yield
      }) : () -> ()
    } else {
    }
    return
  }
}

#map = affine_map<(d0, d1) -> (0, 0)>
#map1 = affine_map<(d0, d1) -> (0, 0, 0)>
#map2 = affine_map<(d0, d1) -> (0, 0, 0, 0)>
module attributes {stable_mosaic.version = 14 : i64} {
  func.func @k(%arg0: i32, %arg1: i32, %arg2: memref<10000x128xf32, #tpu.memory_space<hbm>>, %arg3: memref<10000x128xf32, #tpu.memory_space<hbm>>, %arg4: memref<10000x128xf32, #tpu.memory_space<hbm>>, %arg5: memref<10000x128xf32, #tpu.memory_space<hbm>>, %arg6: memref<10000x128xf32, #tpu.memory_space<hbm>>, %arg7: memref<10000x128xf32, #tpu.memory_space<hbm>>, %arg8: memref<10000x128xf32, #tpu.memory_space<hbm>>, %arg9: memref<10000x128xf32, #tpu.memory_space<hbm>>, %arg10: memref<32x40x128xi32, #tpu.memory_space<hbm>>, %arg11: memref<32x40x128xi32, #tpu.memory_space<hbm>>, %arg12: memref<10112x128xf32, #tpu.memory_space<hbm>>, %arg13: memref<8x2x10000x128xf32, #tpu.memory_space<hbm>>, %arg14: memref<40x128xi32, #tpu.memory_space<vmem>>, %arg15: memref<40x128xi32, #tpu.memory_space<vmem>>, %arg16: memref<128x128xf32, #tpu.memory_space<vmem>>, %arg17: memref<!tpu.dma_semaphore, #tpu.memory_space<semaphore_mem>>, %arg18: memref<10112x128xf32, #tpu.memory_space<vmem_shared>>) attributes {dimension_semantics = [#tpu.dimension_semantics<core_parallel>, #tpu.dimension_semantics<subcore_parallel>], iteration_bounds = array<i64: 2, 16>, scalar_prefetch = 0 : i64, scratch_operands = 5 : i64, tpu.core_type = #tpu.core_type<sc_vector_subcore>, window_params = [{transform_indices = #map}, {transform_indices = #map}, {transform_indices = #map}, {transform_indices = #map}, {transform_indices = #map}, {transform_indices = #map}, {transform_indices = #map}, {transform_indices = #map}, {transform_indices = #map1}, {transform_indices = #map1}, {transform_indices = #map}, {transform_indices = #map2}]} {
    %mul3A = arith.constant 2 : i32
    %mul3A_0 = arith.muli %arg1, %mul3A : i32
    %add3A = arith.addi %mul3A_0, %arg0 : i32
    %mul3A_1 = arith.constant 632 : i32
    %mul3A_2 = arith.muli %arg1, %mul3A_1 : i32
    "tpu.region"() ({
      %run_scoped3A = tpu.sem_alloc : memref<!tpu.dma_semaphore, #tpu.memory_space<semaphore_mem>>
      %dma_start3A = arith.constant 0 : i32
      %dma_start3A_149 = arith.constant 0 : i32
      %dma_start3A_150 = tpu.memref_slice %arg10[%add3A, %dma_start3A, %dma_start3A_149] : memref<32x40x128xi32, #tpu.memory_space<hbm>> -> memref<1x40x128xi32, #tpu.memory_space<hbm>>
      %dma_start3A_151 = tpu.memref_squeeze %dma_start3A_150 : memref<1x40x128xi32, #tpu.memory_space<hbm>> -> memref<40x128xi32, #tpu.memory_space<hbm>>
      %dma_start3A_152 = arith.constant 0 : i32
      %dma_start3A_153 = arith.constant 0 : i32
      %dma_start3A_154 = tpu.memref_slice %arg10[%add3A, %dma_start3A_152, %dma_start3A_153] : memref<32x40x128xi32, #tpu.memory_space<hbm>> -> memref<1x40x128xi32, #tpu.memory_space<hbm>>
      %dma_start3A_155 = tpu.memref_squeeze %dma_start3A_154 : memref<1x40x128xi32, #tpu.memory_space<hbm>> -> memref<40x128xi32, #tpu.memory_space<hbm>>
      tpu.enqueue_dma source(%dma_start3A_155 : memref<40x128xi32, #tpu.memory_space<hbm>>) target(%arg14 : memref<40x128xi32, #tpu.memory_space<vmem>>) target_semaphore(%run_scoped3A : memref<!tpu.dma_semaphore, #tpu.memory_space<semaphore_mem>>)
      %dma_wait3A = arith.constant 0 : i32
      %dma_wait3A_156 = arith.constant 0 : i32
      %dma_wait3A_157 = tpu.memref_slice %arg10[%add3A, %dma_wait3A, %dma_wait3A_156] : memref<32x40x128xi32, #tpu.memory_space<hbm>> -> memref<1x40x128xi32, #tpu.memory_space<hbm>>
      %dma_wait3A_158 = tpu.memref_squeeze %dma_wait3A_157 : memref<1x40x128xi32, #tpu.memory_space<hbm>> -> memref<40x128xi32, #tpu.memory_space<hbm>>
      %dma_wait3A_159 = arith.constant 0 : i32
      %dma_wait3A_160 = arith.constant 0 : i32
      %dma_wait3A_161 = tpu.memref_slice %arg10[%add3A, %dma_wait3A_159, %dma_wait3A_160] : memref<32x40x128xi32, #tpu.memory_space<hbm>> -> memref<1x40x128xi32, #tpu.memory_space<hbm>>
      %dma_wait3A_162 = tpu.memref_squeeze %dma_wait3A_161 : memref<1x40x128xi32, #tpu.memory_space<hbm>> -> memref<40x128xi32, #tpu.memory_space<hbm>>
      tpu.wait_dma2 semaphore(%run_scoped3A : memref<!tpu.dma_semaphore, #tpu.memory_space<semaphore_mem>>) src(%dma_wait3A_162 : memref<40x128xi32, #tpu.memory_space<hbm>>) dst(%arg14 : memref<40x128xi32, #tpu.memory_space<vmem>>)
      tpu.yield
    }) : () -> ()
    "tpu.region"() ({
      %run_scoped3A = tpu.sem_alloc : memref<!tpu.dma_semaphore, #tpu.memory_space<semaphore_mem>>
      %dma_start3A = arith.constant 0 : i32
      %dma_start3A_149 = arith.constant 0 : i32
      %dma_start3A_150 = tpu.memref_slice %arg11[%add3A, %dma_start3A, %dma_start3A_149] : memref<32x40x128xi32, #tpu.memory_space<hbm>> -> memref<1x40x128xi32, #tpu.memory_space<hbm>>
      %dma_start3A_151 = tpu.memref_squeeze %dma_start3A_150 : memref<1x40x128xi32, #tpu.memory_space<hbm>> -> memref<40x128xi32, #tpu.memory_space<hbm>>
      %dma_start3A_152 = arith.constant 0 : i32
      %dma_start3A_153 = arith.constant 0 : i32
      %dma_start3A_154 = tpu.memref_slice %arg11[%add3A, %dma_start3A_152, %dma_start3A_153] : memref<32x40x128xi32, #tpu.memory_space<hbm>> -> memref<1x40x128xi32, #tpu.memory_space<hbm>>
      %dma_start3A_155 = tpu.memref_squeeze %dma_start3A_154 : memref<1x40x128xi32, #tpu.memory_space<hbm>> -> memref<40x128xi32, #tpu.memory_space<hbm>>
      tpu.enqueue_dma source(%dma_start3A_155 : memref<40x128xi32, #tpu.memory_space<hbm>>) target(%arg15 : memref<40x128xi32, #tpu.memory_space<vmem>>) target_semaphore(%run_scoped3A : memref<!tpu.dma_semaphore, #tpu.memory_space<semaphore_mem>>)
      %dma_wait3A = arith.constant 0 : i32
      %dma_wait3A_156 = arith.constant 0 : i32
      %dma_wait3A_157 = tpu.memref_slice %arg11[%add3A, %dma_wait3A, %dma_wait3A_156] : memref<32x40x128xi32, #tpu.memory_space<hbm>> -> memref<1x40x128xi32, #tpu.memory_space<hbm>>
      %dma_wait3A_158 = tpu.memref_squeeze %dma_wait3A_157 : memref<1x40x128xi32, #tpu.memory_space<hbm>> -> memref<40x128xi32, #tpu.memory_space<hbm>>
      %dma_wait3A_159 = arith.constant 0 : i32
      %dma_wait3A_160 = arith.constant 0 : i32
      %dma_wait3A_161 = tpu.memref_slice %arg11[%add3A, %dma_wait3A_159, %dma_wait3A_160] : memref<32x40x128xi32, #tpu.memory_space<hbm>> -> memref<1x40x128xi32, #tpu.memory_space<hbm>>
      %dma_wait3A_162 = tpu.memref_squeeze %dma_wait3A_161 : memref<1x40x128xi32, #tpu.memory_space<hbm>> -> memref<40x128xi32, #tpu.memory_space<hbm>>
      tpu.wait_dma2 semaphore(%run_scoped3A : memref<!tpu.dma_semaphore, #tpu.memory_space<semaphore_mem>>) src(%dma_wait3A_162 : memref<40x128xi32, #tpu.memory_space<hbm>>) dst(%arg15 : memref<40x128xi32, #tpu.memory_space<vmem>>)
      tpu.yield
    }) : () -> ()
    "tpu.region"() ({
      %run_scoped3A = tpu.sem_alloc : memref<!tpu.dma_semaphore, #tpu.memory_space<semaphore_mem>>
      %dma_start3A = arith.constant 0 : i32
      %dma_start3A_149 = tpu.memref_slice %arg18[%mul3A_2, %dma_start3A] : memref<10112x128xf32, #tpu.memory_space<vmem_shared>> -> memref<632x128xf32, #tpu.memory_space<vmem_shared>>
      %dma_start3A_150 = arith.constant 0 : i32
      %dma_start3A_151 = tpu.memref_slice %arg12[%mul3A_2, %dma_start3A_150] : memref<10112x128xf32, #tpu.memory_space<hbm>> -> memref<632x128xf32, #tpu.memory_space<hbm>>
      tpu.enqueue_dma source(%dma_start3A_151 : memref<632x128xf32, #tpu.memory_space<hbm>>) target(%dma_start3A_149 : memref<632x128xf32, #tpu.memory_space<vmem_shared>>) target_semaphore(%run_scoped3A : memref<!tpu.dma_semaphore, #tpu.memory_space<semaphore_mem>>)
      %dma_wait3A = arith.constant 0 : i32
      %dma_wait3A_152 = tpu.memref_slice %arg18[%mul3A_2, %dma_wait3A] : memref<10112x128xf32, #tpu.memory_space<vmem_shared>> -> memref<632x128xf32, #tpu.memory_space<vmem_shared>>
      %dma_wait3A_153 = arith.constant 0 : i32
      %dma_wait3A_154 = tpu.memref_slice %arg12[%mul3A_2, %dma_wait3A_153] : memref<10112x128xf32, #tpu.memory_space<hbm>> -> memref<632x128xf32, #tpu.memory_space<hbm>>
      tpu.wait_dma2 semaphore(%run_scoped3A : memref<!tpu.dma_semaphore, #tpu.memory_space<semaphore_mem>>) src(%dma_wait3A_154 : memref<632x128xf32, #tpu.memory_space<hbm>>) dst(%dma_wait3A_152 : memref<632x128xf32, #tpu.memory_space<vmem_shared>>)
      tpu.yield
    }) : () -> ()
    %barrier3A = arith.constant 0 : index
    tpu.barrier barrier_id(%barrier3A)
    %scan3A = arith.constant 0 : i32
    %scan3A_3 = arith.constant 0 : i32
    %scan3A_4 = arith.constant 40 : i32
    %scan3A_5 = arith.addi %scan3A_3, %scan3A_4 : i32
    %scan3A_6 = arith.constant 1 : i32
    scf.for %scan3A_149 = %scan3A_3 to %scan3A_5 step %scan3A_6  : i32 {
      %dma_start3A = arith.constant 0 : i32
      %dma_start3A_150 = tpu.memref_slice %arg14[%scan3A_149, %dma_start3A] : memref<40x128xi32, #tpu.memory_space<vmem>> -> memref<1x128xi32, #tpu.memory_space<vmem>>
      %dma_start3A_151 = tpu.memref_squeeze %dma_start3A_150 : memref<1x128xi32, #tpu.memory_space<vmem>> -> memref<128xi32, #tpu.memory_space<vmem>>
      %dma_start3A_152 = arith.constant 0 : i32
      %dma_start3A_153 = arith.constant 0 : i32
      %dma_start3A_154 = tpu.memref_slice %arg2[%dma_start3A_152, %dma_start3A_153] : memref<10000x128xf32, #tpu.memory_space<hbm>> -> memref<10000x128xf32, #tpu.memory_space<hbm>>
      tpu.enqueue_indirect_dma source(%dma_start3A_154 : memref<10000x128xf32, #tpu.memory_space<hbm>>) target(%arg16 : memref<128x128xf32, #tpu.memory_space<vmem>>) offsets(%dma_start3A_151 : memref<128xi32, #tpu.memory_space<vmem>>) semaphore(%arg17 : memref<!tpu.dma_semaphore, #tpu.memory_space<semaphore_mem>>)
      %dma_wait3A = arith.constant 0 : i32
      %dma_wait3A_155 = tpu.memref_slice %arg14[%scan3A_149, %dma_wait3A] : memref<40x128xi32, #tpu.memory_space<vmem>> -> memref<1x128xi32, #tpu.memory_space<vmem>>
      %dma_wait3A_156 = tpu.memref_squeeze %dma_wait3A_155 : memref<1x128xi32, #tpu.memory_space<vmem>> -> memref<128xi32, #tpu.memory_space<vmem>>
      %dma_wait3A_157 = arith.constant 0 : i32
      %dma_wait3A_158 = arith.constant 0 : i32
      %dma_wait3A_159 = tpu.memref_slice %arg2[%dma_wait3A_157, %dma_wait3A_158] : memref<10000x128xf32, #tpu.memory_space<hbm>> -> memref<10000x128xf32, #tpu.memory_space<hbm>>
      tpu.wait_indirect_dma semaphore(%arg17 : memref<!tpu.dma_semaphore, #tpu.memory_space<semaphore_mem>>) src(%dma_wait3A_159 : memref<10000x128xf32, #tpu.memory_space<hbm>>) dst(%arg16 : memref<128x128xf32, #tpu.memory_space<vmem>>)
      "tpu.region"() ({
        %run_scoped3A = tpu.sem_alloc : memref<!tpu.dma_semaphore, #tpu.memory_space<semaphore_mem>>
        %dma_start3A_160 = arith.constant 0 : i32
        %dma_start3A_161 = tpu.memref_slice %arg15[%scan3A_149, %dma_start3A_160] : memref<40x128xi32, #tpu.memory_space<vmem>> -> memref<1x128xi32, #tpu.memory_space<vmem>>
        %dma_start3A_162 = tpu.memref_squeeze %dma_start3A_161 : memref<1x128xi32, #tpu.memory_space<vmem>> -> memref<128xi32, #tpu.memory_space<vmem>>
        %dma_start3A_163 = arith.constant 0 : i32
        %dma_start3A_164 = arith.constant 0 : i32
        %dma_start3A_165 = tpu.memref_slice %arg18[%dma_start3A_163, %dma_start3A_164] : memref<10112x128xf32, #tpu.memory_space<vmem_shared>> -> memref<10112x128xf32, #tpu.memory_space<vmem_shared>>
        tpu.enqueue_indirect_dma source(%arg16 : memref<128x128xf32, #tpu.memory_space<vmem>>) target(%dma_start3A_165 : memref<10112x128xf32, #tpu.memory_space<vmem_shared>>) offsets(%dma_start3A_162 : memref<128xi32, #tpu.memory_space<vmem>>) semaphore(%run_scoped3A : memref<!tpu.dma_semaphore, #tpu.memory_space<semaphore_mem>>) {add = true}
        %dma_wait3A_166 = arith.constant 0 : i32
        %dma_wait3A_167 = tpu.memref_slice %arg15[%scan3A_149, %dma_wait3A_166] : memref<40x128xi32, #tpu.memory_space<vmem>> -> memref<1x128xi32, #tpu.memory_space<vmem>>
        %dma_wait3A_168 = tpu.memref_squeeze %dma_wait3A_167 : memref<1x128xi32, #tpu.memory_space<vmem>> -> memref<128xi32, #tpu.memory_space<vmem>>
        %dma_wait3A_169 = arith.constant 0 : i32
        %dma_wait3A_170 = arith.constant 0 : i32
        %dma_wait3A_171 = tpu.memref_slice %arg18[%dma_wait3A_169, %dma_wait3A_170] : memref<10112x128xf32, #tpu.memory_space<vmem_shared>> -> memref<10112x128xf32, #tpu.memory_space<vmem_shared>>
        tpu.wait_indirect_dma semaphore(%run_scoped3A : memref<!tpu.dma_semaphore, #tpu.memory_space<semaphore_mem>>) src(%arg16 : memref<128x128xf32, #tpu.memory_space<vmem>>) dst(%dma_wait3A_171 : memref<10112x128xf32, #tpu.memory_space<vmem_shared>>)
        tpu.yield
      }) : () -> ()
    }
    %scan3A_7 = arith.constant 40 : i32
    %barrier3A_8 = arith.constant 0 : index
    tpu.barrier barrier_id(%barrier3A_8)
    %lt3A = arith.constant 15 : i32
    %lt3A_9 = arith.cmpi slt, %arg1, %lt3A : i32
    %convert_element_type3A = arith.extui %lt3A_9 : i1 to i32
    %cond3A = arith.constant 0 : i32
    %cond3A_10 = arith.cmpi ne, %convert_element_type3A, %cond3A : i32
    scf.if %cond3A_10 {
      %run_scoped3A = arith.constant 0 : i32
      "tpu.region"() ({
        %run_scoped3A_149 = tpu.sem_alloc : memref<!tpu.dma_semaphore, #tpu.memory_space<semaphore_mem>>
        %dma_start3A = arith.constant 0 : i32
        %dma_start3A_150 = tpu.memref_slice %arg13[%run_scoped3A, %arg0, %mul3A_2, %dma_start3A] : memref<8x2x10000x128xf32, #tpu.memory_space<hbm>> -> memref<1x1x632x128xf32, #tpu.memory_space<hbm>>
        %dma_start3A_151 = tpu.memref_squeeze %dma_start3A_150 : memref<1x1x632x128xf32, #tpu.memory_space<hbm>> -> memref<632x128xf32, #tpu.memory_space<hbm>>
        %dma_start3A_152 = arith.constant 0 : i32
        %dma_start3A_153 = tpu.memref_slice %arg18[%mul3A_2, %dma_start3A_152] : memref<10112x128xf32, #tpu.memory_space<vmem_shared>> -> memref<632x128xf32, #tpu.memory_space<vmem_shared>>
        tpu.enqueue_dma source(%dma_start3A_153 : memref<632x128xf32, #tpu.memory_space<vmem_shared>>) target(%dma_start3A_151 : memref<632x128xf32, #tpu.memory_space<hbm>>) target_semaphore(%run_scoped3A_149 : memref<!tpu.dma_semaphore, #tpu.memory_space<semaphore_mem>>)
        %dma_wait3A = arith.constant 0 : i32
        %dma_wait3A_154 = tpu.memref_slice %arg13[%run_scoped3A, %arg0, %mul3A_2, %dma_wait3A] : memref<8x2x10000x128xf32, #tpu.memory_space<hbm>> -> memref<1x1x632x128xf32, #tpu.memory_space<hbm>>
        %dma_wait3A_155 = tpu.memref_squeeze %dma_wait3A_154 : memref<1x1x632x128xf32, #tpu.memory_space<hbm>> -> memref<632x128xf32, #tpu.memory_space<hbm>>
        %dma_wait3A_156 = arith.constant 0 : i32
        %dma_wait3A_157 = tpu.memref_slice %arg18[%mul3A_2, %dma_wait3A_156] : memref<10112x128xf32, #tpu.memory_space<vmem_shared>> -> memref<632x128xf32, #tpu.memory_space<vmem_shared>>
        tpu.wait_dma2 semaphore(%run_scoped3A_149 : memref<!tpu.dma_semaphore, #tpu.memory_space<semaphore_mem>>) src(%dma_wait3A_157 : memref<632x128xf32, #tpu.memory_space<vmem_shared>>) dst(%dma_wait3A_155 : memref<632x128xf32, #tpu.memory_space<hbm>>)
        tpu.yield
      }) : () -> ()
    } else {
    }
    %eq3A = arith.constant 15 : i32
    %eq3A_11 = arith.cmpi eq, %arg1, %eq3A : i32
    %convert_element_type3A_12 = arith.extui %eq3A_11 : i1 to i32
    %cond3A_13 = arith.constant 0 : i32
    %cond3A_14 = arith.cmpi ne, %convert_element_type3A_12, %cond3A_13 : i32
    scf.if %cond3A_14 {
      %run_scoped3A = arith.constant 0 : i32
      "tpu.region"() ({
        %run_scoped3A_149 = tpu.sem_alloc : memref<!tpu.dma_semaphore, #tpu.memory_space<semaphore_mem>>
        %dma_start3A = arith.constant 0 : i32
        %dma_start3A_150 = tpu.memref_slice %arg13[%run_scoped3A, %arg0, %mul3A_2, %dma_start3A] : memref<8x2x10000x128xf32, #tpu.memory_space<hbm>> -> memref<1x1x520x128xf32, #tpu.memory_space<hbm>>
        %dma_start3A_151 = tpu.memref_squeeze %dma_start3A_150 : memref<1x1x520x128xf32, #tpu.memory_space<hbm>> -> memref<520x128xf32, #tpu.memory_space<hbm>>
        %dma_start3A_152 = arith.constant 0 : i32
        %dma_start3A_153 = tpu.memref_slice %arg18[%mul3A_2, %dma_start3A_152] : memref<10112x128xf32, #tpu.memory_space<vmem_shared>> -> memref<520x128xf32, #tpu.memory_space<vmem_shared>>
        tpu.enqueue_dma source(%dma_start3A_153 : memref<520x128xf32, #tpu.memory_space<vmem_shared>>) target(%dma_start3A_151 : memref<520x128xf32, #tpu.memory_space<hbm>>) target_semaphore(%run_scoped3A_149 : memref<!tpu.dma_semaphore, #tpu.memory_space<semaphore_mem>>)
        %dma_wait3A = arith.constant 0 : i32
        %dma_wait3A_154 = tpu.memref_slice %arg13[%run_scoped3A, %arg0, %mul3A_2, %dma_wait3A] : memref<8x2x10000x128xf32, #tpu.memory_space<hbm>> -> memref<1x1x520x128xf32, #tpu.memory_space<hbm>>
        %dma_wait3A_155 = tpu.memref_squeeze %dma_wait3A_154 : memref<1x1x520x128xf32, #tpu.memory_space<hbm>> -> memref<520x128xf32, #tpu.memory_space<hbm>>
        %dma_wait3A_156 = arith.constant 0 : i32
        %dma_wait3A_157 = tpu.memref_slice %arg18[%mul3A_2, %dma_wait3A_156] : memref<10112x128xf32, #tpu.memory_space<vmem_shared>> -> memref<520x128xf32, #tpu.memory_space<vmem_shared>>
        tpu.wait_dma2 semaphore(%run_scoped3A_149 : memref<!tpu.dma_semaphore, #tpu.memory_space<semaphore_mem>>) src(%dma_wait3A_157 : memref<520x128xf32, #tpu.memory_space<vmem_shared>>) dst(%dma_wait3A_155 : memref<520x128xf32, #tpu.memory_space<hbm>>)
        tpu.yield
      }) : () -> ()
    } else {
    }
    %barrier3A_15 = arith.constant 0 : index
    tpu.barrier barrier_id(%barrier3A_15)
    "tpu.region"() ({
      %run_scoped3A = tpu.sem_alloc : memref<!tpu.dma_semaphore, #tpu.memory_space<semaphore_mem>>
      %dma_start3A = arith.constant 0 : i32
      %dma_start3A_149 = tpu.memref_slice %arg18[%mul3A_2, %dma_start3A] : memref<10112x128xf32, #tpu.memory_space<vmem_shared>> -> memref<632x128xf32, #tpu.memory_space<vmem_shared>>
      %dma_start3A_150 = arith.constant 0 : i32
      %dma_start3A_151 = tpu.memref_slice %arg12[%mul3A_2, %dma_start3A_150] : memref<10112x128xf32, #tpu.memory_space<hbm>> -> memref<632x128xf32, #tpu.memory_space<hbm>>
      tpu.enqueue_dma source(%dma_start3A_151 : memref<632x128xf32, #tpu.memory_space<hbm>>) target(%dma_start3A_149 : memref<632x128xf32, #tpu.memory_space<vmem_shared>>) target_semaphore(%run_scoped3A : memref<!tpu.dma_semaphore, #tpu.memory_space<semaphore_mem>>)
      %dma_wait3A = arith.constant 0 : i32
      %dma_wait3A_152 = tpu.memref_slice %arg18[%mul3A_2, %dma_wait3A] : memref<10112x128xf32, #tpu.memory_space<vmem_shared>> -> memref<632x128xf32, #tpu.memory_space<vmem_shared>>
      %dma_wait3A_153 = arith.constant 0 : i32
      %dma_wait3A_154 = tpu.memref_slice %arg12[%mul3A_2, %dma_wait3A_153] : memref<10112x128xf32, #tpu.memory_space<hbm>> -> memref<632x128xf32, #tpu.memory_space<hbm>>
      tpu.wait_dma2 semaphore(%run_scoped3A : memref<!tpu.dma_semaphore, #tpu.memory_space<semaphore_mem>>) src(%dma_wait3A_154 : memref<632x128xf32, #tpu.memory_space<hbm>>) dst(%dma_wait3A_152 : memref<632x128xf32, #tpu.memory_space<vmem_shared>>)
      tpu.yield
    }) : () -> ()
    %barrier3A_16 = arith.constant 0 : index
    tpu.barrier barrier_id(%barrier3A_16)
    %scan3A_17 = arith.constant 0 : i32
    %scan3A_18 = arith.constant 0 : i32
    %scan3A_19 = arith.constant 40 : i32
    %scan3A_20 = arith.addi %scan3A_18, %scan3A_19 : i32
    %scan3A_21 = arith.constant 1 : i32
    scf.for %scan3A_149 = %scan3A_18 to %scan3A_20 step %scan3A_21  : i32 {
      %dma_start3A = arith.constant 0 : i32
      %dma_start3A_150 = tpu.memref_slice %arg14[%scan3A_149, %dma_start3A] : memref<40x128xi32, #tpu.memory_space<vmem>> -> memref<1x128xi32, #tpu.memory_space<vmem>>
      %dma_start3A_151 = tpu.memref_squeeze %dma_start3A_150 : memref<1x128xi32, #tpu.memory_space<vmem>> -> memref<128xi32, #tpu.memory_space<vmem>>
      %dma_start3A_152 = arith.constant 0 : i32
      %dma_start3A_153 = arith.constant 0 : i32
      %dma_start3A_154 = tpu.memref_slice %arg3[%dma_start3A_152, %dma_start3A_153] : memref<10000x128xf32, #tpu.memory_space<hbm>> -> memref<10000x128xf32, #tpu.memory_space<hbm>>
      tpu.enqueue_indirect_dma source(%dma_start3A_154 : memref<10000x128xf32, #tpu.memory_space<hbm>>) target(%arg16 : memref<128x128xf32, #tpu.memory_space<vmem>>) offsets(%dma_start3A_151 : memref<128xi32, #tpu.memory_space<vmem>>) semaphore(%arg17 : memref<!tpu.dma_semaphore, #tpu.memory_space<semaphore_mem>>)
      %dma_wait3A = arith.constant 0 : i32
      %dma_wait3A_155 = tpu.memref_slice %arg14[%scan3A_149, %dma_wait3A] : memref<40x128xi32, #tpu.memory_space<vmem>> -> memref<1x128xi32, #tpu.memory_space<vmem>>
      %dma_wait3A_156 = tpu.memref_squeeze %dma_wait3A_155 : memref<1x128xi32, #tpu.memory_space<vmem>> -> memref<128xi32, #tpu.memory_space<vmem>>
      %dma_wait3A_157 = arith.constant 0 : i32
      %dma_wait3A_158 = arith.constant 0 : i32
      %dma_wait3A_159 = tpu.memref_slice %arg3[%dma_wait3A_157, %dma_wait3A_158] : memref<10000x128xf32, #tpu.memory_space<hbm>> -> memref<10000x128xf32, #tpu.memory_space<hbm>>
      tpu.wait_indirect_dma semaphore(%arg17 : memref<!tpu.dma_semaphore, #tpu.memory_space<semaphore_mem>>) src(%dma_wait3A_159 : memref<10000x128xf32, #tpu.memory_space<hbm>>) dst(%arg16 : memref<128x128xf32, #tpu.memory_space<vmem>>)
      "tpu.region"() ({
        %run_scoped3A = tpu.sem_alloc : memref<!tpu.dma_semaphore, #tpu.memory_space<semaphore_mem>>
        %dma_start3A_160 = arith.constant 0 : i32
        %dma_start3A_161 = tpu.memref_slice %arg15[%scan3A_149, %dma_start3A_160] : memref<40x128xi32, #tpu.memory_space<vmem>> -> memref<1x128xi32, #tpu.memory_space<vmem>>
        %dma_start3A_162 = tpu.memref_squeeze %dma_start3A_161 : memref<1x128xi32, #tpu.memory_space<vmem>> -> memref<128xi32, #tpu.memory_space<vmem>>
        %dma_start3A_163 = arith.constant 0 : i32
        %dma_start3A_164 = arith.constant 0 : i32
        %dma_start3A_165 = tpu.memref_slice %arg18[%dma_start3A_163, %dma_start3A_164] : memref<10112x128xf32, #tpu.memory_space<vmem_shared>> -> memref<10112x128xf32, #tpu.memory_space<vmem_shared>>
        tpu.enqueue_indirect_dma source(%arg16 : memref<128x128xf32, #tpu.memory_space<vmem>>) target(%dma_start3A_165 : memref<10112x128xf32, #tpu.memory_space<vmem_shared>>) offsets(%dma_start3A_162 : memref<128xi32, #tpu.memory_space<vmem>>) semaphore(%run_scoped3A : memref<!tpu.dma_semaphore, #tpu.memory_space<semaphore_mem>>) {add = true}
        %dma_wait3A_166 = arith.constant 0 : i32
        %dma_wait3A_167 = tpu.memref_slice %arg15[%scan3A_149, %dma_wait3A_166] : memref<40x128xi32, #tpu.memory_space<vmem>> -> memref<1x128xi32, #tpu.memory_space<vmem>>
        %dma_wait3A_168 = tpu.memref_squeeze %dma_wait3A_167 : memref<1x128xi32, #tpu.memory_space<vmem>> -> memref<128xi32, #tpu.memory_space<vmem>>
        %dma_wait3A_169 = arith.constant 0 : i32
        %dma_wait3A_170 = arith.constant 0 : i32
        %dma_wait3A_171 = tpu.memref_slice %arg18[%dma_wait3A_169, %dma_wait3A_170] : memref<10112x128xf32, #tpu.memory_space<vmem_shared>> -> memref<10112x128xf32, #tpu.memory_space<vmem_shared>>
        tpu.wait_indirect_dma semaphore(%run_scoped3A : memref<!tpu.dma_semaphore, #tpu.memory_space<semaphore_mem>>) src(%arg16 : memref<128x128xf32, #tpu.memory_space<vmem>>) dst(%dma_wait3A_171 : memref<10112x128xf32, #tpu.memory_space<vmem_shared>>)
        tpu.yield
      }) : () -> ()
    }
    %scan3A_22 = arith.constant 40 : i32
    %barrier3A_23 = arith.constant 0 : index
    tpu.barrier barrier_id(%barrier3A_23)
    %lt3A_24 = arith.constant 15 : i32
    %lt3A_25 = arith.cmpi slt, %arg1, %lt3A_24 : i32
    %convert_element_type3A_26 = arith.extui %lt3A_25 : i1 to i32
    %cond3A_27 = arith.constant 0 : i32
    %cond3A_28 = arith.cmpi ne, %convert_element_type3A_26, %cond3A_27 : i32
    scf.if %cond3A_28 {
      %run_scoped3A = arith.constant 1 : i32
      "tpu.region"() ({
        %run_scoped3A_149 = tpu.sem_alloc : memref<!tpu.dma_semaphore, #tpu.memory_space<semaphore_mem>>
        %dma_start3A = arith.constant 0 : i32
        %dma_start3A_150 = tpu.memref_slice %arg13[%run_scoped3A, %arg0, %mul3A_2, %dma_start3A] : memref<8x2x10000x128xf32, #tpu.memory_space<hbm>> -> memref<1x1x632x128xf32, #tpu.memory_space<hbm>>
        %dma_start3A_151 = tpu.memref_squeeze %dma_start3A_150 : memref<1x1x632x128xf32, #tpu.memory_space<hbm>> -> memref<632x128xf32, #tpu.memory_space<hbm>>
        %dma_start3A_152 = arith.constant 0 : i32
        %dma_start3A_153 = tpu.memref_slice %arg18[%mul3A_2, %dma_start3A_152] : memref<10112x128xf32, #tpu.memory_space<vmem_shared>> -> memref<632x128xf32, #tpu.memory_space<vmem_shared>>
        tpu.enqueue_dma source(%dma_start3A_153 : memref<632x128xf32, #tpu.memory_space<vmem_shared>>) target(%dma_start3A_151 : memref<632x128xf32, #tpu.memory_space<hbm>>) target_semaphore(%run_scoped3A_149 : memref<!tpu.dma_semaphore, #tpu.memory_space<semaphore_mem>>)
        %dma_wait3A = arith.constant 0 : i32
        %dma_wait3A_154 = tpu.memref_slice %arg13[%run_scoped3A, %arg0, %mul3A_2, %dma_wait3A] : memref<8x2x10000x128xf32, #tpu.memory_space<hbm>> -> memref<1x1x632x128xf32, #tpu.memory_space<hbm>>
        %dma_wait3A_155 = tpu.memref_squeeze %dma_wait3A_154 : memref<1x1x632x128xf32, #tpu.memory_space<hbm>> -> memref<632x128xf32, #tpu.memory_space<hbm>>
        %dma_wait3A_156 = arith.constant 0 : i32
        %dma_wait3A_157 = tpu.memref_slice %arg18[%mul3A_2, %dma_wait3A_156] : memref<10112x128xf32, #tpu.memory_space<vmem_shared>> -> memref<632x128xf32, #tpu.memory_space<vmem_shared>>
        tpu.wait_dma2 semaphore(%run_scoped3A_149 : memref<!tpu.dma_semaphore, #tpu.memory_space<semaphore_mem>>) src(%dma_wait3A_157 : memref<632x128xf32, #tpu.memory_space<vmem_shared>>) dst(%dma_wait3A_155 : memref<632x128xf32, #tpu.memory_space<hbm>>)
        tpu.yield
      }) : () -> ()
    } else {
    }
    %eq3A_29 = arith.constant 15 : i32
    %eq3A_30 = arith.cmpi eq, %arg1, %eq3A_29 : i32
    %convert_element_type3A_31 = arith.extui %eq3A_30 : i1 to i32
    %cond3A_32 = arith.constant 0 : i32
    %cond3A_33 = arith.cmpi ne, %convert_element_type3A_31, %cond3A_32 : i32
    scf.if %cond3A_33 {
      %run_scoped3A = arith.constant 1 : i32
      "tpu.region"() ({
        %run_scoped3A_149 = tpu.sem_alloc : memref<!tpu.dma_semaphore, #tpu.memory_space<semaphore_mem>>
        %dma_start3A = arith.constant 0 : i32
        %dma_start3A_150 = tpu.memref_slice %arg13[%run_scoped3A, %arg0, %mul3A_2, %dma_start3A] : memref<8x2x10000x128xf32, #tpu.memory_space<hbm>> -> memref<1x1x520x128xf32, #tpu.memory_space<hbm>>
        %dma_start3A_151 = tpu.memref_squeeze %dma_start3A_150 : memref<1x1x520x128xf32, #tpu.memory_space<hbm>> -> memref<520x128xf32, #tpu.memory_space<hbm>>
        %dma_start3A_152 = arith.constant 0 : i32
        %dma_start3A_153 = tpu.memref_slice %arg18[%mul3A_2, %dma_start3A_152] : memref<10112x128xf32, #tpu.memory_space<vmem_shared>> -> memref<520x128xf32, #tpu.memory_space<vmem_shared>>
        tpu.enqueue_dma source(%dma_start3A_153 : memref<520x128xf32, #tpu.memory_space<vmem_shared>>) target(%dma_start3A_151 : memref<520x128xf32, #tpu.memory_space<hbm>>) target_semaphore(%run_scoped3A_149 : memref<!tpu.dma_semaphore, #tpu.memory_space<semaphore_mem>>)
        %dma_wait3A = arith.constant 0 : i32
        %dma_wait3A_154 = tpu.memref_slice %arg13[%run_scoped3A, %arg0, %mul3A_2, %dma_wait3A] : memref<8x2x10000x128xf32, #tpu.memory_space<hbm>> -> memref<1x1x520x128xf32, #tpu.memory_space<hbm>>
        %dma_wait3A_155 = tpu.memref_squeeze %dma_wait3A_154 : memref<1x1x520x128xf32, #tpu.memory_space<hbm>> -> memref<520x128xf32, #tpu.memory_space<hbm>>
        %dma_wait3A_156 = arith.constant 0 : i32
        %dma_wait3A_157 = tpu.memref_slice %arg18[%mul3A_2, %dma_wait3A_156] : memref<10112x128xf32, #tpu.memory_space<vmem_shared>> -> memref<520x128xf32, #tpu.memory_space<vmem_shared>>
        tpu.wait_dma2 semaphore(%run_scoped3A_149 : memref<!tpu.dma_semaphore, #tpu.memory_space<semaphore_mem>>) src(%dma_wait3A_157 : memref<520x128xf32, #tpu.memory_space<vmem_shared>>) dst(%dma_wait3A_155 : memref<520x128xf32, #tpu.memory_space<hbm>>)
        tpu.yield
      }) : () -> ()
    } else {
    }
    %barrier3A_34 = arith.constant 0 : index
    tpu.barrier barrier_id(%barrier3A_34)
    "tpu.region"() ({
      %run_scoped3A = tpu.sem_alloc : memref<!tpu.dma_semaphore, #tpu.memory_space<semaphore_mem>>
      %dma_start3A = arith.constant 0 : i32
      %dma_start3A_149 = tpu.memref_slice %arg18[%mul3A_2, %dma_start3A] : memref<10112x128xf32, #tpu.memory_space<vmem_shared>> -> memref<632x128xf32, #tpu.memory_space<vmem_shared>>
      %dma_start3A_150 = arith.constant 0 : i32
      %dma_start3A_151 = tpu.memref_slice %arg12[%mul3A_2, %dma_start3A_150] : memref<10112x128xf32, #tpu.memory_space<hbm>> -> memref<632x128xf32, #tpu.memory_space<hbm>>
      tpu.enqueue_dma source(%dma_start3A_151 : memref<632x128xf32, #tpu.memory_space<hbm>>) target(%dma_start3A_149 : memref<632x128xf32, #tpu.memory_space<vmem_shared>>) target_semaphore(%run_scoped3A : memref<!tpu.dma_semaphore, #tpu.memory_space<semaphore_mem>>)
      %dma_wait3A = arith.constant 0 : i32
      %dma_wait3A_152 = tpu.memref_slice %arg18[%mul3A_2, %dma_wait3A] : memref<10112x128xf32, #tpu.memory_space<vmem_shared>> -> memref<632x128xf32, #tpu.memory_space<vmem_shared>>
      %dma_wait3A_153 = arith.constant 0 : i32
      %dma_wait3A_154 = tpu.memref_slice %arg12[%mul3A_2, %dma_wait3A_153] : memref<10112x128xf32, #tpu.memory_space<hbm>> -> memref<632x128xf32, #tpu.memory_space<hbm>>
      tpu.wait_dma2 semaphore(%run_scoped3A : memref<!tpu.dma_semaphore, #tpu.memory_space<semaphore_mem>>) src(%dma_wait3A_154 : memref<632x128xf32, #tpu.memory_space<hbm>>) dst(%dma_wait3A_152 : memref<632x128xf32, #tpu.memory_space<vmem_shared>>)
      tpu.yield
    }) : () -> ()
    %barrier3A_35 = arith.constant 0 : index
    tpu.barrier barrier_id(%barrier3A_35)
    %scan3A_36 = arith.constant 0 : i32
    %scan3A_37 = arith.constant 0 : i32
    %scan3A_38 = arith.constant 40 : i32
    %scan3A_39 = arith.addi %scan3A_37, %scan3A_38 : i32
    %scan3A_40 = arith.constant 1 : i32
    scf.for %scan3A_149 = %scan3A_37 to %scan3A_39 step %scan3A_40  : i32 {
      %dma_start3A = arith.constant 0 : i32
      %dma_start3A_150 = tpu.memref_slice %arg14[%scan3A_149, %dma_start3A] : memref<40x128xi32, #tpu.memory_space<vmem>> -> memref<1x128xi32, #tpu.memory_space<vmem>>
      %dma_start3A_151 = tpu.memref_squeeze %dma_start3A_150 : memref<1x128xi32, #tpu.memory_space<vmem>> -> memref<128xi32, #tpu.memory_space<vmem>>
      %dma_start3A_152 = arith.constant 0 : i32
      %dma_start3A_153 = arith.constant 0 : i32
      %dma_start3A_154 = tpu.memref_slice %arg4[%dma_start3A_152, %dma_start3A_153] : memref<10000x128xf32, #tpu.memory_space<hbm>> -> memref<10000x128xf32, #tpu.memory_space<hbm>>
      tpu.enqueue_indirect_dma source(%dma_start3A_154 : memref<10000x128xf32, #tpu.memory_space<hbm>>) target(%arg16 : memref<128x128xf32, #tpu.memory_space<vmem>>) offsets(%dma_start3A_151 : memref<128xi32, #tpu.memory_space<vmem>>) semaphore(%arg17 : memref<!tpu.dma_semaphore, #tpu.memory_space<semaphore_mem>>)
      %dma_wait3A = arith.constant 0 : i32
      %dma_wait3A_155 = tpu.memref_slice %arg14[%scan3A_149, %dma_wait3A] : memref<40x128xi32, #tpu.memory_space<vmem>> -> memref<1x128xi32, #tpu.memory_space<vmem>>
      %dma_wait3A_156 = tpu.memref_squeeze %dma_wait3A_155 : memref<1x128xi32, #tpu.memory_space<vmem>> -> memref<128xi32, #tpu.memory_space<vmem>>
      %dma_wait3A_157 = arith.constant 0 : i32
      %dma_wait3A_158 = arith.constant 0 : i32
      %dma_wait3A_159 = tpu.memref_slice %arg4[%dma_wait3A_157, %dma_wait3A_158] : memref<10000x128xf32, #tpu.memory_space<hbm>> -> memref<10000x128xf32, #tpu.memory_space<hbm>>
      tpu.wait_indirect_dma semaphore(%arg17 : memref<!tpu.dma_semaphore, #tpu.memory_space<semaphore_mem>>) src(%dma_wait3A_159 : memref<10000x128xf32, #tpu.memory_space<hbm>>) dst(%arg16 : memref<128x128xf32, #tpu.memory_space<vmem>>)
      "tpu.region"() ({
        %run_scoped3A = tpu.sem_alloc : memref<!tpu.dma_semaphore, #tpu.memory_space<semaphore_mem>>
        %dma_start3A_160 = arith.constant 0 : i32
        %dma_start3A_161 = tpu.memref_slice %arg15[%scan3A_149, %dma_start3A_160] : memref<40x128xi32, #tpu.memory_space<vmem>> -> memref<1x128xi32, #tpu.memory_space<vmem>>
        %dma_start3A_162 = tpu.memref_squeeze %dma_start3A_161 : memref<1x128xi32, #tpu.memory_space<vmem>> -> memref<128xi32, #tpu.memory_space<vmem>>
        %dma_start3A_163 = arith.constant 0 : i32
        %dma_start3A_164 = arith.constant 0 : i32
        %dma_start3A_165 = tpu.memref_slice %arg18[%dma_start3A_163, %dma_start3A_164] : memref<10112x128xf32, #tpu.memory_space<vmem_shared>> -> memref<10112x128xf32, #tpu.memory_space<vmem_shared>>
        tpu.enqueue_indirect_dma source(%arg16 : memref<128x128xf32, #tpu.memory_space<vmem>>) target(%dma_start3A_165 : memref<10112x128xf32, #tpu.memory_space<vmem_shared>>) offsets(%dma_start3A_162 : memref<128xi32, #tpu.memory_space<vmem>>) semaphore(%run_scoped3A : memref<!tpu.dma_semaphore, #tpu.memory_space<semaphore_mem>>) {add = true}
        %dma_wait3A_166 = arith.constant 0 : i32
        %dma_wait3A_167 = tpu.memref_slice %arg15[%scan3A_149, %dma_wait3A_166] : memref<40x128xi32, #tpu.memory_space<vmem>> -> memref<1x128xi32, #tpu.memory_space<vmem>>
        %dma_wait3A_168 = tpu.memref_squeeze %dma_wait3A_167 : memref<1x128xi32, #tpu.memory_space<vmem>> -> memref<128xi32, #tpu.memory_space<vmem>>
        %dma_wait3A_169 = arith.constant 0 : i32
        %dma_wait3A_170 = arith.constant 0 : i32
        %dma_wait3A_171 = tpu.memref_slice %arg18[%dma_wait3A_169, %dma_wait3A_170] : memref<10112x128xf32, #tpu.memory_space<vmem_shared>> -> memref<10112x128xf32, #tpu.memory_space<vmem_shared>>
        tpu.wait_indirect_dma semaphore(%run_scoped3A : memref<!tpu.dma_semaphore, #tpu.memory_space<semaphore_mem>>) src(%arg16 : memref<128x128xf32, #tpu.memory_space<vmem>>) dst(%dma_wait3A_171 : memref<10112x128xf32, #tpu.memory_space<vmem_shared>>)
        tpu.yield
      }) : () -> ()
    }
    %scan3A_41 = arith.constant 40 : i32
    %barrier3A_42 = arith.constant 0 : index
    tpu.barrier barrier_id(%barrier3A_42)
    %lt3A_43 = arith.constant 15 : i32
    %lt3A_44 = arith.cmpi slt, %arg1, %lt3A_43 : i32
    %convert_element_type3A_45 = arith.extui %lt3A_44 : i1 to i32
    %cond3A_46 = arith.constant 0 : i32
    %cond3A_47 = arith.cmpi ne, %convert_element_type3A_45, %cond3A_46 : i32
    scf.if %cond3A_47 {
      %run_scoped3A = arith.constant 2 : i32
      "tpu.region"() ({
        %run_scoped3A_149 = tpu.sem_alloc : memref<!tpu.dma_semaphore, #tpu.memory_space<semaphore_mem>>
        %dma_start3A = arith.constant 0 : i32
        %dma_start3A_150 = tpu.memref_slice %arg13[%run_scoped3A, %arg0, %mul3A_2, %dma_start3A] : memref<8x2x10000x128xf32, #tpu.memory_space<hbm>> -> memref<1x1x632x128xf32, #tpu.memory_space<hbm>>
        %dma_start3A_151 = tpu.memref_squeeze %dma_start3A_150 : memref<1x1x632x128xf32, #tpu.memory_space<hbm>> -> memref<632x128xf32, #tpu.memory_space<hbm>>
        %dma_start3A_152 = arith.constant 0 : i32
        %dma_start3A_153 = tpu.memref_slice %arg18[%mul3A_2, %dma_start3A_152] : memref<10112x128xf32, #tpu.memory_space<vmem_shared>> -> memref<632x128xf32, #tpu.memory_space<vmem_shared>>
        tpu.enqueue_dma source(%dma_start3A_153 : memref<632x128xf32, #tpu.memory_space<vmem_shared>>) target(%dma_start3A_151 : memref<632x128xf32, #tpu.memory_space<hbm>>) target_semaphore(%run_scoped3A_149 : memref<!tpu.dma_semaphore, #tpu.memory_space<semaphore_mem>>)
        %dma_wait3A = arith.constant 0 : i32
        %dma_wait3A_154 = tpu.memref_slice %arg13[%run_scoped3A, %arg0, %mul3A_2, %dma_wait3A] : memref<8x2x10000x128xf32, #tpu.memory_space<hbm>> -> memref<1x1x632x128xf32, #tpu.memory_space<hbm>>
        %dma_wait3A_155 = tpu.memref_squeeze %dma_wait3A_154 : memref<1x1x632x128xf32, #tpu.memory_space<hbm>> -> memref<632x128xf32, #tpu.memory_space<hbm>>
        %dma_wait3A_156 = arith.constant 0 : i32
        %dma_wait3A_157 = tpu.memref_slice %arg18[%mul3A_2, %dma_wait3A_156] : memref<10112x128xf32, #tpu.memory_space<vmem_shared>> -> memref<632x128xf32, #tpu.memory_space<vmem_shared>>
        tpu.wait_dma2 semaphore(%run_scoped3A_149 : memref<!tpu.dma_semaphore, #tpu.memory_space<semaphore_mem>>) src(%dma_wait3A_157 : memref<632x128xf32, #tpu.memory_space<vmem_shared>>) dst(%dma_wait3A_155 : memref<632x128xf32, #tpu.memory_space<hbm>>)
        tpu.yield
      }) : () -> ()
    } else {
    }
    %eq3A_48 = arith.constant 15 : i32
    %eq3A_49 = arith.cmpi eq, %arg1, %eq3A_48 : i32
    %convert_element_type3A_50 = arith.extui %eq3A_49 : i1 to i32
    %cond3A_51 = arith.constant 0 : i32
    %cond3A_52 = arith.cmpi ne, %convert_element_type3A_50, %cond3A_51 : i32
    scf.if %cond3A_52 {
      %run_scoped3A = arith.constant 2 : i32
      "tpu.region"() ({
        %run_scoped3A_149 = tpu.sem_alloc : memref<!tpu.dma_semaphore, #tpu.memory_space<semaphore_mem>>
        %dma_start3A = arith.constant 0 : i32
        %dma_start3A_150 = tpu.memref_slice %arg13[%run_scoped3A, %arg0, %mul3A_2, %dma_start3A] : memref<8x2x10000x128xf32, #tpu.memory_space<hbm>> -> memref<1x1x520x128xf32, #tpu.memory_space<hbm>>
        %dma_start3A_151 = tpu.memref_squeeze %dma_start3A_150 : memref<1x1x520x128xf32, #tpu.memory_space<hbm>> -> memref<520x128xf32, #tpu.memory_space<hbm>>
        %dma_start3A_152 = arith.constant 0 : i32
        %dma_start3A_153 = tpu.memref_slice %arg18[%mul3A_2, %dma_start3A_152] : memref<10112x128xf32, #tpu.memory_space<vmem_shared>> -> memref<520x128xf32, #tpu.memory_space<vmem_shared>>
        tpu.enqueue_dma source(%dma_start3A_153 : memref<520x128xf32, #tpu.memory_space<vmem_shared>>) target(%dma_start3A_151 : memref<520x128xf32, #tpu.memory_space<hbm>>) target_semaphore(%run_scoped3A_149 : memref<!tpu.dma_semaphore, #tpu.memory_space<semaphore_mem>>)
        %dma_wait3A = arith.constant 0 : i32
        %dma_wait3A_154 = tpu.memref_slice %arg13[%run_scoped3A, %arg0, %mul3A_2, %dma_wait3A] : memref<8x2x10000x128xf32, #tpu.memory_space<hbm>> -> memref<1x1x520x128xf32, #tpu.memory_space<hbm>>
        %dma_wait3A_155 = tpu.memref_squeeze %dma_wait3A_154 : memref<1x1x520x128xf32, #tpu.memory_space<hbm>> -> memref<520x128xf32, #tpu.memory_space<hbm>>
        %dma_wait3A_156 = arith.constant 0 : i32
        %dma_wait3A_157 = tpu.memref_slice %arg18[%mul3A_2, %dma_wait3A_156] : memref<10112x128xf32, #tpu.memory_space<vmem_shared>> -> memref<520x128xf32, #tpu.memory_space<vmem_shared>>
        tpu.wait_dma2 semaphore(%run_scoped3A_149 : memref<!tpu.dma_semaphore, #tpu.memory_space<semaphore_mem>>) src(%dma_wait3A_157 : memref<520x128xf32, #tpu.memory_space<vmem_shared>>) dst(%dma_wait3A_155 : memref<520x128xf32, #tpu.memory_space<hbm>>)
        tpu.yield
      }) : () -> ()
    } else {
    }
    %barrier3A_53 = arith.constant 0 : index
    tpu.barrier barrier_id(%barrier3A_53)
    "tpu.region"() ({
      %run_scoped3A = tpu.sem_alloc : memref<!tpu.dma_semaphore, #tpu.memory_space<semaphore_mem>>
      %dma_start3A = arith.constant 0 : i32
      %dma_start3A_149 = tpu.memref_slice %arg18[%mul3A_2, %dma_start3A] : memref<10112x128xf32, #tpu.memory_space<vmem_shared>> -> memref<632x128xf32, #tpu.memory_space<vmem_shared>>
      %dma_start3A_150 = arith.constant 0 : i32
      %dma_start3A_151 = tpu.memref_slice %arg12[%mul3A_2, %dma_start3A_150] : memref<10112x128xf32, #tpu.memory_space<hbm>> -> memref<632x128xf32, #tpu.memory_space<hbm>>
      tpu.enqueue_dma source(%dma_start3A_151 : memref<632x128xf32, #tpu.memory_space<hbm>>) target(%dma_start3A_149 : memref<632x128xf32, #tpu.memory_space<vmem_shared>>) target_semaphore(%run_scoped3A : memref<!tpu.dma_semaphore, #tpu.memory_space<semaphore_mem>>)
      %dma_wait3A = arith.constant 0 : i32
      %dma_wait3A_152 = tpu.memref_slice %arg18[%mul3A_2, %dma_wait3A] : memref<10112x128xf32, #tpu.memory_space<vmem_shared>> -> memref<632x128xf32, #tpu.memory_space<vmem_shared>>
      %dma_wait3A_153 = arith.constant 0 : i32
      %dma_wait3A_154 = tpu.memref_slice %arg12[%mul3A_2, %dma_wait3A_153] : memref<10112x128xf32, #tpu.memory_space<hbm>> -> memref<632x128xf32, #tpu.memory_space<hbm>>
      tpu.wait_dma2 semaphore(%run_scoped3A : memref<!tpu.dma_semaphore, #tpu.memory_space<semaphore_mem>>) src(%dma_wait3A_154 : memref<632x128xf32, #tpu.memory_space<hbm>>) dst(%dma_wait3A_152 : memref<632x128xf32, #tpu.memory_space<vmem_shared>>)
      tpu.yield
    }) : () -> ()
    %barrier3A_54 = arith.constant 0 : index
    tpu.barrier barrier_id(%barrier3A_54)
    %scan3A_55 = arith.constant 0 : i32
    %scan3A_56 = arith.constant 0 : i32
    %scan3A_57 = arith.constant 40 : i32
    %scan3A_58 = arith.addi %scan3A_56, %scan3A_57 : i32
    %scan3A_59 = arith.constant 1 : i32
    scf.for %scan3A_149 = %scan3A_56 to %scan3A_58 step %scan3A_59  : i32 {
      %dma_start3A = arith.constant 0 : i32
      %dma_start3A_150 = tpu.memref_slice %arg14[%scan3A_149, %dma_start3A] : memref<40x128xi32, #tpu.memory_space<vmem>> -> memref<1x128xi32, #tpu.memory_space<vmem>>
      %dma_start3A_151 = tpu.memref_squeeze %dma_start3A_150 : memref<1x128xi32, #tpu.memory_space<vmem>> -> memref<128xi32, #tpu.memory_space<vmem>>
      %dma_start3A_152 = arith.constant 0 : i32
      %dma_start3A_153 = arith.constant 0 : i32
      %dma_start3A_154 = tpu.memref_slice %arg5[%dma_start3A_152, %dma_start3A_153] : memref<10000x128xf32, #tpu.memory_space<hbm>> -> memref<10000x128xf32, #tpu.memory_space<hbm>>
      tpu.enqueue_indirect_dma source(%dma_start3A_154 : memref<10000x128xf32, #tpu.memory_space<hbm>>) target(%arg16 : memref<128x128xf32, #tpu.memory_space<vmem>>) offsets(%dma_start3A_151 : memref<128xi32, #tpu.memory_space<vmem>>) semaphore(%arg17 : memref<!tpu.dma_semaphore, #tpu.memory_space<semaphore_mem>>)
      %dma_wait3A = arith.constant 0 : i32
      %dma_wait3A_155 = tpu.memref_slice %arg14[%scan3A_149, %dma_wait3A] : memref<40x128xi32, #tpu.memory_space<vmem>> -> memref<1x128xi32, #tpu.memory_space<vmem>>
      %dma_wait3A_156 = tpu.memref_squeeze %dma_wait3A_155 : memref<1x128xi32, #tpu.memory_space<vmem>> -> memref<128xi32, #tpu.memory_space<vmem>>
      %dma_wait3A_157 = arith.constant 0 : i32
      %dma_wait3A_158 = arith.constant 0 : i32
      %dma_wait3A_159 = tpu.memref_slice %arg5[%dma_wait3A_157, %dma_wait3A_158] : memref<10000x128xf32, #tpu.memory_space<hbm>> -> memref<10000x128xf32, #tpu.memory_space<hbm>>
      tpu.wait_indirect_dma semaphore(%arg17 : memref<!tpu.dma_semaphore, #tpu.memory_space<semaphore_mem>>) src(%dma_wait3A_159 : memref<10000x128xf32, #tpu.memory_space<hbm>>) dst(%arg16 : memref<128x128xf32, #tpu.memory_space<vmem>>)
      "tpu.region"() ({
        %run_scoped3A = tpu.sem_alloc : memref<!tpu.dma_semaphore, #tpu.memory_space<semaphore_mem>>
        %dma_start3A_160 = arith.constant 0 : i32
        %dma_start3A_161 = tpu.memref_slice %arg15[%scan3A_149, %dma_start3A_160] : memref<40x128xi32, #tpu.memory_space<vmem>> -> memref<1x128xi32, #tpu.memory_space<vmem>>
        %dma_start3A_162 = tpu.memref_squeeze %dma_start3A_161 : memref<1x128xi32, #tpu.memory_space<vmem>> -> memref<128xi32, #tpu.memory_space<vmem>>
        %dma_start3A_163 = arith.constant 0 : i32
        %dma_start3A_164 = arith.constant 0 : i32
        %dma_start3A_165 = tpu.memref_slice %arg18[%dma_start3A_163, %dma_start3A_164] : memref<10112x128xf32, #tpu.memory_space<vmem_shared>> -> memref<10112x128xf32, #tpu.memory_space<vmem_shared>>
        tpu.enqueue_indirect_dma source(%arg16 : memref<128x128xf32, #tpu.memory_space<vmem>>) target(%dma_start3A_165 : memref<10112x128xf32, #tpu.memory_space<vmem_shared>>) offsets(%dma_start3A_162 : memref<128xi32, #tpu.memory_space<vmem>>) semaphore(%run_scoped3A : memref<!tpu.dma_semaphore, #tpu.memory_space<semaphore_mem>>) {add = true}
        %dma_wait3A_166 = arith.constant 0 : i32
        %dma_wait3A_167 = tpu.memref_slice %arg15[%scan3A_149, %dma_wait3A_166] : memref<40x128xi32, #tpu.memory_space<vmem>> -> memref<1x128xi32, #tpu.memory_space<vmem>>
        %dma_wait3A_168 = tpu.memref_squeeze %dma_wait3A_167 : memref<1x128xi32, #tpu.memory_space<vmem>> -> memref<128xi32, #tpu.memory_space<vmem>>
        %dma_wait3A_169 = arith.constant 0 : i32
        %dma_wait3A_170 = arith.constant 0 : i32
        %dma_wait3A_171 = tpu.memref_slice %arg18[%dma_wait3A_169, %dma_wait3A_170] : memref<10112x128xf32, #tpu.memory_space<vmem_shared>> -> memref<10112x128xf32, #tpu.memory_space<vmem_shared>>
        tpu.wait_indirect_dma semaphore(%run_scoped3A : memref<!tpu.dma_semaphore, #tpu.memory_space<semaphore_mem>>) src(%arg16 : memref<128x128xf32, #tpu.memory_space<vmem>>) dst(%dma_wait3A_171 : memref<10112x128xf32, #tpu.memory_space<vmem_shared>>)
        tpu.yield
      }) : () -> ()
    }
    %scan3A_60 = arith.constant 40 : i32
    %barrier3A_61 = arith.constant 0 : index
    tpu.barrier barrier_id(%barrier3A_61)
    %lt3A_62 = arith.constant 15 : i32
    %lt3A_63 = arith.cmpi slt, %arg1, %lt3A_62 : i32
    %convert_element_type3A_64 = arith.extui %lt3A_63 : i1 to i32
    %cond3A_65 = arith.constant 0 : i32
    %cond3A_66 = arith.cmpi ne, %convert_element_type3A_64, %cond3A_65 : i32
    scf.if %cond3A_66 {
      %run_scoped3A = arith.constant 3 : i32
      "tpu.region"() ({
        %run_scoped3A_149 = tpu.sem_alloc : memref<!tpu.dma_semaphore, #tpu.memory_space<semaphore_mem>>
        %dma_start3A = arith.constant 0 : i32
        %dma_start3A_150 = tpu.memref_slice %arg13[%run_scoped3A, %arg0, %mul3A_2, %dma_start3A] : memref<8x2x10000x128xf32, #tpu.memory_space<hbm>> -> memref<1x1x632x128xf32, #tpu.memory_space<hbm>>
        %dma_start3A_151 = tpu.memref_squeeze %dma_start3A_150 : memref<1x1x632x128xf32, #tpu.memory_space<hbm>> -> memref<632x128xf32, #tpu.memory_space<hbm>>
        %dma_start3A_152 = arith.constant 0 : i32
        %dma_start3A_153 = tpu.memref_slice %arg18[%mul3A_2, %dma_start3A_152] : memref<10112x128xf32, #tpu.memory_space<vmem_shared>> -> memref<632x128xf32, #tpu.memory_space<vmem_shared>>
        tpu.enqueue_dma source(%dma_start3A_153 : memref<632x128xf32, #tpu.memory_space<vmem_shared>>) target(%dma_start3A_151 : memref<632x128xf32, #tpu.memory_space<hbm>>) target_semaphore(%run_scoped3A_149 : memref<!tpu.dma_semaphore, #tpu.memory_space<semaphore_mem>>)
        %dma_wait3A = arith.constant 0 : i32
        %dma_wait3A_154 = tpu.memref_slice %arg13[%run_scoped3A, %arg0, %mul3A_2, %dma_wait3A] : memref<8x2x10000x128xf32, #tpu.memory_space<hbm>> -> memref<1x1x632x128xf32, #tpu.memory_space<hbm>>
        %dma_wait3A_155 = tpu.memref_squeeze %dma_wait3A_154 : memref<1x1x632x128xf32, #tpu.memory_space<hbm>> -> memref<632x128xf32, #tpu.memory_space<hbm>>
        %dma_wait3A_156 = arith.constant 0 : i32
        %dma_wait3A_157 = tpu.memref_slice %arg18[%mul3A_2, %dma_wait3A_156] : memref<10112x128xf32, #tpu.memory_space<vmem_shared>> -> memref<632x128xf32, #tpu.memory_space<vmem_shared>>
        tpu.wait_dma2 semaphore(%run_scoped3A_149 : memref<!tpu.dma_semaphore, #tpu.memory_space<semaphore_mem>>) src(%dma_wait3A_157 : memref<632x128xf32, #tpu.memory_space<vmem_shared>>) dst(%dma_wait3A_155 : memref<632x128xf32, #tpu.memory_space<hbm>>)
        tpu.yield
      }) : () -> ()
    } else {
    }
    %eq3A_67 = arith.constant 15 : i32
    %eq3A_68 = arith.cmpi eq, %arg1, %eq3A_67 : i32
    %convert_element_type3A_69 = arith.extui %eq3A_68 : i1 to i32
    %cond3A_70 = arith.constant 0 : i32
    %cond3A_71 = arith.cmpi ne, %convert_element_type3A_69, %cond3A_70 : i32
    scf.if %cond3A_71 {
      %run_scoped3A = arith.constant 3 : i32
      "tpu.region"() ({
        %run_scoped3A_149 = tpu.sem_alloc : memref<!tpu.dma_semaphore, #tpu.memory_space<semaphore_mem>>
        %dma_start3A = arith.constant 0 : i32
        %dma_start3A_150 = tpu.memref_slice %arg13[%run_scoped3A, %arg0, %mul3A_2, %dma_start3A] : memref<8x2x10000x128xf32, #tpu.memory_space<hbm>> -> memref<1x1x520x128xf32, #tpu.memory_space<hbm>>
        %dma_start3A_151 = tpu.memref_squeeze %dma_start3A_150 : memref<1x1x520x128xf32, #tpu.memory_space<hbm>> -> memref<520x128xf32, #tpu.memory_space<hbm>>
        %dma_start3A_152 = arith.constant 0 : i32
        %dma_start3A_153 = tpu.memref_slice %arg18[%mul3A_2, %dma_start3A_152] : memref<10112x128xf32, #tpu.memory_space<vmem_shared>> -> memref<520x128xf32, #tpu.memory_space<vmem_shared>>
        tpu.enqueue_dma source(%dma_start3A_153 : memref<520x128xf32, #tpu.memory_space<vmem_shared>>) target(%dma_start3A_151 : memref<520x128xf32, #tpu.memory_space<hbm>>) target_semaphore(%run_scoped3A_149 : memref<!tpu.dma_semaphore, #tpu.memory_space<semaphore_mem>>)
        %dma_wait3A = arith.constant 0 : i32
        %dma_wait3A_154 = tpu.memref_slice %arg13[%run_scoped3A, %arg0, %mul3A_2, %dma_wait3A] : memref<8x2x10000x128xf32, #tpu.memory_space<hbm>> -> memref<1x1x520x128xf32, #tpu.memory_space<hbm>>
        %dma_wait3A_155 = tpu.memref_squeeze %dma_wait3A_154 : memref<1x1x520x128xf32, #tpu.memory_space<hbm>> -> memref<520x128xf32, #tpu.memory_space<hbm>>
        %dma_wait3A_156 = arith.constant 0 : i32
        %dma_wait3A_157 = tpu.memref_slice %arg18[%mul3A_2, %dma_wait3A_156] : memref<10112x128xf32, #tpu.memory_space<vmem_shared>> -> memref<520x128xf32, #tpu.memory_space<vmem_shared>>
        tpu.wait_dma2 semaphore(%run_scoped3A_149 : memref<!tpu.dma_semaphore, #tpu.memory_space<semaphore_mem>>) src(%dma_wait3A_157 : memref<520x128xf32, #tpu.memory_space<vmem_shared>>) dst(%dma_wait3A_155 : memref<520x128xf32, #tpu.memory_space<hbm>>)
        tpu.yield
      }) : () -> ()
    } else {
    }
    %barrier3A_72 = arith.constant 0 : index
    tpu.barrier barrier_id(%barrier3A_72)
    "tpu.region"() ({
      %run_scoped3A = tpu.sem_alloc : memref<!tpu.dma_semaphore, #tpu.memory_space<semaphore_mem>>
      %dma_start3A = arith.constant 0 : i32
      %dma_start3A_149 = tpu.memref_slice %arg18[%mul3A_2, %dma_start3A] : memref<10112x128xf32, #tpu.memory_space<vmem_shared>> -> memref<632x128xf32, #tpu.memory_space<vmem_shared>>
      %dma_start3A_150 = arith.constant 0 : i32
      %dma_start3A_151 = tpu.memref_slice %arg12[%mul3A_2, %dma_start3A_150] : memref<10112x128xf32, #tpu.memory_space<hbm>> -> memref<632x128xf32, #tpu.memory_space<hbm>>
      tpu.enqueue_dma source(%dma_start3A_151 : memref<632x128xf32, #tpu.memory_space<hbm>>) target(%dma_start3A_149 : memref<632x128xf32, #tpu.memory_space<vmem_shared>>) target_semaphore(%run_scoped3A : memref<!tpu.dma_semaphore, #tpu.memory_space<semaphore_mem>>)
      %dma_wait3A = arith.constant 0 : i32
      %dma_wait3A_152 = tpu.memref_slice %arg18[%mul3A_2, %dma_wait3A] : memref<10112x128xf32, #tpu.memory_space<vmem_shared>> -> memref<632x128xf32, #tpu.memory_space<vmem_shared>>
      %dma_wait3A_153 = arith.constant 0 : i32
      %dma_wait3A_154 = tpu.memref_slice %arg12[%mul3A_2, %dma_wait3A_153] : memref<10112x128xf32, #tpu.memory_space<hbm>> -> memref<632x128xf32, #tpu.memory_space<hbm>>
      tpu.wait_dma2 semaphore(%run_scoped3A : memref<!tpu.dma_semaphore, #tpu.memory_space<semaphore_mem>>) src(%dma_wait3A_154 : memref<632x128xf32, #tpu.memory_space<hbm>>) dst(%dma_wait3A_152 : memref<632x128xf32, #tpu.memory_space<vmem_shared>>)
      tpu.yield
    }) : () -> ()
    %barrier3A_73 = arith.constant 0 : index
    tpu.barrier barrier_id(%barrier3A_73)
    %scan3A_74 = arith.constant 0 : i32
    %scan3A_75 = arith.constant 0 : i32
    %scan3A_76 = arith.constant 40 : i32
    %scan3A_77 = arith.addi %scan3A_75, %scan3A_76 : i32
    %scan3A_78 = arith.constant 1 : i32
    scf.for %scan3A_149 = %scan3A_75 to %scan3A_77 step %scan3A_78  : i32 {
      %dma_start3A = arith.constant 0 : i32
      %dma_start3A_150 = tpu.memref_slice %arg14[%scan3A_149, %dma_start3A] : memref<40x128xi32, #tpu.memory_space<vmem>> -> memref<1x128xi32, #tpu.memory_space<vmem>>
      %dma_start3A_151 = tpu.memref_squeeze %dma_start3A_150 : memref<1x128xi32, #tpu.memory_space<vmem>> -> memref<128xi32, #tpu.memory_space<vmem>>
      %dma_start3A_152 = arith.constant 0 : i32
      %dma_start3A_153 = arith.constant 0 : i32
      %dma_start3A_154 = tpu.memref_slice %arg6[%dma_start3A_152, %dma_start3A_153] : memref<10000x128xf32, #tpu.memory_space<hbm>> -> memref<10000x128xf32, #tpu.memory_space<hbm>>
      tpu.enqueue_indirect_dma source(%dma_start3A_154 : memref<10000x128xf32, #tpu.memory_space<hbm>>) target(%arg16 : memref<128x128xf32, #tpu.memory_space<vmem>>) offsets(%dma_start3A_151 : memref<128xi32, #tpu.memory_space<vmem>>) semaphore(%arg17 : memref<!tpu.dma_semaphore, #tpu.memory_space<semaphore_mem>>)
      %dma_wait3A = arith.constant 0 : i32
      %dma_wait3A_155 = tpu.memref_slice %arg14[%scan3A_149, %dma_wait3A] : memref<40x128xi32, #tpu.memory_space<vmem>> -> memref<1x128xi32, #tpu.memory_space<vmem>>
      %dma_wait3A_156 = tpu.memref_squeeze %dma_wait3A_155 : memref<1x128xi32, #tpu.memory_space<vmem>> -> memref<128xi32, #tpu.memory_space<vmem>>
      %dma_wait3A_157 = arith.constant 0 : i32
      %dma_wait3A_158 = arith.constant 0 : i32
      %dma_wait3A_159 = tpu.memref_slice %arg6[%dma_wait3A_157, %dma_wait3A_158] : memref<10000x128xf32, #tpu.memory_space<hbm>> -> memref<10000x128xf32, #tpu.memory_space<hbm>>
      tpu.wait_indirect_dma semaphore(%arg17 : memref<!tpu.dma_semaphore, #tpu.memory_space<semaphore_mem>>) src(%dma_wait3A_159 : memref<10000x128xf32, #tpu.memory_space<hbm>>) dst(%arg16 : memref<128x128xf32, #tpu.memory_space<vmem>>)
      "tpu.region"() ({
        %run_scoped3A = tpu.sem_alloc : memref<!tpu.dma_semaphore, #tpu.memory_space<semaphore_mem>>
        %dma_start3A_160 = arith.constant 0 : i32
        %dma_start3A_161 = tpu.memref_slice %arg15[%scan3A_149, %dma_start3A_160] : memref<40x128xi32, #tpu.memory_space<vmem>> -> memref<1x128xi32, #tpu.memory_space<vmem>>
        %dma_start3A_162 = tpu.memref_squeeze %dma_start3A_161 : memref<1x128xi32, #tpu.memory_space<vmem>> -> memref<128xi32, #tpu.memory_space<vmem>>
        %dma_start3A_163 = arith.constant 0 : i32
        %dma_start3A_164 = arith.constant 0 : i32
        %dma_start3A_165 = tpu.memref_slice %arg18[%dma_start3A_163, %dma_start3A_164] : memref<10112x128xf32, #tpu.memory_space<vmem_shared>> -> memref<10112x128xf32, #tpu.memory_space<vmem_shared>>
        tpu.enqueue_indirect_dma source(%arg16 : memref<128x128xf32, #tpu.memory_space<vmem>>) target(%dma_start3A_165 : memref<10112x128xf32, #tpu.memory_space<vmem_shared>>) offsets(%dma_start3A_162 : memref<128xi32, #tpu.memory_space<vmem>>) semaphore(%run_scoped3A : memref<!tpu.dma_semaphore, #tpu.memory_space<semaphore_mem>>) {add = true}
        %dma_wait3A_166 = arith.constant 0 : i32
        %dma_wait3A_167 = tpu.memref_slice %arg15[%scan3A_149, %dma_wait3A_166] : memref<40x128xi32, #tpu.memory_space<vmem>> -> memref<1x128xi32, #tpu.memory_space<vmem>>
        %dma_wait3A_168 = tpu.memref_squeeze %dma_wait3A_167 : memref<1x128xi32, #tpu.memory_space<vmem>> -> memref<128xi32, #tpu.memory_space<vmem>>
        %dma_wait3A_169 = arith.constant 0 : i32
        %dma_wait3A_170 = arith.constant 0 : i32
        %dma_wait3A_171 = tpu.memref_slice %arg18[%dma_wait3A_169, %dma_wait3A_170] : memref<10112x128xf32, #tpu.memory_space<vmem_shared>> -> memref<10112x128xf32, #tpu.memory_space<vmem_shared>>
        tpu.wait_indirect_dma semaphore(%run_scoped3A : memref<!tpu.dma_semaphore, #tpu.memory_space<semaphore_mem>>) src(%arg16 : memref<128x128xf32, #tpu.memory_space<vmem>>) dst(%dma_wait3A_171 : memref<10112x128xf32, #tpu.memory_space<vmem_shared>>)
        tpu.yield
      }) : () -> ()
    }
    %scan3A_79 = arith.constant 40 : i32
    %barrier3A_80 = arith.constant 0 : index
    tpu.barrier barrier_id(%barrier3A_80)
    %lt3A_81 = arith.constant 15 : i32
    %lt3A_82 = arith.cmpi slt, %arg1, %lt3A_81 : i32
    %convert_element_type3A_83 = arith.extui %lt3A_82 : i1 to i32
    %cond3A_84 = arith.constant 0 : i32
    %cond3A_85 = arith.cmpi ne, %convert_element_type3A_83, %cond3A_84 : i32
    scf.if %cond3A_85 {
      %run_scoped3A = arith.constant 4 : i32
      "tpu.region"() ({
        %run_scoped3A_149 = tpu.sem_alloc : memref<!tpu.dma_semaphore, #tpu.memory_space<semaphore_mem>>
        %dma_start3A = arith.constant 0 : i32
        %dma_start3A_150 = tpu.memref_slice %arg13[%run_scoped3A, %arg0, %mul3A_2, %dma_start3A] : memref<8x2x10000x128xf32, #tpu.memory_space<hbm>> -> memref<1x1x632x128xf32, #tpu.memory_space<hbm>>
        %dma_start3A_151 = tpu.memref_squeeze %dma_start3A_150 : memref<1x1x632x128xf32, #tpu.memory_space<hbm>> -> memref<632x128xf32, #tpu.memory_space<hbm>>
        %dma_start3A_152 = arith.constant 0 : i32
        %dma_start3A_153 = tpu.memref_slice %arg18[%mul3A_2, %dma_start3A_152] : memref<10112x128xf32, #tpu.memory_space<vmem_shared>> -> memref<632x128xf32, #tpu.memory_space<vmem_shared>>
        tpu.enqueue_dma source(%dma_start3A_153 : memref<632x128xf32, #tpu.memory_space<vmem_shared>>) target(%dma_start3A_151 : memref<632x128xf32, #tpu.memory_space<hbm>>) target_semaphore(%run_scoped3A_149 : memref<!tpu.dma_semaphore, #tpu.memory_space<semaphore_mem>>)
        %dma_wait3A = arith.constant 0 : i32
        %dma_wait3A_154 = tpu.memref_slice %arg13[%run_scoped3A, %arg0, %mul3A_2, %dma_wait3A] : memref<8x2x10000x128xf32, #tpu.memory_space<hbm>> -> memref<1x1x632x128xf32, #tpu.memory_space<hbm>>
        %dma_wait3A_155 = tpu.memref_squeeze %dma_wait3A_154 : memref<1x1x632x128xf32, #tpu.memory_space<hbm>> -> memref<632x128xf32, #tpu.memory_space<hbm>>
        %dma_wait3A_156 = arith.constant 0 : i32
        %dma_wait3A_157 = tpu.memref_slice %arg18[%mul3A_2, %dma_wait3A_156] : memref<10112x128xf32, #tpu.memory_space<vmem_shared>> -> memref<632x128xf32, #tpu.memory_space<vmem_shared>>
        tpu.wait_dma2 semaphore(%run_scoped3A_149 : memref<!tpu.dma_semaphore, #tpu.memory_space<semaphore_mem>>) src(%dma_wait3A_157 : memref<632x128xf32, #tpu.memory_space<vmem_shared>>) dst(%dma_wait3A_155 : memref<632x128xf32, #tpu.memory_space<hbm>>)
        tpu.yield
      }) : () -> ()
    } else {
    }
    %eq3A_86 = arith.constant 15 : i32
    %eq3A_87 = arith.cmpi eq, %arg1, %eq3A_86 : i32
    %convert_element_type3A_88 = arith.extui %eq3A_87 : i1 to i32
    %cond3A_89 = arith.constant 0 : i32
    %cond3A_90 = arith.cmpi ne, %convert_element_type3A_88, %cond3A_89 : i32
    scf.if %cond3A_90 {
      %run_scoped3A = arith.constant 4 : i32
      "tpu.region"() ({
        %run_scoped3A_149 = tpu.sem_alloc : memref<!tpu.dma_semaphore, #tpu.memory_space<semaphore_mem>>
        %dma_start3A = arith.constant 0 : i32
        %dma_start3A_150 = tpu.memref_slice %arg13[%run_scoped3A, %arg0, %mul3A_2, %dma_start3A] : memref<8x2x10000x128xf32, #tpu.memory_space<hbm>> -> memref<1x1x520x128xf32, #tpu.memory_space<hbm>>
        %dma_start3A_151 = tpu.memref_squeeze %dma_start3A_150 : memref<1x1x520x128xf32, #tpu.memory_space<hbm>> -> memref<520x128xf32, #tpu.memory_space<hbm>>
        %dma_start3A_152 = arith.constant 0 : i32
        %dma_start3A_153 = tpu.memref_slice %arg18[%mul3A_2, %dma_start3A_152] : memref<10112x128xf32, #tpu.memory_space<vmem_shared>> -> memref<520x128xf32, #tpu.memory_space<vmem_shared>>
        tpu.enqueue_dma source(%dma_start3A_153 : memref<520x128xf32, #tpu.memory_space<vmem_shared>>) target(%dma_start3A_151 : memref<520x128xf32, #tpu.memory_space<hbm>>) target_semaphore(%run_scoped3A_149 : memref<!tpu.dma_semaphore, #tpu.memory_space<semaphore_mem>>)
        %dma_wait3A = arith.constant 0 : i32
        %dma_wait3A_154 = tpu.memref_slice %arg13[%run_scoped3A, %arg0, %mul3A_2, %dma_wait3A] : memref<8x2x10000x128xf32, #tpu.memory_space<hbm>> -> memref<1x1x520x128xf32, #tpu.memory_space<hbm>>
        %dma_wait3A_155 = tpu.memref_squeeze %dma_wait3A_154 : memref<1x1x520x128xf32, #tpu.memory_space<hbm>> -> memref<520x128xf32, #tpu.memory_space<hbm>>
        %dma_wait3A_156 = arith.constant 0 : i32
        %dma_wait3A_157 = tpu.memref_slice %arg18[%mul3A_2, %dma_wait3A_156] : memref<10112x128xf32, #tpu.memory_space<vmem_shared>> -> memref<520x128xf32, #tpu.memory_space<vmem_shared>>
        tpu.wait_dma2 semaphore(%run_scoped3A_149 : memref<!tpu.dma_semaphore, #tpu.memory_space<semaphore_mem>>) src(%dma_wait3A_157 : memref<520x128xf32, #tpu.memory_space<vmem_shared>>) dst(%dma_wait3A_155 : memref<520x128xf32, #tpu.memory_space<hbm>>)
        tpu.yield
      }) : () -> ()
    } else {
    }
    %barrier3A_91 = arith.constant 0 : index
    tpu.barrier barrier_id(%barrier3A_91)
    "tpu.region"() ({
      %run_scoped3A = tpu.sem_alloc : memref<!tpu.dma_semaphore, #tpu.memory_space<semaphore_mem>>
      %dma_start3A = arith.constant 0 : i32
      %dma_start3A_149 = tpu.memref_slice %arg18[%mul3A_2, %dma_start3A] : memref<10112x128xf32, #tpu.memory_space<vmem_shared>> -> memref<632x128xf32, #tpu.memory_space<vmem_shared>>
      %dma_start3A_150 = arith.constant 0 : i32
      %dma_start3A_151 = tpu.memref_slice %arg12[%mul3A_2, %dma_start3A_150] : memref<10112x128xf32, #tpu.memory_space<hbm>> -> memref<632x128xf32, #tpu.memory_space<hbm>>
      tpu.enqueue_dma source(%dma_start3A_151 : memref<632x128xf32, #tpu.memory_space<hbm>>) target(%dma_start3A_149 : memref<632x128xf32, #tpu.memory_space<vmem_shared>>) target_semaphore(%run_scoped3A : memref<!tpu.dma_semaphore, #tpu.memory_space<semaphore_mem>>)
      %dma_wait3A = arith.constant 0 : i32
      %dma_wait3A_152 = tpu.memref_slice %arg18[%mul3A_2, %dma_wait3A] : memref<10112x128xf32, #tpu.memory_space<vmem_shared>> -> memref<632x128xf32, #tpu.memory_space<vmem_shared>>
      %dma_wait3A_153 = arith.constant 0 : i32
      %dma_wait3A_154 = tpu.memref_slice %arg12[%mul3A_2, %dma_wait3A_153] : memref<10112x128xf32, #tpu.memory_space<hbm>> -> memref<632x128xf32, #tpu.memory_space<hbm>>
      tpu.wait_dma2 semaphore(%run_scoped3A : memref<!tpu.dma_semaphore, #tpu.memory_space<semaphore_mem>>) src(%dma_wait3A_154 : memref<632x128xf32, #tpu.memory_space<hbm>>) dst(%dma_wait3A_152 : memref<632x128xf32, #tpu.memory_space<vmem_shared>>)
      tpu.yield
    }) : () -> ()
    %barrier3A_92 = arith.constant 0 : index
    tpu.barrier barrier_id(%barrier3A_92)
    %scan3A_93 = arith.constant 0 : i32
    %scan3A_94 = arith.constant 0 : i32
    %scan3A_95 = arith.constant 40 : i32
    %scan3A_96 = arith.addi %scan3A_94, %scan3A_95 : i32
    %scan3A_97 = arith.constant 1 : i32
    scf.for %scan3A_149 = %scan3A_94 to %scan3A_96 step %scan3A_97  : i32 {
      %dma_start3A = arith.constant 0 : i32
      %dma_start3A_150 = tpu.memref_slice %arg14[%scan3A_149, %dma_start3A] : memref<40x128xi32, #tpu.memory_space<vmem>> -> memref<1x128xi32, #tpu.memory_space<vmem>>
      %dma_start3A_151 = tpu.memref_squeeze %dma_start3A_150 : memref<1x128xi32, #tpu.memory_space<vmem>> -> memref<128xi32, #tpu.memory_space<vmem>>
      %dma_start3A_152 = arith.constant 0 : i32
      %dma_start3A_153 = arith.constant 0 : i32
      %dma_start3A_154 = tpu.memref_slice %arg7[%dma_start3A_152, %dma_start3A_153] : memref<10000x128xf32, #tpu.memory_space<hbm>> -> memref<10000x128xf32, #tpu.memory_space<hbm>>
      tpu.enqueue_indirect_dma source(%dma_start3A_154 : memref<10000x128xf32, #tpu.memory_space<hbm>>) target(%arg16 : memref<128x128xf32, #tpu.memory_space<vmem>>) offsets(%dma_start3A_151 : memref<128xi32, #tpu.memory_space<vmem>>) semaphore(%arg17 : memref<!tpu.dma_semaphore, #tpu.memory_space<semaphore_mem>>)
      %dma_wait3A = arith.constant 0 : i32
      %dma_wait3A_155 = tpu.memref_slice %arg14[%scan3A_149, %dma_wait3A] : memref<40x128xi32, #tpu.memory_space<vmem>> -> memref<1x128xi32, #tpu.memory_space<vmem>>
      %dma_wait3A_156 = tpu.memref_squeeze %dma_wait3A_155 : memref<1x128xi32, #tpu.memory_space<vmem>> -> memref<128xi32, #tpu.memory_space<vmem>>
      %dma_wait3A_157 = arith.constant 0 : i32
      %dma_wait3A_158 = arith.constant 0 : i32
      %dma_wait3A_159 = tpu.memref_slice %arg7[%dma_wait3A_157, %dma_wait3A_158] : memref<10000x128xf32, #tpu.memory_space<hbm>> -> memref<10000x128xf32, #tpu.memory_space<hbm>>
      tpu.wait_indirect_dma semaphore(%arg17 : memref<!tpu.dma_semaphore, #tpu.memory_space<semaphore_mem>>) src(%dma_wait3A_159 : memref<10000x128xf32, #tpu.memory_space<hbm>>) dst(%arg16 : memref<128x128xf32, #tpu.memory_space<vmem>>)
      "tpu.region"() ({
        %run_scoped3A = tpu.sem_alloc : memref<!tpu.dma_semaphore, #tpu.memory_space<semaphore_mem>>
        %dma_start3A_160 = arith.constant 0 : i32
        %dma_start3A_161 = tpu.memref_slice %arg15[%scan3A_149, %dma_start3A_160] : memref<40x128xi32, #tpu.memory_space<vmem>> -> memref<1x128xi32, #tpu.memory_space<vmem>>
        %dma_start3A_162 = tpu.memref_squeeze %dma_start3A_161 : memref<1x128xi32, #tpu.memory_space<vmem>> -> memref<128xi32, #tpu.memory_space<vmem>>
        %dma_start3A_163 = arith.constant 0 : i32
        %dma_start3A_164 = arith.constant 0 : i32
        %dma_start3A_165 = tpu.memref_slice %arg18[%dma_start3A_163, %dma_start3A_164] : memref<10112x128xf32, #tpu.memory_space<vmem_shared>> -> memref<10112x128xf32, #tpu.memory_space<vmem_shared>>
        tpu.enqueue_indirect_dma source(%arg16 : memref<128x128xf32, #tpu.memory_space<vmem>>) target(%dma_start3A_165 : memref<10112x128xf32, #tpu.memory_space<vmem_shared>>) offsets(%dma_start3A_162 : memref<128xi32, #tpu.memory_space<vmem>>) semaphore(%run_scoped3A : memref<!tpu.dma_semaphore, #tpu.memory_space<semaphore_mem>>) {add = true}
        %dma_wait3A_166 = arith.constant 0 : i32
        %dma_wait3A_167 = tpu.memref_slice %arg15[%scan3A_149, %dma_wait3A_166] : memref<40x128xi32, #tpu.memory_space<vmem>> -> memref<1x128xi32, #tpu.memory_space<vmem>>
        %dma_wait3A_168 = tpu.memref_squeeze %dma_wait3A_167 : memref<1x128xi32, #tpu.memory_space<vmem>> -> memref<128xi32, #tpu.memory_space<vmem>>
        %dma_wait3A_169 = arith.constant 0 : i32
        %dma_wait3A_170 = arith.constant 0 : i32
        %dma_wait3A_171 = tpu.memref_slice %arg18[%dma_wait3A_169, %dma_wait3A_170] : memref<10112x128xf32, #tpu.memory_space<vmem_shared>> -> memref<10112x128xf32, #tpu.memory_space<vmem_shared>>
        tpu.wait_indirect_dma semaphore(%run_scoped3A : memref<!tpu.dma_semaphore, #tpu.memory_space<semaphore_mem>>) src(%arg16 : memref<128x128xf32, #tpu.memory_space<vmem>>) dst(%dma_wait3A_171 : memref<10112x128xf32, #tpu.memory_space<vmem_shared>>)
        tpu.yield
      }) : () -> ()
    }
    %scan3A_98 = arith.constant 40 : i32
    %barrier3A_99 = arith.constant 0 : index
    tpu.barrier barrier_id(%barrier3A_99)
    %lt3A_100 = arith.constant 15 : i32
    %lt3A_101 = arith.cmpi slt, %arg1, %lt3A_100 : i32
    %convert_element_type3A_102 = arith.extui %lt3A_101 : i1 to i32
    %cond3A_103 = arith.constant 0 : i32
    %cond3A_104 = arith.cmpi ne, %convert_element_type3A_102, %cond3A_103 : i32
    scf.if %cond3A_104 {
      %run_scoped3A = arith.constant 5 : i32
      "tpu.region"() ({
        %run_scoped3A_149 = tpu.sem_alloc : memref<!tpu.dma_semaphore, #tpu.memory_space<semaphore_mem>>
        %dma_start3A = arith.constant 0 : i32
        %dma_start3A_150 = tpu.memref_slice %arg13[%run_scoped3A, %arg0, %mul3A_2, %dma_start3A] : memref<8x2x10000x128xf32, #tpu.memory_space<hbm>> -> memref<1x1x632x128xf32, #tpu.memory_space<hbm>>
        %dma_start3A_151 = tpu.memref_squeeze %dma_start3A_150 : memref<1x1x632x128xf32, #tpu.memory_space<hbm>> -> memref<632x128xf32, #tpu.memory_space<hbm>>
        %dma_start3A_152 = arith.constant 0 : i32
        %dma_start3A_153 = tpu.memref_slice %arg18[%mul3A_2, %dma_start3A_152] : memref<10112x128xf32, #tpu.memory_space<vmem_shared>> -> memref<632x128xf32, #tpu.memory_space<vmem_shared>>
        tpu.enqueue_dma source(%dma_start3A_153 : memref<632x128xf32, #tpu.memory_space<vmem_shared>>) target(%dma_start3A_151 : memref<632x128xf32, #tpu.memory_space<hbm>>) target_semaphore(%run_scoped3A_149 : memref<!tpu.dma_semaphore, #tpu.memory_space<semaphore_mem>>)
        %dma_wait3A = arith.constant 0 : i32
        %dma_wait3A_154 = tpu.memref_slice %arg13[%run_scoped3A, %arg0, %mul3A_2, %dma_wait3A] : memref<8x2x10000x128xf32, #tpu.memory_space<hbm>> -> memref<1x1x632x128xf32, #tpu.memory_space<hbm>>
        %dma_wait3A_155 = tpu.memref_squeeze %dma_wait3A_154 : memref<1x1x632x128xf32, #tpu.memory_space<hbm>> -> memref<632x128xf32, #tpu.memory_space<hbm>>
        %dma_wait3A_156 = arith.constant 0 : i32
        %dma_wait3A_157 = tpu.memref_slice %arg18[%mul3A_2, %dma_wait3A_156] : memref<10112x128xf32, #tpu.memory_space<vmem_shared>> -> memref<632x128xf32, #tpu.memory_space<vmem_shared>>
        tpu.wait_dma2 semaphore(%run_scoped3A_149 : memref<!tpu.dma_semaphore, #tpu.memory_space<semaphore_mem>>) src(%dma_wait3A_157 : memref<632x128xf32, #tpu.memory_space<vmem_shared>>) dst(%dma_wait3A_155 : memref<632x128xf32, #tpu.memory_space<hbm>>)
        tpu.yield
      }) : () -> ()
    } else {
    }
    %eq3A_105 = arith.constant 15 : i32
    %eq3A_106 = arith.cmpi eq, %arg1, %eq3A_105 : i32
    %convert_element_type3A_107 = arith.extui %eq3A_106 : i1 to i32
    %cond3A_108 = arith.constant 0 : i32
    %cond3A_109 = arith.cmpi ne, %convert_element_type3A_107, %cond3A_108 : i32
    scf.if %cond3A_109 {
      %run_scoped3A = arith.constant 5 : i32
      "tpu.region"() ({
        %run_scoped3A_149 = tpu.sem_alloc : memref<!tpu.dma_semaphore, #tpu.memory_space<semaphore_mem>>
        %dma_start3A = arith.constant 0 : i32
        %dma_start3A_150 = tpu.memref_slice %arg13[%run_scoped3A, %arg0, %mul3A_2, %dma_start3A] : memref<8x2x10000x128xf32, #tpu.memory_space<hbm>> -> memref<1x1x520x128xf32, #tpu.memory_space<hbm>>
        %dma_start3A_151 = tpu.memref_squeeze %dma_start3A_150 : memref<1x1x520x128xf32, #tpu.memory_space<hbm>> -> memref<520x128xf32, #tpu.memory_space<hbm>>
        %dma_start3A_152 = arith.constant 0 : i32
        %dma_start3A_153 = tpu.memref_slice %arg18[%mul3A_2, %dma_start3A_152] : memref<10112x128xf32, #tpu.memory_space<vmem_shared>> -> memref<520x128xf32, #tpu.memory_space<vmem_shared>>
        tpu.enqueue_dma source(%dma_start3A_153 : memref<520x128xf32, #tpu.memory_space<vmem_shared>>) target(%dma_start3A_151 : memref<520x128xf32, #tpu.memory_space<hbm>>) target_semaphore(%run_scoped3A_149 : memref<!tpu.dma_semaphore, #tpu.memory_space<semaphore_mem>>)
        %dma_wait3A = arith.constant 0 : i32
        %dma_wait3A_154 = tpu.memref_slice %arg13[%run_scoped3A, %arg0, %mul3A_2, %dma_wait3A] : memref<8x2x10000x128xf32, #tpu.memory_space<hbm>> -> memref<1x1x520x128xf32, #tpu.memory_space<hbm>>
        %dma_wait3A_155 = tpu.memref_squeeze %dma_wait3A_154 : memref<1x1x520x128xf32, #tpu.memory_space<hbm>> -> memref<520x128xf32, #tpu.memory_space<hbm>>
        %dma_wait3A_156 = arith.constant 0 : i32
        %dma_wait3A_157 = tpu.memref_slice %arg18[%mul3A_2, %dma_wait3A_156] : memref<10112x128xf32, #tpu.memory_space<vmem_shared>> -> memref<520x128xf32, #tpu.memory_space<vmem_shared>>
        tpu.wait_dma2 semaphore(%run_scoped3A_149 : memref<!tpu.dma_semaphore, #tpu.memory_space<semaphore_mem>>) src(%dma_wait3A_157 : memref<520x128xf32, #tpu.memory_space<vmem_shared>>) dst(%dma_wait3A_155 : memref<520x128xf32, #tpu.memory_space<hbm>>)
        tpu.yield
      }) : () -> ()
    } else {
    }
    %barrier3A_110 = arith.constant 0 : index
    tpu.barrier barrier_id(%barrier3A_110)
    "tpu.region"() ({
      %run_scoped3A = tpu.sem_alloc : memref<!tpu.dma_semaphore, #tpu.memory_space<semaphore_mem>>
      %dma_start3A = arith.constant 0 : i32
      %dma_start3A_149 = tpu.memref_slice %arg18[%mul3A_2, %dma_start3A] : memref<10112x128xf32, #tpu.memory_space<vmem_shared>> -> memref<632x128xf32, #tpu.memory_space<vmem_shared>>
      %dma_start3A_150 = arith.constant 0 : i32
      %dma_start3A_151 = tpu.memref_slice %arg12[%mul3A_2, %dma_start3A_150] : memref<10112x128xf32, #tpu.memory_space<hbm>> -> memref<632x128xf32, #tpu.memory_space<hbm>>
      tpu.enqueue_dma source(%dma_start3A_151 : memref<632x128xf32, #tpu.memory_space<hbm>>) target(%dma_start3A_149 : memref<632x128xf32, #tpu.memory_space<vmem_shared>>) target_semaphore(%run_scoped3A : memref<!tpu.dma_semaphore, #tpu.memory_space<semaphore_mem>>)
      %dma_wait3A = arith.constant 0 : i32
      %dma_wait3A_152 = tpu.memref_slice %arg18[%mul3A_2, %dma_wait3A] : memref<10112x128xf32, #tpu.memory_space<vmem_shared>> -> memref<632x128xf32, #tpu.memory_space<vmem_shared>>
      %dma_wait3A_153 = arith.constant 0 : i32
      %dma_wait3A_154 = tpu.memref_slice %arg12[%mul3A_2, %dma_wait3A_153] : memref<10112x128xf32, #tpu.memory_space<hbm>> -> memref<632x128xf32, #tpu.memory_space<hbm>>
      tpu.wait_dma2 semaphore(%run_scoped3A : memref<!tpu.dma_semaphore, #tpu.memory_space<semaphore_mem>>) src(%dma_wait3A_154 : memref<632x128xf32, #tpu.memory_space<hbm>>) dst(%dma_wait3A_152 : memref<632x128xf32, #tpu.memory_space<vmem_shared>>)
      tpu.yield
    }) : () -> ()
    %barrier3A_111 = arith.constant 0 : index
    tpu.barrier barrier_id(%barrier3A_111)
    %scan3A_112 = arith.constant 0 : i32
    %scan3A_113 = arith.constant 0 : i32
    %scan3A_114 = arith.constant 40 : i32
    %scan3A_115 = arith.addi %scan3A_113, %scan3A_114 : i32
    %scan3A_116 = arith.constant 1 : i32
    scf.for %scan3A_149 = %scan3A_113 to %scan3A_115 step %scan3A_116  : i32 {
      %dma_start3A = arith.constant 0 : i32
      %dma_start3A_150 = tpu.memref_slice %arg14[%scan3A_149, %dma_start3A] : memref<40x128xi32, #tpu.memory_space<vmem>> -> memref<1x128xi32, #tpu.memory_space<vmem>>
      %dma_start3A_151 = tpu.memref_squeeze %dma_start3A_150 : memref<1x128xi32, #tpu.memory_space<vmem>> -> memref<128xi32, #tpu.memory_space<vmem>>
      %dma_start3A_152 = arith.constant 0 : i32
      %dma_start3A_153 = arith.constant 0 : i32
      %dma_start3A_154 = tpu.memref_slice %arg8[%dma_start3A_152, %dma_start3A_153] : memref<10000x128xf32, #tpu.memory_space<hbm>> -> memref<10000x128xf32, #tpu.memory_space<hbm>>
      tpu.enqueue_indirect_dma source(%dma_start3A_154 : memref<10000x128xf32, #tpu.memory_space<hbm>>) target(%arg16 : memref<128x128xf32, #tpu.memory_space<vmem>>) offsets(%dma_start3A_151 : memref<128xi32, #tpu.memory_space<vmem>>) semaphore(%arg17 : memref<!tpu.dma_semaphore, #tpu.memory_space<semaphore_mem>>)
      %dma_wait3A = arith.constant 0 : i32
      %dma_wait3A_155 = tpu.memref_slice %arg14[%scan3A_149, %dma_wait3A] : memref<40x128xi32, #tpu.memory_space<vmem>> -> memref<1x128xi32, #tpu.memory_space<vmem>>
      %dma_wait3A_156 = tpu.memref_squeeze %dma_wait3A_155 : memref<1x128xi32, #tpu.memory_space<vmem>> -> memref<128xi32, #tpu.memory_space<vmem>>
      %dma_wait3A_157 = arith.constant 0 : i32
      %dma_wait3A_158 = arith.constant 0 : i32
      %dma_wait3A_159 = tpu.memref_slice %arg8[%dma_wait3A_157, %dma_wait3A_158] : memref<10000x128xf32, #tpu.memory_space<hbm>> -> memref<10000x128xf32, #tpu.memory_space<hbm>>
      tpu.wait_indirect_dma semaphore(%arg17 : memref<!tpu.dma_semaphore, #tpu.memory_space<semaphore_mem>>) src(%dma_wait3A_159 : memref<10000x128xf32, #tpu.memory_space<hbm>>) dst(%arg16 : memref<128x128xf32, #tpu.memory_space<vmem>>)
      "tpu.region"() ({
        %run_scoped3A = tpu.sem_alloc : memref<!tpu.dma_semaphore, #tpu.memory_space<semaphore_mem>>
        %dma_start3A_160 = arith.constant 0 : i32
        %dma_start3A_161 = tpu.memref_slice %arg15[%scan3A_149, %dma_start3A_160] : memref<40x128xi32, #tpu.memory_space<vmem>> -> memref<1x128xi32, #tpu.memory_space<vmem>>
        %dma_start3A_162 = tpu.memref_squeeze %dma_start3A_161 : memref<1x128xi32, #tpu.memory_space<vmem>> -> memref<128xi32, #tpu.memory_space<vmem>>
        %dma_start3A_163 = arith.constant 0 : i32
        %dma_start3A_164 = arith.constant 0 : i32
        %dma_start3A_165 = tpu.memref_slice %arg18[%dma_start3A_163, %dma_start3A_164] : memref<10112x128xf32, #tpu.memory_space<vmem_shared>> -> memref<10112x128xf32, #tpu.memory_space<vmem_shared>>
        tpu.enqueue_indirect_dma source(%arg16 : memref<128x128xf32, #tpu.memory_space<vmem>>) target(%dma_start3A_165 : memref<10112x128xf32, #tpu.memory_space<vmem_shared>>) offsets(%dma_start3A_162 : memref<128xi32, #tpu.memory_space<vmem>>) semaphore(%run_scoped3A : memref<!tpu.dma_semaphore, #tpu.memory_space<semaphore_mem>>) {add = true}
        %dma_wait3A_166 = arith.constant 0 : i32
        %dma_wait3A_167 = tpu.memref_slice %arg15[%scan3A_149, %dma_wait3A_166] : memref<40x128xi32, #tpu.memory_space<vmem>> -> memref<1x128xi32, #tpu.memory_space<vmem>>
        %dma_wait3A_168 = tpu.memref_squeeze %dma_wait3A_167 : memref<1x128xi32, #tpu.memory_space<vmem>> -> memref<128xi32, #tpu.memory_space<vmem>>
        %dma_wait3A_169 = arith.constant 0 : i32
        %dma_wait3A_170 = arith.constant 0 : i32
        %dma_wait3A_171 = tpu.memref_slice %arg18[%dma_wait3A_169, %dma_wait3A_170] : memref<10112x128xf32, #tpu.memory_space<vmem_shared>> -> memref<10112x128xf32, #tpu.memory_space<vmem_shared>>
        tpu.wait_indirect_dma semaphore(%run_scoped3A : memref<!tpu.dma_semaphore, #tpu.memory_space<semaphore_mem>>) src(%arg16 : memref<128x128xf32, #tpu.memory_space<vmem>>) dst(%dma_wait3A_171 : memref<10112x128xf32, #tpu.memory_space<vmem_shared>>)
        tpu.yield
      }) : () -> ()
    }
    %scan3A_117 = arith.constant 40 : i32
    %barrier3A_118 = arith.constant 0 : index
    tpu.barrier barrier_id(%barrier3A_118)
    %lt3A_119 = arith.constant 15 : i32
    %lt3A_120 = arith.cmpi slt, %arg1, %lt3A_119 : i32
    %convert_element_type3A_121 = arith.extui %lt3A_120 : i1 to i32
    %cond3A_122 = arith.constant 0 : i32
    %cond3A_123 = arith.cmpi ne, %convert_element_type3A_121, %cond3A_122 : i32
    scf.if %cond3A_123 {
      %run_scoped3A = arith.constant 6 : i32
      "tpu.region"() ({
        %run_scoped3A_149 = tpu.sem_alloc : memref<!tpu.dma_semaphore, #tpu.memory_space<semaphore_mem>>
        %dma_start3A = arith.constant 0 : i32
        %dma_start3A_150 = tpu.memref_slice %arg13[%run_scoped3A, %arg0, %mul3A_2, %dma_start3A] : memref<8x2x10000x128xf32, #tpu.memory_space<hbm>> -> memref<1x1x632x128xf32, #tpu.memory_space<hbm>>
        %dma_start3A_151 = tpu.memref_squeeze %dma_start3A_150 : memref<1x1x632x128xf32, #tpu.memory_space<hbm>> -> memref<632x128xf32, #tpu.memory_space<hbm>>
        %dma_start3A_152 = arith.constant 0 : i32
        %dma_start3A_153 = tpu.memref_slice %arg18[%mul3A_2, %dma_start3A_152] : memref<10112x128xf32, #tpu.memory_space<vmem_shared>> -> memref<632x128xf32, #tpu.memory_space<vmem_shared>>
        tpu.enqueue_dma source(%dma_start3A_153 : memref<632x128xf32, #tpu.memory_space<vmem_shared>>) target(%dma_start3A_151 : memref<632x128xf32, #tpu.memory_space<hbm>>) target_semaphore(%run_scoped3A_149 : memref<!tpu.dma_semaphore, #tpu.memory_space<semaphore_mem>>)
        %dma_wait3A = arith.constant 0 : i32
        %dma_wait3A_154 = tpu.memref_slice %arg13[%run_scoped3A, %arg0, %mul3A_2, %dma_wait3A] : memref<8x2x10000x128xf32, #tpu.memory_space<hbm>> -> memref<1x1x632x128xf32, #tpu.memory_space<hbm>>
        %dma_wait3A_155 = tpu.memref_squeeze %dma_wait3A_154 : memref<1x1x632x128xf32, #tpu.memory_space<hbm>> -> memref<632x128xf32, #tpu.memory_space<hbm>>
        %dma_wait3A_156 = arith.constant 0 : i32
        %dma_wait3A_157 = tpu.memref_slice %arg18[%mul3A_2, %dma_wait3A_156] : memref<10112x128xf32, #tpu.memory_space<vmem_shared>> -> memref<632x128xf32, #tpu.memory_space<vmem_shared>>
        tpu.wait_dma2 semaphore(%run_scoped3A_149 : memref<!tpu.dma_semaphore, #tpu.memory_space<semaphore_mem>>) src(%dma_wait3A_157 : memref<632x128xf32, #tpu.memory_space<vmem_shared>>) dst(%dma_wait3A_155 : memref<632x128xf32, #tpu.memory_space<hbm>>)
        tpu.yield
      }) : () -> ()
    } else {
    }
    %eq3A_124 = arith.constant 15 : i32
    %eq3A_125 = arith.cmpi eq, %arg1, %eq3A_124 : i32
    %convert_element_type3A_126 = arith.extui %eq3A_125 : i1 to i32
    %cond3A_127 = arith.constant 0 : i32
    %cond3A_128 = arith.cmpi ne, %convert_element_type3A_126, %cond3A_127 : i32
    scf.if %cond3A_128 {
      %run_scoped3A = arith.constant 6 : i32
      "tpu.region"() ({
        %run_scoped3A_149 = tpu.sem_alloc : memref<!tpu.dma_semaphore, #tpu.memory_space<semaphore_mem>>
        %dma_start3A = arith.constant 0 : i32
        %dma_start3A_150 = tpu.memref_slice %arg13[%run_scoped3A, %arg0, %mul3A_2, %dma_start3A] : memref<8x2x10000x128xf32, #tpu.memory_space<hbm>> -> memref<1x1x520x128xf32, #tpu.memory_space<hbm>>
        %dma_start3A_151 = tpu.memref_squeeze %dma_start3A_150 : memref<1x1x520x128xf32, #tpu.memory_space<hbm>> -> memref<520x128xf32, #tpu.memory_space<hbm>>
        %dma_start3A_152 = arith.constant 0 : i32
        %dma_start3A_153 = tpu.memref_slice %arg18[%mul3A_2, %dma_start3A_152] : memref<10112x128xf32, #tpu.memory_space<vmem_shared>> -> memref<520x128xf32, #tpu.memory_space<vmem_shared>>
        tpu.enqueue_dma source(%dma_start3A_153 : memref<520x128xf32, #tpu.memory_space<vmem_shared>>) target(%dma_start3A_151 : memref<520x128xf32, #tpu.memory_space<hbm>>) target_semaphore(%run_scoped3A_149 : memref<!tpu.dma_semaphore, #tpu.memory_space<semaphore_mem>>)
        %dma_wait3A = arith.constant 0 : i32
        %dma_wait3A_154 = tpu.memref_slice %arg13[%run_scoped3A, %arg0, %mul3A_2, %dma_wait3A] : memref<8x2x10000x128xf32, #tpu.memory_space<hbm>> -> memref<1x1x520x128xf32, #tpu.memory_space<hbm>>
        %dma_wait3A_155 = tpu.memref_squeeze %dma_wait3A_154 : memref<1x1x520x128xf32, #tpu.memory_space<hbm>> -> memref<520x128xf32, #tpu.memory_space<hbm>>
        %dma_wait3A_156 = arith.constant 0 : i32
        %dma_wait3A_157 = tpu.memref_slice %arg18[%mul3A_2, %dma_wait3A_156] : memref<10112x128xf32, #tpu.memory_space<vmem_shared>> -> memref<520x128xf32, #tpu.memory_space<vmem_shared>>
        tpu.wait_dma2 semaphore(%run_scoped3A_149 : memref<!tpu.dma_semaphore, #tpu.memory_space<semaphore_mem>>) src(%dma_wait3A_157 : memref<520x128xf32, #tpu.memory_space<vmem_shared>>) dst(%dma_wait3A_155 : memref<520x128xf32, #tpu.memory_space<hbm>>)
        tpu.yield
      }) : () -> ()
    } else {
    }
    %barrier3A_129 = arith.constant 0 : index
    tpu.barrier barrier_id(%barrier3A_129)
    "tpu.region"() ({
      %run_scoped3A = tpu.sem_alloc : memref<!tpu.dma_semaphore, #tpu.memory_space<semaphore_mem>>
      %dma_start3A = arith.constant 0 : i32
      %dma_start3A_149 = tpu.memref_slice %arg18[%mul3A_2, %dma_start3A] : memref<10112x128xf32, #tpu.memory_space<vmem_shared>> -> memref<632x128xf32, #tpu.memory_space<vmem_shared>>
      %dma_start3A_150 = arith.constant 0 : i32
      %dma_start3A_151 = tpu.memref_slice %arg12[%mul3A_2, %dma_start3A_150] : memref<10112x128xf32, #tpu.memory_space<hbm>> -> memref<632x128xf32, #tpu.memory_space<hbm>>
      tpu.enqueue_dma source(%dma_start3A_151 : memref<632x128xf32, #tpu.memory_space<hbm>>) target(%dma_start3A_149 : memref<632x128xf32, #tpu.memory_space<vmem_shared>>) target_semaphore(%run_scoped3A : memref<!tpu.dma_semaphore, #tpu.memory_space<semaphore_mem>>)
      %dma_wait3A = arith.constant 0 : i32
      %dma_wait3A_152 = tpu.memref_slice %arg18[%mul3A_2, %dma_wait3A] : memref<10112x128xf32, #tpu.memory_space<vmem_shared>> -> memref<632x128xf32, #tpu.memory_space<vmem_shared>>
      %dma_wait3A_153 = arith.constant 0 : i32
      %dma_wait3A_154 = tpu.memref_slice %arg12[%mul3A_2, %dma_wait3A_153] : memref<10112x128xf32, #tpu.memory_space<hbm>> -> memref<632x128xf32, #tpu.memory_space<hbm>>
      tpu.wait_dma2 semaphore(%run_scoped3A : memref<!tpu.dma_semaphore, #tpu.memory_space<semaphore_mem>>) src(%dma_wait3A_154 : memref<632x128xf32, #tpu.memory_space<hbm>>) dst(%dma_wait3A_152 : memref<632x128xf32, #tpu.memory_space<vmem_shared>>)
      tpu.yield
    }) : () -> ()
    %barrier3A_130 = arith.constant 0 : index
    tpu.barrier barrier_id(%barrier3A_130)
    %scan3A_131 = arith.constant 0 : i32
    %scan3A_132 = arith.constant 0 : i32
    %scan3A_133 = arith.constant 40 : i32
    %scan3A_134 = arith.addi %scan3A_132, %scan3A_133 : i32
    %scan3A_135 = arith.constant 1 : i32
    scf.for %scan3A_149 = %scan3A_132 to %scan3A_134 step %scan3A_135  : i32 {
      %dma_start3A = arith.constant 0 : i32
      %dma_start3A_150 = tpu.memref_slice %arg14[%scan3A_149, %dma_start3A] : memref<40x128xi32, #tpu.memory_space<vmem>> -> memref<1x128xi32, #tpu.memory_space<vmem>>
      %dma_start3A_151 = tpu.memref_squeeze %dma_start3A_150 : memref<1x128xi32, #tpu.memory_space<vmem>> -> memref<128xi32, #tpu.memory_space<vmem>>
      %dma_start3A_152 = arith.constant 0 : i32
      %dma_start3A_153 = arith.constant 0 : i32
      %dma_start3A_154 = tpu.memref_slice %arg9[%dma_start3A_152, %dma_start3A_153] : memref<10000x128xf32, #tpu.memory_space<hbm>> -> memref<10000x128xf32, #tpu.memory_space<hbm>>
      tpu.enqueue_indirect_dma source(%dma_start3A_154 : memref<10000x128xf32, #tpu.memory_space<hbm>>) target(%arg16 : memref<128x128xf32, #tpu.memory_space<vmem>>) offsets(%dma_start3A_151 : memref<128xi32, #tpu.memory_space<vmem>>) semaphore(%arg17 : memref<!tpu.dma_semaphore, #tpu.memory_space<semaphore_mem>>)
      %dma_wait3A = arith.constant 0 : i32
      %dma_wait3A_155 = tpu.memref_slice %arg14[%scan3A_149, %dma_wait3A] : memref<40x128xi32, #tpu.memory_space<vmem>> -> memref<1x128xi32, #tpu.memory_space<vmem>>
      %dma_wait3A_156 = tpu.memref_squeeze %dma_wait3A_155 : memref<1x128xi32, #tpu.memory_space<vmem>> -> memref<128xi32, #tpu.memory_space<vmem>>
      %dma_wait3A_157 = arith.constant 0 : i32
      %dma_wait3A_158 = arith.constant 0 : i32
      %dma_wait3A_159 = tpu.memref_slice %arg9[%dma_wait3A_157, %dma_wait3A_158] : memref<10000x128xf32, #tpu.memory_space<hbm>> -> memref<10000x128xf32, #tpu.memory_space<hbm>>
      tpu.wait_indirect_dma semaphore(%arg17 : memref<!tpu.dma_semaphore, #tpu.memory_space<semaphore_mem>>) src(%dma_wait3A_159 : memref<10000x128xf32, #tpu.memory_space<hbm>>) dst(%arg16 : memref<128x128xf32, #tpu.memory_space<vmem>>)
      "tpu.region"() ({
        %run_scoped3A = tpu.sem_alloc : memref<!tpu.dma_semaphore, #tpu.memory_space<semaphore_mem>>
        %dma_start3A_160 = arith.constant 0 : i32
        %dma_start3A_161 = tpu.memref_slice %arg15[%scan3A_149, %dma_start3A_160] : memref<40x128xi32, #tpu.memory_space<vmem>> -> memref<1x128xi32, #tpu.memory_space<vmem>>
        %dma_start3A_162 = tpu.memref_squeeze %dma_start3A_161 : memref<1x128xi32, #tpu.memory_space<vmem>> -> memref<128xi32, #tpu.memory_space<vmem>>
        %dma_start3A_163 = arith.constant 0 : i32
        %dma_start3A_164 = arith.constant 0 : i32
        %dma_start3A_165 = tpu.memref_slice %arg18[%dma_start3A_163, %dma_start3A_164] : memref<10112x128xf32, #tpu.memory_space<vmem_shared>> -> memref<10112x128xf32, #tpu.memory_space<vmem_shared>>
        tpu.enqueue_indirect_dma source(%arg16 : memref<128x128xf32, #tpu.memory_space<vmem>>) target(%dma_start3A_165 : memref<10112x128xf32, #tpu.memory_space<vmem_shared>>) offsets(%dma_start3A_162 : memref<128xi32, #tpu.memory_space<vmem>>) semaphore(%run_scoped3A : memref<!tpu.dma_semaphore, #tpu.memory_space<semaphore_mem>>) {add = true}
        %dma_wait3A_166 = arith.constant 0 : i32
        %dma_wait3A_167 = tpu.memref_slice %arg15[%scan3A_149, %dma_wait3A_166] : memref<40x128xi32, #tpu.memory_space<vmem>> -> memref<1x128xi32, #tpu.memory_space<vmem>>
        %dma_wait3A_168 = tpu.memref_squeeze %dma_wait3A_167 : memref<1x128xi32, #tpu.memory_space<vmem>> -> memref<128xi32, #tpu.memory_space<vmem>>
        %dma_wait3A_169 = arith.constant 0 : i32
        %dma_wait3A_170 = arith.constant 0 : i32
        %dma_wait3A_171 = tpu.memref_slice %arg18[%dma_wait3A_169, %dma_wait3A_170] : memref<10112x128xf32, #tpu.memory_space<vmem_shared>> -> memref<10112x128xf32, #tpu.memory_space<vmem_shared>>
        tpu.wait_indirect_dma semaphore(%run_scoped3A : memref<!tpu.dma_semaphore, #tpu.memory_space<semaphore_mem>>) src(%arg16 : memref<128x128xf32, #tpu.memory_space<vmem>>) dst(%dma_wait3A_171 : memref<10112x128xf32, #tpu.memory_space<vmem_shared>>)
        tpu.yield
      }) : () -> ()
    }
    %scan3A_136 = arith.constant 40 : i32
    %barrier3A_137 = arith.constant 0 : index
    tpu.barrier barrier_id(%barrier3A_137)
    %lt3A_138 = arith.constant 15 : i32
    %lt3A_139 = arith.cmpi slt, %arg1, %lt3A_138 : i32
    %convert_element_type3A_140 = arith.extui %lt3A_139 : i1 to i32
    %cond3A_141 = arith.constant 0 : i32
    %cond3A_142 = arith.cmpi ne, %convert_element_type3A_140, %cond3A_141 : i32
    scf.if %cond3A_142 {
      %run_scoped3A = arith.constant 7 : i32
      "tpu.region"() ({
        %run_scoped3A_149 = tpu.sem_alloc : memref<!tpu.dma_semaphore, #tpu.memory_space<semaphore_mem>>
        %dma_start3A = arith.constant 0 : i32
        %dma_start3A_150 = tpu.memref_slice %arg13[%run_scoped3A, %arg0, %mul3A_2, %dma_start3A] : memref<8x2x10000x128xf32, #tpu.memory_space<hbm>> -> memref<1x1x632x128xf32, #tpu.memory_space<hbm>>
        %dma_start3A_151 = tpu.memref_squeeze %dma_start3A_150 : memref<1x1x632x128xf32, #tpu.memory_space<hbm>> -> memref<632x128xf32, #tpu.memory_space<hbm>>
        %dma_start3A_152 = arith.constant 0 : i32
        %dma_start3A_153 = tpu.memref_slice %arg18[%mul3A_2, %dma_start3A_152] : memref<10112x128xf32, #tpu.memory_space<vmem_shared>> -> memref<632x128xf32, #tpu.memory_space<vmem_shared>>
        tpu.enqueue_dma source(%dma_start3A_153 : memref<632x128xf32, #tpu.memory_space<vmem_shared>>) target(%dma_start3A_151 : memref<632x128xf32, #tpu.memory_space<hbm>>) target_semaphore(%run_scoped3A_149 : memref<!tpu.dma_semaphore, #tpu.memory_space<semaphore_mem>>)
        %dma_wait3A = arith.constant 0 : i32
        %dma_wait3A_154 = tpu.memref_slice %arg13[%run_scoped3A, %arg0, %mul3A_2, %dma_wait3A] : memref<8x2x10000x128xf32, #tpu.memory_space<hbm>> -> memref<1x1x632x128xf32, #tpu.memory_space<hbm>>
        %dma_wait3A_155 = tpu.memref_squeeze %dma_wait3A_154 : memref<1x1x632x128xf32, #tpu.memory_space<hbm>> -> memref<632x128xf32, #tpu.memory_space<hbm>>
        %dma_wait3A_156 = arith.constant 0 : i32
        %dma_wait3A_157 = tpu.memref_slice %arg18[%mul3A_2, %dma_wait3A_156] : memref<10112x128xf32, #tpu.memory_space<vmem_shared>> -> memref<632x128xf32, #tpu.memory_space<vmem_shared>>
        tpu.wait_dma2 semaphore(%run_scoped3A_149 : memref<!tpu.dma_semaphore, #tpu.memory_space<semaphore_mem>>) src(%dma_wait3A_157 : memref<632x128xf32, #tpu.memory_space<vmem_shared>>) dst(%dma_wait3A_155 : memref<632x128xf32, #tpu.memory_space<hbm>>)
        tpu.yield
      }) : () -> ()
    } else {
    }
    %eq3A_143 = arith.constant 15 : i32
    %eq3A_144 = arith.cmpi eq, %arg1, %eq3A_143 : i32
    %convert_element_type3A_145 = arith.extui %eq3A_144 : i1 to i32
    %cond3A_146 = arith.constant 0 : i32
    %cond3A_147 = arith.cmpi ne, %convert_element_type3A_145, %cond3A_146 : i32
    scf.if %cond3A_147 {
      %run_scoped3A = arith.constant 7 : i32
      "tpu.region"() ({
        %run_scoped3A_149 = tpu.sem_alloc : memref<!tpu.dma_semaphore, #tpu.memory_space<semaphore_mem>>
        %dma_start3A = arith.constant 0 : i32
        %dma_start3A_150 = tpu.memref_slice %arg13[%run_scoped3A, %arg0, %mul3A_2, %dma_start3A] : memref<8x2x10000x128xf32, #tpu.memory_space<hbm>> -> memref<1x1x520x128xf32, #tpu.memory_space<hbm>>
        %dma_start3A_151 = tpu.memref_squeeze %dma_start3A_150 : memref<1x1x520x128xf32, #tpu.memory_space<hbm>> -> memref<520x128xf32, #tpu.memory_space<hbm>>
        %dma_start3A_152 = arith.constant 0 : i32
        %dma_start3A_153 = tpu.memref_slice %arg18[%mul3A_2, %dma_start3A_152] : memref<10112x128xf32, #tpu.memory_space<vmem_shared>> -> memref<520x128xf32, #tpu.memory_space<vmem_shared>>
        tpu.enqueue_dma source(%dma_start3A_153 : memref<520x128xf32, #tpu.memory_space<vmem_shared>>) target(%dma_start3A_151 : memref<520x128xf32, #tpu.memory_space<hbm>>) target_semaphore(%run_scoped3A_149 : memref<!tpu.dma_semaphore, #tpu.memory_space<semaphore_mem>>)
        %dma_wait3A = arith.constant 0 : i32
        %dma_wait3A_154 = tpu.memref_slice %arg13[%run_scoped3A, %arg0, %mul3A_2, %dma_wait3A] : memref<8x2x10000x128xf32, #tpu.memory_space<hbm>> -> memref<1x1x520x128xf32, #tpu.memory_space<hbm>>
        %dma_wait3A_155 = tpu.memref_squeeze %dma_wait3A_154 : memref<1x1x520x128xf32, #tpu.memory_space<hbm>> -> memref<520x128xf32, #tpu.memory_space<hbm>>
        %dma_wait3A_156 = arith.constant 0 : i32
        %dma_wait3A_157 = tpu.memref_slice %arg18[%mul3A_2, %dma_wait3A_156] : memref<10112x128xf32, #tpu.memory_space<vmem_shared>> -> memref<520x128xf32, #tpu.memory_space<vmem_shared>>
        tpu.wait_dma2 semaphore(%run_scoped3A_149 : memref<!tpu.dma_semaphore, #tpu.memory_space<semaphore_mem>>) src(%dma_wait3A_157 : memref<520x128xf32, #tpu.memory_space<vmem_shared>>) dst(%dma_wait3A_155 : memref<520x128xf32, #tpu.memory_space<hbm>>)
        tpu.yield
      }) : () -> ()
    } else {
    }
    %barrier3A_148 = arith.constant 0 : index
    tpu.barrier barrier_id(%barrier3A_148)
    return
  }
}

module attributes {stable_mosaic.version = 14 : i64} {
  func.func @body(%arg0: memref<10000x256xf32, #tpu.memory_space<vmem>>, %arg1: memref<128x256xf32, #tpu.memory_space<vmem>>, %arg2: memref<10000x128xf32, #tpu.memory_space<vmem>>) attributes {dimension_semantics = [], scalar_prefetch = 0 : i64, scratch_operands = 0 : i64, tpu.core_type = #tpu.core_type<tc>} {
    %get3A = arith.constant 0 : index
    %get3A_0 = arith.constant 0 : index
    %get3A_1 = vector.load %arg0[%get3A, %get3A_0] : memref<10000x256xf32, #tpu.memory_space<vmem>>, vector<10000x256xf32>
    %get3A_2 = arith.constant 0 : index
    %get3A_3 = arith.constant 0 : index
    %get3A_4 = vector.load %arg1[%get3A_2, %get3A_3] : memref<128x256xf32, #tpu.memory_space<vmem>>, vector<128x256xf32>
    %convert_element_type3A = arith.truncf %get3A_1 : vector<10000x256xf32> to vector<10000x256xbf16>
    %convert_element_type3A_5 = arith.truncf %get3A_4 : vector<128x256xf32> to vector<128x256xbf16>
    %dot_general3A = arith.constant dense<0.000000e+00> : vector<10000x128xf32>
    %dot_general3A_6 = tpu.matmul %convert_element_type3A, %convert_element_type3A_5, %dot_general3A {dimension_numbers = #tpu.dot_dimension_numbers<[1], [1], [0], [0], [0, 0, 1, 0], [], []>, transpose_lhs_hint = false} : vector<10000x256xbf16>, vector<128x256xbf16>, vector<10000x128xf32> -> vector<10000x128xf32>
    %swap3A = arith.constant 0 : index
    %swap3A_7 = arith.constant 0 : index
    %swap3A_8 = vector.load %arg2[%swap3A, %swap3A_7] : memref<10000x128xf32, #tpu.memory_space<vmem>>, vector<10000x128xf32>
    tpu.vector_store %arg2[%swap3A, %swap3A_7], %dot_general3A_6 {strides = array<i32>} : memref<10000x128xf32, #tpu.memory_space<vmem>>, vector<10000x128xf32>,
    return
  }
}

module attributes {stable_mosaic.version = 14 : i64} {
  func.func @body(%arg0: i32, %arg1: memref<2000x16xf32, #tpu.memory_space<vmem>>, %arg2: memref<128x16xf32, #tpu.memory_space<vmem>>, %arg3: memref<1x128xf32, #tpu.memory_space<vmem>>, %arg4: memref<2000x128xf32, #tpu.memory_space<vmem>>) attributes {dimension_semantics = [#tpu.dimension_semantics<arbitrary>], iteration_bounds = array<i64: 80>, scalar_prefetch = 0 : i64, scratch_operands = 0 : i64, tpu.core_type = #tpu.core_type<tc>, window_params = [{transform_indices = @transform_0, window_bounds = array<i64: 2000, 16>}, {pipeline_mode = #tpu.pipeline_mode<synchronous>, transform_indices = @transform_1, window_bounds = array<i64: 128, 16>}, {pipeline_mode = #tpu.pipeline_mode<synchronous>, transform_indices = @transform_2, window_bounds = array<i64: 1, 128>}, {transform_indices = @transform_3, window_bounds = array<i64: 2000, 128>}]} {
    %get3A = arith.constant 0 : index
    %get3A_0 = arith.constant 0 : index
    %get3A_1 = vector.load %arg1[%get3A, %get3A_0] : memref<2000x16xf32, #tpu.memory_space<vmem>>, vector<2000x16xf32>
    %get3A_2 = arith.constant 0 : index
    %get3A_3 = arith.constant 0 : index
    %get3A_4 = vector.load %arg2[%get3A_2, %get3A_3] : memref<128x16xf32, #tpu.memory_space<vmem>>, vector<128x16xf32>
    %convert_element_type3A = arith.truncf %get3A_1 : vector<2000x16xf32> to vector<2000x16xbf16>
    %convert_element_type3A_5 = arith.truncf %get3A_4 : vector<128x16xf32> to vector<128x16xbf16>
    %dot_general3A = arith.constant dense<0.000000e+00> : vector<2000x128xf32>
    %dot_general3A_6 = tpu.matmul %convert_element_type3A, %convert_element_type3A_5, %dot_general3A {dimension_numbers = #tpu.dot_dimension_numbers<[1], [1], [0], [0], [0, 0, 1, 0], [], []>, transpose_lhs_hint = false} : vector<2000x16xbf16>, vector<128x16xbf16>, vector<2000x128xf32> -> vector<2000x128xf32>
    %get3A_7 = arith.constant 0 : index
    %get3A_8 = arith.constant 0 : index
    %get3A_9 = vector.load %arg3[%get3A_7, %get3A_8] : memref<1x128xf32, #tpu.memory_space<vmem>>, vector<1x128xf32>
    %add3A = vector.broadcast %get3A_9 : vector<1x128xf32> to vector<2000x128xf32>
    %add3A_10 = arith.addf %dot_general3A_6, %add3A : vector<2000x128xf32>
    %swap3A = arith.constant 0 : index
    %swap3A_11 = arith.constant 0 : index
    %swap3A_12 = vector.load %arg4[%swap3A, %swap3A_11] : memref<2000x128xf32, #tpu.memory_space<vmem>>, vector<2000x128xf32>
    tpu.vector_store %arg4[%swap3A, %swap3A_11], %add3A_10 {strides = array<i32>} : memref<2000x128xf32, #tpu.memory_space<vmem>>, vector<2000x128xf32>,
    return
  }
  func.func @transform_0(%arg0: i32) -> (i32, i32) {
    %c0_i32 = arith.constant 0 : i32
    %c0_i32_0 = arith.constant 0 : i32
    return %arg0, %c0_i32 : i32, i32
  }
  func.func @transform_1(%arg0: i32) -> (i32, i32) {
    %c0_i32 = arith.constant 0 : i32
    %c0_i32_0 = arith.constant 0 : i32
    %c0_i32_1 = arith.constant 0 : i32
    return %c0_i32, %c0_i32_0 : i32, i32
  }
  func.func @transform_2(%arg0: i32) -> (i32, i32) {
    %c0_i32 = arith.constant 0 : i32
    %c0_i32_0 = arith.constant 0 : i32
    %c0_i32_1 = arith.constant 0 : i32
    return %c0_i32, %c0_i32_0 : i32, i32
  }
  func.func @transform_3(%arg0: i32) -> (i32, i32) {
    %c0_i32 = arith.constant 0 : i32
    %c0_i32_0 = arith.constant 0 : i32
    return %arg0, %c0_i32 : i32, i32
  }
}

module attributes {stable_mosaic.version = 14 : i64} {
  func.func @body(%arg0: memref<2x10000x128xf32, #tpu.memory_space<vmem>>, %arg1: memref<2x10000x128xf32, #tpu.memory_space<vmem>>, %arg2: memref<8x128x128xf32, #tpu.memory_space<vmem>>, %arg3: memref<8x128xf32, #tpu.memory_space<vmem>>, %arg4: memref<8x128xf32, #tpu.memory_space<vmem>>, %arg5: memref<8x128xf32, #tpu.memory_space<vmem>>, %arg6: memref<8x128xf32, #tpu.memory_space<vmem>>, %arg7: memref<10000x128xf32, #tpu.memory_space<vmem>>, %arg8: memref<10000x128xf32, #tpu.memory_space<vmem>>) attributes {dimension_semantics = [], scalar_prefetch = 0 : i64, scratch_operands = 0 : i64, tpu.core_type = #tpu.core_type<tc>} {
    %get3A = arith.constant 0 : index
    %get3A_0 = arith.constant 0 : index
    %get3A_1 = arith.constant 0 : index
    %get3A_2 = vector.load %arg0[%get3A, %get3A_0, %get3A_1] : memref<2x10000x128xf32, #tpu.memory_space<vmem>>, vector<1x10000x128xf32>
    %get3A_3 = vector.shape_cast %get3A_2 : vector<1x10000x128xf32> to vector<10000x128xf32>
    %get3A_4 = arith.constant 1 : index
    %get3A_5 = arith.constant 0 : index
    %get3A_6 = arith.constant 0 : index
    %get3A_7 = vector.load %arg0[%get3A_4, %get3A_5, %get3A_6] : memref<2x10000x128xf32, #tpu.memory_space<vmem>>, vector<1x10000x128xf32>
    %get3A_8 = vector.shape_cast %get3A_7 : vector<1x10000x128xf32> to vector<10000x128xf32>
    %add3A = arith.addf %get3A_3, %get3A_8 : vector<10000x128xf32>
    %get3A_9 = arith.constant 0 : index
    %get3A_10 = arith.constant 0 : index
    %get3A_11 = arith.constant 0 : index
    %get3A_12 = vector.load %arg1[%get3A_9, %get3A_10, %get3A_11] : memref<2x10000x128xf32, #tpu.memory_space<vmem>>, vector<1x10000x128xf32>
    %get3A_13 = vector.shape_cast %get3A_12 : vector<1x10000x128xf32> to vector<10000x128xf32>
    %slice3A = vector.extract_strided_slice %get3A_13 {offsets = [0, 16], sizes = [10000, 1], strides = [1, 1]} : vector<10000x128xf32> to vector<10000x1xf32>
    %get3A_14 = arith.constant 1 : index
    %get3A_15 = arith.constant 0 : index
    %get3A_16 = arith.constant 0 : index
    %get3A_17 = vector.load %arg1[%get3A_14, %get3A_15, %get3A_16] : memref<2x10000x128xf32, #tpu.memory_space<vmem>>, vector<1x10000x128xf32>
    %get3A_18 = vector.shape_cast %get3A_17 : vector<1x10000x128xf32> to vector<10000x128xf32>
    %slice3A_19 = vector.extract_strided_slice %get3A_18 {offsets = [0, 16], sizes = [10000, 1], strides = [1, 1]} : vector<10000x128xf32> to vector<10000x1xf32>
    %add3A_20 = arith.addf %slice3A, %slice3A_19 : vector<10000x1xf32>
    %max3A = arith.constant 1.000000e+00 : f32
    %max3A_21 = vector.broadcast %max3A : f32 to vector<10000x1xf32>
    %max3A_22 = arith.maximumf %add3A_20, %max3A_21 : vector<10000x1xf32>
    %div3A = vector.broadcast %max3A_22 : vector<10000x1xf32> to vector<10000x128xf32>
    %div3A_23 = arith.divf %add3A, %div3A : vector<10000x128xf32>
    %get3A_24 = arith.constant 0 : index
    %get3A_25 = arith.constant 0 : index
    %get3A_26 = arith.constant 0 : index
    %get3A_27 = vector.load %arg2[%get3A_24, %get3A_25, %get3A_26] : memref<8x128x128xf32, #tpu.memory_space<vmem>>, vector<1x128x128xf32>
    %get3A_28 = vector.shape_cast %get3A_27 : vector<1x128x128xf32> to vector<128x128xf32>
    %convert_element_type3A = arith.truncf %div3A_23 : vector<10000x128xf32> to vector<10000x128xbf16>
    %convert_element_type3A_29 = arith.truncf %get3A_28 : vector<128x128xf32> to vector<128x128xbf16>
    %dot_general3A = arith.constant dense<0.000000e+00> : vector<10000x128xf32>
    %dot_general3A_30 = tpu.matmul %convert_element_type3A, %convert_element_type3A_29, %dot_general3A {dimension_numbers = #tpu.dot_dimension_numbers<[1], [1], [0], [0], [0, 0, 1, 0], [], []>, transpose_lhs_hint = false} : vector<10000x128xbf16>, vector<128x128xbf16>, vector<10000x128xf32> -> vector<10000x128xf32>
    %get3A_31 = arith.constant 0 : index
    %get3A_32 = arith.constant 0 : index
    %get3A_33 = vector.load %arg3[%get3A_31, %get3A_32] : memref<8x128xf32, #tpu.memory_space<vmem>>, vector<1x128xf32>
    %get3A_34 = vector.shape_cast %get3A_33 : vector<1x128xf32> to vector<128xf32>
    %broadcast_in_dim3A = vector.shape_cast %get3A_34 : vector<128xf32> to vector<1x128xf32>
    %add3A_35 = vector.broadcast %broadcast_in_dim3A : vector<1x128xf32> to vector<10000x128xf32>
    %add3A_36 = arith.addf %dot_general3A_30, %add3A_35 : vector<10000x128xf32>
    %reduce_sum3A = arith.constant dense<0.000000e+00> : vector<128xf32>
    %reduce_sum3A_37 = vector.multi_reduction <add>, %add3A_36, %reduce_sum3A [0] : vector<10000x128xf32> to vector<128xf32>
    %broadcast_in_dim3A_38 = vector.shape_cast %reduce_sum3A_37 : vector<128xf32> to vector<1x128xf32>
    %div3A_39 = arith.constant 1.000000e+04 : f32
    %div3A_40 = vector.broadcast %div3A_39 : f32 to vector<1x128xf32>
    %div3A_41 = arith.divf %broadcast_in_dim3A_38, %div3A_40 : vector<1x128xf32>
    %sub3A = vector.broadcast %div3A_41 : vector<1x128xf32> to vector<10000x128xf32>
    %sub3A_42 = arith.subf %add3A_36, %sub3A : vector<10000x128xf32>
    %integer_pow3A = arith.mulf %sub3A_42, %sub3A_42 : vector<10000x128xf32>
    %reduce_sum3A_43 = arith.constant dense<0.000000e+00> : vector<128xf32>
    %reduce_sum3A_44 = vector.multi_reduction <add>, %integer_pow3A, %reduce_sum3A_43 [0] : vector<10000x128xf32> to vector<128xf32>
    %broadcast_in_dim3A_45 = vector.shape_cast %reduce_sum3A_44 : vector<128xf32> to vector<1x128xf32>
    %div3A_46 = arith.constant 1.000000e+04 : f32
    %div3A_47 = vector.broadcast %div3A_46 : f32 to vector<1x128xf32>
    %div3A_48 = arith.divf %broadcast_in_dim3A_45, %div3A_47 : vector<1x128xf32>
    %get3A_49 = arith.constant 0 : index
    %get3A_50 = arith.constant 0 : index
    %get3A_51 = vector.load %arg4[%get3A_49, %get3A_50] : memref<8x128xf32, #tpu.memory_space<vmem>>, vector<1x128xf32>
    %get3A_52 = vector.shape_cast %get3A_51 : vector<1x128xf32> to vector<128xf32>
    %sub3A_53 = vector.broadcast %div3A_41 : vector<1x128xf32> to vector<10000x128xf32>
    %sub3A_54 = arith.subf %add3A_36, %sub3A_53 : vector<10000x128xf32>
    %broadcast_in_dim3A_55 = vector.shape_cast %get3A_52 : vector<128xf32> to vector<1x128xf32>
    %mul3A = vector.broadcast %broadcast_in_dim3A_55 : vector<1x128xf32> to vector<10000x128xf32>
    %mul3A_56 = arith.mulf %mul3A, %sub3A_54 : vector<10000x128xf32>
    %add3A_57 = arith.constant 9.99999974E-6 : f32
    %add3A_58 = vector.broadcast %add3A_57 : f32 to vector<1x128xf32>
    %add3A_59 = arith.addf %div3A_48, %add3A_58 : vector<1x128xf32>
    %sqrt3A = math.sqrt %add3A_59 : vector<1x128xf32>
    %div3A_60 = vector.broadcast %sqrt3A : vector<1x128xf32> to vector<10000x128xf32>
    %div3A_61 = arith.divf %mul3A_56, %div3A_60 : vector<10000x128xf32>
    %get3A_62 = arith.constant 0 : index
    %get3A_63 = arith.constant 0 : index
    %get3A_64 = vector.load %arg5[%get3A_62, %get3A_63] : memref<8x128xf32, #tpu.memory_space<vmem>>, vector<1x128xf32>
    %get3A_65 = vector.shape_cast %get3A_64 : vector<1x128xf32> to vector<128xf32>
    %broadcast_in_dim3A_66 = vector.shape_cast %get3A_65 : vector<128xf32> to vector<1x128xf32>
    %add3A_67 = vector.broadcast %broadcast_in_dim3A_66 : vector<1x128xf32> to vector<10000x128xf32>
    %add3A_68 = arith.addf %div3A_61, %add3A_67 : vector<10000x128xf32>
    %ge3A = arith.constant 0.000000e+00 : f32
    %ge3A_69 = vector.broadcast %ge3A : f32 to vector<10000x128xf32>
    %ge3A_70 = arith.cmpf oge, %add3A_68, %ge3A_69 : vector<10000x128xf32>
    %get3A_71 = arith.constant 0 : index
    %get3A_72 = arith.constant 0 : index
    %get3A_73 = vector.load %arg6[%get3A_71, %get3A_72] : memref<8x128xf32, #tpu.memory_space<vmem>>, vector<1x128xf32>
    %get3A_74 = vector.shape_cast %get3A_73 : vector<1x128xf32> to vector<128xf32>
    %broadcast_in_dim3A_75 = vector.shape_cast %get3A_74 : vector<128xf32> to vector<1x128xf32>
    %mul3A_76 = vector.broadcast %broadcast_in_dim3A_75 : vector<1x128xf32> to vector<10000x128xf32>
    %mul3A_77 = arith.mulf %mul3A_76, %add3A_68 : vector<10000x128xf32>
    %select_n3A = arith.select %ge3A_70, %add3A_68, %mul3A_77 : vector<10000x128xi1>, vector<10000x128xf32>
    %get3A_78 = arith.constant 1 : index
    %get3A_79 = arith.constant 0 : index
    %get3A_80 = arith.constant 0 : index
    %get3A_81 = vector.load %arg2[%get3A_78, %get3A_79, %get3A_80] : memref<8x128x128xf32, #tpu.memory_space<vmem>>, vector<1x128x128xf32>
    %get3A_82 = vector.shape_cast %get3A_81 : vector<1x128x128xf32> to vector<128x128xf32>
    %convert_element_type3A_83 = arith.truncf %select_n3A : vector<10000x128xf32> to vector<10000x128xbf16>
    %convert_element_type3A_84 = arith.truncf %get3A_82 : vector<128x128xf32> to vector<128x128xbf16>
    %dot_general3A_85 = arith.constant dense<0.000000e+00> : vector<10000x128xf32>
    %dot_general3A_86 = tpu.matmul %convert_element_type3A_83, %convert_element_type3A_84, %dot_general3A_85 {dimension_numbers = #tpu.dot_dimension_numbers<[1], [1], [0], [0], [0, 0, 1, 0], [], []>, transpose_lhs_hint = false} : vector<10000x128xbf16>, vector<128x128xbf16>, vector<10000x128xf32> -> vector<10000x128xf32>
    %get3A_87 = arith.constant 1 : index
    %get3A_88 = arith.constant 0 : index
    %get3A_89 = vector.load %arg3[%get3A_87, %get3A_88] : memref<8x128xf32, #tpu.memory_space<vmem>>, vector<1x128xf32>
    %get3A_90 = vector.shape_cast %get3A_89 : vector<1x128xf32> to vector<128xf32>
    %broadcast_in_dim3A_91 = vector.shape_cast %get3A_90 : vector<128xf32> to vector<1x128xf32>
    %add3A_92 = vector.broadcast %broadcast_in_dim3A_91 : vector<1x128xf32> to vector<10000x128xf32>
    %add3A_93 = arith.addf %dot_general3A_86, %add3A_92 : vector<10000x128xf32>
    %reduce_sum3A_94 = arith.constant dense<0.000000e+00> : vector<128xf32>
    %reduce_sum3A_95 = vector.multi_reduction <add>, %add3A_93, %reduce_sum3A_94 [0] : vector<10000x128xf32> to vector<128xf32>
    %broadcast_in_dim3A_96 = vector.shape_cast %reduce_sum3A_95 : vector<128xf32> to vector<1x128xf32>
    %div3A_97 = arith.constant 1.000000e+04 : f32
    %div3A_98 = vector.broadcast %div3A_97 : f32 to vector<1x128xf32>
    %div3A_99 = arith.divf %broadcast_in_dim3A_96, %div3A_98 : vector<1x128xf32>
    %sub3A_100 = vector.broadcast %div3A_99 : vector<1x128xf32> to vector<10000x128xf32>
    %sub3A_101 = arith.subf %add3A_93, %sub3A_100 : vector<10000x128xf32>
    %integer_pow3A_102 = arith.mulf %sub3A_101, %sub3A_101 : vector<10000x128xf32>
    %reduce_sum3A_103 = arith.constant dense<0.000000e+00> : vector<128xf32>
    %reduce_sum3A_104 = vector.multi_reduction <add>, %integer_pow3A_102, %reduce_sum3A_103 [0] : vector<10000x128xf32> to vector<128xf32>
    %broadcast_in_dim3A_105 = vector.shape_cast %reduce_sum3A_104 : vector<128xf32> to vector<1x128xf32>
    %div3A_106 = arith.constant 1.000000e+04 : f32
    %div3A_107 = vector.broadcast %div3A_106 : f32 to vector<1x128xf32>
    %div3A_108 = arith.divf %broadcast_in_dim3A_105, %div3A_107 : vector<1x128xf32>
    %get3A_109 = arith.constant 1 : index
    %get3A_110 = arith.constant 0 : index
    %get3A_111 = vector.load %arg4[%get3A_109, %get3A_110] : memref<8x128xf32, #tpu.memory_space<vmem>>, vector<1x128xf32>
    %get3A_112 = vector.shape_cast %get3A_111 : vector<1x128xf32> to vector<128xf32>
    %sub3A_113 = vector.broadcast %div3A_99 : vector<1x128xf32> to vector<10000x128xf32>
    %sub3A_114 = arith.subf %add3A_93, %sub3A_113 : vector<10000x128xf32>
    %broadcast_in_dim3A_115 = vector.shape_cast %get3A_112 : vector<128xf32> to vector<1x128xf32>
    %mul3A_116 = vector.broadcast %broadcast_in_dim3A_115 : vector<1x128xf32> to vector<10000x128xf32>
    %mul3A_117 = arith.mulf %mul3A_116, %sub3A_114 : vector<10000x128xf32>
    %add3A_118 = arith.constant 9.99999974E-6 : f32
    %add3A_119 = vector.broadcast %add3A_118 : f32 to vector<1x128xf32>
    %add3A_120 = arith.addf %div3A_108, %add3A_119 : vector<1x128xf32>
    %sqrt3A_121 = math.sqrt %add3A_120 : vector<1x128xf32>
    %div3A_122 = vector.broadcast %sqrt3A_121 : vector<1x128xf32> to vector<10000x128xf32>
    %div3A_123 = arith.divf %mul3A_117, %div3A_122 : vector<10000x128xf32>
    %get3A_124 = arith.constant 1 : index
    %get3A_125 = arith.constant 0 : index
    %get3A_126 = vector.load %arg5[%get3A_124, %get3A_125] : memref<8x128xf32, #tpu.memory_space<vmem>>, vector<1x128xf32>
    %get3A_127 = vector.shape_cast %get3A_126 : vector<1x128xf32> to vector<128xf32>
    %broadcast_in_dim3A_128 = vector.shape_cast %get3A_127 : vector<128xf32> to vector<1x128xf32>
    %add3A_129 = vector.broadcast %broadcast_in_dim3A_128 : vector<1x128xf32> to vector<10000x128xf32>
    %add3A_130 = arith.addf %div3A_123, %add3A_129 : vector<10000x128xf32>
    %ge3A_131 = arith.constant 0.000000e+00 : f32
    %ge3A_132 = vector.broadcast %ge3A_131 : f32 to vector<10000x128xf32>
    %ge3A_133 = arith.cmpf oge, %add3A_130, %ge3A_132 : vector<10000x128xf32>
    %get3A_134 = arith.constant 1 : index
    %get3A_135 = arith.constant 0 : index
    %get3A_136 = vector.load %arg6[%get3A_134, %get3A_135] : memref<8x128xf32, #tpu.memory_space<vmem>>, vector<1x128xf32>
    %get3A_137 = vector.shape_cast %get3A_136 : vector<1x128xf32> to vector<128xf32>
    %broadcast_in_dim3A_138 = vector.shape_cast %get3A_137 : vector<128xf32> to vector<1x128xf32>
    %mul3A_139 = vector.broadcast %broadcast_in_dim3A_138 : vector<1x128xf32> to vector<10000x128xf32>
    %mul3A_140 = arith.mulf %mul3A_139, %add3A_130 : vector<10000x128xf32>
    %select_n3A_141 = arith.select %ge3A_133, %add3A_130, %mul3A_140 : vector<10000x128xi1>, vector<10000x128xf32>
    %get3A_142 = arith.constant 2 : index
    %get3A_143 = arith.constant 0 : index
    %get3A_144 = arith.constant 0 : index
    %get3A_145 = vector.load %arg2[%get3A_142, %get3A_143, %get3A_144] : memref<8x128x128xf32, #tpu.memory_space<vmem>>, vector<1x128x128xf32>
    %get3A_146 = vector.shape_cast %get3A_145 : vector<1x128x128xf32> to vector<128x128xf32>
    %convert_element_type3A_147 = arith.truncf %select_n3A_141 : vector<10000x128xf32> to vector<10000x128xbf16>
    %convert_element_type3A_148 = arith.truncf %get3A_146 : vector<128x128xf32> to vector<128x128xbf16>
    %dot_general3A_149 = arith.constant dense<0.000000e+00> : vector<10000x128xf32>
    %dot_general3A_150 = tpu.matmul %convert_element_type3A_147, %convert_element_type3A_148, %dot_general3A_149 {dimension_numbers = #tpu.dot_dimension_numbers<[1], [1], [0], [0], [0, 0, 1, 0], [], []>, transpose_lhs_hint = false} : vector<10000x128xbf16>, vector<128x128xbf16>, vector<10000x128xf32> -> vector<10000x128xf32>
    %get3A_151 = arith.constant 2 : index
    %get3A_152 = arith.constant 0 : index
    %get3A_153 = vector.load %arg3[%get3A_151, %get3A_152] : memref<8x128xf32, #tpu.memory_space<vmem>>, vector<1x128xf32>
    %get3A_154 = vector.shape_cast %get3A_153 : vector<1x128xf32> to vector<128xf32>
    %broadcast_in_dim3A_155 = vector.shape_cast %get3A_154 : vector<128xf32> to vector<1x128xf32>
    %add3A_156 = vector.broadcast %broadcast_in_dim3A_155 : vector<1x128xf32> to vector<10000x128xf32>
    %add3A_157 = arith.addf %dot_general3A_150, %add3A_156 : vector<10000x128xf32>
    %reduce_sum3A_158 = arith.constant dense<0.000000e+00> : vector<128xf32>
    %reduce_sum3A_159 = vector.multi_reduction <add>, %add3A_157, %reduce_sum3A_158 [0] : vector<10000x128xf32> to vector<128xf32>
    %broadcast_in_dim3A_160 = vector.shape_cast %reduce_sum3A_159 : vector<128xf32> to vector<1x128xf32>
    %div3A_161 = arith.constant 1.000000e+04 : f32
    %div3A_162 = vector.broadcast %div3A_161 : f32 to vector<1x128xf32>
    %div3A_163 = arith.divf %broadcast_in_dim3A_160, %div3A_162 : vector<1x128xf32>
    %sub3A_164 = vector.broadcast %div3A_163 : vector<1x128xf32> to vector<10000x128xf32>
    %sub3A_165 = arith.subf %add3A_157, %sub3A_164 : vector<10000x128xf32>
    %integer_pow3A_166 = arith.mulf %sub3A_165, %sub3A_165 : vector<10000x128xf32>
    %reduce_sum3A_167 = arith.constant dense<0.000000e+00> : vector<128xf32>
    %reduce_sum3A_168 = vector.multi_reduction <add>, %integer_pow3A_166, %reduce_sum3A_167 [0] : vector<10000x128xf32> to vector<128xf32>
    %broadcast_in_dim3A_169 = vector.shape_cast %reduce_sum3A_168 : vector<128xf32> to vector<1x128xf32>
    %div3A_170 = arith.constant 1.000000e+04 : f32
    %div3A_171 = vector.broadcast %div3A_170 : f32 to vector<1x128xf32>
    %div3A_172 = arith.divf %broadcast_in_dim3A_169, %div3A_171 : vector<1x128xf32>
    %get3A_173 = arith.constant 2 : index
    %get3A_174 = arith.constant 0 : index
    %get3A_175 = vector.load %arg4[%get3A_173, %get3A_174] : memref<8x128xf32, #tpu.memory_space<vmem>>, vector<1x128xf32>
    %get3A_176 = vector.shape_cast %get3A_175 : vector<1x128xf32> to vector<128xf32>
    %sub3A_177 = vector.broadcast %div3A_163 : vector<1x128xf32> to vector<10000x128xf32>
    %sub3A_178 = arith.subf %add3A_157, %sub3A_177 : vector<10000x128xf32>
    %broadcast_in_dim3A_179 = vector.shape_cast %get3A_176 : vector<128xf32> to vector<1x128xf32>
    %mul3A_180 = vector.broadcast %broadcast_in_dim3A_179 : vector<1x128xf32> to vector<10000x128xf32>
    %mul3A_181 = arith.mulf %mul3A_180, %sub3A_178 : vector<10000x128xf32>
    %add3A_182 = arith.constant 9.99999974E-6 : f32
    %add3A_183 = vector.broadcast %add3A_182 : f32 to vector<1x128xf32>
    %add3A_184 = arith.addf %div3A_172, %add3A_183 : vector<1x128xf32>
    %sqrt3A_185 = math.sqrt %add3A_184 : vector<1x128xf32>
    %div3A_186 = vector.broadcast %sqrt3A_185 : vector<1x128xf32> to vector<10000x128xf32>
    %div3A_187 = arith.divf %mul3A_181, %div3A_186 : vector<10000x128xf32>
    %get3A_188 = arith.constant 2 : index
    %get3A_189 = arith.constant 0 : index
    %get3A_190 = vector.load %arg5[%get3A_188, %get3A_189] : memref<8x128xf32, #tpu.memory_space<vmem>>, vector<1x128xf32>
    %get3A_191 = vector.shape_cast %get3A_190 : vector<1x128xf32> to vector<128xf32>
    %broadcast_in_dim3A_192 = vector.shape_cast %get3A_191 : vector<128xf32> to vector<1x128xf32>
    %add3A_193 = vector.broadcast %broadcast_in_dim3A_192 : vector<1x128xf32> to vector<10000x128xf32>
    %add3A_194 = arith.addf %div3A_187, %add3A_193 : vector<10000x128xf32>
    %ge3A_195 = arith.constant 0.000000e+00 : f32
    %ge3A_196 = vector.broadcast %ge3A_195 : f32 to vector<10000x128xf32>
    %ge3A_197 = arith.cmpf oge, %add3A_194, %ge3A_196 : vector<10000x128xf32>
    %get3A_198 = arith.constant 2 : index
    %get3A_199 = arith.constant 0 : index
    %get3A_200 = vector.load %arg6[%get3A_198, %get3A_199] : memref<8x128xf32, #tpu.memory_space<vmem>>, vector<1x128xf32>
    %get3A_201 = vector.shape_cast %get3A_200 : vector<1x128xf32> to vector<128xf32>
    %broadcast_in_dim3A_202 = vector.shape_cast %get3A_201 : vector<128xf32> to vector<1x128xf32>
    %mul3A_203 = vector.broadcast %broadcast_in_dim3A_202 : vector<1x128xf32> to vector<10000x128xf32>
    %mul3A_204 = arith.mulf %mul3A_203, %add3A_194 : vector<10000x128xf32>
    %select_n3A_205 = arith.select %ge3A_197, %add3A_194, %mul3A_204 : vector<10000x128xi1>, vector<10000x128xf32>
    %get3A_206 = arith.constant 3 : index
    %get3A_207 = arith.constant 0 : index
    %get3A_208 = arith.constant 0 : index
    %get3A_209 = vector.load %arg2[%get3A_206, %get3A_207, %get3A_208] : memref<8x128x128xf32, #tpu.memory_space<vmem>>, vector<1x128x128xf32>
    %get3A_210 = vector.shape_cast %get3A_209 : vector<1x128x128xf32> to vector<128x128xf32>
    %convert_element_type3A_211 = arith.truncf %select_n3A_205 : vector<10000x128xf32> to vector<10000x128xbf16>
    %convert_element_type3A_212 = arith.truncf %get3A_210 : vector<128x128xf32> to vector<128x128xbf16>
    %dot_general3A_213 = arith.constant dense<0.000000e+00> : vector<10000x128xf32>
    %dot_general3A_214 = tpu.matmul %convert_element_type3A_211, %convert_element_type3A_212, %dot_general3A_213 {dimension_numbers = #tpu.dot_dimension_numbers<[1], [1], [0], [0], [0, 0, 1, 0], [], []>, transpose_lhs_hint = false} : vector<10000x128xbf16>, vector<128x128xbf16>, vector<10000x128xf32> -> vector<10000x128xf32>
    %get3A_215 = arith.constant 3 : index
    %get3A_216 = arith.constant 0 : index
    %get3A_217 = vector.load %arg3[%get3A_215, %get3A_216] : memref<8x128xf32, #tpu.memory_space<vmem>>, vector<1x128xf32>
    %get3A_218 = vector.shape_cast %get3A_217 : vector<1x128xf32> to vector<128xf32>
    %broadcast_in_dim3A_219 = vector.shape_cast %get3A_218 : vector<128xf32> to vector<1x128xf32>
    %add3A_220 = vector.broadcast %broadcast_in_dim3A_219 : vector<1x128xf32> to vector<10000x128xf32>
    %add3A_221 = arith.addf %dot_general3A_214, %add3A_220 : vector<10000x128xf32>
    %reduce_sum3A_222 = arith.constant dense<0.000000e+00> : vector<128xf32>
    %reduce_sum3A_223 = vector.multi_reduction <add>, %add3A_221, %reduce_sum3A_222 [0] : vector<10000x128xf32> to vector<128xf32>
    %broadcast_in_dim3A_224 = vector.shape_cast %reduce_sum3A_223 : vector<128xf32> to vector<1x128xf32>
    %div3A_225 = arith.constant 1.000000e+04 : f32
    %div3A_226 = vector.broadcast %div3A_225 : f32 to vector<1x128xf32>
    %div3A_227 = arith.divf %broadcast_in_dim3A_224, %div3A_226 : vector<1x128xf32>
    %sub3A_228 = vector.broadcast %div3A_227 : vector<1x128xf32> to vector<10000x128xf32>
    %sub3A_229 = arith.subf %add3A_221, %sub3A_228 : vector<10000x128xf32>
    %integer_pow3A_230 = arith.mulf %sub3A_229, %sub3A_229 : vector<10000x128xf32>
    %reduce_sum3A_231 = arith.constant dense<0.000000e+00> : vector<128xf32>
    %reduce_sum3A_232 = vector.multi_reduction <add>, %integer_pow3A_230, %reduce_sum3A_231 [0] : vector<10000x128xf32> to vector<128xf32>
    %broadcast_in_dim3A_233 = vector.shape_cast %reduce_sum3A_232 : vector<128xf32> to vector<1x128xf32>
    %div3A_234 = arith.constant 1.000000e+04 : f32
    %div3A_235 = vector.broadcast %div3A_234 : f32 to vector<1x128xf32>
    %div3A_236 = arith.divf %broadcast_in_dim3A_233, %div3A_235 : vector<1x128xf32>
    %get3A_237 = arith.constant 3 : index
    %get3A_238 = arith.constant 0 : index
    %get3A_239 = vector.load %arg4[%get3A_237, %get3A_238] : memref<8x128xf32, #tpu.memory_space<vmem>>, vector<1x128xf32>
    %get3A_240 = vector.shape_cast %get3A_239 : vector<1x128xf32> to vector<128xf32>
    %sub3A_241 = vector.broadcast %div3A_227 : vector<1x128xf32> to vector<10000x128xf32>
    %sub3A_242 = arith.subf %add3A_221, %sub3A_241 : vector<10000x128xf32>
    %broadcast_in_dim3A_243 = vector.shape_cast %get3A_240 : vector<128xf32> to vector<1x128xf32>
    %mul3A_244 = vector.broadcast %broadcast_in_dim3A_243 : vector<1x128xf32> to vector<10000x128xf32>
    %mul3A_245 = arith.mulf %mul3A_244, %sub3A_242 : vector<10000x128xf32>
    %add3A_246 = arith.constant 9.99999974E-6 : f32
    %add3A_247 = vector.broadcast %add3A_246 : f32 to vector<1x128xf32>
    %add3A_248 = arith.addf %div3A_236, %add3A_247 : vector<1x128xf32>
    %sqrt3A_249 = math.sqrt %add3A_248 : vector<1x128xf32>
    %div3A_250 = vector.broadcast %sqrt3A_249 : vector<1x128xf32> to vector<10000x128xf32>
    %div3A_251 = arith.divf %mul3A_245, %div3A_250 : vector<10000x128xf32>
    %get3A_252 = arith.constant 3 : index
    %get3A_253 = arith.constant 0 : index
    %get3A_254 = vector.load %arg5[%get3A_252, %get3A_253] : memref<8x128xf32, #tpu.memory_space<vmem>>, vector<1x128xf32>
    %get3A_255 = vector.shape_cast %get3A_254 : vector<1x128xf32> to vector<128xf32>
    %broadcast_in_dim3A_256 = vector.shape_cast %get3A_255 : vector<128xf32> to vector<1x128xf32>
    %add3A_257 = vector.broadcast %broadcast_in_dim3A_256 : vector<1x128xf32> to vector<10000x128xf32>
    %add3A_258 = arith.addf %div3A_251, %add3A_257 : vector<10000x128xf32>
    %ge3A_259 = arith.constant 0.000000e+00 : f32
    %ge3A_260 = vector.broadcast %ge3A_259 : f32 to vector<10000x128xf32>
    %ge3A_261 = arith.cmpf oge, %add3A_258, %ge3A_260 : vector<10000x128xf32>
    %get3A_262 = arith.constant 3 : index
    %get3A_263 = arith.constant 0 : index
    %get3A_264 = vector.load %arg6[%get3A_262, %get3A_263] : memref<8x128xf32, #tpu.memory_space<vmem>>, vector<1x128xf32>
    %get3A_265 = vector.shape_cast %get3A_264 : vector<1x128xf32> to vector<128xf32>
    %broadcast_in_dim3A_266 = vector.shape_cast %get3A_265 : vector<128xf32> to vector<1x128xf32>
    %mul3A_267 = vector.broadcast %broadcast_in_dim3A_266 : vector<1x128xf32> to vector<10000x128xf32>
    %mul3A_268 = arith.mulf %mul3A_267, %add3A_258 : vector<10000x128xf32>
    %select_n3A_269 = arith.select %ge3A_261, %add3A_258, %mul3A_268 : vector<10000x128xi1>, vector<10000x128xf32>
    %get3A_270 = arith.constant 4 : index
    %get3A_271 = arith.constant 0 : index
    %get3A_272 = arith.constant 0 : index
    %get3A_273 = vector.load %arg2[%get3A_270, %get3A_271, %get3A_272] : memref<8x128x128xf32, #tpu.memory_space<vmem>>, vector<1x128x128xf32>
    %get3A_274 = vector.shape_cast %get3A_273 : vector<1x128x128xf32> to vector<128x128xf32>
    %convert_element_type3A_275 = arith.truncf %select_n3A_269 : vector<10000x128xf32> to vector<10000x128xbf16>
    %convert_element_type3A_276 = arith.truncf %get3A_274 : vector<128x128xf32> to vector<128x128xbf16>
    %dot_general3A_277 = arith.constant dense<0.000000e+00> : vector<10000x128xf32>
    %dot_general3A_278 = tpu.matmul %convert_element_type3A_275, %convert_element_type3A_276, %dot_general3A_277 {dimension_numbers = #tpu.dot_dimension_numbers<[1], [1], [0], [0], [0, 0, 1, 0], [], []>, transpose_lhs_hint = false} : vector<10000x128xbf16>, vector<128x128xbf16>, vector<10000x128xf32> -> vector<10000x128xf32>
    %get3A_279 = arith.constant 4 : index
    %get3A_280 = arith.constant 0 : index
    %get3A_281 = vector.load %arg3[%get3A_279, %get3A_280] : memref<8x128xf32, #tpu.memory_space<vmem>>, vector<1x128xf32>
    %get3A_282 = vector.shape_cast %get3A_281 : vector<1x128xf32> to vector<128xf32>
    %broadcast_in_dim3A_283 = vector.shape_cast %get3A_282 : vector<128xf32> to vector<1x128xf32>
    %add3A_284 = vector.broadcast %broadcast_in_dim3A_283 : vector<1x128xf32> to vector<10000x128xf32>
    %add3A_285 = arith.addf %dot_general3A_278, %add3A_284 : vector<10000x128xf32>
    %reduce_sum3A_286 = arith.constant dense<0.000000e+00> : vector<128xf32>
    %reduce_sum3A_287 = vector.multi_reduction <add>, %add3A_285, %reduce_sum3A_286 [0] : vector<10000x128xf32> to vector<128xf32>
    %broadcast_in_dim3A_288 = vector.shape_cast %reduce_sum3A_287 : vector<128xf32> to vector<1x128xf32>
    %div3A_289 = arith.constant 1.000000e+04 : f32
    %div3A_290 = vector.broadcast %div3A_289 : f32 to vector<1x128xf32>
    %div3A_291 = arith.divf %broadcast_in_dim3A_288, %div3A_290 : vector<1x128xf32>
    %sub3A_292 = vector.broadcast %div3A_291 : vector<1x128xf32> to vector<10000x128xf32>
    %sub3A_293 = arith.subf %add3A_285, %sub3A_292 : vector<10000x128xf32>
    %integer_pow3A_294 = arith.mulf %sub3A_293, %sub3A_293 : vector<10000x128xf32>
    %reduce_sum3A_295 = arith.constant dense<0.000000e+00> : vector<128xf32>
    %reduce_sum3A_296 = vector.multi_reduction <add>, %integer_pow3A_294, %reduce_sum3A_295 [0] : vector<10000x128xf32> to vector<128xf32>
    %broadcast_in_dim3A_297 = vector.shape_cast %reduce_sum3A_296 : vector<128xf32> to vector<1x128xf32>
    %div3A_298 = arith.constant 1.000000e+04 : f32
    %div3A_299 = vector.broadcast %div3A_298 : f32 to vector<1x128xf32>
    %div3A_300 = arith.divf %broadcast_in_dim3A_297, %div3A_299 : vector<1x128xf32>
    %get3A_301 = arith.constant 4 : index
    %get3A_302 = arith.constant 0 : index
    %get3A_303 = vector.load %arg4[%get3A_301, %get3A_302] : memref<8x128xf32, #tpu.memory_space<vmem>>, vector<1x128xf32>
    %get3A_304 = vector.shape_cast %get3A_303 : vector<1x128xf32> to vector<128xf32>
    %sub3A_305 = vector.broadcast %div3A_291 : vector<1x128xf32> to vector<10000x128xf32>
    %sub3A_306 = arith.subf %add3A_285, %sub3A_305 : vector<10000x128xf32>
    %broadcast_in_dim3A_307 = vector.shape_cast %get3A_304 : vector<128xf32> to vector<1x128xf32>
    %mul3A_308 = vector.broadcast %broadcast_in_dim3A_307 : vector<1x128xf32> to vector<10000x128xf32>
    %mul3A_309 = arith.mulf %mul3A_308, %sub3A_306 : vector<10000x128xf32>
    %add3A_310 = arith.constant 9.99999974E-6 : f32
    %add3A_311 = vector.broadcast %add3A_310 : f32 to vector<1x128xf32>
    %add3A_312 = arith.addf %div3A_300, %add3A_311 : vector<1x128xf32>
    %sqrt3A_313 = math.sqrt %add3A_312 : vector<1x128xf32>
    %div3A_314 = vector.broadcast %sqrt3A_313 : vector<1x128xf32> to vector<10000x128xf32>
    %div3A_315 = arith.divf %mul3A_309, %div3A_314 : vector<10000x128xf32>
    %get3A_316 = arith.constant 4 : index
    %get3A_317 = arith.constant 0 : index
    %get3A_318 = vector.load %arg5[%get3A_316, %get3A_317] : memref<8x128xf32, #tpu.memory_space<vmem>>, vector<1x128xf32>
    %get3A_319 = vector.shape_cast %get3A_318 : vector<1x128xf32> to vector<128xf32>
    %broadcast_in_dim3A_320 = vector.shape_cast %get3A_319 : vector<128xf32> to vector<1x128xf32>
    %add3A_321 = vector.broadcast %broadcast_in_dim3A_320 : vector<1x128xf32> to vector<10000x128xf32>
    %add3A_322 = arith.addf %div3A_315, %add3A_321 : vector<10000x128xf32>
    %ge3A_323 = arith.constant 0.000000e+00 : f32
    %ge3A_324 = vector.broadcast %ge3A_323 : f32 to vector<10000x128xf32>
    %ge3A_325 = arith.cmpf oge, %add3A_322, %ge3A_324 : vector<10000x128xf32>
    %get3A_326 = arith.constant 4 : index
    %get3A_327 = arith.constant 0 : index
    %get3A_328 = vector.load %arg6[%get3A_326, %get3A_327] : memref<8x128xf32, #tpu.memory_space<vmem>>, vector<1x128xf32>
    %get3A_329 = vector.shape_cast %get3A_328 : vector<1x128xf32> to vector<128xf32>
    %broadcast_in_dim3A_330 = vector.shape_cast %get3A_329 : vector<128xf32> to vector<1x128xf32>
    %mul3A_331 = vector.broadcast %broadcast_in_dim3A_330 : vector<1x128xf32> to vector<10000x128xf32>
    %mul3A_332 = arith.mulf %mul3A_331, %add3A_322 : vector<10000x128xf32>
    %select_n3A_333 = arith.select %ge3A_325, %add3A_322, %mul3A_332 : vector<10000x128xi1>, vector<10000x128xf32>
    %get3A_334 = arith.constant 5 : index
    %get3A_335 = arith.constant 0 : index
    %get3A_336 = arith.constant 0 : index
    %get3A_337 = vector.load %arg2[%get3A_334, %get3A_335, %get3A_336] : memref<8x128x128xf32, #tpu.memory_space<vmem>>, vector<1x128x128xf32>
    %get3A_338 = vector.shape_cast %get3A_337 : vector<1x128x128xf32> to vector<128x128xf32>
    %convert_element_type3A_339 = arith.truncf %select_n3A_333 : vector<10000x128xf32> to vector<10000x128xbf16>
    %convert_element_type3A_340 = arith.truncf %get3A_338 : vector<128x128xf32> to vector<128x128xbf16>
    %dot_general3A_341 = arith.constant dense<0.000000e+00> : vector<10000x128xf32>
    %dot_general3A_342 = tpu.matmul %convert_element_type3A_339, %convert_element_type3A_340, %dot_general3A_341 {dimension_numbers = #tpu.dot_dimension_numbers<[1], [1], [0], [0], [0, 0, 1, 0], [], []>, transpose_lhs_hint = false} : vector<10000x128xbf16>, vector<128x128xbf16>, vector<10000x128xf32> -> vector<10000x128xf32>
    %get3A_343 = arith.constant 5 : index
    %get3A_344 = arith.constant 0 : index
    %get3A_345 = vector.load %arg3[%get3A_343, %get3A_344] : memref<8x128xf32, #tpu.memory_space<vmem>>, vector<1x128xf32>
    %get3A_346 = vector.shape_cast %get3A_345 : vector<1x128xf32> to vector<128xf32>
    %broadcast_in_dim3A_347 = vector.shape_cast %get3A_346 : vector<128xf32> to vector<1x128xf32>
    %add3A_348 = vector.broadcast %broadcast_in_dim3A_347 : vector<1x128xf32> to vector<10000x128xf32>
    %add3A_349 = arith.addf %dot_general3A_342, %add3A_348 : vector<10000x128xf32>
    %reduce_sum3A_350 = arith.constant dense<0.000000e+00> : vector<128xf32>
    %reduce_sum3A_351 = vector.multi_reduction <add>, %add3A_349, %reduce_sum3A_350 [0] : vector<10000x128xf32> to vector<128xf32>
    %broadcast_in_dim3A_352 = vector.shape_cast %reduce_sum3A_351 : vector<128xf32> to vector<1x128xf32>
    %div3A_353 = arith.constant 1.000000e+04 : f32
    %div3A_354 = vector.broadcast %div3A_353 : f32 to vector<1x128xf32>
    %div3A_355 = arith.divf %broadcast_in_dim3A_352, %div3A_354 : vector<1x128xf32>
    %sub3A_356 = vector.broadcast %div3A_355 : vector<1x128xf32> to vector<10000x128xf32>
    %sub3A_357 = arith.subf %add3A_349, %sub3A_356 : vector<10000x128xf32>
    %integer_pow3A_358 = arith.mulf %sub3A_357, %sub3A_357 : vector<10000x128xf32>
    %reduce_sum3A_359 = arith.constant dense<0.000000e+00> : vector<128xf32>
    %reduce_sum3A_360 = vector.multi_reduction <add>, %integer_pow3A_358, %reduce_sum3A_359 [0] : vector<10000x128xf32> to vector<128xf32>
    %broadcast_in_dim3A_361 = vector.shape_cast %reduce_sum3A_360 : vector<128xf32> to vector<1x128xf32>
    %div3A_362 = arith.constant 1.000000e+04 : f32
    %div3A_363 = vector.broadcast %div3A_362 : f32 to vector<1x128xf32>
    %div3A_364 = arith.divf %broadcast_in_dim3A_361, %div3A_363 : vector<1x128xf32>
    %get3A_365 = arith.constant 5 : index
    %get3A_366 = arith.constant 0 : index
    %get3A_367 = vector.load %arg4[%get3A_365, %get3A_366] : memref<8x128xf32, #tpu.memory_space<vmem>>, vector<1x128xf32>
    %get3A_368 = vector.shape_cast %get3A_367 : vector<1x128xf32> to vector<128xf32>
    %sub3A_369 = vector.broadcast %div3A_355 : vector<1x128xf32> to vector<10000x128xf32>
    %sub3A_370 = arith.subf %add3A_349, %sub3A_369 : vector<10000x128xf32>
    %broadcast_in_dim3A_371 = vector.shape_cast %get3A_368 : vector<128xf32> to vector<1x128xf32>
    %mul3A_372 = vector.broadcast %broadcast_in_dim3A_371 : vector<1x128xf32> to vector<10000x128xf32>
    %mul3A_373 = arith.mulf %mul3A_372, %sub3A_370 : vector<10000x128xf32>
    %add3A_374 = arith.constant 9.99999974E-6 : f32
    %add3A_375 = vector.broadcast %add3A_374 : f32 to vector<1x128xf32>
    %add3A_376 = arith.addf %div3A_364, %add3A_375 : vector<1x128xf32>
    %sqrt3A_377 = math.sqrt %add3A_376 : vector<1x128xf32>
    %div3A_378 = vector.broadcast %sqrt3A_377 : vector<1x128xf32> to vector<10000x128xf32>
    %div3A_379 = arith.divf %mul3A_373, %div3A_378 : vector<10000x128xf32>
    %get3A_380 = arith.constant 5 : index
    %get3A_381 = arith.constant 0 : index
    %get3A_382 = vector.load %arg5[%get3A_380, %get3A_381] : memref<8x128xf32, #tpu.memory_space<vmem>>, vector<1x128xf32>
    %get3A_383 = vector.shape_cast %get3A_382 : vector<1x128xf32> to vector<128xf32>
    %broadcast_in_dim3A_384 = vector.shape_cast %get3A_383 : vector<128xf32> to vector<1x128xf32>
    %add3A_385 = vector.broadcast %broadcast_in_dim3A_384 : vector<1x128xf32> to vector<10000x128xf32>
    %add3A_386 = arith.addf %div3A_379, %add3A_385 : vector<10000x128xf32>
    %ge3A_387 = arith.constant 0.000000e+00 : f32
    %ge3A_388 = vector.broadcast %ge3A_387 : f32 to vector<10000x128xf32>
    %ge3A_389 = arith.cmpf oge, %add3A_386, %ge3A_388 : vector<10000x128xf32>
    %get3A_390 = arith.constant 5 : index
    %get3A_391 = arith.constant 0 : index
    %get3A_392 = vector.load %arg6[%get3A_390, %get3A_391] : memref<8x128xf32, #tpu.memory_space<vmem>>, vector<1x128xf32>
    %get3A_393 = vector.shape_cast %get3A_392 : vector<1x128xf32> to vector<128xf32>
    %broadcast_in_dim3A_394 = vector.shape_cast %get3A_393 : vector<128xf32> to vector<1x128xf32>
    %mul3A_395 = vector.broadcast %broadcast_in_dim3A_394 : vector<1x128xf32> to vector<10000x128xf32>
    %mul3A_396 = arith.mulf %mul3A_395, %add3A_386 : vector<10000x128xf32>
    %select_n3A_397 = arith.select %ge3A_389, %add3A_386, %mul3A_396 : vector<10000x128xi1>, vector<10000x128xf32>
    %get3A_398 = arith.constant 6 : index
    %get3A_399 = arith.constant 0 : index
    %get3A_400 = arith.constant 0 : index
    %get3A_401 = vector.load %arg2[%get3A_398, %get3A_399, %get3A_400] : memref<8x128x128xf32, #tpu.memory_space<vmem>>, vector<1x128x128xf32>
    %get3A_402 = vector.shape_cast %get3A_401 : vector<1x128x128xf32> to vector<128x128xf32>
    %convert_element_type3A_403 = arith.truncf %select_n3A_397 : vector<10000x128xf32> to vector<10000x128xbf16>
    %convert_element_type3A_404 = arith.truncf %get3A_402 : vector<128x128xf32> to vector<128x128xbf16>
    %dot_general3A_405 = arith.constant dense<0.000000e+00> : vector<10000x128xf32>
    %dot_general3A_406 = tpu.matmul %convert_element_type3A_403, %convert_element_type3A_404, %dot_general3A_405 {dimension_numbers = #tpu.dot_dimension_numbers<[1], [1], [0], [0], [0, 0, 1, 0], [], []>, transpose_lhs_hint = false} : vector<10000x128xbf16>, vector<128x128xbf16>, vector<10000x128xf32> -> vector<10000x128xf32>
    %get3A_407 = arith.constant 6 : index
    %get3A_408 = arith.constant 0 : index
    %get3A_409 = vector.load %arg3[%get3A_407, %get3A_408] : memref<8x128xf32, #tpu.memory_space<vmem>>, vector<1x128xf32>
    %get3A_410 = vector.shape_cast %get3A_409 : vector<1x128xf32> to vector<128xf32>
    %broadcast_in_dim3A_411 = vector.shape_cast %get3A_410 : vector<128xf32> to vector<1x128xf32>
    %add3A_412 = vector.broadcast %broadcast_in_dim3A_411 : vector<1x128xf32> to vector<10000x128xf32>
    %add3A_413 = arith.addf %dot_general3A_406, %add3A_412 : vector<10000x128xf32>
    %reduce_sum3A_414 = arith.constant dense<0.000000e+00> : vector<128xf32>
    %reduce_sum3A_415 = vector.multi_reduction <add>, %add3A_413, %reduce_sum3A_414 [0] : vector<10000x128xf32> to vector<128xf32>
    %broadcast_in_dim3A_416 = vector.shape_cast %reduce_sum3A_415 : vector<128xf32> to vector<1x128xf32>
    %div3A_417 = arith.constant 1.000000e+04 : f32
    %div3A_418 = vector.broadcast %div3A_417 : f32 to vector<1x128xf32>
    %div3A_419 = arith.divf %broadcast_in_dim3A_416, %div3A_418 : vector<1x128xf32>
    %sub3A_420 = vector.broadcast %div3A_419 : vector<1x128xf32> to vector<10000x128xf32>
    %sub3A_421 = arith.subf %add3A_413, %sub3A_420 : vector<10000x128xf32>
    %integer_pow3A_422 = arith.mulf %sub3A_421, %sub3A_421 : vector<10000x128xf32>
    %reduce_sum3A_423 = arith.constant dense<0.000000e+00> : vector<128xf32>
    %reduce_sum3A_424 = vector.multi_reduction <add>, %integer_pow3A_422, %reduce_sum3A_423 [0] : vector<10000x128xf32> to vector<128xf32>
    %broadcast_in_dim3A_425 = vector.shape_cast %reduce_sum3A_424 : vector<128xf32> to vector<1x128xf32>
    %div3A_426 = arith.constant 1.000000e+04 : f32
    %div3A_427 = vector.broadcast %div3A_426 : f32 to vector<1x128xf32>
    %div3A_428 = arith.divf %broadcast_in_dim3A_425, %div3A_427 : vector<1x128xf32>
    %get3A_429 = arith.constant 6 : index
    %get3A_430 = arith.constant 0 : index
    %get3A_431 = vector.load %arg4[%get3A_429, %get3A_430] : memref<8x128xf32, #tpu.memory_space<vmem>>, vector<1x128xf32>
    %get3A_432 = vector.shape_cast %get3A_431 : vector<1x128xf32> to vector<128xf32>
    %sub3A_433 = vector.broadcast %div3A_419 : vector<1x128xf32> to vector<10000x128xf32>
    %sub3A_434 = arith.subf %add3A_413, %sub3A_433 : vector<10000x128xf32>
    %broadcast_in_dim3A_435 = vector.shape_cast %get3A_432 : vector<128xf32> to vector<1x128xf32>
    %mul3A_436 = vector.broadcast %broadcast_in_dim3A_435 : vector<1x128xf32> to vector<10000x128xf32>
    %mul3A_437 = arith.mulf %mul3A_436, %sub3A_434 : vector<10000x128xf32>
    %add3A_438 = arith.constant 9.99999974E-6 : f32
    %add3A_439 = vector.broadcast %add3A_438 : f32 to vector<1x128xf32>
    %add3A_440 = arith.addf %div3A_428, %add3A_439 : vector<1x128xf32>
    %sqrt3A_441 = math.sqrt %add3A_440 : vector<1x128xf32>
    %div3A_442 = vector.broadcast %sqrt3A_441 : vector<1x128xf32> to vector<10000x128xf32>
    %div3A_443 = arith.divf %mul3A_437, %div3A_442 : vector<10000x128xf32>
    %get3A_444 = arith.constant 6 : index
    %get3A_445 = arith.constant 0 : index
    %get3A_446 = vector.load %arg5[%get3A_444, %get3A_445] : memref<8x128xf32, #tpu.memory_space<vmem>>, vector<1x128xf32>
    %get3A_447 = vector.shape_cast %get3A_446 : vector<1x128xf32> to vector<128xf32>
    %broadcast_in_dim3A_448 = vector.shape_cast %get3A_447 : vector<128xf32> to vector<1x128xf32>
    %add3A_449 = vector.broadcast %broadcast_in_dim3A_448 : vector<1x128xf32> to vector<10000x128xf32>
    %add3A_450 = arith.addf %div3A_443, %add3A_449 : vector<10000x128xf32>
    %ge3A_451 = arith.constant 0.000000e+00 : f32
    %ge3A_452 = vector.broadcast %ge3A_451 : f32 to vector<10000x128xf32>
    %ge3A_453 = arith.cmpf oge, %add3A_450, %ge3A_452 : vector<10000x128xf32>
    %get3A_454 = arith.constant 6 : index
    %get3A_455 = arith.constant 0 : index
    %get3A_456 = vector.load %arg6[%get3A_454, %get3A_455] : memref<8x128xf32, #tpu.memory_space<vmem>>, vector<1x128xf32>
    %get3A_457 = vector.shape_cast %get3A_456 : vector<1x128xf32> to vector<128xf32>
    %broadcast_in_dim3A_458 = vector.shape_cast %get3A_457 : vector<128xf32> to vector<1x128xf32>
    %mul3A_459 = vector.broadcast %broadcast_in_dim3A_458 : vector<1x128xf32> to vector<10000x128xf32>
    %mul3A_460 = arith.mulf %mul3A_459, %add3A_450 : vector<10000x128xf32>
    %select_n3A_461 = arith.select %ge3A_453, %add3A_450, %mul3A_460 : vector<10000x128xi1>, vector<10000x128xf32>
    %get3A_462 = arith.constant 7 : index
    %get3A_463 = arith.constant 0 : index
    %get3A_464 = arith.constant 0 : index
    %get3A_465 = vector.load %arg2[%get3A_462, %get3A_463, %get3A_464] : memref<8x128x128xf32, #tpu.memory_space<vmem>>, vector<1x128x128xf32>
    %get3A_466 = vector.shape_cast %get3A_465 : vector<1x128x128xf32> to vector<128x128xf32>
    %convert_element_type3A_467 = arith.truncf %select_n3A_461 : vector<10000x128xf32> to vector<10000x128xbf16>
    %convert_element_type3A_468 = arith.truncf %get3A_466 : vector<128x128xf32> to vector<128x128xbf16>
    %dot_general3A_469 = arith.constant dense<0.000000e+00> : vector<10000x128xf32>
    %dot_general3A_470 = tpu.matmul %convert_element_type3A_467, %convert_element_type3A_468, %dot_general3A_469 {dimension_numbers = #tpu.dot_dimension_numbers<[1], [1], [0], [0], [0, 0, 1, 0], [], []>, transpose_lhs_hint = false} : vector<10000x128xbf16>, vector<128x128xbf16>, vector<10000x128xf32> -> vector<10000x128xf32>
    %get3A_471 = arith.constant 7 : index
    %get3A_472 = arith.constant 0 : index
    %get3A_473 = vector.load %arg3[%get3A_471, %get3A_472] : memref<8x128xf32, #tpu.memory_space<vmem>>, vector<1x128xf32>
    %get3A_474 = vector.shape_cast %get3A_473 : vector<1x128xf32> to vector<128xf32>
    %broadcast_in_dim3A_475 = vector.shape_cast %get3A_474 : vector<128xf32> to vector<1x128xf32>
    %add3A_476 = vector.broadcast %broadcast_in_dim3A_475 : vector<1x128xf32> to vector<10000x128xf32>
    %add3A_477 = arith.addf %dot_general3A_470, %add3A_476 : vector<10000x128xf32>
    %reduce_sum3A_478 = arith.constant dense<0.000000e+00> : vector<128xf32>
    %reduce_sum3A_479 = vector.multi_reduction <add>, %add3A_477, %reduce_sum3A_478 [0] : vector<10000x128xf32> to vector<128xf32>
    %broadcast_in_dim3A_480 = vector.shape_cast %reduce_sum3A_479 : vector<128xf32> to vector<1x128xf32>
    %div3A_481 = arith.constant 1.000000e+04 : f32
    %div3A_482 = vector.broadcast %div3A_481 : f32 to vector<1x128xf32>
    %div3A_483 = arith.divf %broadcast_in_dim3A_480, %div3A_482 : vector<1x128xf32>
    %sub3A_484 = vector.broadcast %div3A_483 : vector<1x128xf32> to vector<10000x128xf32>
    %sub3A_485 = arith.subf %add3A_477, %sub3A_484 : vector<10000x128xf32>
    %integer_pow3A_486 = arith.mulf %sub3A_485, %sub3A_485 : vector<10000x128xf32>
    %reduce_sum3A_487 = arith.constant dense<0.000000e+00> : vector<128xf32>
    %reduce_sum3A_488 = vector.multi_reduction <add>, %integer_pow3A_486, %reduce_sum3A_487 [0] : vector<10000x128xf32> to vector<128xf32>
    %broadcast_in_dim3A_489 = vector.shape_cast %reduce_sum3A_488 : vector<128xf32> to vector<1x128xf32>
    %div3A_490 = arith.constant 1.000000e+04 : f32
    %div3A_491 = vector.broadcast %div3A_490 : f32 to vector<1x128xf32>
    %div3A_492 = arith.divf %broadcast_in_dim3A_489, %div3A_491 : vector<1x128xf32>
    %get3A_493 = arith.constant 7 : index
    %get3A_494 = arith.constant 0 : index
    %get3A_495 = vector.load %arg4[%get3A_493, %get3A_494] : memref<8x128xf32, #tpu.memory_space<vmem>>, vector<1x128xf32>
    %get3A_496 = vector.shape_cast %get3A_495 : vector<1x128xf32> to vector<128xf32>
    %sub3A_497 = vector.broadcast %div3A_483 : vector<1x128xf32> to vector<10000x128xf32>
    %sub3A_498 = arith.subf %add3A_477, %sub3A_497 : vector<10000x128xf32>
    %broadcast_in_dim3A_499 = vector.shape_cast %get3A_496 : vector<128xf32> to vector<1x128xf32>
    %mul3A_500 = vector.broadcast %broadcast_in_dim3A_499 : vector<1x128xf32> to vector<10000x128xf32>
    %mul3A_501 = arith.mulf %mul3A_500, %sub3A_498 : vector<10000x128xf32>
    %add3A_502 = arith.constant 9.99999974E-6 : f32
    %add3A_503 = vector.broadcast %add3A_502 : f32 to vector<1x128xf32>
    %add3A_504 = arith.addf %div3A_492, %add3A_503 : vector<1x128xf32>
    %sqrt3A_505 = math.sqrt %add3A_504 : vector<1x128xf32>
    %div3A_506 = vector.broadcast %sqrt3A_505 : vector<1x128xf32> to vector<10000x128xf32>
    %div3A_507 = arith.divf %mul3A_501, %div3A_506 : vector<10000x128xf32>
    %get3A_508 = arith.constant 7 : index
    %get3A_509 = arith.constant 0 : index
    %get3A_510 = vector.load %arg5[%get3A_508, %get3A_509] : memref<8x128xf32, #tpu.memory_space<vmem>>, vector<1x128xf32>
    %get3A_511 = vector.shape_cast %get3A_510 : vector<1x128xf32> to vector<128xf32>
    %broadcast_in_dim3A_512 = vector.shape_cast %get3A_511 : vector<128xf32> to vector<1x128xf32>
    %add3A_513 = vector.broadcast %broadcast_in_dim3A_512 : vector<1x128xf32> to vector<10000x128xf32>
    %add3A_514 = arith.addf %div3A_507, %add3A_513 : vector<10000x128xf32>
    %ge3A_515 = arith.constant 0.000000e+00 : f32
    %ge3A_516 = vector.broadcast %ge3A_515 : f32 to vector<10000x128xf32>
    %ge3A_517 = arith.cmpf oge, %add3A_514, %ge3A_516 : vector<10000x128xf32>
    %get3A_518 = arith.constant 7 : index
    %get3A_519 = arith.constant 0 : index
    %get3A_520 = vector.load %arg6[%get3A_518, %get3A_519] : memref<8x128xf32, #tpu.memory_space<vmem>>, vector<1x128xf32>
    %get3A_521 = vector.shape_cast %get3A_520 : vector<1x128xf32> to vector<128xf32>
    %broadcast_in_dim3A_522 = vector.shape_cast %get3A_521 : vector<128xf32> to vector<1x128xf32>
    %mul3A_523 = vector.broadcast %broadcast_in_dim3A_522 : vector<1x128xf32> to vector<10000x128xf32>
    %mul3A_524 = arith.mulf %mul3A_523, %add3A_514 : vector<10000x128xf32>
    %select_n3A_525 = arith.select %ge3A_517, %add3A_514, %mul3A_524 : vector<10000x128xi1>, vector<10000x128xf32>
    %swap3A = arith.constant 0 : index
    %swap3A_526 = arith.constant 0 : index
    %swap3A_527 = vector.load %arg7[%swap3A, %swap3A_526] : memref<10000x128xf32, #tpu.memory_space<vmem>>, vector<10000x128xf32>
    tpu.vector_store %arg7[%swap3A, %swap3A_526], %select_n3A_525 {strides = array<i32>} : memref<10000x128xf32, #tpu.memory_space<vmem>>, vector<10000x128xf32>,
    %broadcast_in_dim3A_528 = vector.shape_cast %max3A_22 : vector<10000x1xf32> to vector<10000x1xf32>
    %broadcast_in_dim3A_529 = vector.broadcast %broadcast_in_dim3A_528 : vector<10000x1xf32> to vector<10000x128xf32>
    %swap3A_530 = arith.constant 0 : index
    %swap3A_531 = arith.constant 0 : index
    %swap3A_532 = vector.load %arg8[%swap3A_530, %swap3A_531] : memref<10000x128xf32, #tpu.memory_space<vmem>>, vector<10000x128xf32>
    tpu.vector_store %arg8[%swap3A_530, %swap3A_531], %broadcast_in_dim3A_529 {strides = array<i32>} : memref<10000x128xf32, #tpu.memory_space<vmem>>, vector<10000x128xf32>,
    return
  }
}

module attributes {stable_mosaic.version = 14 : i64} {
  func.func @body(%arg0: i32, %arg1: memref<2x2000x128xf32, #tpu.memory_space<vmem>>, %arg2: memref<2000x128xf32, #tpu.memory_space<vmem>>, %arg3: memref<2000x128xf32, #tpu.memory_space<vmem>>, %arg4: memref<1024x128xf32, #tpu.memory_space<vmem>>, %arg5: memref<1024x128xf32, #tpu.memory_space<vmem>>, %arg6: memref<1x1024xf32, #tpu.memory_space<vmem>>, %arg7: memref<2000x128xf32, #tpu.memory_space<vmem>>, %arg8: memref<2000x128xf32, #tpu.memory_space<vmem>>, %arg9: memref<2000x128xf32, #tpu.memory_space<vmem>>, %arg10: memref<2000x128xf32, #tpu.memory_space<vmem>>, %arg11: memref<2000x128xf32, #tpu.memory_space<vmem>>, %arg12: memref<2000x128xf32, #tpu.memory_space<vmem>>, %arg13: memref<2000x128xf32, #tpu.memory_space<vmem>>, %arg14: memref<2000x128xf32, #tpu.memory_space<vmem>>) attributes {dimension_semantics = [#tpu.dimension_semantics<arbitrary>], iteration_bounds = array<i64: 5>, scalar_prefetch = 0 : i64, scratch_operands = 0 : i64, tpu.core_type = #tpu.core_type<tc>, window_params = [{transform_indices = @transform_0, window_bounds = array<i64: 2, 2000, 128>}, {transform_indices = @transform_1, window_bounds = array<i64: 2000, 128>}, {transform_indices = @transform_2, window_bounds = array<i64: 2000, 128>}, {pipeline_mode = #tpu.pipeline_mode<synchronous>, transform_indices = @transform_3, window_bounds = array<i64: 1024, 128>}, {pipeline_mode = #tpu.pipeline_mode<synchronous>, transform_indices = @transform_4, window_bounds = array<i64: 1024, 128>}, {pipeline_mode = #tpu.pipeline_mode<synchronous>, transform_indices = @transform_5, window_bounds = array<i64: 1, 1024>}, {transform_indices = @transform_6, window_bounds = array<i64: 2000, 128>}, {transform_indices = @transform_7, window_bounds = array<i64: 2000, 128>}, {transform_indices = @transform_8, window_bounds = array<i64: 2000, 128>}, {transform_indices = @transform_9, window_bounds = array<i64: 2000, 128>}, {transform_indices = @transform_10, window_bounds = array<i64: 2000, 128>}, {transform_indices = @transform_11, window_bounds = array<i64: 2000, 128>}, {transform_indices = @transform_12, window_bounds = array<i64: 2000, 128>}, {transform_indices = @transform_13, window_bounds = array<i64: 2000, 128>}]} {
    %get3A = arith.constant 0 : index
    %get3A_0 = arith.constant 0 : index
    %get3A_1 = arith.constant 0 : index
    %get3A_2 = vector.load %arg1[%get3A, %get3A_0, %get3A_1] : memref<2x2000x128xf32, #tpu.memory_space<vmem>>, vector<1x2000x128xf32>
    %get3A_3 = vector.shape_cast %get3A_2 : vector<1x2000x128xf32> to vector<2000x128xf32>
    %get3A_4 = arith.constant 1 : index
    %get3A_5 = arith.constant 0 : index
    %get3A_6 = arith.constant 0 : index
    %get3A_7 = vector.load %arg1[%get3A_4, %get3A_5, %get3A_6] : memref<2x2000x128xf32, #tpu.memory_space<vmem>>, vector<1x2000x128xf32>
    %get3A_8 = vector.shape_cast %get3A_7 : vector<1x2000x128xf32> to vector<2000x128xf32>
    %add3A = arith.addf %get3A_3, %get3A_8 : vector<2000x128xf32>
    %get3A_9 = arith.constant 0 : index
    %get3A_10 = arith.constant 0 : index
    %get3A_11 = vector.load %arg3[%get3A_9, %get3A_10] : memref<2000x128xf32, #tpu.memory_space<vmem>>, vector<2000x128xf32>
    %div3A = arith.divf %add3A, %get3A_11 : vector<2000x128xf32>
    %get3A_12 = arith.constant 0 : index
    %get3A_13 = arith.constant 0 : index
    %get3A_14 = vector.load %arg4[%get3A_12, %get3A_13] : memref<1024x128xf32, #tpu.memory_space<vmem>>, vector<1024x128xf32>
    %convert_element_type3A = arith.truncf %div3A : vector<2000x128xf32> to vector<2000x128xbf16>
    %convert_element_type3A_15 = arith.truncf %get3A_14 : vector<1024x128xf32> to vector<1024x128xbf16>
    %dot_general3A = arith.constant dense<0.000000e+00> : vector<2000x1024xf32>
    %dot_general3A_16 = tpu.matmul %convert_element_type3A, %convert_element_type3A_15, %dot_general3A {dimension_numbers = #tpu.dot_dimension_numbers<[1], [1], [0], [0], [0, 0, 1, 0], [], []>, transpose_lhs_hint = false} : vector<2000x128xbf16>, vector<1024x128xbf16>, vector<2000x1024xf32> -> vector<2000x1024xf32>
    %get3A_17 = arith.constant 0 : index
    %get3A_18 = arith.constant 0 : index
    %get3A_19 = vector.load %arg2[%get3A_17, %get3A_18] : memref<2000x128xf32, #tpu.memory_space<vmem>>, vector<2000x128xf32>
    %get3A_20 = arith.constant 0 : index
    %get3A_21 = arith.constant 0 : index
    %get3A_22 = vector.load %arg5[%get3A_20, %get3A_21] : memref<1024x128xf32, #tpu.memory_space<vmem>>, vector<1024x128xf32>
    %convert_element_type3A_23 = arith.truncf %get3A_19 : vector<2000x128xf32> to vector<2000x128xbf16>
    %convert_element_type3A_24 = arith.truncf %get3A_22 : vector<1024x128xf32> to vector<1024x128xbf16>
    %dot_general3A_25 = arith.constant dense<0.000000e+00> : vector<2000x1024xf32>
    %dot_general3A_26 = tpu.matmul %convert_element_type3A_23, %convert_element_type3A_24, %dot_general3A_25 {dimension_numbers = #tpu.dot_dimension_numbers<[1], [1], [0], [0], [0, 0, 1, 0], [], []>, transpose_lhs_hint = false} : vector<2000x128xbf16>, vector<1024x128xbf16>, vector<2000x1024xf32> -> vector<2000x1024xf32>
    %add3A_27 = arith.addf %dot_general3A_16, %dot_general3A_26 : vector<2000x1024xf32>
    %get3A_28 = arith.constant 0 : index
    %get3A_29 = arith.constant 0 : index
    %get3A_30 = vector.load %arg6[%get3A_28, %get3A_29] : memref<1x1024xf32, #tpu.memory_space<vmem>>, vector<1x1024xf32>
    %add3A_31 = vector.broadcast %get3A_30 : vector<1x1024xf32> to vector<2000x1024xf32>
    %add3A_32 = arith.addf %add3A_27, %add3A_31 : vector<2000x1024xf32>
    %max3A = arith.constant 0.000000e+00 : f32
    %max3A_33 = vector.broadcast %max3A : f32 to vector<2000x1024xf32>
    %max3A_34 = arith.maximumf %add3A_32, %max3A_33 : vector<2000x1024xf32>
    %slice3A = vector.extract_strided_slice %max3A_34 {offsets = [0, 0], sizes = [2000, 128], strides = [1, 1]} : vector<2000x1024xf32> to vector<2000x128xf32>
    %swap3A = arith.constant 0 : index
    %swap3A_35 = arith.constant 0 : index
    %swap3A_36 = vector.load %arg7[%swap3A, %swap3A_35] : memref<2000x128xf32, #tpu.memory_space<vmem>>, vector<2000x128xf32>
    tpu.vector_store %arg7[%swap3A, %swap3A_35], %slice3A {strides = array<i32>} : memref<2000x128xf32, #tpu.memory_space<vmem>>, vector<2000x128xf32>,
    %slice3A_37 = vector.extract_strided_slice %max3A_34 {offsets = [0, 128], sizes = [2000, 128], strides = [1, 1]} : vector<2000x1024xf32> to vector<2000x128xf32>
    %swap3A_38 = arith.constant 0 : index
    %swap3A_39 = arith.constant 0 : index
    %swap3A_40 = vector.load %arg8[%swap3A_38, %swap3A_39] : memref<2000x128xf32, #tpu.memory_space<vmem>>, vector<2000x128xf32>
    tpu.vector_store %arg8[%swap3A_38, %swap3A_39], %slice3A_37 {strides = array<i32>} : memref<2000x128xf32, #tpu.memory_space<vmem>>, vector<2000x128xf32>,
    %slice3A_41 = vector.extract_strided_slice %max3A_34 {offsets = [0, 256], sizes = [2000, 128], strides = [1, 1]} : vector<2000x1024xf32> to vector<2000x128xf32>
    %swap3A_42 = arith.constant 0 : index
    %swap3A_43 = arith.constant 0 : index
    %swap3A_44 = vector.load %arg9[%swap3A_42, %swap3A_43] : memref<2000x128xf32, #tpu.memory_space<vmem>>, vector<2000x128xf32>
    tpu.vector_store %arg9[%swap3A_42, %swap3A_43], %slice3A_41 {strides = array<i32>} : memref<2000x128xf32, #tpu.memory_space<vmem>>, vector<2000x128xf32>,
    %slice3A_45 = vector.extract_strided_slice %max3A_34 {offsets = [0, 384], sizes = [2000, 128], strides = [1, 1]} : vector<2000x1024xf32> to vector<2000x128xf32>
    %swap3A_46 = arith.constant 0 : index
    %swap3A_47 = arith.constant 0 : index
    %swap3A_48 = vector.load %arg10[%swap3A_46, %swap3A_47] : memref<2000x128xf32, #tpu.memory_space<vmem>>, vector<2000x128xf32>
    tpu.vector_store %arg10[%swap3A_46, %swap3A_47], %slice3A_45 {strides = array<i32>} : memref<2000x128xf32, #tpu.memory_space<vmem>>, vector<2000x128xf32>,
    %slice3A_49 = vector.extract_strided_slice %max3A_34 {offsets = [0, 512], sizes = [2000, 128], strides = [1, 1]} : vector<2000x1024xf32> to vector<2000x128xf32>
    %swap3A_50 = arith.constant 0 : index
    %swap3A_51 = arith.constant 0 : index
    %swap3A_52 = vector.load %arg11[%swap3A_50, %swap3A_51] : memref<2000x128xf32, #tpu.memory_space<vmem>>, vector<2000x128xf32>
    tpu.vector_store %arg11[%swap3A_50, %swap3A_51], %slice3A_49 {strides = array<i32>} : memref<2000x128xf32, #tpu.memory_space<vmem>>, vector<2000x128xf32>,
    %slice3A_53 = vector.extract_strided_slice %max3A_34 {offsets = [0, 640], sizes = [2000, 128], strides = [1, 1]} : vector<2000x1024xf32> to vector<2000x128xf32>
    %swap3A_54 = arith.constant 0 : index
    %swap3A_55 = arith.constant 0 : index
    %swap3A_56 = vector.load %arg12[%swap3A_54, %swap3A_55] : memref<2000x128xf32, #tpu.memory_space<vmem>>, vector<2000x128xf32>
    tpu.vector_store %arg12[%swap3A_54, %swap3A_55], %slice3A_53 {strides = array<i32>} : memref<2000x128xf32, #tpu.memory_space<vmem>>, vector<2000x128xf32>,
    %slice3A_57 = vector.extract_strided_slice %max3A_34 {offsets = [0, 768], sizes = [2000, 128], strides = [1, 1]} : vector<2000x1024xf32> to vector<2000x128xf32>
    %swap3A_58 = arith.constant 0 : index
    %swap3A_59 = arith.constant 0 : index
    %swap3A_60 = vector.load %arg13[%swap3A_58, %swap3A_59] : memref<2000x128xf32, #tpu.memory_space<vmem>>, vector<2000x128xf32>
    tpu.vector_store %arg13[%swap3A_58, %swap3A_59], %slice3A_57 {strides = array<i32>} : memref<2000x128xf32, #tpu.memory_space<vmem>>, vector<2000x128xf32>,
    %slice3A_61 = vector.extract_strided_slice %max3A_34 {offsets = [0, 896], sizes = [2000, 128], strides = [1, 1]} : vector<2000x1024xf32> to vector<2000x128xf32>
    %swap3A_62 = arith.constant 0 : index
    %swap3A_63 = arith.constant 0 : index
    %swap3A_64 = vector.load %arg14[%swap3A_62, %swap3A_63] : memref<2000x128xf32, #tpu.memory_space<vmem>>, vector<2000x128xf32>
    tpu.vector_store %arg14[%swap3A_62, %swap3A_63], %slice3A_61 {strides = array<i32>} : memref<2000x128xf32, #tpu.memory_space<vmem>>, vector<2000x128xf32>,
    return
  }
  func.func @transform_0(%arg0: i32) -> (i32, i32, i32) {
    %c0_i32 = arith.constant 0 : i32
    %c0_i32_0 = arith.constant 0 : i32
    %c0_i32_1 = arith.constant 0 : i32
    return %c0_i32, %arg0, %c0_i32_0 : i32, i32, i32
  }
  func.func @transform_1(%arg0: i32) -> (i32, i32) {
    %c0_i32 = arith.constant 0 : i32
    %c0_i32_0 = arith.constant 0 : i32
    return %arg0, %c0_i32 : i32, i32
  }
  func.func @transform_2(%arg0: i32) -> (i32, i32) {
    %c0_i32 = arith.constant 0 : i32
    %c0_i32_0 = arith.constant 0 : i32
    return %arg0, %c0_i32 : i32, i32
  }
  func.func @transform_3(%arg0: i32) -> (i32, i32) {
    %c0_i32 = arith.constant 0 : i32
    %c0_i32_0 = arith.constant 0 : i32
    %c0_i32_1 = arith.constant 0 : i32
    return %c0_i32, %c0_i32_0 : i32, i32
  }
  func.func @transform_4(%arg0: i32) -> (i32, i32) {
    %c0_i32 = arith.constant 0 : i32
    %c0_i32_0 = arith.constant 0 : i32
    %c0_i32_1 = arith.constant 0 : i32
    return %c0_i32, %c0_i32_0 : i32, i32
  }
  func.func @transform_5(%arg0: i32) -> (i32, i32) {
    %c0_i32 = arith.constant 0 : i32
    %c0_i32_0 = arith.constant 0 : i32
    %c0_i32_1 = arith.constant 0 : i32
    return %c0_i32, %c0_i32_0 : i32, i32
  }
  func.func @transform_6(%arg0: i32) -> (i32, i32) {
    %c0_i32 = arith.constant 0 : i32
    %c0_i32_0 = arith.constant 0 : i32
    return %arg0, %c0_i32 : i32, i32
  }
  func.func @transform_7(%arg0: i32) -> (i32, i32) {
    %c0_i32 = arith.constant 0 : i32
    %c0_i32_0 = arith.constant 0 : i32
    return %arg0, %c0_i32 : i32, i32
  }
  func.func @transform_8(%arg0: i32) -> (i32, i32) {
    %c0_i32 = arith.constant 0 : i32
    %c0_i32_0 = arith.constant 0 : i32
    return %arg0, %c0_i32 : i32, i32
  }
  func.func @transform_9(%arg0: i32) -> (i32, i32) {
    %c0_i32 = arith.constant 0 : i32
    %c0_i32_0 = arith.constant 0 : i32
    return %arg0, %c0_i32 : i32, i32
  }
  func.func @transform_10(%arg0: i32) -> (i32, i32) {
    %c0_i32 = arith.constant 0 : i32
    %c0_i32_0 = arith.constant 0 : i32
    return %arg0, %c0_i32 : i32, i32
  }
  func.func @transform_11(%arg0: i32) -> (i32, i32) {
    %c0_i32 = arith.constant 0 : i32
    %c0_i32_0 = arith.constant 0 : i32
    return %arg0, %c0_i32 : i32, i32
  }
  func.func @transform_12(%arg0: i32) -> (i32, i32) {
    %c0_i32 = arith.constant 0 : i32
    %c0_i32_0 = arith.constant 0 : i32
    return %arg0, %c0_i32 : i32, i32
  }
  func.func @transform_13(%arg0: i32) -> (i32, i32) {
    %c0_i32 = arith.constant 0 : i32
    %c0_i32_0 = arith.constant 0 : i32
    return %arg0, %c0_i32 : i32, i32
  }
}

module attributes {stable_mosaic.version = 14 : i64} {
  func.func @body(%arg0: i32, %arg1: memref<8x2x400x128xf32, #tpu.memory_space<vmem>>, %arg2: memref<400x128xf32, #tpu.memory_space<vmem>>, %arg3: memref<400x128xf32, #tpu.memory_space<vmem>>, %arg4: memref<400x128xf32, #tpu.memory_space<vmem>>, %arg5: memref<400x128xf32, #tpu.memory_space<vmem>>, %arg6: memref<400x128xf32, #tpu.memory_space<vmem>>, %arg7: memref<400x128xf32, #tpu.memory_space<vmem>>, %arg8: memref<400x128xf32, #tpu.memory_space<vmem>>, %arg9: memref<400x128xf32, #tpu.memory_space<vmem>>, %arg10: memref<400x128xf32, #tpu.memory_space<vmem>>, %arg11: memref<1024x1024xf32, #tpu.memory_space<vmem>>, %arg12: memref<1024x1024xf32, #tpu.memory_space<vmem>>, %arg13: memref<1x1024xf32, #tpu.memory_space<vmem>>, %arg14: memref<1024x1024xf32, #tpu.memory_space<vmem>>, %arg15: memref<1x1024xf32, #tpu.memory_space<vmem>>, %arg16: memref<400x1024xf32, #tpu.memory_space<vmem>>, %arg17: memref<8x1024xf32, #tpu.memory_space<vmem>>) attributes {dimension_semantics = [#tpu.dimension_semantics<arbitrary>], iteration_bounds = array<i64: 25>, scalar_prefetch = 0 : i64, scratch_operands = 0 : i64, tpu.core_type = #tpu.core_type<tc>, window_params = [{transform_indices = @transform_0, window_bounds = array<i64: 8, 2, 400, 128>}, {transform_indices = @transform_1, window_bounds = array<i64: 400, 128>}, {transform_indices = @transform_2, window_bounds = array<i64: 400, 128>}, {transform_indices = @transform_3, window_bounds = array<i64: 400, 128>}, {transform_indices = @transform_4, window_bounds = array<i64: 400, 128>}, {transform_indices = @transform_5, window_bounds = array<i64: 400, 128>}, {transform_indices = @transform_6, window_bounds = array<i64: 400, 128>}, {transform_indices = @transform_7, window_bounds = array<i64: 400, 128>}, {transform_indices = @transform_8, window_bounds = array<i64: 400, 128>}, {transform_indices = @transform_9, window_bounds = array<i64: 400, 128>}, {pipeline_mode = #tpu.pipeline_mode<synchronous>, transform_indices = @transform_10, window_bounds = array<i64: 1024, 1024>}, {pipeline_mode = #tpu.pipeline_mode<synchronous>, transform_indices = @transform_11, window_bounds = array<i64: 1024, 1024>}, {pipeline_mode = #tpu.pipeline_mode<synchronous>, transform_indices = @transform_12, window_bounds = array<i64: 1, 1024>}, {pipeline_mode = #tpu.pipeline_mode<synchronous>, transform_indices = @transform_13, window_bounds = array<i64: 1024, 1024>}, {pipeline_mode = #tpu.pipeline_mode<synchronous>, transform_indices = @transform_14, window_bounds = array<i64: 1, 1024>}, {transform_indices = @transform_15, window_bounds = array<i64: 400, 1024>}, {pipeline_mode = #tpu.pipeline_mode<synchronous>, transform_indices = @transform_16, window_bounds = array<i64: 8, 1024>}]} {
    %get3A = arith.constant 0 : index
    %get3A_0 = arith.constant 0 : index
    %get3A_1 = arith.constant 0 : index
    %get3A_2 = arith.constant 0 : index
    %get3A_3 = vector.load %arg1[%get3A, %get3A_0, %get3A_1, %get3A_2] : memref<8x2x400x128xf32, #tpu.memory_space<vmem>>, vector<1x1x400x128xf32>
    %get3A_4 = vector.shape_cast %get3A_3 : vector<1x1x400x128xf32> to vector<400x128xf32>
    %get3A_5 = arith.constant 0 : index
    %get3A_6 = arith.constant 1 : index
    %get3A_7 = arith.constant 0 : index
    %get3A_8 = arith.constant 0 : index
    %get3A_9 = vector.load %arg1[%get3A_5, %get3A_6, %get3A_7, %get3A_8] : memref<8x2x400x128xf32, #tpu.memory_space<vmem>>, vector<1x1x400x128xf32>
    %get3A_10 = vector.shape_cast %get3A_9 : vector<1x1x400x128xf32> to vector<400x128xf32>
    %add3A = arith.addf %get3A_4, %get3A_10 : vector<400x128xf32>
    %get3A_11 = arith.constant 1 : index
    %get3A_12 = arith.constant 0 : index
    %get3A_13 = arith.constant 0 : index
    %get3A_14 = arith.constant 0 : index
    %get3A_15 = vector.load %arg1[%get3A_11, %get3A_12, %get3A_13, %get3A_14] : memref<8x2x400x128xf32, #tpu.memory_space<vmem>>, vector<1x1x400x128xf32>
    %get3A_16 = vector.shape_cast %get3A_15 : vector<1x1x400x128xf32> to vector<400x128xf32>
    %get3A_17 = arith.constant 1 : index
    %get3A_18 = arith.constant 1 : index
    %get3A_19 = arith.constant 0 : index
    %get3A_20 = arith.constant 0 : index
    %get3A_21 = vector.load %arg1[%get3A_17, %get3A_18, %get3A_19, %get3A_20] : memref<8x2x400x128xf32, #tpu.memory_space<vmem>>, vector<1x1x400x128xf32>
    %get3A_22 = vector.shape_cast %get3A_21 : vector<1x1x400x128xf32> to vector<400x128xf32>
    %add3A_23 = arith.addf %get3A_16, %get3A_22 : vector<400x128xf32>
    %get3A_24 = arith.constant 2 : index
    %get3A_25 = arith.constant 0 : index
    %get3A_26 = arith.constant 0 : index
    %get3A_27 = arith.constant 0 : index
    %get3A_28 = vector.load %arg1[%get3A_24, %get3A_25, %get3A_26, %get3A_27] : memref<8x2x400x128xf32, #tpu.memory_space<vmem>>, vector<1x1x400x128xf32>
    %get3A_29 = vector.shape_cast %get3A_28 : vector<1x1x400x128xf32> to vector<400x128xf32>
    %get3A_30 = arith.constant 2 : index
    %get3A_31 = arith.constant 1 : index
    %get3A_32 = arith.constant 0 : index
    %get3A_33 = arith.constant 0 : index
    %get3A_34 = vector.load %arg1[%get3A_30, %get3A_31, %get3A_32, %get3A_33] : memref<8x2x400x128xf32, #tpu.memory_space<vmem>>, vector<1x1x400x128xf32>
    %get3A_35 = vector.shape_cast %get3A_34 : vector<1x1x400x128xf32> to vector<400x128xf32>
    %add3A_36 = arith.addf %get3A_29, %get3A_35 : vector<400x128xf32>
    %get3A_37 = arith.constant 3 : index
    %get3A_38 = arith.constant 0 : index
    %get3A_39 = arith.constant 0 : index
    %get3A_40 = arith.constant 0 : index
    %get3A_41 = vector.load %arg1[%get3A_37, %get3A_38, %get3A_39, %get3A_40] : memref<8x2x400x128xf32, #tpu.memory_space<vmem>>, vector<1x1x400x128xf32>
    %get3A_42 = vector.shape_cast %get3A_41 : vector<1x1x400x128xf32> to vector<400x128xf32>
    %get3A_43 = arith.constant 3 : index
    %get3A_44 = arith.constant 1 : index
    %get3A_45 = arith.constant 0 : index
    %get3A_46 = arith.constant 0 : index
    %get3A_47 = vector.load %arg1[%get3A_43, %get3A_44, %get3A_45, %get3A_46] : memref<8x2x400x128xf32, #tpu.memory_space<vmem>>, vector<1x1x400x128xf32>
    %get3A_48 = vector.shape_cast %get3A_47 : vector<1x1x400x128xf32> to vector<400x128xf32>
    %add3A_49 = arith.addf %get3A_42, %get3A_48 : vector<400x128xf32>
    %get3A_50 = arith.constant 4 : index
    %get3A_51 = arith.constant 0 : index
    %get3A_52 = arith.constant 0 : index
    %get3A_53 = arith.constant 0 : index
    %get3A_54 = vector.load %arg1[%get3A_50, %get3A_51, %get3A_52, %get3A_53] : memref<8x2x400x128xf32, #tpu.memory_space<vmem>>, vector<1x1x400x128xf32>
    %get3A_55 = vector.shape_cast %get3A_54 : vector<1x1x400x128xf32> to vector<400x128xf32>
    %get3A_56 = arith.constant 4 : index
    %get3A_57 = arith.constant 1 : index
    %get3A_58 = arith.constant 0 : index
    %get3A_59 = arith.constant 0 : index
    %get3A_60 = vector.load %arg1[%get3A_56, %get3A_57, %get3A_58, %get3A_59] : memref<8x2x400x128xf32, #tpu.memory_space<vmem>>, vector<1x1x400x128xf32>
    %get3A_61 = vector.shape_cast %get3A_60 : vector<1x1x400x128xf32> to vector<400x128xf32>
    %add3A_62 = arith.addf %get3A_55, %get3A_61 : vector<400x128xf32>
    %get3A_63 = arith.constant 5 : index
    %get3A_64 = arith.constant 0 : index
    %get3A_65 = arith.constant 0 : index
    %get3A_66 = arith.constant 0 : index
    %get3A_67 = vector.load %arg1[%get3A_63, %get3A_64, %get3A_65, %get3A_66] : memref<8x2x400x128xf32, #tpu.memory_space<vmem>>, vector<1x1x400x128xf32>
    %get3A_68 = vector.shape_cast %get3A_67 : vector<1x1x400x128xf32> to vector<400x128xf32>
    %get3A_69 = arith.constant 5 : index
    %get3A_70 = arith.constant 1 : index
    %get3A_71 = arith.constant 0 : index
    %get3A_72 = arith.constant 0 : index
    %get3A_73 = vector.load %arg1[%get3A_69, %get3A_70, %get3A_71, %get3A_72] : memref<8x2x400x128xf32, #tpu.memory_space<vmem>>, vector<1x1x400x128xf32>
    %get3A_74 = vector.shape_cast %get3A_73 : vector<1x1x400x128xf32> to vector<400x128xf32>
    %add3A_75 = arith.addf %get3A_68, %get3A_74 : vector<400x128xf32>
    %get3A_76 = arith.constant 6 : index
    %get3A_77 = arith.constant 0 : index
    %get3A_78 = arith.constant 0 : index
    %get3A_79 = arith.constant 0 : index
    %get3A_80 = vector.load %arg1[%get3A_76, %get3A_77, %get3A_78, %get3A_79] : memref<8x2x400x128xf32, #tpu.memory_space<vmem>>, vector<1x1x400x128xf32>
    %get3A_81 = vector.shape_cast %get3A_80 : vector<1x1x400x128xf32> to vector<400x128xf32>
    %get3A_82 = arith.constant 6 : index
    %get3A_83 = arith.constant 1 : index
    %get3A_84 = arith.constant 0 : index
    %get3A_85 = arith.constant 0 : index
    %get3A_86 = vector.load %arg1[%get3A_82, %get3A_83, %get3A_84, %get3A_85] : memref<8x2x400x128xf32, #tpu.memory_space<vmem>>, vector<1x1x400x128xf32>
    %get3A_87 = vector.shape_cast %get3A_86 : vector<1x1x400x128xf32> to vector<400x128xf32>
    %add3A_88 = arith.addf %get3A_81, %get3A_87 : vector<400x128xf32>
    %get3A_89 = arith.constant 7 : index
    %get3A_90 = arith.constant 0 : index
    %get3A_91 = arith.constant 0 : index
    %get3A_92 = arith.constant 0 : index
    %get3A_93 = vector.load %arg1[%get3A_89, %get3A_90, %get3A_91, %get3A_92] : memref<8x2x400x128xf32, #tpu.memory_space<vmem>>, vector<1x1x400x128xf32>
    %get3A_94 = vector.shape_cast %get3A_93 : vector<1x1x400x128xf32> to vector<400x128xf32>
    %get3A_95 = arith.constant 7 : index
    %get3A_96 = arith.constant 1 : index
    %get3A_97 = arith.constant 0 : index
    %get3A_98 = arith.constant 0 : index
    %get3A_99 = vector.load %arg1[%get3A_95, %get3A_96, %get3A_97, %get3A_98] : memref<8x2x400x128xf32, #tpu.memory_space<vmem>>, vector<1x1x400x128xf32>
    %get3A_100 = vector.shape_cast %get3A_99 : vector<1x1x400x128xf32> to vector<400x128xf32>
    %add3A_101 = arith.addf %get3A_94, %get3A_100 : vector<400x128xf32>
    %concatenate3A = tpu.concatenate %add3A, %add3A_23, %add3A_36, %add3A_49, %add3A_62, %add3A_75, %add3A_88, %add3A_101 in 1 : vector<400x128xf32>, vector<400x128xf32>, vector<400x128xf32>, vector<400x128xf32>, vector<400x128xf32>, vector<400x128xf32>, vector<400x128xf32>, vector<400x128xf32> -> vector<400x1024xf32>
    %get3A_102 = arith.constant 0 : index
    %get3A_103 = arith.constant 0 : index
    %get3A_104 = vector.load %arg2[%get3A_102, %get3A_103] : memref<400x128xf32, #tpu.memory_space<vmem>>, vector<400x128xf32>
    %get3A_105 = arith.constant 0 : index
    %get3A_106 = arith.constant 0 : index
    %get3A_107 = vector.load %arg3[%get3A_105, %get3A_106] : memref<400x128xf32, #tpu.memory_space<vmem>>, vector<400x128xf32>
    %get3A_108 = arith.constant 0 : index
    %get3A_109 = arith.constant 0 : index
    %get3A_110 = vector.load %arg4[%get3A_108, %get3A_109] : memref<400x128xf32, #tpu.memory_space<vmem>>, vector<400x128xf32>
    %get3A_111 = arith.constant 0 : index
    %get3A_112 = arith.constant 0 : index
    %get3A_113 = vector.load %arg5[%get3A_111, %get3A_112] : memref<400x128xf32, #tpu.memory_space<vmem>>, vector<400x128xf32>
    %get3A_114 = arith.constant 0 : index
    %get3A_115 = arith.constant 0 : index
    %get3A_116 = vector.load %arg6[%get3A_114, %get3A_115] : memref<400x128xf32, #tpu.memory_space<vmem>>, vector<400x128xf32>
    %get3A_117 = arith.constant 0 : index
    %get3A_118 = arith.constant 0 : index
    %get3A_119 = vector.load %arg7[%get3A_117, %get3A_118] : memref<400x128xf32, #tpu.memory_space<vmem>>, vector<400x128xf32>
    %get3A_120 = arith.constant 0 : index
    %get3A_121 = arith.constant 0 : index
    %get3A_122 = vector.load %arg8[%get3A_120, %get3A_121] : memref<400x128xf32, #tpu.memory_space<vmem>>, vector<400x128xf32>
    %get3A_123 = arith.constant 0 : index
    %get3A_124 = arith.constant 0 : index
    %get3A_125 = vector.load %arg9[%get3A_123, %get3A_124] : memref<400x128xf32, #tpu.memory_space<vmem>>, vector<400x128xf32>
    %concatenate3A_126 = tpu.concatenate %get3A_104, %get3A_107, %get3A_110, %get3A_113, %get3A_116, %get3A_119, %get3A_122, %get3A_125 in 1 : vector<400x128xf32>, vector<400x128xf32>, vector<400x128xf32>, vector<400x128xf32>, vector<400x128xf32>, vector<400x128xf32>, vector<400x128xf32>, vector<400x128xf32> -> vector<400x1024xf32>
    %get3A_127 = arith.constant 0 : index
    %get3A_128 = arith.constant 0 : index
    %get3A_129 = vector.load %arg10[%get3A_127, %get3A_128] : memref<400x128xf32, #tpu.memory_space<vmem>>, vector<400x1xf32>
    %div3A = vector.broadcast %get3A_129 : vector<400x1xf32> to vector<400x1024xf32>
    %div3A_130 = arith.divf %concatenate3A, %div3A : vector<400x1024xf32>
    %get3A_131 = arith.constant 0 : index
    %get3A_132 = arith.constant 0 : index
    %get3A_133 = vector.load %arg11[%get3A_131, %get3A_132] : memref<1024x1024xf32, #tpu.memory_space<vmem>>, vector<1024x1024xf32>
    %convert_element_type3A = arith.truncf %div3A_130 : vector<400x1024xf32> to vector<400x1024xbf16>
    %convert_element_type3A_134 = arith.truncf %get3A_133 : vector<1024x1024xf32> to vector<1024x1024xbf16>
    %dot_general3A = arith.constant dense<0.000000e+00> : vector<400x1024xf32>
    %dot_general3A_135 = tpu.matmul %convert_element_type3A, %convert_element_type3A_134, %dot_general3A {dimension_numbers = #tpu.dot_dimension_numbers<[1], [1], [0], [0], [0, 0, 1, 0], [], []>, transpose_lhs_hint = false} : vector<400x1024xbf16>, vector<1024x1024xbf16>, vector<400x1024xf32> -> vector<400x1024xf32>
    %get3A_136 = arith.constant 0 : index
    %get3A_137 = arith.constant 0 : index
    %get3A_138 = vector.load %arg12[%get3A_136, %get3A_137] : memref<1024x1024xf32, #tpu.memory_space<vmem>>, vector<1024x1024xf32>
    %convert_element_type3A_139 = arith.truncf %concatenate3A_126 : vector<400x1024xf32> to vector<400x1024xbf16>
    %convert_element_type3A_140 = arith.truncf %get3A_138 : vector<1024x1024xf32> to vector<1024x1024xbf16>
    %dot_general3A_141 = arith.constant dense<0.000000e+00> : vector<400x1024xf32>
    %dot_general3A_142 = tpu.matmul %convert_element_type3A_139, %convert_element_type3A_140, %dot_general3A_141 {dimension_numbers = #tpu.dot_dimension_numbers<[1], [1], [0], [0], [0, 0, 1, 0], [], []>, transpose_lhs_hint = false} : vector<400x1024xbf16>, vector<1024x1024xbf16>, vector<400x1024xf32> -> vector<400x1024xf32>
    %add3A_143 = arith.addf %dot_general3A_135, %dot_general3A_142 : vector<400x1024xf32>
    %get3A_144 = arith.constant 0 : index
    %get3A_145 = arith.constant 0 : index
    %get3A_146 = vector.load %arg13[%get3A_144, %get3A_145] : memref<1x1024xf32, #tpu.memory_space<vmem>>, vector<1x1024xf32>
    %add3A_147 = vector.broadcast %get3A_146 : vector<1x1024xf32> to vector<400x1024xf32>
    %add3A_148 = arith.addf %add3A_143, %add3A_147 : vector<400x1024xf32>
    %max3A = arith.constant 0.000000e+00 : f32
    %max3A_149 = vector.broadcast %max3A : f32 to vector<400x1024xf32>
    %max3A_150 = arith.maximumf %add3A_148, %max3A_149 : vector<400x1024xf32>
    %get3A_151 = arith.constant 0 : index
    %get3A_152 = arith.constant 0 : index
    %get3A_153 = vector.load %arg14[%get3A_151, %get3A_152] : memref<1024x1024xf32, #tpu.memory_space<vmem>>, vector<1024x1024xf32>
    %convert_element_type3A_154 = arith.truncf %max3A_150 : vector<400x1024xf32> to vector<400x1024xbf16>
    %convert_element_type3A_155 = arith.truncf %get3A_153 : vector<1024x1024xf32> to vector<1024x1024xbf16>
    %dot_general3A_156 = arith.constant dense<0.000000e+00> : vector<400x1024xf32>
    %dot_general3A_157 = tpu.matmul %convert_element_type3A_154, %convert_element_type3A_155, %dot_general3A_156 {dimension_numbers = #tpu.dot_dimension_numbers<[1], [1], [0], [0], [0, 0, 1, 0], [], []>, transpose_lhs_hint = false} : vector<400x1024xbf16>, vector<1024x1024xbf16>, vector<400x1024xf32> -> vector<400x1024xf32>
    %get3A_158 = arith.constant 0 : index
    %get3A_159 = arith.constant 0 : index
    %get3A_160 = vector.load %arg15[%get3A_158, %get3A_159] : memref<1x1024xf32, #tpu.memory_space<vmem>>, vector<1x1024xf32>
    %add3A_161 = vector.broadcast %get3A_160 : vector<1x1024xf32> to vector<400x1024xf32>
    %add3A_162 = arith.addf %dot_general3A_157, %add3A_161 : vector<400x1024xf32>
    %swap3A = arith.constant 0 : index
    %swap3A_163 = arith.constant 0 : index
    %swap3A_164 = vector.load %arg16[%swap3A, %swap3A_163] : memref<400x1024xf32, #tpu.memory_space<vmem>>, vector<400x1024xf32>
    tpu.vector_store %arg16[%swap3A, %swap3A_163], %add3A_162 {strides = array<i32>} : memref<400x1024xf32, #tpu.memory_space<vmem>>, vector<400x1024xf32>,
    %eq3A = arith.constant 0 : i32
    %eq3A_165 = arith.cmpi eq, %arg0, %eq3A : i32
    %convert_element_type3A_166 = arith.extui %eq3A_165 : i1 to i32
    %cond3A = arith.constant 0 : i32
    %cond3A_167 = arith.cmpi ne, %convert_element_type3A_166, %cond3A : i32
    scf.if %cond3A_167 {
      %broadcast_in_dim3A_190 = arith.constant 0.000000e+00 : f32
      %broadcast_in_dim3A_191 = vector.broadcast %broadcast_in_dim3A_190 : f32 to vector<8x1024xf32>
      %swap3A_192 = arith.constant 0 : index
      %swap3A_193 = arith.constant 0 : index
      %swap3A_194 = vector.load %arg17[%swap3A_192, %swap3A_193] : memref<8x1024xf32, #tpu.memory_space<vmem>>, vector<8x1024xf32>
      tpu.vector_store %arg17[%swap3A_192, %swap3A_193], %broadcast_in_dim3A_191 {strides = array<i32>} : memref<8x1024xf32, #tpu.memory_space<vmem>>, vector<8x1024xf32>,
      %reduce_sum3A_195 = arith.constant dense<0.000000e+00> : vector<1024xf32>
      %reduce_sum3A_196 = vector.multi_reduction <add>, %add3A_162, %reduce_sum3A_195 [0] : vector<400x1024xf32> to vector<1024xf32>
      %broadcast_in_dim3A_197 = vector.shape_cast %reduce_sum3A_196 : vector<1024xf32> to vector<1x1024xf32>
      %div3A_198 = arith.constant 4.000000e+02 : f32
      %div3A_199 = vector.broadcast %div3A_198 : f32 to vector<1x1024xf32>
      %div3A_200 = arith.divf %broadcast_in_dim3A_197, %div3A_199 : vector<1x1024xf32>
      %swap3A_201 = arith.constant 2 : index
      %swap3A_202 = arith.constant 0 : index
      %swap3A_203 = vector.load %arg17[%swap3A_201, %swap3A_202] : memref<8x1024xf32, #tpu.memory_space<vmem>>, vector<1x1024xf32>
      tpu.vector_store %arg17[%swap3A_201, %swap3A_202], %div3A_200 {strides = array<i32>} : memref<8x1024xf32, #tpu.memory_space<vmem>>, vector<1x1024xf32>,
    } else {
    }
    %get3A_168 = arith.constant 2 : index
    %get3A_169 = arith.constant 0 : index
    %get3A_170 = vector.load %arg17[%get3A_168, %get3A_169] : memref<8x1024xf32, #tpu.memory_space<vmem>>, vector<1x1024xf32>
    %sub3A = vector.broadcast %get3A_170 : vector<1x1024xf32> to vector<400x1024xf32>
    %sub3A_171 = arith.subf %add3A_162, %sub3A : vector<400x1024xf32>
    %get3A_172 = arith.constant 0 : index
    %get3A_173 = arith.constant 0 : index
    %get3A_174 = vector.load %arg17[%get3A_172, %get3A_173] : memref<8x1024xf32, #tpu.memory_space<vmem>>, vector<1x1024xf32>
    %reduce_sum3A = arith.constant dense<0.000000e+00> : vector<1024xf32>
    %reduce_sum3A_175 = vector.multi_reduction <add>, %sub3A_171, %reduce_sum3A [0] : vector<400x1024xf32> to vector<1024xf32>
    %broadcast_in_dim3A = vector.shape_cast %reduce_sum3A_175 : vector<1024xf32> to vector<1x1024xf32>
    %add3A_176 = arith.addf %get3A_174, %broadcast_in_dim3A : vector<1x1024xf32>
    %swap3A_177 = arith.constant 0 : index
    %swap3A_178 = arith.constant 0 : index
    %swap3A_179 = vector.load %arg17[%swap3A_177, %swap3A_178] : memref<8x1024xf32, #tpu.memory_space<vmem>>, vector<1x1024xf32>
    tpu.vector_store %arg17[%swap3A_177, %swap3A_178], %add3A_176 {strides = array<i32>} : memref<8x1024xf32, #tpu.memory_space<vmem>>, vector<1x1024xf32>,
    %get3A_180 = arith.constant 1 : index
    %get3A_181 = arith.constant 0 : index
    %get3A_182 = vector.load %arg17[%get3A_180, %get3A_181] : memref<8x1024xf32, #tpu.memory_space<vmem>>, vector<1x1024xf32>
    %mul3A = arith.mulf %sub3A_171, %sub3A_171 : vector<400x1024xf32>
    %reduce_sum3A_183 = arith.constant dense<0.000000e+00> : vector<1024xf32>
    %reduce_sum3A_184 = vector.multi_reduction <add>, %mul3A, %reduce_sum3A_183 [0] : vector<400x1024xf32> to vector<1024xf32>
    %broadcast_in_dim3A_185 = vector.shape_cast %reduce_sum3A_184 : vector<1024xf32> to vector<1x1024xf32>
    %add3A_186 = arith.addf %get3A_182, %broadcast_in_dim3A_185 : vector<1x1024xf32>
    %swap3A_187 = arith.constant 1 : index
    %swap3A_188 = arith.constant 0 : index
    %swap3A_189 = vector.load %arg17[%swap3A_187, %swap3A_188] : memref<8x1024xf32, #tpu.memory_space<vmem>>, vector<1x1024xf32>
    tpu.vector_store %arg17[%swap3A_187, %swap3A_188], %add3A_186 {strides = array<i32>} : memref<8x1024xf32, #tpu.memory_space<vmem>>, vector<1x1024xf32>,
    return
  }
  func.func @transform_0(%arg0: i32) -> (i32, i32, i32, i32) {
    %c0_i32 = arith.constant 0 : i32
    %c0_i32_0 = arith.constant 0 : i32
    %c0_i32_1 = arith.constant 0 : i32
    %c0_i32_2 = arith.constant 0 : i32
    return %c0_i32, %c0_i32_0, %arg0, %c0_i32_1 : i32, i32, i32, i32
  }
  func.func @transform_1(%arg0: i32) -> (i32, i32) {
    %c0_i32 = arith.constant 0 : i32
    %c0_i32_0 = arith.constant 0 : i32
    return %arg0, %c0_i32 : i32, i32
  }
  func.func @transform_2(%arg0: i32) -> (i32, i32) {
    %c0_i32 = arith.constant 0 : i32
    %c0_i32_0 = arith.constant 0 : i32
    return %arg0, %c0_i32 : i32, i32
  }
  func.func @transform_3(%arg0: i32) -> (i32, i32) {
    %c0_i32 = arith.constant 0 : i32
    %c0_i32_0 = arith.constant 0 : i32
    return %arg0, %c0_i32 : i32, i32
  }
  func.func @transform_4(%arg0: i32) -> (i32, i32) {
    %c0_i32 = arith.constant 0 : i32
    %c0_i32_0 = arith.constant 0 : i32
    return %arg0, %c0_i32 : i32, i32
  }
  func.func @transform_5(%arg0: i32) -> (i32, i32) {
    %c0_i32 = arith.constant 0 : i32
    %c0_i32_0 = arith.constant 0 : i32
    return %arg0, %c0_i32 : i32, i32
  }
  func.func @transform_6(%arg0: i32) -> (i32, i32) {
    %c0_i32 = arith.constant 0 : i32
    %c0_i32_0 = arith.constant 0 : i32
    return %arg0, %c0_i32 : i32, i32
  }
  func.func @transform_7(%arg0: i32) -> (i32, i32) {
    %c0_i32 = arith.constant 0 : i32
    %c0_i32_0 = arith.constant 0 : i32
    return %arg0, %c0_i32 : i32, i32
  }
  func.func @transform_8(%arg0: i32) -> (i32, i32) {
    %c0_i32 = arith.constant 0 : i32
    %c0_i32_0 = arith.constant 0 : i32
    return %arg0, %c0_i32 : i32, i32
  }
  func.func @transform_9(%arg0: i32) -> (i32, i32) {
    %c0_i32 = arith.constant 0 : i32
    %c0_i32_0 = arith.constant 0 : i32
    return %arg0, %c0_i32 : i32, i32
  }
  func.func @transform_10(%arg0: i32) -> (i32, i32) {
    %c0_i32 = arith.constant 0 : i32
    %c0_i32_0 = arith.constant 0 : i32
    %c0_i32_1 = arith.constant 0 : i32
    return %c0_i32, %c0_i32_0 : i32, i32
  }
  func.func @transform_11(%arg0: i32) -> (i32, i32) {
    %c0_i32 = arith.constant 0 : i32
    %c0_i32_0 = arith.constant 0 : i32
    %c0_i32_1 = arith.constant 0 : i32
    return %c0_i32, %c0_i32_0 : i32, i32
  }
  func.func @transform_12(%arg0: i32) -> (i32, i32) {
    %c0_i32 = arith.constant 0 : i32
    %c0_i32_0 = arith.constant 0 : i32
    %c0_i32_1 = arith.constant 0 : i32
    return %c0_i32, %c0_i32_0 : i32, i32
  }
  func.func @transform_13(%arg0: i32) -> (i32, i32) {
    %c0_i32 = arith.constant 0 : i32
    %c0_i32_0 = arith.constant 0 : i32
    %c0_i32_1 = arith.constant 0 : i32
    return %c0_i32, %c0_i32_0 : i32, i32
  }
  func.func @transform_14(%arg0: i32) -> (i32, i32) {
    %c0_i32 = arith.constant 0 : i32
    %c0_i32_0 = arith.constant 0 : i32
    %c0_i32_1 = arith.constant 0 : i32
    return %c0_i32, %c0_i32_0 : i32, i32
  }
  func.func @transform_15(%arg0: i32) -> (i32, i32) {
    %c0_i32 = arith.constant 0 : i32
    %c0_i32_0 = arith.constant 0 : i32
    return %arg0, %c0_i32 : i32, i32
  }
  func.func @transform_16(%arg0: i32) -> (i32, i32) {
    %c0_i32 = arith.constant 0 : i32
    %c0_i32_0 = arith.constant 0 : i32
    %c0_i32_1 = arith.constant 0 : i32
    return %c0_i32, %c0_i32_0 : i32, i32
  }
}

module attributes {stable_mosaic.version = 14 : i64} {
  func.func @body(%arg0: i32, %arg1: memref<2000x1024xf32, #tpu.memory_space<vmem>>, %arg2: memref<8x1024xf32, #tpu.memory_space<vmem>>, %arg3: memref<1x1024xf32, #tpu.memory_space<vmem>>, %arg4: memref<1x1024xf32, #tpu.memory_space<vmem>>, %arg5: memref<1x1024xf32, #tpu.memory_space<vmem>>, %arg6: memref<128x1024xf32, #tpu.memory_space<vmem>>, %arg7: memref<1x128xf32, #tpu.memory_space<vmem>>, %arg8: memref<2000x128xf32, #tpu.memory_space<vmem>>, %arg9: memref<8x128xf32, #tpu.memory_space<vmem>>) attributes {dimension_semantics = [#tpu.dimension_semantics<arbitrary>], iteration_bounds = array<i64: 5>, scalar_prefetch = 0 : i64, scratch_operands = 0 : i64, tpu.core_type = #tpu.core_type<tc>, window_params = [{transform_indices = @transform_0, window_bounds = array<i64: 2000, 1024>}, {pipeline_mode = #tpu.pipeline_mode<synchronous>, transform_indices = @transform_1, window_bounds = array<i64: 8, 1024>}, {pipeline_mode = #tpu.pipeline_mode<synchronous>, transform_indices = @transform_2, window_bounds = array<i64: 1, 1024>}, {pipeline_mode = #tpu.pipeline_mode<synchronous>, transform_indices = @transform_3, window_bounds = array<i64: 1, 1024>}, {pipeline_mode = #tpu.pipeline_mode<synchronous>, transform_indices = @transform_4, window_bounds = array<i64: 1, 1024>}, {pipeline_mode = #tpu.pipeline_mode<synchronous>, transform_indices = @transform_5, window_bounds = array<i64: 128, 1024>}, {pipeline_mode = #tpu.pipeline_mode<synchronous>, transform_indices = @transform_6, window_bounds = array<i64: 1, 128>}, {transform_indices = @transform_7, window_bounds = array<i64: 2000, 128>}, {pipeline_mode = #tpu.pipeline_mode<synchronous>, transform_indices = @transform_8, window_bounds = array<i64: 8, 128>}]} {
    %get3A = arith.constant 0 : index
    %get3A_0 = arith.constant 0 : index
    %get3A_1 = vector.load %arg2[%get3A, %get3A_0] : memref<8x1024xf32, #tpu.memory_space<vmem>>, vector<1x1024xf32>
    %mul3A = arith.constant 9.99999974E-5 : f32
    %mul3A_2 = vector.broadcast %mul3A : f32 to vector<1x1024xf32>
    %mul3A_3 = arith.mulf %get3A_1, %mul3A_2 : vector<1x1024xf32>
    %get3A_4 = arith.constant 2 : index
    %get3A_5 = arith.constant 0 : index
    %get3A_6 = vector.load %arg2[%get3A_4, %get3A_5] : memref<8x1024xf32, #tpu.memory_space<vmem>>, vector<1x1024xf32>
    %add3A = arith.addf %get3A_6, %mul3A_3 : vector<1x1024xf32>
    %get3A_7 = arith.constant 1 : index
    %get3A_8 = arith.constant 0 : index
    %get3A_9 = vector.load %arg2[%get3A_7, %get3A_8] : memref<8x1024xf32, #tpu.memory_space<vmem>>, vector<1x1024xf32>
    %mul3A_10 = arith.constant 9.99999974E-5 : f32
    %mul3A_11 = vector.broadcast %mul3A_10 : f32 to vector<1x1024xf32>
    %mul3A_12 = arith.mulf %get3A_9, %mul3A_11 : vector<1x1024xf32>
    %mul3A_13 = arith.mulf %mul3A_3, %mul3A_3 : vector<1x1024xf32>
    %sub3A = arith.subf %mul3A_12, %mul3A_13 : vector<1x1024xf32>
    %get3A_14 = arith.constant 0 : index
    %get3A_15 = arith.constant 0 : index
    %get3A_16 = vector.load %arg3[%get3A_14, %get3A_15] : memref<1x1024xf32, #tpu.memory_space<vmem>>, vector<1x1024xf32>
    %get3A_17 = arith.constant 0 : index
    %get3A_18 = arith.constant 0 : index
    %get3A_19 = vector.load %arg1[%get3A_17, %get3A_18] : memref<2000x1024xf32, #tpu.memory_space<vmem>>, vector<2000x1024xf32>
    %sub3A_20 = vector.broadcast %add3A : vector<1x1024xf32> to vector<2000x1024xf32>
    %sub3A_21 = arith.subf %get3A_19, %sub3A_20 : vector<2000x1024xf32>
    %mul3A_22 = vector.broadcast %get3A_16 : vector<1x1024xf32> to vector<2000x1024xf32>
    %mul3A_23 = arith.mulf %mul3A_22, %sub3A_21 : vector<2000x1024xf32>
    %add3A_24 = arith.constant 9.99999974E-6 : f32
    %add3A_25 = vector.broadcast %add3A_24 : f32 to vector<1x1024xf32>
    %add3A_26 = arith.addf %sub3A, %add3A_25 : vector<1x1024xf32>
    %sqrt3A = math.sqrt %add3A_26 : vector<1x1024xf32>
    %div3A = vector.broadcast %sqrt3A : vector<1x1024xf32> to vector<2000x1024xf32>
    %div3A_27 = arith.divf %mul3A_23, %div3A : vector<2000x1024xf32>
    %get3A_28 = arith.constant 0 : index
    %get3A_29 = arith.constant 0 : index
    %get3A_30 = vector.load %arg4[%get3A_28, %get3A_29] : memref<1x1024xf32, #tpu.memory_space<vmem>>, vector<1x1024xf32>
    %add3A_31 = vector.broadcast %get3A_30 : vector<1x1024xf32> to vector<2000x1024xf32>
    %add3A_32 = arith.addf %div3A_27, %add3A_31 : vector<2000x1024xf32>
    %ge3A = arith.constant 0.000000e+00 : f32
    %ge3A_33 = vector.broadcast %ge3A : f32 to vector<2000x1024xf32>
    %ge3A_34 = arith.cmpf oge, %add3A_32, %ge3A_33 : vector<2000x1024xf32>
    %get3A_35 = arith.constant 0 : index
    %get3A_36 = arith.constant 0 : index
    %get3A_37 = vector.load %arg5[%get3A_35, %get3A_36] : memref<1x1024xf32, #tpu.memory_space<vmem>>, vector<1x1024xf32>
    %mul3A_38 = vector.broadcast %get3A_37 : vector<1x1024xf32> to vector<2000x1024xf32>
    %mul3A_39 = arith.mulf %mul3A_38, %add3A_32 : vector<2000x1024xf32>
    %select_n3A = arith.select %ge3A_34, %add3A_32, %mul3A_39 : vector<2000x1024xi1>, vector<2000x1024xf32>
    %get3A_40 = arith.constant 0 : index
    %get3A_41 = arith.constant 0 : index
    %get3A_42 = vector.load %arg6[%get3A_40, %get3A_41] : memref<128x1024xf32, #tpu.memory_space<vmem>>, vector<128x1024xf32>
    %convert_element_type3A = arith.truncf %select_n3A : vector<2000x1024xf32> to vector<2000x1024xbf16>
    %convert_element_type3A_43 = arith.truncf %get3A_42 : vector<128x1024xf32> to vector<128x1024xbf16>
    %dot_general3A = arith.constant dense<0.000000e+00> : vector<2000x128xf32>
    %dot_general3A_44 = tpu.matmul %convert_element_type3A, %convert_element_type3A_43, %dot_general3A {dimension_numbers = #tpu.dot_dimension_numbers<[1], [1], [0], [0], [0, 0, 1, 0], [], []>, transpose_lhs_hint = false} : vector<2000x1024xbf16>, vector<128x1024xbf16>, vector<2000x128xf32> -> vector<2000x128xf32>
    %get3A_45 = arith.constant 0 : index
    %get3A_46 = arith.constant 0 : index
    %get3A_47 = vector.load %arg7[%get3A_45, %get3A_46] : memref<1x128xf32, #tpu.memory_space<vmem>>, vector<1x128xf32>
    %add3A_48 = vector.broadcast %get3A_47 : vector<1x128xf32> to vector<2000x128xf32>
    %add3A_49 = arith.addf %dot_general3A_44, %add3A_48 : vector<2000x128xf32>
    %swap3A = arith.constant 0 : index
    %swap3A_50 = arith.constant 0 : index
    %swap3A_51 = vector.load %arg8[%swap3A, %swap3A_50] : memref<2000x128xf32, #tpu.memory_space<vmem>>, vector<2000x128xf32>
    tpu.vector_store %arg8[%swap3A, %swap3A_50], %add3A_49 {strides = array<i32>} : memref<2000x128xf32, #tpu.memory_space<vmem>>, vector<2000x128xf32>,
    %eq3A = arith.constant 0 : i32
    %eq3A_52 = arith.cmpi eq, %arg0, %eq3A : i32
    %convert_element_type3A_53 = arith.extui %eq3A_52 : i1 to i32
    %cond3A = arith.constant 0 : i32
    %cond3A_54 = arith.cmpi ne, %convert_element_type3A_53, %cond3A : i32
    scf.if %cond3A_54 {
      %broadcast_in_dim3A_79 = arith.constant 0.000000e+00 : f32
      %broadcast_in_dim3A_80 = vector.broadcast %broadcast_in_dim3A_79 : f32 to vector<8x128xf32>
      %swap3A_81 = arith.constant 0 : index
      %swap3A_82 = arith.constant 0 : index
      %swap3A_83 = vector.load %arg9[%swap3A_81, %swap3A_82] : memref<8x128xf32, #tpu.memory_space<vmem>>, vector<8x128xf32>
      tpu.vector_store %arg9[%swap3A_81, %swap3A_82], %broadcast_in_dim3A_80 {strides = array<i32>} : memref<8x128xf32, #tpu.memory_space<vmem>>, vector<8x128xf32>,
      %reduce_sum3A_84 = arith.constant dense<0.000000e+00> : vector<128xf32>
      %reduce_sum3A_85 = vector.multi_reduction <add>, %add3A_49, %reduce_sum3A_84 [0] : vector<2000x128xf32> to vector<128xf32>
      %broadcast_in_dim3A_86 = vector.shape_cast %reduce_sum3A_85 : vector<128xf32> to vector<1x128xf32>
      %div3A_87 = arith.constant 2.000000e+03 : f32
      %div3A_88 = vector.broadcast %div3A_87 : f32 to vector<1x128xf32>
      %div3A_89 = arith.divf %broadcast_in_dim3A_86, %div3A_88 : vector<1x128xf32>
      %swap3A_90 = arith.constant 2 : index
      %swap3A_91 = arith.constant 0 : index
      %swap3A_92 = vector.load %arg9[%swap3A_90, %swap3A_91] : memref<8x128xf32, #tpu.memory_space<vmem>>, vector<1x128xf32>
      tpu.vector_store %arg9[%swap3A_90, %swap3A_91], %div3A_89 {strides = array<i32>} : memref<8x128xf32, #tpu.memory_space<vmem>>, vector<1x128xf32>,
    } else {
    }
    %get3A_55 = arith.constant 2 : index
    %get3A_56 = arith.constant 0 : index
    %get3A_57 = vector.load %arg9[%get3A_55, %get3A_56] : memref<8x128xf32, #tpu.memory_space<vmem>>, vector<1x128xf32>
    %sub3A_58 = vector.broadcast %get3A_57 : vector<1x128xf32> to vector<2000x128xf32>
    %sub3A_59 = arith.subf %add3A_49, %sub3A_58 : vector<2000x128xf32>
    %get3A_60 = arith.constant 0 : index
    %get3A_61 = arith.constant 0 : index
    %get3A_62 = vector.load %arg9[%get3A_60, %get3A_61] : memref<8x128xf32, #tpu.memory_space<vmem>>, vector<1x128xf32>
    %reduce_sum3A = arith.constant dense<0.000000e+00> : vector<128xf32>
    %reduce_sum3A_63 = vector.multi_reduction <add>, %sub3A_59, %reduce_sum3A [0] : vector<2000x128xf32> to vector<128xf32>
    %broadcast_in_dim3A = vector.shape_cast %reduce_sum3A_63 : vector<128xf32> to vector<1x128xf32>
    %add3A_64 = arith.addf %get3A_62, %broadcast_in_dim3A : vector<1x128xf32>
    %swap3A_65 = arith.constant 0 : index
    %swap3A_66 = arith.constant 0 : index
    %swap3A_67 = vector.load %arg9[%swap3A_65, %swap3A_66] : memref<8x128xf32, #tpu.memory_space<vmem>>, vector<1x128xf32>
    tpu.vector_store %arg9[%swap3A_65, %swap3A_66], %add3A_64 {strides = array<i32>} : memref<8x128xf32, #tpu.memory_space<vmem>>, vector<1x128xf32>,
    %get3A_68 = arith.constant 1 : index
    %get3A_69 = arith.constant 0 : index
    %get3A_70 = vector.load %arg9[%get3A_68, %get3A_69] : memref<8x128xf32, #tpu.memory_space<vmem>>, vector<1x128xf32>
    %mul3A_71 = arith.mulf %sub3A_59, %sub3A_59 : vector<2000x128xf32>
    %reduce_sum3A_72 = arith.constant dense<0.000000e+00> : vector<128xf32>
    %reduce_sum3A_73 = vector.multi_reduction <add>, %mul3A_71, %reduce_sum3A_72 [0] : vector<2000x128xf32> to vector<128xf32>
    %broadcast_in_dim3A_74 = vector.shape_cast %reduce_sum3A_73 : vector<128xf32> to vector<1x128xf32>
    %add3A_75 = arith.addf %get3A_70, %broadcast_in_dim3A_74 : vector<1x128xf32>
    %swap3A_76 = arith.constant 1 : index
    %swap3A_77 = arith.constant 0 : index
    %swap3A_78 = vector.load %arg9[%swap3A_76, %swap3A_77] : memref<8x128xf32, #tpu.memory_space<vmem>>, vector<1x128xf32>
    tpu.vector_store %arg9[%swap3A_76, %swap3A_77], %add3A_75 {strides = array<i32>} : memref<8x128xf32, #tpu.memory_space<vmem>>, vector<1x128xf32>,
    return
  }
  func.func @transform_0(%arg0: i32) -> (i32, i32) {
    %c0_i32 = arith.constant 0 : i32
    %c0_i32_0 = arith.constant 0 : i32
    return %arg0, %c0_i32 : i32, i32
  }
  func.func @transform_1(%arg0: i32) -> (i32, i32) {
    %c0_i32 = arith.constant 0 : i32
    %c0_i32_0 = arith.constant 0 : i32
    %c0_i32_1 = arith.constant 0 : i32
    return %c0_i32, %c0_i32_0 : i32, i32
  }
  func.func @transform_2(%arg0: i32) -> (i32, i32) {
    %c0_i32 = arith.constant 0 : i32
    %c0_i32_0 = arith.constant 0 : i32
    %c0_i32_1 = arith.constant 0 : i32
    return %c0_i32, %c0_i32_0 : i32, i32
  }
  func.func @transform_3(%arg0: i32) -> (i32, i32) {
    %c0_i32 = arith.constant 0 : i32
    %c0_i32_0 = arith.constant 0 : i32
    %c0_i32_1 = arith.constant 0 : i32
    return %c0_i32, %c0_i32_0 : i32, i32
  }
  func.func @transform_4(%arg0: i32) -> (i32, i32) {
    %c0_i32 = arith.constant 0 : i32
    %c0_i32_0 = arith.constant 0 : i32
    %c0_i32_1 = arith.constant 0 : i32
    return %c0_i32, %c0_i32_0 : i32, i32
  }
  func.func @transform_5(%arg0: i32) -> (i32, i32) {
    %c0_i32 = arith.constant 0 : i32
    %c0_i32_0 = arith.constant 0 : i32
    %c0_i32_1 = arith.constant 0 : i32
    return %c0_i32, %c0_i32_0 : i32, i32
  }
  func.func @transform_6(%arg0: i32) -> (i32, i32) {
    %c0_i32 = arith.constant 0 : i32
    %c0_i32_0 = arith.constant 0 : i32
    %c0_i32_1 = arith.constant 0 : i32
    return %c0_i32, %c0_i32_0 : i32, i32
  }
  func.func @transform_7(%arg0: i32) -> (i32, i32) {
    %c0_i32 = arith.constant 0 : i32
    %c0_i32_0 = arith.constant 0 : i32
    return %arg0, %c0_i32 : i32, i32
  }
  func.func @transform_8(%arg0: i32) -> (i32, i32) {
    %c0_i32 = arith.constant 0 : i32
    %c0_i32_0 = arith.constant 0 : i32
    %c0_i32_1 = arith.constant 0 : i32
    return %c0_i32, %c0_i32_0 : i32, i32
  }
}

module attributes {stable_mosaic.version = 14 : i64} {
  func.func @body(%arg0: memref<10000x128xf32, #tpu.memory_space<vmem>>, %arg1: memref<8x128xf32, #tpu.memory_space<vmem>>, %arg2: memref<1x128xf32, #tpu.memory_space<vmem>>, %arg3: memref<1x128xf32, #tpu.memory_space<vmem>>, %arg4: memref<1x128xf32, #tpu.memory_space<vmem>>, %arg5: memref<1x128xf32, #tpu.memory_space<vmem>>, %arg6: memref<1x1xf32, #tpu.memory_space<vmem>>, %arg7: memref<10000xf32, #tpu.memory_space<vmem>>) attributes {dimension_semantics = [], scalar_prefetch = 0 : i64, scratch_operands = 0 : i64, tpu.core_type = #tpu.core_type<tc>} {
    %get3A = arith.constant 0 : index
    %get3A_0 = arith.constant 0 : index
    %get3A_1 = vector.load %arg1[%get3A, %get3A_0] : memref<8x128xf32, #tpu.memory_space<vmem>>, vector<1x128xf32>
    %mul3A = arith.constant 9.99999974E-5 : f32
    %mul3A_2 = vector.broadcast %mul3A : f32 to vector<1x128xf32>
    %mul3A_3 = arith.mulf %get3A_1, %mul3A_2 : vector<1x128xf32>
    %get3A_4 = arith.constant 2 : index
    %get3A_5 = arith.constant 0 : index
    %get3A_6 = vector.load %arg1[%get3A_4, %get3A_5] : memref<8x128xf32, #tpu.memory_space<vmem>>, vector<1x128xf32>
    %add3A = arith.addf %get3A_6, %mul3A_3 : vector<1x128xf32>
    %get3A_7 = arith.constant 1 : index
    %get3A_8 = arith.constant 0 : index
    %get3A_9 = vector.load %arg1[%get3A_7, %get3A_8] : memref<8x128xf32, #tpu.memory_space<vmem>>, vector<1x128xf32>
    %mul3A_10 = arith.constant 9.99999974E-5 : f32
    %mul3A_11 = vector.broadcast %mul3A_10 : f32 to vector<1x128xf32>
    %mul3A_12 = arith.mulf %get3A_9, %mul3A_11 : vector<1x128xf32>
    %mul3A_13 = arith.mulf %mul3A_3, %mul3A_3 : vector<1x128xf32>
    %sub3A = arith.subf %mul3A_12, %mul3A_13 : vector<1x128xf32>
    %get3A_14 = arith.constant 0 : index
    %get3A_15 = arith.constant 0 : index
    %get3A_16 = vector.load %arg2[%get3A_14, %get3A_15] : memref<1x128xf32, #tpu.memory_space<vmem>>, vector<1x128xf32>
    %get3A_17 = arith.constant 0 : index
    %get3A_18 = arith.constant 0 : index
    %get3A_19 = vector.load %arg0[%get3A_17, %get3A_18] : memref<10000x128xf32, #tpu.memory_space<vmem>>, vector<10000x128xf32>
    %sub3A_20 = vector.broadcast %add3A : vector<1x128xf32> to vector<10000x128xf32>
    %sub3A_21 = arith.subf %get3A_19, %sub3A_20 : vector<10000x128xf32>
    %mul3A_22 = vector.broadcast %get3A_16 : vector<1x128xf32> to vector<10000x128xf32>
    %mul3A_23 = arith.mulf %mul3A_22, %sub3A_21 : vector<10000x128xf32>
    %add3A_24 = arith.constant 9.99999974E-6 : f32
    %add3A_25 = vector.broadcast %add3A_24 : f32 to vector<1x128xf32>
    %add3A_26 = arith.addf %sub3A, %add3A_25 : vector<1x128xf32>
    %sqrt3A = math.sqrt %add3A_26 : vector<1x128xf32>
    %div3A = vector.broadcast %sqrt3A : vector<1x128xf32> to vector<10000x128xf32>
    %div3A_27 = arith.divf %mul3A_23, %div3A : vector<10000x128xf32>
    %get3A_28 = arith.constant 0 : index
    %get3A_29 = arith.constant 0 : index
    %get3A_30 = vector.load %arg3[%get3A_28, %get3A_29] : memref<1x128xf32, #tpu.memory_space<vmem>>, vector<1x128xf32>
    %add3A_31 = vector.broadcast %get3A_30 : vector<1x128xf32> to vector<10000x128xf32>
    %add3A_32 = arith.addf %div3A_27, %add3A_31 : vector<10000x128xf32>
    %ge3A = arith.constant 0.000000e+00 : f32
    %ge3A_33 = vector.broadcast %ge3A : f32 to vector<10000x128xf32>
    %ge3A_34 = arith.cmpf oge, %add3A_32, %ge3A_33 : vector<10000x128xf32>
    %get3A_35 = arith.constant 0 : index
    %get3A_36 = arith.constant 0 : index
    %get3A_37 = vector.load %arg4[%get3A_35, %get3A_36] : memref<1x128xf32, #tpu.memory_space<vmem>>, vector<1x128xf32>
    %mul3A_38 = vector.broadcast %get3A_37 : vector<1x128xf32> to vector<10000x128xf32>
    %mul3A_39 = arith.mulf %mul3A_38, %add3A_32 : vector<10000x128xf32>
    %select_n3A = arith.select %ge3A_34, %add3A_32, %mul3A_39 : vector<10000x128xi1>, vector<10000x128xf32>
    %convert_element_type3A = arith.truncf %select_n3A : vector<10000x128xf32> to vector<10000x128xbf16>
    %convert_element_type3A_40 = arith.extf %convert_element_type3A : vector<10000x128xbf16> to vector<10000x128xf32>
    %get3A_41 = arith.constant 0 : index
    %get3A_42 = arith.constant 0 : index
    %get3A_43 = vector.load %arg5[%get3A_41, %get3A_42] : memref<1x128xf32, #tpu.memory_space<vmem>>, vector<1x128xf32>
    %convert_element_type3A_44 = arith.truncf %get3A_43 : vector<1x128xf32> to vector<1x128xbf16>
    %convert_element_type3A_45 = arith.extf %convert_element_type3A_44 : vector<1x128xbf16> to vector<1x128xf32>
    %mul3A_46 = vector.broadcast %convert_element_type3A_45 : vector<1x128xf32> to vector<10000x128xf32>
    %mul3A_47 = arith.mulf %convert_element_type3A_40, %mul3A_46 : vector<10000x128xf32>
    %reduce_sum3A = arith.constant dense<0.000000e+00> : vector<10000xf32>
    %reduce_sum3A_48 = vector.multi_reduction <add>, %mul3A_47, %reduce_sum3A [1] : vector<10000x128xf32> to vector<10000xf32>
    %get3A_49 = arith.constant 0 : index
    %get3A_50 = arith.constant 0 : index
    %get3A_51 = vector.load %arg6[%get3A_49, %get3A_50] : memref<1x1xf32, #tpu.memory_space<vmem>>, vector<1x1xf32>
    %get3A_52 = vector.extract %get3A_51[0, 0] : f32 from vector<1x1xf32>
    %add3A_53 = vector.broadcast %get3A_52 : f32 to vector<10000xf32>
    %add3A_54 = arith.addf %reduce_sum3A_48, %add3A_53 : vector<10000xf32>
    %swap3A = arith.constant 0 : index
    %swap3A_55 = vector.load %arg7[%swap3A] : memref<10000xf32, #tpu.memory_space<vmem>>, vector<10000xf32>
    tpu.vector_store %arg7[%swap3A], %add3A_54 {strides = array<i32>} : memref<10000xf32, #tpu.memory_space<vmem>>, vector<10000xf32>,
    return
  }
}

</mosaic_0001>

<sc_bundles>
// kernel: kernel.13.cloned.1.call-start
scs
__scs_entry_jumppad:
0x0: {  	(pc) =	sbr.rel $0x88, $3  }
0x1: {  	(tag) =	ssettag $0x0;
	lr =	simm.s32 $0x1  }
0x2: {  	[smem:$0x3F62] =	sst lr;
	_ =	strace $0xD0000000  }
0x3: {  	_ = 	snop  }
0x4: {  	_ = 	snop  }
0x5: {  	_ = 	snop  }
0x6: {  	_ = 	snop  }
0x7: {  	_ = 	snop  }
__scs_overlays_trampoline_lowered:
0x8: {  	[smem:$0x3F71] =	sst s0  }
0x9: {  	[smem:$0x3F72] =	sst s1  }
0xa: {  	[smem:$0x3F73] =	sst s2  }
0xb: {  	[smem:$0x3F74] =	sst s3  }
0xc: {  	[smem:$0x3F75] =	sst s4  }
0xd: {  	[smem:$0x3F76] =	sst s5  }
0xe: {  	[smem:$0x3F77] =	sst s6  }
0xf: {  	[smem:$0x3F78] =	sst s7  }
0x10: {  	[smem:$0x3F79] =	sst s8  }
0x11: {  	[smem:$0x3F7A] =	sst s9;
	s0 =	simm.s32 @!p0 $0x0  }
0x12: {  	s1 =	sld [smem:$0x3F60];
	s0 =	simm.s32 @p0 $0x1  }
0x13: {  	[smem:$0x3F7B] =	sst s0;
	s0 =	simm.s32 @!p1 $0x0  }
0x14: {  	s2 =	sld [smem:$0x3F5F];
	s0 =	simm.s32 @p1 $0x1  }
0x15: {  	[smem:$0x3F7C] =	sst s0;
	s0 =	simm.s32 @!p2 $0x0  }
0x16: {  	s3 =	sld [smem:$0x3FDB];
	s0 =	simm.s32 @p2 $0x1  }
0x17: {  	s4 =	simm.s32 $0x1BF5;
	[smem:$0x3F7E] =	sst s0  }
0x18: {  	s0 =	sld [smem:$0x3F61];
	_ =	swait.ge [sflag:s4], $0x0  }
0x19: {  	s7 =	sld [smem:$0x3F62]  }
0x1a: {  	s8 =	sadd.s32 $0xFFFFE003, lr  }
0x1b: {  	s9 =	sadd.s32 $0xFFFFFEF7, lr;
	s5 =	simm.s32 $0xFFFFFFFF;
	p2 =	slt.u32 s8, $0xFFFFF086  }
0x1c: {  	p1 =	slt.u32 s9, $0xF7A;
	s5 =	simm.s32 @!p2 $0x0  }
0x1d: {  	s5 =	simm.s32 @p1 $0x1;
	p0 =	seq.s32 s7, s2  }
0x1e: {  	s7 =	smul.u32 @!p0 $0xF7A, s2;
	p2 =	seq.s32 @!p0 s5, $0x0  }
0x1f: {  	s9 =	smul.u32 $0xF7A, s1;
	s8 =	simm.s32 @!p0 $0x1BF5;
	p2 =	por !p2, p0  }
0x20: {  	[sflag:s8] =	ssyncset.s32 @!p0 $0xFFFFF086;
	s6 =	sadd.s32 @!p0 s3, s7;
	s7 =	simm.s32 @!p0 $0x108  }
0x21: {  	s3 =	sadd.s32 s3, s9;
	s6 =	sadd.s32 @!p0 $0x88, s6;
	s7 =	simm.s32 @p2 $0x1082  }
0x22: {  	[simem:s7], [sflag:s8] =	dma.local @!p0 [hbm:s6], $0xF7A  }
0x23: {  	s9 =	sor.u32 $0xD0000000, s2;
	s6 =	simm.s32 $0x108;
	_ =	swait.ge @!p0 [sflag:s8], $0x0  }
0x24: {  	s3 =	sadd.s32 $0x88, s3;
	s6 =	simm.s32 @!p1 $0x1082;
	[sflag:s4] =	ssyncset.s32 $0xFFFFF086  }
0x25: {  	[simem:s6], [sflag:s4] =	dma.local [hbm:s3], $0xF7A  }
0x26: {  	[smem:$0x3F62] =	sst s1;
	(tag) =	ssettag s2;
	_ =	strace s9  }
0x27: {  	s1 =	sld [smem:$0x3F72]  }
0x28: {  	s2 =	sld [smem:$0x3F73]  }
0x29: {  	s4 =	sld [smem:$0x3F75]  }
0x2a: {  	p0 =	seq.s32 s5, $0x0;
	s5 =	sld [smem:$0x3F76]  }
0x2b: {  	s6 =	sld [smem:$0x3F77]  }
0x2c: {  	s7 =	sld [smem:$0x3F78]  }
0x2d: {  	s3 =	simm.s32 $0x108;
	s8 =	sld [smem:$0x3F79]  }
0x2e: {  	s3 =	simm.s32 @!p0 $0x1082;
	s9 =	sld [smem:$0x3F7A]  }
0x2f: {  	lr =	sadd.s32 s0, s3;
	s0 =	sld [smem:$0x3F71]  }
0x30: {  	s3 =	sld [smem:$0x3F74]  }
0x31: {  	[smem:$0x3F7D] =	sst s10  }
0x32: {  	s10 =	sld [smem:$0x3F7B];
	_ =	sdelay $0x3  }
0x33: {  	p0 =	seq.s32 s10, $0x1;
	s10 =	sld [smem:$0x3F7D];
	_ =	sdelay $0x3  }
0x34: {  	[smem:$0x3F7D] =	sst s10  }
0x35: {  	s10 =	sld [smem:$0x3F7C];
	_ =	sdelay $0x3  }
0x36: {  	p1 =	seq.s32 s10, $0x1;
	s10 =	sld [smem:$0x3F7D];
	_ =	sdelay $0x3  }
0x37: {  	[smem:$0x3F7D] =	sst s10  }
0x38: {  	s10 =	sld [smem:$0x3F7E]  }
0x39: {  	_ = 	snop;
	(pc) =	sbr.ind lr, $3  }
0x3a: {  	_ = 	snop  }
0x3b: {  	_ = 	snop  }
0x3c: {  	p2 =	seq.s32 s10, $0x1;
	s10 =	sld [smem:$0x3F7D]  }
0x3d: {  	_ =	shalt  }
0x3e: {  	_ =	shalt  }
0x3f: {  	_ =	shalt  }
0x40: {  	_ =	shalt  }
0x41: {  	_ =	shalt  }
0x42: {  	_ =	shalt  }
0x43: {  	_ =	shalt  }
0x44: {  	_ =	shalt  }
0x45: {  	_ =	shalt  }
0x46: {  	_ =	shalt  }
0x47: {  	_ =	shalt  }
0x48: {  	_ =	shalt  }
0x49: {  	_ =	shalt  }
0x4a: {  	_ =	shalt  }
0x4b: {  	_ =	shalt  }
0x4c: {  	_ =	shalt  }
0x4d: {  	_ =	shalt  }
0x4e: {  	_ =	shalt  }
0x4f: {  	_ =	shalt  }
0x50: {  	_ =	shalt  }
0x51: {  	_ =	shalt  }
0x52: {  	_ =	shalt  }
0x53: {  	_ =	shalt  }
0x54: {  	_ =	shalt  }
0x55: {  	_ =	shalt  }
0x56: {  	_ =	shalt  }
0x57: {  	_ =	shalt  }
0x58: {  	_ =	shalt  }
0x59: {  	_ =	shalt  }
0x5a: {  	_ =	shalt  }
0x5b: {  	_ =	shalt  }
0x5c: {  	_ =	shalt  }
0x5d: {  	_ =	shalt  }
0x5e: {  	_ =	shalt  }
0x5f: {  	_ =	shalt  }
0x60: {  	_ =	shalt  }
0x61: {  	_ =	shalt  }
0x62: {  	_ =	shalt  }
0x63: {  	_ =	shalt  }
0x64: {  	_ =	shalt  }
0x65: {  	_ =	shalt  }
0x66: {  	_ =	shalt  }
0x67: {  	_ =	shalt  }
0x68: {  	_ =	shalt  }
0x69: {  	_ =	shalt  }
0x6a: {  	_ =	shalt  }
0x6b: {  	_ =	shalt  }
0x6c: {  	_ =	shalt  }
0x6d: {  	_ =	shalt  }
0x6e: {  	_ =	shalt  }
0x6f: {  	_ =	shalt  }
0x70: {  	_ =	shalt  }
0x71: {  	_ =	shalt  }
0x72: {  	_ =	shalt  }
0x73: {  	_ =	shalt  }
0x74: {  	_ =	shalt  }
0x75: {  	_ =	shalt  }
0x76: {  	_ =	shalt  }
0x77: {  	_ =	shalt  }
0x78: {  	_ =	shalt  }
0x79: {  	_ =	shalt  }
0x7a: {  	_ =	shalt  }
0x7b: {  	_ =	shalt  }
0x7c: {  	_ =	shalt  }
0x7d: {  	_ =	shalt  }
0x7e: {  	_ =	shalt  }
0x7f: {  	_ =	shalt  }
0x80: {  	_ =	shalt  }
0x81: {  	_ =	shalt  }
0x82: {  	_ =	shalt  }
0x83: {  	_ =	shalt  }
0x84: {  	_ =	shalt  }
0x85: {  	_ =	shalt  }
0x86: {  	_ =	shalt  }
0x87: {  	_ =	shalt  }
.Lfunc_end0:
.L_simem_size_0:
called_computation_lowered:
.L_overlay_start_0:
0x88: {  	s2 =	sld [smem:$0x3FD9]  }
0x89: {  	s3 =	sld [smem:$0x3FFE];
	_ =	sdelay $0x1  }
0x8a: {  	s1 =	srdreg.scid  }
0x8b: {  	s0 =	sand.u32 $0x1, s1  }
0x8c: {  	s16 =	sshll.u32 s0, $0xA;
	s2 =	sadd.s32 s3, s2  }
0x8d: {  	s2 =	sadd.s32 s2, s16  }
0x8e: {  	[smem:$0x3F89] =	sst s2  }
0x8f: {  	_ = 	snop  }
0x90: {  	(tm) =	ssettm $0x1  }
0x91: {  	s17 =	sld [smem:$0x3FFB];
	_ =	sdelay $0x3  }
0x92: {  	_ =	strace s17  }
0x93: {  	s2 =	sld [smem:$0x3FFC];
	_ =	sdelay $0x3  }
0x94: {  	_ =	strace s2  }
0x95: {  	s2 =	sld [smem:$0x3FFD];
	_ =	sdelay $0x3  }
0x96: {  	_ =	strace s2  }
0x97: {  	_ =	strace $0x8FFFFFFF  }
0x98: {  	s18 =	sld [smem:$0x3FDB];
	_ =	sdelay $0x1  }
0x99: {  	s19 =	simm.s32 $_scs_section_size  }
0x9a: {  	s4 =	simm.s32 $_size__tile_overlayer_lowered;
	s5 =	simm.s32 $_tile_overlayer_lowered  }
0x9b: {  	s22 =	simm.s32 $0x1BFF;
	s21 =	sshll.u32 s5, $0x1;
	s2 =	sadd.s32 s19, s18  }
0x9c: {  	s6 =	simm.s32 $0x0;
	s20 =	sshll.u32 s4, $0x1;
	s4 =	sadd.s32 s21, s2  }
0x9d: {  	[timem:s6], [sflag:s22] =	dma.local [hbm:s4], s20  }
0x9e: {  	_ =	swait.ge [sflag:s22], s20  }
0x9f: {  	s3 =	ssub.s32 $0x0, s20;
	[sflag:s22] =	ssyncset.done $0x0  }
0xa0: {  	[sflag:s22] =	ssyncadd.s32 s3;
	_ =	sdelay $0x1  }
0xa1: {  	s23 =	simm.s32 $0x1B8B  }
0xa2: {  	_ =	swait.ge [sflag:s23], $0x1  }
0xa3: {  	[sflag:s23] =	ssyncset.done $0x0  }
0xa4: {  	s25 =	simm.s32 $0x1B8E;
	s24 =	sld [smem:$0x3FFE];
	[sflag:s23] =	ssyncadd.s32 $0xFFFFFFFF  }
0xa5: {  	s26 =	simm.s32 $execute0_lowered;
	[smem:$0x3FD2] =	sst s25  }
0xa6: {  	s4 =	sshll.u32 s26, $0x1;
	_ =	strace $0x80000046;
	[dreg:$0x1] =	wrdreg $0xFFFFFFFF  }
0xa7: {  	s28 =	simm.s32 $_size_execute0_lowered;
	s2 =	sadd.s32 s2, s4;
	[dreg:$0x0] =	wrdreg $0x0  }
0xa8: {  	s4 =	sshll.u32 s28, $0x1;
	[dreg:$0x2] =	wrdreg s2  }
0xa9: {  	[dreg:$0x3] =	wrdreg s4  }
0xaa: {  	[dreg:$0x4] =	wrdreg $0xC0  }
0xab: {  	_ =	task [dreg:s6], $0x5FFFF  }
0xac: {  	[dreg:$0x1] =	wrdreg $0xFFFFFFFF  }
0xad: {  	[dreg:$0x0] =	wrdreg $0x60  }
0xae: {  	[dreg:$0x2] =	wrdreg s24  }
0xaf: {  	[dreg:$0x3] =	wrdreg $0xA8000  }
0xb0: {  	[dreg:$0x4] =	wrdreg $0x9  }
0xb1: {  	_ =	task.clear_ibuf [dreg:s6], $0x5FFFF;
	_ =	strace $0x90000046  }
0xb2: {  	s29 =	simm.s32 $0x9;
	_ =	strace $0x80000048  }
0xb3: {  	_ =	swait.ge [sflag:s29], $0x1  }
0xb4: {  	[sflag:s29] =	ssyncadd.s32 $0xFFFFFFFF  }
0xb5: {  	_ =	strace $0x90000048  }
0xb6: {  	_ =	sfence  }
0xb7: {  	s30 =	sld [smem:$0x0];
	_ =	sdelay $0x2  }
0xb8: {  	s31 =	sshll.u32 s1, $0xD;
	s1 =	sshrl.u32 s1, $0x2  }
0xb9: {  	s3 =	sand.u32 $0x4000, s31;
	s1 =	sadd.s32 s1, s30  }
0xba: {  	s0 =	sor.u32 s3, s0;
	s1 =	sshll.u32 s1, $0x11  }
0xbb: {  	s0 =	sor.u32 s1, s0  }
0xbc: {  	s0 =	sadd.s32 $0x8F2B, s0  }
0xbd: {  	[sflag:s0] =	ssyncadd.remote.s32 $0x1  }
0xbe: {  	_ =	sfence.sel $0xFFFF  }
0xbf: {  	[dreg:$0x0] =	wrdreg $0xFFFFFFFF;
	(pc) =	sbr.abs _section_cstart, $3  }
0xc0: {  	[dreg:$0x1] =	wrdreg $0xFFFFFFFF  }
0xc1: {  	_ =	task.clear_ibuf [dreg:s6], $0x2FFFF;
	_ =	strace $0x9FFFFFFF  }
0xc2: {  	(tm) =	ssettm $0x7FFFFFFF  }
0xc3: {  	_ =	shalt  }
tec
execute0_lowered:
.L_overlay_start_1:
0x0: {  	(tag) =	ssettag $0x1  }
0x1: {  	s5 =	rddreg [dreg:$0x0]  }
0x2: {  	s2 =	rddreg [dreg:$0x1];
	s1 =	stileid.u32  }
0x3: {  	s3 =	srdreg.scid;
	s0 =	rddreg [dreg:$0x2]  }
0x4: {  	s17 =	simm.s32 $0x80;
	s18 =	simm.s32 $0x2800;
	s19 =	simm.s32 $0x1  }
0x5: {  	s20 =	simm.s32 $0x6800;
	s22 =	simm.s32 $0x0;
	s6 =	smul.u32 $0x28000, s1  }
0x6: {  	s9 =	sand.u32 $0x1, s3;
	s4 =	sshll.u32 s1, $0x1;
	s10 =	smul.u32 $0x13C00, s1  }
0x7: {  	s3 =	simm.s32 $0x0;
	s11 =	smul.u32 $0x4F000, s1;
	s14 =	sadd.s32 $0x3A800, s5  }
0x8: {  	s29 =	sshll.u32 s1, $0x6;
	p0 =	seq.s32 s1, $0xF;
	s30 =	smul.u32 $0x138800, s9  }
0x9: {  	s4 =	sor.u32 s9, s4;
	[smem:$0x7FF] =	sst s3;
	s16 =	smul.u32 $0x14000, s9  }
0xa: {  	s8 =	ssub.s32 $0x2, s9;
	s7 =	smul.u32 $0x1400, s4;
	_ =	strace $0x80000047  }
0xb: {  	s4 =	sadd.s32 $0x27A000, s5;
	s12 =	sadd.s32 s6, s5;
	s24 =	sshrl.u32 s10, $0x3  }
0xc: {  	s26 =	sshrl.u32 s8, $0x1;
	s28 =	sshrl.u32 s11, $0x2;
	s25 =	sadd.s32 s24, s5  }
0xd: {  	s15 =	ssub.s32 s8, s26;
	s10 =	sadd.s32 s10, s30;
	s11 =	sshrl.u32 s30, $0x3  }
0xe: {  	s31 =	sadd.s32 s16, s12;
	s16 =	simm.s32 $0x1400;
	s23 =	sshrl.u32 s7, $0x3  }
0xf: {  	s6 =	sadd.s32 $0x13000, s25;
	s7 =	sor.u32 $0x1C02, s29;
	s10 =	sshrl.u32 s10, $0x3  }
0x10: {  	s11 =	sadd.s32 s14, s11;
	s12 =	smax.u32 s15, $0x1;
	s15 =	simm.s32 $0x2  }
0x11: {  	s13 =	sadd.s32 s23, s5;
	s5 =	sadd.s32 s28, s2;
	s10 =	sadd.s32 s14, s10  }
0x12: {  	s11 =	sadd.s32 $0x25080, s11;
	s8 =	sadd.s32 $0x9000, s13;
	s9 =	sadd.s32 $0xE000, s13  }
0x13: {  	s13 =	sadd.s32 $0x512200, s31;
	s14 =	sshrl.u32 s5, $0x3;
	s21 =	sshrl.u32 @p0 s5, $0x3  }
.LBB2_1:
0x14: {  	[spmem:s14], [sflag:s7] =	dma.local [hbm:s6], $0x2780  }
0x15: {  	_ =	swait.ge [sflag:s15], $0x2780  }
0x16: {  	[sflag:s15] =	ssyncset.done $0x0  }
0x17: {  	[sflag:s15] =	ssyncadd.s32 $0xFFFFD880  }
0x18: {  	[tilespmem:s3], [sflag:$0x2] =	stream.linear.gather [hbm4b:s8+s3], $0x1400, $0x38;
	[tilespmem:$0x1E400] =	vst v63  }
0x19: {  	_ =	swait.ge [sflag:s15], $0x1400  }
0x1a: {  	[sflag:s15] =	ssyncset.done $0x0  }
0x1b: {  	[sflag:s15] =	ssyncadd.s32 $0xFFFFEC00  }
0x1c: {  	[tilespmem:s16], [sflag:$0x2] =	stream.linear.gather [hbm4b:s9+s3], $0x1400, $0x38;
	[tilespmem:$0x1E400] =	vst v63  }
0x1d: {  	_ =	swait.ge [sflag:s15], $0x1400  }
0x1e: {  	[sflag:s15] =	ssyncset.done $0x0  }
0x1f: {  	[sflag:s15] =	ssyncadd.s32 $0xFFFFEC00  }
0x20: {  	s23 =	simm.s32 $0x0;
	[bflag:$0x0] =	sbarrier.arrive $0xFFFF  }
0x21: {  	[tilespmem:s18], [sflag:$0x1] =	stream.indirect.gather [hbm4b:s4+s17], $0x80, s23, s17, $0xb8;
	[tilespmem:$0x1E400] =	vst v63  }
0x22: {  	_ =	swait.ge [sflag:s19], $0x4000  }
0x23: {  	[sflag:s19] =	ssyncset.done $0x0  }
0x24: {  	[sflag:s19] =	ssyncadd.s32 $0xFFFFC000  }
0x25: {  	[tilespmem:s20], [sflag:$0x2] =	stream.linear.gather [hbm4b:s13+s3], $0x4000, $0x38;
	[tilespmem:$0x1E400] =	vst v63  }
0x26: {  	_ =	swait.ge [sflag:s15], $0x4000  }
0x27: {  	[sflag:s15] =	ssyncset.done $0x0  }
0x28: {  	s31 =	simm.s32 $0x1400;
	[sflag:s15] =	ssyncadd.s32 $0xFFFFC000  }
0x29: {  	[spmem:s2] =	stream.indirect.scatter.add.f32 [tilespmem:s18], [sflag:$0x2], $0x80, s31, s17, $0xb8;
	[tilespmem:$0x1E400] =	vst v63  }
0x2a: {  	_ =	swait.ge [sflag:s15], $0x4000  }
0x2b: {  	[sflag:s15] =	ssyncset.done $0x0  }
0x2c: {  	[sflag:s15] =	ssyncadd.s32 $0xFFFFC000  }
0x2d: {  	[spmem:s2] =	stream.indirect.scatter.add.f32 [tilespmem:s20], [sflag:$0x2], $0x80, s31, s17, $0xb8;
	[tilespmem:$0x1E400] =	vst v63  }
0x2e: {  	s24 =	simm.s32 $0x200;
	_ =	swait.ge [sflag:s15], $0x4000  }
0x2f: {  	s25 =	simm.s32 $0x400;
	s23 =	sadd.s32 $0x800, s13;
	[sflag:s15] =	ssyncset.done $0x0  }
.LBB2_2:
0x30: {  	s26 =	sshra.s32 s24, $0x2  }
0x31: {  	[sflag:s15] =	ssyncadd.s32 $0xFFFFC000;
	s24 =	smov.u32 s25;
	s28 =	sadd.s32 $0x200, s25  }
0x32: {  	[tilespmem:s18], [sflag:$0x1] =	stream.indirect.gather [hbm4b:s4+s17], $0x80, s26, s17, $0xb8;
	[tilespmem:$0x1E400] =	vst v63  }
0x33: {  	p1 =	sne.s32 s25, $0x4E00;
	_ =	swait.ge [sflag:s19], $0x4000  }
0x34: {  	[sflag:s19] =	ssyncset.done $0x0  }
0x35: {  	[sflag:s19] =	ssyncadd.s32 $0xFFFFC000  }
0x36: {  	[tilespmem:s20], [sflag:$0x2] =	stream.linear.gather [hbm4b:s23+s3], $0x4000, $0x38;
	[tilespmem:$0x1E400] =	vst v63  }
0x37: {  	_ =	swait.ge [sflag:s15], $0x4000  }
0x38: {  	[sflag:s15] =	ssyncset.done $0x0  }
0x39: {  	s25 =	sadd.s32 $0x1400, s26;
	[sflag:s15] =	ssyncadd.s32 $0xFFFFC000  }
0x3a: {  	[spmem:s2] =	stream.indirect.scatter.add.f32 [tilespmem:s18], [sflag:$0x2], $0x80, s25, s17, $0xb8;
	[tilespmem:$0x1E400] =	vst v63  }
0x3b: {  	_ =	swait.ge [sflag:s15], $0x4000  }
.Ltmp0:
0x3c: {  	[sflag:s15] =	ssyncset.done $0x0;
	(pc) =	sbr.rel @p1 .LBB2_2-.Ltmp0, $4  }
0x3d: {  	[sflag:s15] =	ssyncadd.s32 $0xFFFFC000  }
0x3e: {  	[spmem:s2] =	stream.indirect.scatter.add.f32 [tilespmem:s20], [sflag:$0x2], $0x80, s25, s17, $0xb8;
	[tilespmem:$0x1E400] =	vst v63  }
0x3f: {  	_ =	swait.ge [sflag:s15], $0x4000  }
0x40: {  	s23 =	sadd.s32 $0x800, s23;
	s25 =	smov.u32 s28;
	[sflag:s15] =	ssyncset.done $0x0  }
0x41: {  	s24 =	sshra.s32 s24, $0x2;
	[sflag:s15] =	ssyncadd.s32 $0xFFFFC000  }
0x42: {  	[tilespmem:s18], [sflag:$0x1] =	stream.indirect.gather [hbm4b:s4+s17], $0x80, s24, s17, $0xb8;
	[tilespmem:$0x1E400] =	vst v63  }
0x43: {  	_ =	swait.ge [sflag:s19], $0x4000  }
0x44: {  	[sflag:s19] =	ssyncset.done $0x0  }
0x45: {  	[sflag:s19] =	ssyncadd.s32 $0xFFFFC000  }
0x46: {  	[tilespmem:s20], [sflag:$0x2] =	stream.linear.gather [hbm4b:s23+s3], $0x4000, $0x38;
	[tilespmem:$0x1E400] =	vst v63  }
0x47: {  	_ =	swait.ge [sflag:s15], $0x4000  }
0x48: {  	[sflag:s15] =	ssyncset.done $0x0  }
0x49: {  	s31 =	sadd.s32 $0x1400, s24;
	[sflag:s15] =	ssyncadd.s32 $0xFFFFC000  }
0x4a: {  	[spmem:s2] =	stream.indirect.scatter.add.f32 [tilespmem:s18], [sflag:$0x2], $0x80, s31, s17, $0xb8;
	[tilespmem:$0x1E400] =	vst v63  }
0x4b: {  	_ =	swait.ge [sflag:s15], $0x4000  }
0x4c: {  	[sflag:s15] =	ssyncset.done $0x0  }
0x4d: {  	[sflag:s15] =	ssyncadd.s32 $0xFFFFC000  }
0x4e: {  	[spmem:s2] =	stream.indirect.scatter.add.f32 [tilespmem:s20], [sflag:$0x2], $0x80, s31, s17, $0xb8;
	[tilespmem:$0x1E400] =	vst v63  }
0x4f: {  	_ =	swait.ge [sflag:s15], $0x4000  }
0x50: {  	[sflag:s15] =	ssyncset.done $0x0  }
0x51: {  	[sflag:s15] =	ssyncadd.s32 $0xFFFFC000  }
0x52: {  	s23 =	simm.s32 @p0 $0x2;
	[bflag:$0x0] =	sbarrier.arrive $0xFFFF  }
0x53: {  	[hbm:s11], [sflag:s7] =	dma.local @p0 [spmem:s21], $0x2080  }
0x54: {  	_ =	swait.ge @p0 [sflag:s23], $0x2080  }
0x55: {  	s22 =	sadd.s32 $0x1, s22;
	[sflag:s23] =	ssyncset.done @p0 $0x0  }
0x56: {  	p1 =	sne.s32 s22, s12;
	[sflag:s23] =	ssyncadd.s32 @p0 $0xFFFFDF80;
	s23 =	sshrl.u32 @!p0 s5, $0x3  }
0x57: {  	[hbm:s10], [sflag:s7] =	dma.local @!p0 [spmem:s23], $0x2780  }
.Ltmp1:
0x58: {  	_ = 	snop;
	(pc) =	sbr.rel @p1 .LBB2_1-.Ltmp1, $4  }
0x59: {  	s23 =	simm.s32 @!p0 $0x2  }
0x5a: {  	_ =	swait.ge @!p0 [sflag:s23], $0x2780  }
0x5b: {  	[sflag:s23] =	ssyncset.done @!p0 $0x0  }
0x5c: {  	[sflag:s23] =	ssyncadd.s32 @!p0 $0xFFFFD880  }
0x5d: {  	_ =	sfence.sel $0x180000  }
0x5e: {  	[bflag:$0x0] =	sbarrier.arrive $0xFFFF  }
0x5f: {  	p0 =	sne.s32 s1, $0x0;
	_ =	strace $0x90000047  }
0x60: {  	s0 =	sadd.s32 @!p0 $0x100000, s0;
	[bflag:$0x2] =	sbarrier.arrive $0xFFFF  }
0x61: {  	[sflag:s0] =	ssyncadd.tile.s32 @!p0 $0x1;
	_ =	shalt  }
.Lfunc_end2:
_tile_overlayer_lowered:
.L_overlay_start_2:
0x62: {  	(tag) =	ssettag $0x2  }
0x63: {  	s0 =	rddreg [dreg:$0x0];
	s2 =	stileid.u32  }
0x64: {  	s1 =	rddreg [dreg:$0x1];
	p0 =	sne.s32 s2, $0x0  }
0x65: {  	s3 =	rddreg [dreg:$0x2];
	[bflag:$0x3] =	sbarrier.arrive $0xFFFF;
	s2 =	simm.s32 @!p0 $0x1C02  }
0x66: {  	[timem:s3], [sflag:s2] =	dma.local @!p0 [hbm:s0], s1  }
0x67: {  	s0 =	simm.s32 @!p0 $0x2  }
0x68: {  	_ =	swait.ge @!p0 [sflag:s0], s1  }
0x69: {  	s1 =	ssub.s32 @!p0 $0x0, s1;
	[sflag:s0] =	ssyncset.done @!p0 $0x0  }
0x6a: {  	[sflag:s0] =	ssyncadd.s32 @!p0 s1  }
0x6b: {  	[bflag:$0x3] =	sbarrier.arrive $0xFFFF  }
0x6c: {  	_ =	shalt  }

// kernel: kernel.16.cloned.1.call-start
scs
__scs_entry_jumppad:
0x0: {  	(pc) =	sbr.rel $0x88, $3  }
0x1: {  	(tag) =	ssettag $0x0;
	lr =	simm.s32 $0x1  }
0x2: {  	[smem:$0x3F62] =	sst lr;
	_ =	strace $0xD0000000  }
0x3: {  	_ = 	snop  }
0x4: {  	_ = 	snop  }
0x5: {  	_ = 	snop  }
0x6: {  	_ = 	snop  }
0x7: {  	_ = 	snop  }
__scs_overlays_trampoline_lowered:
0x8: {  	[smem:$0x3F71] =	sst s0  }
0x9: {  	[smem:$0x3F72] =	sst s1  }
0xa: {  	[smem:$0x3F73] =	sst s2  }
0xb: {  	[smem:$0x3F74] =	sst s3  }
0xc: {  	[smem:$0x3F75] =	sst s4  }
0xd: {  	[smem:$0x3F76] =	sst s5  }
0xe: {  	[smem:$0x3F77] =	sst s6  }
0xf: {  	[smem:$0x3F78] =	sst s7  }
0x10: {  	[smem:$0x3F79] =	sst s8  }
0x11: {  	[smem:$0x3F7A] =	sst s9;
	s0 =	simm.s32 @!p0 $0x0  }
0x12: {  	s1 =	sld [smem:$0x3F60];
	s0 =	simm.s32 @p0 $0x1  }
0x13: {  	[smem:$0x3F7B] =	sst s0;
	s0 =	simm.s32 @!p1 $0x0  }
0x14: {  	s2 =	sld [smem:$0x3F5F];
	s0 =	simm.s32 @p1 $0x1  }
0x15: {  	[smem:$0x3F7C] =	sst s0;
	s0 =	simm.s32 @!p2 $0x0  }
0x16: {  	s3 =	sld [smem:$0x3FDB];
	s0 =	simm.s32 @p2 $0x1  }
0x17: {  	s4 =	simm.s32 $0x1BF5;
	[smem:$0x3F7E] =	sst s0  }
0x18: {  	s0 =	sld [smem:$0x3F61];
	_ =	swait.ge [sflag:s4], $0x0  }
0x19: {  	s7 =	sld [smem:$0x3F62]  }
0x1a: {  	s8 =	sadd.s32 $0xFFFFE003, lr  }
0x1b: {  	s9 =	sadd.s32 $0xFFFFFEF7, lr;
	s5 =	simm.s32 $0xFFFFFFFF;
	p2 =	slt.u32 s8, $0xFFFFF086  }
0x1c: {  	p1 =	slt.u32 s9, $0xF7A;
	s5 =	simm.s32 @!p2 $0x0  }
0x1d: {  	s5 =	simm.s32 @p1 $0x1;
	p0 =	seq.s32 s7, s2  }
0x1e: {  	s7 =	smul.u32 @!p0 $0xF7A, s2;
	p2 =	seq.s32 @!p0 s5, $0x0  }
0x1f: {  	s9 =	smul.u32 $0xF7A, s1;
	s8 =	simm.s32 @!p0 $0x1BF5;
	p2 =	por !p2, p0  }
0x20: {  	[sflag:s8] =	ssyncset.s32 @!p0 $0xFFFFF086;
	s6 =	sadd.s32 @!p0 s3, s7;
	s7 =	simm.s32 @!p0 $0x108  }
0x21: {  	s3 =	sadd.s32 s3, s9;
	s6 =	sadd.s32 @!p0 $0x88, s6;
	s7 =	simm.s32 @p2 $0x1082  }
0x22: {  	[simem:s7], [sflag:s8] =	dma.local @!p0 [hbm:s6], $0xF7A  }
0x23: {  	s9 =	sor.u32 $0xD0000000, s2;
	s6 =	simm.s32 $0x108;
	_ =	swait.ge @!p0 [sflag:s8], $0x0  }
0x24: {  	s3 =	sadd.s32 $0x88, s3;
	s6 =	simm.s32 @!p1 $0x1082;
	[sflag:s4] =	ssyncset.s32 $0xFFFFF086  }
0x25: {  	[simem:s6], [sflag:s4] =	dma.local [hbm:s3], $0xF7A  }
0x26: {  	[smem:$0x3F62] =	sst s1;
	(tag) =	ssettag s2;
	_ =	strace s9  }
0x27: {  	s1 =	sld [smem:$0x3F72]  }
0x28: {  	s2 =	sld [smem:$0x3F73]  }
0x29: {  	s4 =	sld [smem:$0x3F75]  }
0x2a: {  	p0 =	seq.s32 s5, $0x0;
	s5 =	sld [smem:$0x3F76]  }
0x2b: {  	s6 =	sld [smem:$0x3F77]  }
0x2c: {  	s7 =	sld [smem:$0x3F78]  }
0x2d: {  	s3 =	simm.s32 $0x108;
	s8 =	sld [smem:$0x3F79]  }
0x2e: {  	s3 =	simm.s32 @!p0 $0x1082;
	s9 =	sld [smem:$0x3F7A]  }
0x2f: {  	lr =	sadd.s32 s0, s3;
	s0 =	sld [smem:$0x3F71]  }
0x30: {  	s3 =	sld [smem:$0x3F74]  }
0x31: {  	[smem:$0x3F7D] =	sst s10  }
0x32: {  	s10 =	sld [smem:$0x3F7B];
	_ =	sdelay $0x3  }
0x33: {  	p0 =	seq.s32 s10, $0x1;
	s10 =	sld [smem:$0x3F7D];
	_ =	sdelay $0x3  }
0x34: {  	[smem:$0x3F7D] =	sst s10  }
0x35: {  	s10 =	sld [smem:$0x3F7C];
	_ =	sdelay $0x3  }
0x36: {  	p1 =	seq.s32 s10, $0x1;
	s10 =	sld [smem:$0x3F7D];
	_ =	sdelay $0x3  }
0x37: {  	[smem:$0x3F7D] =	sst s10  }
0x38: {  	s10 =	sld [smem:$0x3F7E]  }
0x39: {  	_ = 	snop;
	(pc) =	sbr.ind lr, $3  }
0x3a: {  	_ = 	snop  }
0x3b: {  	_ = 	snop  }
0x3c: {  	p2 =	seq.s32 s10, $0x1;
	s10 =	sld [smem:$0x3F7D]  }
0x3d: {  	_ =	shalt  }
0x3e: {  	_ =	shalt  }
0x3f: {  	_ =	shalt  }
0x40: {  	_ =	shalt  }
0x41: {  	_ =	shalt  }
0x42: {  	_ =	shalt  }
0x43: {  	_ =	shalt  }
0x44: {  	_ =	shalt  }
0x45: {  	_ =	shalt  }
0x46: {  	_ =	shalt  }
0x47: {  	_ =	shalt  }
0x48: {  	_ =	shalt  }
0x49: {  	_ =	shalt  }
0x4a: {  	_ =	shalt  }
0x4b: {  	_ =	shalt  }
0x4c: {  	_ =	shalt  }
0x4d: {  	_ =	shalt  }
0x4e: {  	_ =	shalt  }
0x4f: {  	_ =	shalt  }
0x50: {  	_ =	shalt  }
0x51: {  	_ =	shalt  }
0x52: {  	_ =	shalt  }
0x53: {  	_ =	shalt  }
0x54: {  	_ =	shalt  }
0x55: {  	_ =	shalt  }
0x56: {  	_ =	shalt  }
0x57: {  	_ =	shalt  }
0x58: {  	_ =	shalt  }
0x59: {  	_ =	shalt  }
0x5a: {  	_ =	shalt  }
0x5b: {  	_ =	shalt  }
0x5c: {  	_ =	shalt  }
0x5d: {  	_ =	shalt  }
0x5e: {  	_ =	shalt  }
0x5f: {  	_ =	shalt  }
0x60: {  	_ =	shalt  }
0x61: {  	_ =	shalt  }
0x62: {  	_ =	shalt  }
0x63: {  	_ =	shalt  }
0x64: {  	_ =	shalt  }
0x65: {  	_ =	shalt  }
0x66: {  	_ =	shalt  }
0x67: {  	_ =	shalt  }
0x68: {  	_ =	shalt  }
0x69: {  	_ =	shalt  }
0x6a: {  	_ =	shalt  }
0x6b: {  	_ =	shalt  }
0x6c: {  	_ =	shalt  }
0x6d: {  	_ =	shalt  }
0x6e: {  	_ =	shalt  }
0x6f: {  	_ =	shalt  }
0x70: {  	_ =	shalt  }
0x71: {  	_ =	shalt  }
0x72: {  	_ =	shalt  }
0x73: {  	_ =	shalt  }
0x74: {  	_ =	shalt  }
0x75: {  	_ =	shalt  }
0x76: {  	_ =	shalt  }
0x77: {  	_ =	shalt  }
0x78: {  	_ =	shalt  }
0x79: {  	_ =	shalt  }
0x7a: {  	_ =	shalt  }
0x7b: {  	_ =	shalt  }
0x7c: {  	_ =	shalt  }
0x7d: {  	_ =	shalt  }
0x7e: {  	_ =	shalt  }
0x7f: {  	_ =	shalt  }
0x80: {  	_ =	shalt  }
0x81: {  	_ =	shalt  }
0x82: {  	_ =	shalt  }
0x83: {  	_ =	shalt  }
0x84: {  	_ =	shalt  }
0x85: {  	_ =	shalt  }
0x86: {  	_ =	shalt  }
0x87: {  	_ =	shalt  }
.Lfunc_end0:
.L_simem_size_0:
called_computation.1_lowered:
.L_overlay_start_0:
0x88: {  	s2 =	sld [smem:$0x3FD9]  }
0x89: {  	s3 =	sld [smem:$0x3FFE];
	_ =	sdelay $0x1  }
0x8a: {  	s1 =	srdreg.scid  }
0x8b: {  	s0 =	sand.u32 $0x1, s1  }
0x8c: {  	s17 =	sshll.u32 s0, $0xA;
	s2 =	sadd.s32 s3, s2  }
0x8d: {  	s2 =	sadd.s32 s2, s17  }
0x8e: {  	[smem:$0x3F89] =	sst s2  }
0x8f: {  	_ = 	snop  }
0x90: {  	(tm) =	ssettm $0x1  }
0x91: {  	s18 =	sld [smem:$0x3FFB];
	_ =	sdelay $0x3  }
0x92: {  	_ =	strace s18  }
0x93: {  	s2 =	sld [smem:$0x3FFC];
	_ =	sdelay $0x3  }
0x94: {  	_ =	strace s2  }
0x95: {  	s2 =	sld [smem:$0x3FFD];
	_ =	sdelay $0x3  }
0x96: {  	_ =	strace s2  }
0x97: {  	_ =	strace $0x8FFFFFFF  }
0x98: {  	s19 =	sld [smem:$0x3FDB];
	_ =	sdelay $0x1  }
0x99: {  	s20 =	simm.s32 $_scs_section_size  }
0x9a: {  	s4 =	simm.s32 $_size__tile_overlayer_lowered;
	s5 =	simm.s32 $_tile_overlayer_lowered  }
0x9b: {  	s6 =	simm.s32 $0x1BFF;
	s21 =	sshll.u32 s5, $0x1;
	s3 =	sadd.s32 s20, s19  }
0x9c: {  	s22 =	simm.s32 $0x0;
	s4 =	sshll.u32 s4, $0x1;
	s5 =	sadd.s32 s21, s3  }
0x9d: {  	[timem:s22], [sflag:s6] =	dma.local [hbm:s5], s4  }
0x9e: {  	_ =	swait.ge [sflag:s6], s4  }
0x9f: {  	s4 =	ssub.s32 $0x0, s4;
	[sflag:s6] =	ssyncset.done $0x0  }
0xa0: {  	[sflag:s6] =	ssyncadd.s32 s4;
	_ =	sdelay $0x1  }
0xa1: {  	s23 =	simm.s32 $0x1B8B  }
0xa2: {  	_ =	swait.ge [sflag:s23], $0x1  }
0xa3: {  	[sflag:s23] =	ssyncset.done $0x0  }
0xa4: {  	[sflag:s23] =	ssyncadd.s32 $0xFFFFFFFF  }
0xa5: {  	s4 =	sld [smem:$0x0]  }
0xa6: {  	s5 =	sand.u32 $0xFFFFFFFE, s1  }
0xa7: {  	p0 =	sne.s32 s1, s5  }
0xa8: {  	s5 =	sshll.u32 @p0 s5, $0xE  }
0xa9: {  	s5 =	sadd.s32 @p0 $0x11B8D, s5;
	s6 =	sshll.u32 @p0 s4, $0x11  }
0xaa: {  	s5 =	sor.u32 @p0 s6, s5  }
0xab: {  	[sflag:s5] =	ssyncadd.remote.s32 @p0 $0x1;
	_ =	sdelay $0x1  }
0xac: {  	s5 =	simm.s32 @p0 $0x1B8D  }
0xad: {  	_ =	swait.eq @p0 [sflag:s5], $0x1  }
0xae: {  	[sflag:s5] =	ssyncadd.s32 @p0 $0xFFFFFFFF  }
0xaf: {  	s6 =	sshll.u32 @!p0 s1, $0xE  }
0xb0: {  	s6 =	sor.u32 @!p0 $0x4000, s6;
	s5 =	simm.s32 @!p0 $0x1B8D  }
0xb1: {  	s4 =	sshll.u32 @!p0 s4, $0x11;
	s6 =	sadd.s32 @!p0 $0x11B8D, s6;
	_ =	swait.eq @!p0 [sflag:s5], $0x1  }
0xb2: {  	s4 =	sor.u32 @!p0 s4, s6;
	[sflag:s5] =	ssyncadd.s32 @!p0 $0xFFFFFFFF  }
0xb3: {  	s25 =	simm.s32 $0x1B8E;
	s24 =	sld [smem:$0x3FFE];
	[sflag:s4] =	ssyncadd.remote.s32 @!p0 $0x1  }
0xb4: {  	s26 =	simm.s32 $execute0_lowered;
	[smem:$0x3FD2] =	sst s25  }
0xb5: {  	s5 =	sshll.u32 s26, $0x1;
	_ =	strace $0x80000049;
	[dreg:$0x1] =	wrdreg $0xFFFFFFFF  }
0xb6: {  	s28 =	simm.s32 $_size_execute0_lowered;
	s3 =	sadd.s32 s3, s5;
	[dreg:$0x0] =	wrdreg $0x0  }
0xb7: {  	s5 =	sshll.u32 s28, $0x1;
	[dreg:$0x2] =	wrdreg s3  }
0xb8: {  	[dreg:$0x3] =	wrdreg s5  }
0xb9: {  	[dreg:$0x4] =	wrdreg $0xC0  }
0xba: {  	_ =	task [dreg:s22], $0x5FFFF  }
0xbb: {  	[dreg:$0x1] =	wrdreg $0xFFFFFFFF  }
0xbc: {  	[dreg:$0x0] =	wrdreg $0x60  }
0xbd: {  	[dreg:$0x2] =	wrdreg s24  }
0xbe: {  	[dreg:$0x3] =	wrdreg $0x54000  }
0xbf: {  	[dreg:$0x4] =	wrdreg $0xA  }
0xc0: {  	_ =	task.clear_ibuf [dreg:s22], $0x5FFFF;
	_ =	strace $0x90000049  }
0xc1: {  	s29 =	simm.s32 $0xA;
	_ =	strace $0x8000004B  }
0xc2: {  	_ =	swait.ge [sflag:s29], $0x1  }
0xc3: {  	[sflag:s29] =	ssyncadd.s32 $0xFFFFFFFF  }
0xc4: {  	_ =	strace $0x9000004B  }
0xc5: {  	_ =	sfence  }
0xc6: {  	s30 =	sld [smem:$0x0];
	_ =	sdelay $0x2  }
0xc7: {  	s31 =	sshll.u32 s1, $0xD;
	s1 =	sshrl.u32 s1, $0x2  }
0xc8: {  	s4 =	sand.u32 $0x4000, s31;
	s1 =	sadd.s32 s1, s30  }
0xc9: {  	s0 =	sor.u32 s4, s0;
	s1 =	sshll.u32 s1, $0x11  }
0xca: {  	s0 =	sor.u32 s1, s0  }
0xcb: {  	s0 =	sadd.s32 $0x8F2B, s0  }
0xcc: {  	[sflag:s0] =	ssyncadd.remote.s32 $0x1  }
0xcd: {  	_ =	sfence.sel $0xFFFF  }
0xce: {  	[dreg:$0x0] =	wrdreg $0xFFFFFFFF;
	(pc) =	sbr.abs _section_cstart, $3  }
0xcf: {  	[dreg:$0x1] =	wrdreg $0xFFFFFFFF  }
0xd0: {  	_ =	task.clear_ibuf [dreg:s22], $0x2FFFF;
	_ =	strace $0x9FFFFFFF  }
0xd1: {  	(tm) =	ssettm $0x7FFFFFFF  }
tec
execute0_lowered:
.L_overlay_start_1:
0x0: {  	(tag) =	ssettag $0x1  }
0x1: {  	s0 =	stileid.u32;
	s4 =	rddreg [dreg:$0x0]  }
0x2: {  	s1 =	srdreg.scid;
	s2 =	rddreg [dreg:$0x1]  }
0x3: {  	s3 =	simm.s32 $0x0;
	s14 =	simm.s32 $0x80;
	s17 =	simm.s32 $0x0  }
0x4: {  	s6 =	sand.u32 $0x1, s1;
	s5 =	smul.u32 $0x28000, s0;
	s1 =	rddreg [dreg:$0x2]  }
0x5: {  	s23 =	sshll.u32 s0, $0x1;
	[smem:$0x7FF] =	sst s3;
	s8 =	smul.u32 $0x13C00, s0  }
0x6: {  	s9 =	smul.u32 $0x4F000, s0;
	s11 =	sadd.s32 $0x88A00, s4;
	s28 =	sshll.u32 s0, $0x6  }
0x7: {  	p0 =	seq.s32 s0, $0xF;
	s7 =	sor.u32 s6, s23;
	s13 =	smul.u32 $0x138800, s6  }
0x8: {  	_ =	strace $0x8000004A;
	s26 =	ssub.s32 $0x2, s6;
	s30 =	smul.u32 $0x14000, s6  }
0x9: {  	s7 =	smul.u32 $0x1400, s7;
	s10 =	sadd.s32 s5, s4;
	s25 =	sshrl.u32 s8, $0x3  }
0xa: {  	s12 =	sshrl.u32 s26, $0x1;
	s9 =	sshrl.u32 s9, $0x2;
	s5 =	sadd.s32 s25, s4  }
0xb: {  	s12 =	ssub.s32 s26, s12;
	s16 =	sadd.s32 s9, s2;
	s8 =	sadd.s32 s8, s13  }
0xc: {  	s29 =	sshrl.u32 s13, $0x3;
	s10 =	sadd.s32 s30, s10;
	s13 =	simm.s32 $0x1400  }
0xd: {  	s24 =	sshrl.u32 s7, $0x3;
	s8 =	sshrl.u32 s8, $0x3;
	s31 =	sadd.s32 s11, s29  }
0xe: {  	s9 =	smax.u32 s12, $0x1;
	s10 =	sadd.s32 $0x792200, s10;
	s12 =	simm.s32 $0x1  }
0xf: {  	s15 =	sshrl.u32 @p0 s16, $0x3;
	s7 =	sadd.s32 s24, s4;
	s4 =	sadd.s32 $0x13000, s5  }
0x10: {  	s5 =	sor.u32 $0x1C01, s28;
	s6 =	sadd.s32 $0xE000, s7;
	s7 =	sadd.s32 s11, s8  }
0x11: {  	s8 =	sadd.s32 $0x25080, s31;
	s11 =	sshrl.u32 s16, $0x3;
	s16 =	sshrl.u32 @!p0 s16, $0x3  }
.LBB2_1:
0x12: {  	[spmem:s11], [sflag:s5] =	dma.local [hbm:s4], $0x2780  }
0x13: {  	_ =	swait.ge [sflag:s12], $0x2780  }
0x14: {  	[sflag:s12] =	ssyncset.done $0x0  }
0x15: {  	[sflag:s12] =	ssyncadd.s32 $0xFFFFD880  }
0x16: {  	[tilespmem:s3], [sflag:$0x1] =	stream.linear.gather [hbm4b:s6+s3], $0x1400, $0x38;
	[tilespmem:$0x19000] =	vst v63  }
0x17: {  	_ =	swait.ge [sflag:s12], $0x1400  }
0x18: {  	[sflag:s12] =	ssyncset.done $0x0  }
0x19: {  	[sflag:s12] =	ssyncadd.s32 $0xFFFFEC00  }
0x1a: {  	[bflag:$0x0] =	sbarrier.arrive $0xFFFF  }
0x1b: {  	[tilespmem:s13], [sflag:$0x1] =	stream.linear.gather [hbm4b:s10+s3], $0x4000, $0x38;
	[tilespmem:$0x19000] =	vst v63  }
0x1c: {  	_ =	swait.ge [sflag:s12], $0x4000  }
0x1d: {  	[sflag:s12] =	ssyncset.done $0x0  }
0x1e: {  	s18 =	simm.s32 $0x0;
	[sflag:s12] =	ssyncadd.s32 $0xFFFFC000  }
0x1f: {  	[spmem:s2] =	stream.indirect.scatter.add.f32 [tilespmem:s13], [sflag:$0x1], $0x80, s18, s14, $0xb8;
	[tilespmem:$0x19000] =	vst v63  }
0x20: {  	_ =	swait.ge [sflag:s12], $0x4000  }
0x21: {  	s19 =	smov.u32 s10;
	s18 =	simm.s32 $0x200;
	[sflag:s12] =	ssyncset.done $0x0  }
.LBB2_2:
0x22: {  	p1 =	sne.s32 s18, $0x4E00;
	[sflag:s12] =	ssyncadd.s32 $0xFFFFC000;
	s19 =	sadd.s32 $0x800, s19  }
0x23: {  	[tilespmem:s13], [sflag:$0x1] =	stream.linear.gather [hbm4b:s19+s3], $0x4000, $0x38;
	[tilespmem:$0x19000] =	vst v63  }
0x24: {  	s20 =	smov.u32 s18;
	s18 =	sadd.s32 $0x200, s18;
	_ =	swait.ge [sflag:s12], $0x4000  }
.Ltmp0:
0x25: {  	[sflag:s12] =	ssyncset.done $0x0;
	(pc) =	sbr.rel @p1 .LBB2_2-.Ltmp0, $4  }
0x26: {  	s20 =	sshra.s32 s20, $0x2;
	[sflag:s12] =	ssyncadd.s32 $0xFFFFC000  }
0x27: {  	[spmem:s2] =	stream.indirect.scatter.add.f32 [tilespmem:s13], [sflag:$0x1], $0x80, s20, s14, $0xb8;
	[tilespmem:$0x19000] =	vst v63  }
0x28: {  	_ =	swait.ge [sflag:s12], $0x4000  }
0x29: {  	[sflag:s12] =	ssyncset.done $0x0  }
0x2a: {  	[sflag:s12] =	ssyncadd.s32 $0xFFFFC000  }
0x2b: {  	s18 =	simm.s32 @p0 $0x1;
	[bflag:$0x0] =	sbarrier.arrive $0xFFFF  }
0x2c: {  	[hbm:s8], [sflag:s5] =	dma.local @p0 [spmem:s15], $0x2080  }
0x2d: {  	s17 =	sadd.s32 $0x1, s17;
	_ =	swait.ge @p0 [sflag:s18], $0x2080  }
0x2e: {  	p1 =	sne.s32 s17, s9;
	[sflag:s18] =	ssyncset.done @p0 $0x0  }
.Ltmp1:
0x2f: {  	[sflag:s18] =	ssyncadd.s32 @p0 $0xFFFFDF80;
	s18 =	simm.s32 @!p0 $0x1;
	(pc) =	sbr.rel @p1 .LBB2_1-.Ltmp1, $4  }
0x30: {  	[hbm:s7], [sflag:s5] =	dma.local @!p0 [spmem:s16], $0x2780  }
0x31: {  	_ =	swait.ge @!p0 [sflag:s18], $0x2780  }
0x32: {  	[sflag:s18] =	ssyncset.done @!p0 $0x0  }
0x33: {  	[sflag:s18] =	ssyncadd.s32 @!p0 $0xFFFFD880  }
0x34: {  	_ =	sfence.sel $0x180000  }
0x35: {  	[bflag:$0x0] =	sbarrier.arrive $0xFFFF  }
0x36: {  	p0 =	sne.s32 s0, $0x0;
	_ =	strace $0x9000004A  }
0x37: {  	s0 =	sadd.s32 @!p0 $0x100000, s1;
	[bflag:$0x2] =	sbarrier.arrive $0xFFFF  }
0x38: {  	[sflag:s0] =	ssyncadd.tile.s32 @!p0 $0x1;
	_ =	shalt  }
.Lfunc_end2:
_tile_overlayer_lowered:
.L_overlay_start_2:
0x39: {  	(tag) =	ssettag $0x2  }
0x3a: {  	s0 =	rddreg [dreg:$0x0];
	s2 =	stileid.u32  }
0x3b: {  	s1 =	rddreg [dreg:$0x1];
	p0 =	sne.s32 s2, $0x0  }
0x3c: {  	s3 =	rddreg [dreg:$0x2];
	[bflag:$0x3] =	sbarrier.arrive $0xFFFF;
	s2 =	simm.s32 @!p0 $0x1C01  }
0x3d: {  	[timem:s3], [sflag:s2] =	dma.local @!p0 [hbm:s0], s1  }
0x3e: {  	s0 =	simm.s32 @!p0 $0x1  }
0x3f: {  	_ =	swait.ge @!p0 [sflag:s0], s1  }
0x40: {  	s1 =	ssub.s32 @!p0 $0x0, s1;
	[sflag:s0] =	ssyncset.done @!p0 $0x0  }
0x41: {  	[sflag:s0] =	ssyncadd.s32 @!p0 s1  }
0x42: {  	[bflag:$0x3] =	sbarrier.arrive $0xFFFF  }
0x43: {  	_ =	shalt  }

// kernel: kernel.19.cloned.1.call-start
scs
__scs_entry_jumppad:
0x0: {  	(pc) =	sbr.rel $0x88, $3  }
0x1: {  	(tag) =	ssettag $0x0;
	lr =	simm.s32 $0x1  }
0x2: {  	[smem:$0x3F62] =	sst lr;
	_ =	strace $0xD0000000  }
0x3: {  	_ = 	snop  }
0x4: {  	_ = 	snop  }
0x5: {  	_ = 	snop  }
0x6: {  	_ = 	snop  }
0x7: {  	_ = 	snop  }
__scs_overlays_trampoline_lowered:
0x8: {  	[smem:$0x3F71] =	sst s0  }
0x9: {  	[smem:$0x3F72] =	sst s1  }
0xa: {  	[smem:$0x3F73] =	sst s2  }
0xb: {  	[smem:$0x3F74] =	sst s3  }
0xc: {  	[smem:$0x3F75] =	sst s4  }
0xd: {  	[smem:$0x3F76] =	sst s5  }
0xe: {  	[smem:$0x3F77] =	sst s6  }
0xf: {  	[smem:$0x3F78] =	sst s7  }
0x10: {  	[smem:$0x3F79] =	sst s8  }
0x11: {  	[smem:$0x3F7A] =	sst s9;
	s0 =	simm.s32 @!p0 $0x0  }
0x12: {  	s1 =	sld [smem:$0x3F60];
	s0 =	simm.s32 @p0 $0x1  }
0x13: {  	[smem:$0x3F7B] =	sst s0;
	s0 =	simm.s32 @!p1 $0x0  }
0x14: {  	s2 =	sld [smem:$0x3F5F];
	s0 =	simm.s32 @p1 $0x1  }
0x15: {  	[smem:$0x3F7C] =	sst s0;
	s0 =	simm.s32 @!p2 $0x0  }
0x16: {  	s3 =	sld [smem:$0x3FDB];
	s0 =	simm.s32 @p2 $0x1  }
0x17: {  	s4 =	simm.s32 $0x1BF5;
	[smem:$0x3F7E] =	sst s0  }
0x18: {  	s0 =	sld [smem:$0x3F61];
	_ =	swait.ge [sflag:s4], $0x0  }
0x19: {  	s7 =	sld [smem:$0x3F62]  }
0x1a: {  	s8 =	sadd.s32 $0xFFFFE003, lr  }
0x1b: {  	s9 =	sadd.s32 $0xFFFFFEF7, lr;
	s5 =	simm.s32 $0xFFFFFFFF;
	p2 =	slt.u32 s8, $0xFFFFF086  }
0x1c: {  	p1 =	slt.u32 s9, $0xF7A;
	s5 =	simm.s32 @!p2 $0x0  }
0x1d: {  	s5 =	simm.s32 @p1 $0x1;
	p0 =	seq.s32 s7, s2  }
0x1e: {  	s7 =	smul.u32 @!p0 $0xF7A, s2;
	p2 =	seq.s32 @!p0 s5, $0x0  }
0x1f: {  	s9 =	smul.u32 $0xF7A, s1;
	s8 =	simm.s32 @!p0 $0x1BF5;
	p2 =	por !p2, p0  }
0x20: {  	[sflag:s8] =	ssyncset.s32 @!p0 $0xFFFFF086;
	s6 =	sadd.s32 @!p0 s3, s7;
	s7 =	simm.s32 @!p0 $0x108  }
0x21: {  	s3 =	sadd.s32 s3, s9;
	s6 =	sadd.s32 @!p0 $0x88, s6;
	s7 =	simm.s32 @p2 $0x1082  }
0x22: {  	[simem:s7], [sflag:s8] =	dma.local @!p0 [hbm:s6], $0xF7A  }
0x23: {  	s9 =	sor.u32 $0xD0000000, s2;
	s6 =	simm.s32 $0x108;
	_ =	swait.ge @!p0 [sflag:s8], $0x0  }
0x24: {  	s3 =	sadd.s32 $0x88, s3;
	s6 =	simm.s32 @!p1 $0x1082;
	[sflag:s4] =	ssyncset.s32 $0xFFFFF086  }
0x25: {  	[simem:s6], [sflag:s4] =	dma.local [hbm:s3], $0xF7A  }
0x26: {  	[smem:$0x3F62] =	sst s1;
	(tag) =	ssettag s2;
	_ =	strace s9  }
0x27: {  	s1 =	sld [smem:$0x3F72]  }
0x28: {  	s2 =	sld [smem:$0x3F73]  }
0x29: {  	s4 =	sld [smem:$0x3F75]  }
0x2a: {  	p0 =	seq.s32 s5, $0x0;
	s5 =	sld [smem:$0x3F76]  }
0x2b: {  	s6 =	sld [smem:$0x3F77]  }
0x2c: {  	s7 =	sld [smem:$0x3F78]  }
0x2d: {  	s3 =	simm.s32 $0x108;
	s8 =	sld [smem:$0x3F79]  }
0x2e: {  	s3 =	simm.s32 @!p0 $0x1082;
	s9 =	sld [smem:$0x3F7A]  }
0x2f: {  	lr =	sadd.s32 s0, s3;
	s0 =	sld [smem:$0x3F71]  }
0x30: {  	s3 =	sld [smem:$0x3F74]  }
0x31: {  	[smem:$0x3F7D] =	sst s10  }
0x32: {  	s10 =	sld [smem:$0x3F7B];
	_ =	sdelay $0x3  }
0x33: {  	p0 =	seq.s32 s10, $0x1;
	s10 =	sld [smem:$0x3F7D];
	_ =	sdelay $0x3  }
0x34: {  	[smem:$0x3F7D] =	sst s10  }
0x35: {  	s10 =	sld [smem:$0x3F7C];
	_ =	sdelay $0x3  }
0x36: {  	p1 =	seq.s32 s10, $0x1;
	s10 =	sld [smem:$0x3F7D];
	_ =	sdelay $0x3  }
0x37: {  	[smem:$0x3F7D] =	sst s10  }
0x38: {  	s10 =	sld [smem:$0x3F7E]  }
0x39: {  	_ = 	snop;
	(pc) =	sbr.ind lr, $3  }
0x3a: {  	_ = 	snop  }
0x3b: {  	_ = 	snop  }
0x3c: {  	p2 =	seq.s32 s10, $0x1;
	s10 =	sld [smem:$0x3F7D]  }
0x3d: {  	_ =	shalt  }
0x3e: {  	_ =	shalt  }
0x3f: {  	_ =	shalt  }
0x40: {  	_ =	shalt  }
0x41: {  	_ =	shalt  }
0x42: {  	_ =	shalt  }
0x43: {  	_ =	shalt  }
0x44: {  	_ =	shalt  }
0x45: {  	_ =	shalt  }
0x46: {  	_ =	shalt  }
0x47: {  	_ =	shalt  }
0x48: {  	_ =	shalt  }
0x49: {  	_ =	shalt  }
0x4a: {  	_ =	shalt  }
0x4b: {  	_ =	shalt  }
0x4c: {  	_ =	shalt  }
0x4d: {  	_ =	shalt  }
0x4e: {  	_ =	shalt  }
0x4f: {  	_ =	shalt  }
0x50: {  	_ =	shalt  }
0x51: {  	_ =	shalt  }
0x52: {  	_ =	shalt  }
0x53: {  	_ =	shalt  }
0x54: {  	_ =	shalt  }
0x55: {  	_ =	shalt  }
0x56: {  	_ =	shalt  }
0x57: {  	_ =	shalt  }
0x58: {  	_ =	shalt  }
0x59: {  	_ =	shalt  }
0x5a: {  	_ =	shalt  }
0x5b: {  	_ =	shalt  }
0x5c: {  	_ =	shalt  }
0x5d: {  	_ =	shalt  }
0x5e: {  	_ =	shalt  }
0x5f: {  	_ =	shalt  }
0x60: {  	_ =	shalt  }
0x61: {  	_ =	shalt  }
0x62: {  	_ =	shalt  }
0x63: {  	_ =	shalt  }
0x64: {  	_ =	shalt  }
0x65: {  	_ =	shalt  }
0x66: {  	_ =	shalt  }
0x67: {  	_ =	shalt  }
0x68: {  	_ =	shalt  }
0x69: {  	_ =	shalt  }
0x6a: {  	_ =	shalt  }
0x6b: {  	_ =	shalt  }
0x6c: {  	_ =	shalt  }
0x6d: {  	_ =	shalt  }
0x6e: {  	_ =	shalt  }
0x6f: {  	_ =	shalt  }
0x70: {  	_ =	shalt  }
0x71: {  	_ =	shalt  }
0x72: {  	_ =	shalt  }
0x73: {  	_ =	shalt  }
0x74: {  	_ =	shalt  }
0x75: {  	_ =	shalt  }
0x76: {  	_ =	shalt  }
0x77: {  	_ =	shalt  }
0x78: {  	_ =	shalt  }
0x79: {  	_ =	shalt  }
0x7a: {  	_ =	shalt  }
0x7b: {  	_ =	shalt  }
0x7c: {  	_ =	shalt  }
0x7d: {  	_ =	shalt  }
0x7e: {  	_ =	shalt  }
0x7f: {  	_ =	shalt  }
0x80: {  	_ =	shalt  }
0x81: {  	_ =	shalt  }
0x82: {  	_ =	shalt  }
0x83: {  	_ =	shalt  }
0x84: {  	_ =	shalt  }
0x85: {  	_ =	shalt  }
0x86: {  	_ =	shalt  }
0x87: {  	_ =	shalt  }
.Lfunc_end0:
.L_simem_size_0:
called_computation.2_lowered:
.L_overlay_start_0:
0x88: {  	s2 =	sld [smem:$0x3FD9]  }
0x89: {  	s3 =	sld [smem:$0x3FFE];
	_ =	sdelay $0x1  }
0x8a: {  	s1 =	srdreg.scid  }
0x8b: {  	s0 =	sand.u32 $0x1, s1  }
0x8c: {  	s16 =	sshll.u32 s0, $0xA;
	s2 =	sadd.s32 s3, s2  }
0x8d: {  	s2 =	sadd.s32 s2, s16  }
0x8e: {  	[smem:$0x3F89] =	sst s2  }
0x8f: {  	_ = 	snop  }
0x90: {  	(tm) =	ssettm $0x1  }
0x91: {  	s17 =	sld [smem:$0x3FFB];
	_ =	sdelay $0x3  }
0x92: {  	_ =	strace s17  }
0x93: {  	s2 =	sld [smem:$0x3FFC];
	_ =	sdelay $0x3  }
0x94: {  	_ =	strace s2  }
0x95: {  	s2 =	sld [smem:$0x3FFD];
	_ =	sdelay $0x3  }
0x96: {  	_ =	strace s2  }
0x97: {  	_ =	strace $0x8FFFFFFF  }
0x98: {  	s18 =	sld [smem:$0x3FDB];
	_ =	sdelay $0x1  }
0x99: {  	s19 =	simm.s32 $_scs_section_size  }
0x9a: {  	s4 =	simm.s32 $_size__tile_overlayer_lowered;
	s5 =	simm.s32 $_tile_overlayer_lowered  }
0x9b: {  	s22 =	simm.s32 $0x1BFF;
	s21 =	sshll.u32 s5, $0x1;
	s2 =	sadd.s32 s19, s18  }
0x9c: {  	s6 =	simm.s32 $0x0;
	s20 =	sshll.u32 s4, $0x1;
	s4 =	sadd.s32 s21, s2  }
0x9d: {  	[timem:s6], [sflag:s22] =	dma.local [hbm:s4], s20  }
0x9e: {  	_ =	swait.ge [sflag:s22], s20  }
0x9f: {  	s3 =	ssub.s32 $0x0, s20;
	[sflag:s22] =	ssyncset.done $0x0  }
0xa0: {  	[sflag:s22] =	ssyncadd.s32 s3;
	_ =	sdelay $0x1  }
0xa1: {  	s23 =	simm.s32 $0x1B8B  }
0xa2: {  	_ =	swait.ge [sflag:s23], $0x1  }
0xa3: {  	[sflag:s23] =	ssyncset.done $0x0  }
0xa4: {  	s25 =	simm.s32 $0x1B8E;
	s24 =	sld [smem:$0x3FFE];
	[sflag:s23] =	ssyncadd.s32 $0xFFFFFFFF  }
0xa5: {  	s26 =	simm.s32 $execute0_lowered;
	[smem:$0x3FD2] =	sst s25  }
0xa6: {  	s4 =	sshll.u32 s26, $0x1;
	_ =	strace $0x8000004C;
	[dreg:$0x1] =	wrdreg $0xFFFFFFFF  }
0xa7: {  	s28 =	simm.s32 $_size_execute0_lowered;
	s2 =	sadd.s32 s2, s4;
	[dreg:$0x0] =	wrdreg $0x0  }
0xa8: {  	s4 =	sshll.u32 s28, $0x1;
	[dreg:$0x2] =	wrdreg s2  }
0xa9: {  	[dreg:$0x3] =	wrdreg s4  }
0xaa: {  	[dreg:$0x4] =	wrdreg $0xC0  }
0xab: {  	_ =	task [dreg:s6], $0x5FFFF  }
0xac: {  	[dreg:$0x1] =	wrdreg $0xFFFFFFFF  }
0xad: {  	[dreg:$0x0] =	wrdreg $0x60  }
0xae: {  	[dreg:$0x2] =	wrdreg s24  }
0xaf: {  	[dreg:$0x3] =	wrdreg $0x68000  }
0xb0: {  	[dreg:$0x4] =	wrdreg $0x9  }
0xb1: {  	_ =	task.clear_ibuf [dreg:s6], $0x5FFFF;
	_ =	strace $0x9000004C  }
0xb2: {  	s29 =	simm.s32 $0x9;
	_ =	strace $0x8000004E  }
0xb3: {  	_ =	swait.ge [sflag:s29], $0x1  }
0xb4: {  	[sflag:s29] =	ssyncadd.s32 $0xFFFFFFFF  }
0xb5: {  	_ =	strace $0x9000004E  }
0xb6: {  	_ =	sfence  }
0xb7: {  	s30 =	sld [smem:$0x0];
	_ =	sdelay $0x2  }
0xb8: {  	s31 =	sshll.u32 s1, $0xD;
	s1 =	sshrl.u32 s1, $0x2  }
0xb9: {  	s3 =	sand.u32 $0x4000, s31;
	s1 =	sadd.s32 s1, s30  }
0xba: {  	s0 =	sor.u32 s3, s0;
	s1 =	sshll.u32 s1, $0x11  }
0xbb: {  	s0 =	sor.u32 s1, s0  }
0xbc: {  	s0 =	sadd.s32 $0x8F2B, s0  }
0xbd: {  	[sflag:s0] =	ssyncadd.remote.s32 $0x1  }
0xbe: {  	_ =	sfence.sel $0xFFFF  }
0xbf: {  	[dreg:$0x0] =	wrdreg $0xFFFFFFFF;
	(pc) =	sbr.abs _section_cstart, $3  }
0xc0: {  	[dreg:$0x1] =	wrdreg $0xFFFFFFFF  }
0xc1: {  	_ =	task.clear_ibuf [dreg:s6], $0x2FFFF;
	_ =	strace $0x9FFFFFFF  }
0xc2: {  	(tm) =	ssettm $0x7FFFFFFF  }
0xc3: {  	_ =	shalt  }
tec
execute0_lowered:
.L_overlay_start_1:
0x0: {  	(tag) =	ssettag $0x1  }
0x1: {  	s1 =	srdreg.scid;
	s5 =	rddreg [dreg:$0x0]  }
0x2: {  	s0 =	stileid.u32;
	s2 =	rddreg [dreg:$0x1];
	s3 =	simm.s32 $0x0  }
0x3: {  	s15 =	simm.s32 $0x80;
	s16 =	simm.s32 $0x2800;
	s17 =	simm.s32 $0x1  }
0x4: {  	s20 =	simm.s32 $0x0;
	s6 =	sand.u32 $0x1, s1;
	s1 =	rddreg [dreg:$0x2]  }
0x5: {  	s26 =	sshll.u32 s0, $0x1;
	[smem:$0x7FF] =	sst s3;
	s8 =	smul.u32 $0x13C00, s0  }
0x6: {  	s12 =	smul.u32 $0x4F000, s0;
	s13 =	sadd.s32 $0x88C00, s5;
	s31 =	sshll.u32 s0, $0x6  }
0x7: {  	p0 =	seq.s32 s0, $0xF;
	s4 =	sor.u32 s6, s26;
	s28 =	smul.u32 $0x138800, s6  }
0x8: {  	_ =	strace $0x8000004D;
	s10 =	ssub.s32 $0x2, s6;
	s7 =	smul.u32 $0x280, s4  }
0x9: {  	s4 =	sadd.s32 $0x3A800, s5;
	s9 =	sshrl.u32 s8, $0x3;
	s11 =	sshrl.u32 s10, $0x1  }
0xa: {  	s29 =	sshrl.u32 s12, $0x2;
	s12 =	simm.s32 $0x1400;
	s9 =	sadd.s32 s9, s5  }
0xb: {  	s10 =	ssub.s32 s10, s11;
	s19 =	sadd.s32 s29, s2;
	s8 =	sadd.s32 s8, s28  }
0xc: {  	s11 =	sshrl.u32 s28, $0x3;
	s7 =	sadd.s32 s7, s5;
	s8 =	sshrl.u32 s8, $0x3  }
0xd: {  	s30 =	sadd.s32 s13, s11;
	s10 =	smax.u32 s10, $0x1;
	s11 =	simm.s32 $0x2  }
0xe: {  	s14 =	sshrl.u32 s19, $0x3;
	s18 =	sshrl.u32 @p0 s19, $0x3;
	s19 =	sshrl.u32 @!p0 s19, $0x3  }
0xf: {  	s5 =	sadd.s32 $0x9000, s7;
	s6 =	sadd.s32 $0xE000, s7;
	s7 =	sadd.s32 $0x13000, s9  }
0x10: {  	s8 =	sadd.s32 s13, s8;
	s9 =	sadd.s32 $0x25080, s30;
	s13 =	sor.u32 $0x1C02, s31  }
.LBB2_1:
0x11: {  	[tilespmem:s3], [sflag:$0x2] =	stream.linear.gather [hbm4b:s5+s3], $0x1400, $0x38;
	[tilespmem:$0x1A400] =	vst v63  }
0x12: {  	_ =	swait.ge [sflag:s11], $0x1400  }
0x13: {  	[sflag:s11] =	ssyncset.done $0x0  }
0x14: {  	[sflag:s11] =	ssyncadd.s32 $0xFFFFEC00  }
0x15: {  	[tilespmem:s12], [sflag:$0x2] =	stream.linear.gather [hbm4b:s6+s3], $0x1400, $0x38;
	[tilespmem:$0x1A400] =	vst v63  }
0x16: {  	_ =	swait.ge [sflag:s11], $0x1400  }
0x17: {  	[sflag:s11] =	ssyncset.done $0x0  }
0x18: {  	[sflag:s11] =	ssyncadd.s32 $0xFFFFEC00  }
0x19: {  	[spmem:s14], [sflag:s13] =	dma.local [hbm:s7], $0x2780  }
0x1a: {  	_ =	swait.ge [sflag:s11], $0x2780  }
0x1b: {  	[sflag:s11] =	ssyncset.done $0x0  }
0x1c: {  	[sflag:s11] =	ssyncadd.s32 $0xFFFFD880  }
0x1d: {  	s21 =	simm.s32 $0x0;
	[bflag:$0x0] =	sbarrier.arrive $0xFFFF  }
0x1e: {  	[tilespmem:s16], [sflag:$0x1] =	stream.indirect.gather [hbm4b:s4+s15], $0x80, s21, s15, $0xb8;
	[tilespmem:$0x1A400] =	vst v63  }
0x1f: {  	_ =	swait.ge [sflag:s17], $0x4000  }
0x20: {  	[sflag:s17] =	ssyncset.done $0x0  }
0x21: {  	s31 =	simm.s32 $0x1400;
	[sflag:s17] =	ssyncadd.s32 $0xFFFFC000  }
0x22: {  	[spmem:s2] =	stream.indirect.scatter.add.f32 [tilespmem:s16], [sflag:$0x2], $0x80, s31, s15, $0xb8;
	[tilespmem:$0x1A400] =	vst v63  }
0x23: {  	_ =	swait.ge [sflag:s11], $0x4000  }
0x24: {  	s22 =	simm.s32 $0x400;
	s21 =	simm.s32 $0x200;
	[sflag:s11] =	ssyncset.done $0x0  }
.LBB2_2:
0x25: {  	s23 =	sshra.s32 s21, $0x2  }
0x26: {  	[sflag:s11] =	ssyncadd.s32 $0xFFFFC000;
	s21 =	smov.u32 s22;
	s24 =	sadd.s32 $0x200, s22  }
0x27: {  	[tilespmem:s16], [sflag:$0x1] =	stream.indirect.gather [hbm4b:s4+s15], $0x80, s23, s15, $0xb8;
	[tilespmem:$0x1A400] =	vst v63  }
0x28: {  	p1 =	sne.s32 s22, $0x4E00;
	_ =	swait.ge [sflag:s17], $0x4000  }
.Ltmp0:
0x29: {  	[sflag:s17] =	ssyncset.done $0x0;
	(pc) =	sbr.rel @p1 .LBB2_2-.Ltmp0, $4  }
0x2a: {  	s22 =	sadd.s32 $0x1400, s23;
	[sflag:s17] =	ssyncadd.s32 $0xFFFFC000  }
0x2b: {  	[spmem:s2] =	stream.indirect.scatter.add.f32 [tilespmem:s16], [sflag:$0x2], $0x80, s22, s15, $0xb8;
	[tilespmem:$0x1A400] =	vst v63  }
0x2c: {  	_ =	swait.ge [sflag:s11], $0x4000  }
0x2d: {  	s22 =	smov.u32 s24;
	[sflag:s11] =	ssyncset.done $0x0  }
0x2e: {  	s21 =	sshra.s32 s21, $0x2;
	[sflag:s11] =	ssyncadd.s32 $0xFFFFC000  }
0x2f: {  	[tilespmem:s16], [sflag:$0x1] =	stream.indirect.gather [hbm4b:s4+s15], $0x80, s21, s15, $0xb8;
	[tilespmem:$0x1A400] =	vst v63  }
0x30: {  	_ =	swait.ge [sflag:s17], $0x4000  }
0x31: {  	[sflag:s17] =	ssyncset.done $0x0  }
0x32: {  	s21 =	sadd.s32 $0x1400, s21;
	[sflag:s17] =	ssyncadd.s32 $0xFFFFC000  }
0x33: {  	[spmem:s2] =	stream.indirect.scatter.add.f32 [tilespmem:s16], [sflag:$0x2], $0x80, s21, s15, $0xb8;
	[tilespmem:$0x1A400] =	vst v63  }
0x34: {  	_ =	swait.ge [sflag:s11], $0x4000  }
0x35: {  	[sflag:s11] =	ssyncset.done $0x0  }
0x36: {  	[sflag:s11] =	ssyncadd.s32 $0xFFFFC000  }
0x37: {  	s21 =	simm.s32 @p0 $0x2;
	[bflag:$0x0] =	sbarrier.arrive $0xFFFF  }
0x38: {  	[hbm:s9], [sflag:s13] =	dma.local @p0 [spmem:s18], $0x2080  }
0x39: {  	_ =	swait.ge @p0 [sflag:s21], $0x2080  }
0x3a: {  	s20 =	sadd.s32 $0x1, s20;
	[sflag:s21] =	ssyncset.done @p0 $0x0  }
0x3b: {  	p1 =	sne.s32 s20, s10;
	[sflag:s21] =	ssyncadd.s32 @p0 $0xFFFFDF80;
	s21 =	simm.s32 @!p0 $0x2  }
0x3c: {  	[hbm:s8], [sflag:s13] =	dma.local @!p0 [spmem:s19], $0x2780  }
.Ltmp1:
0x3d: {  	_ =	swait.ge @!p0 [sflag:s21], $0x2780;
	(pc) =	sbr.rel @p1 .LBB2_1-.Ltmp1, $3  }
0x3e: {  	[sflag:s21] =	ssyncset.done @!p0 $0x0  }
0x3f: {  	[sflag:s21] =	ssyncadd.s32 @!p0 $0xFFFFD880  }
0x40: {  	[bflag:$0x0] =	sbarrier.arrive $0xFFFF;
	_ =	sdelay $0x1  }
0x41: {  	_ =	sfence.sel $0x180000  }
0x42: {  	[bflag:$0x0] =	sbarrier.arrive $0xFFFF  }
0x43: {  	p0 =	sne.s32 s0, $0x0;
	_ =	strace $0x9000004D  }
0x44: {  	s0 =	sadd.s32 @!p0 $0x100000, s1;
	[bflag:$0x2] =	sbarrier.arrive $0xFFFF  }
0x45: {  	[sflag:s0] =	ssyncadd.tile.s32 @!p0 $0x1;
	_ =	shalt  }
.Lfunc_end2:
_tile_overlayer_lowered:
.L_overlay_start_2:
0x46: {  	(tag) =	ssettag $0x2  }
0x47: {  	s0 =	rddreg [dreg:$0x0];
	s2 =	stileid.u32  }
0x48: {  	s1 =	rddreg [dreg:$0x1];
	p0 =	sne.s32 s2, $0x0  }
0x49: {  	s3 =	rddreg [dreg:$0x2];
	[bflag:$0x3] =	sbarrier.arrive $0xFFFF;
	s2 =	simm.s32 @!p0 $0x1C02  }
0x4a: {  	[timem:s3], [sflag:s2] =	dma.local @!p0 [hbm:s0], s1  }
0x4b: {  	s0 =	simm.s32 @!p0 $0x2  }
0x4c: {  	_ =	swait.ge @!p0 [sflag:s0], s1  }
0x4d: {  	s1 =	ssub.s32 @!p0 $0x0, s1;
	[sflag:s0] =	ssyncset.done @!p0 $0x0  }
0x4e: {  	[sflag:s0] =	ssyncadd.s32 @!p0 s1  }
0x4f: {  	[bflag:$0x3] =	sbarrier.arrive $0xFFFF  }
0x50: {  	_ =	shalt  }

// kernel: kernel.22.cloned.1.call-start
scs
__scs_entry_jumppad:
0x0: {  	(pc) =	sbr.rel $0x88, $3  }
0x1: {  	(tag) =	ssettag $0x0;
	lr =	simm.s32 $0x1  }
0x2: {  	[smem:$0x3F62] =	sst lr;
	_ =	strace $0xD0000000  }
0x3: {  	_ = 	snop  }
0x4: {  	_ = 	snop  }
0x5: {  	_ = 	snop  }
0x6: {  	_ = 	snop  }
0x7: {  	_ = 	snop  }
__scs_overlays_trampoline_lowered:
0x8: {  	[smem:$0x3F71] =	sst s0  }
0x9: {  	[smem:$0x3F72] =	sst s1  }
0xa: {  	[smem:$0x3F73] =	sst s2  }
0xb: {  	[smem:$0x3F74] =	sst s3  }
0xc: {  	[smem:$0x3F75] =	sst s4  }
0xd: {  	[smem:$0x3F76] =	sst s5  }
0xe: {  	[smem:$0x3F77] =	sst s6  }
0xf: {  	[smem:$0x3F78] =	sst s7  }
0x10: {  	[smem:$0x3F79] =	sst s8  }
0x11: {  	[smem:$0x3F7A] =	sst s9;
	s0 =	simm.s32 @!p0 $0x0  }
0x12: {  	s1 =	sld [smem:$0x3F60];
	s0 =	simm.s32 @p0 $0x1  }
0x13: {  	[smem:$0x3F7B] =	sst s0;
	s0 =	simm.s32 @!p1 $0x0  }
0x14: {  	s2 =	sld [smem:$0x3F5F];
	s0 =	simm.s32 @p1 $0x1  }
0x15: {  	[smem:$0x3F7C] =	sst s0;
	s0 =	simm.s32 @!p2 $0x0  }
0x16: {  	s3 =	sld [smem:$0x3FDB];
	s0 =	simm.s32 @p2 $0x1  }
0x17: {  	s4 =	simm.s32 $0x1BF5;
	[smem:$0x3F7E] =	sst s0  }
0x18: {  	s0 =	sld [smem:$0x3F61];
	_ =	swait.ge [sflag:s4], $0x0  }
0x19: {  	s7 =	sld [smem:$0x3F62]  }
0x1a: {  	s8 =	sadd.s32 $0xFFFFE003, lr  }
0x1b: {  	s9 =	sadd.s32 $0xFFFFFEF7, lr;
	s5 =	simm.s32 $0xFFFFFFFF;
	p2 =	slt.u32 s8, $0xFFFFF086  }
0x1c: {  	p1 =	slt.u32 s9, $0xF7A;
	s5 =	simm.s32 @!p2 $0x0  }
0x1d: {  	s5 =	simm.s32 @p1 $0x1;
	p0 =	seq.s32 s7, s2  }
0x1e: {  	s7 =	smul.u32 @!p0 $0xF7A, s2;
	p2 =	seq.s32 @!p0 s5, $0x0  }
0x1f: {  	s9 =	smul.u32 $0xF7A, s1;
	s8 =	simm.s32 @!p0 $0x1BF5;
	p2 =	por !p2, p0  }
0x20: {  	[sflag:s8] =	ssyncset.s32 @!p0 $0xFFFFF086;
	s6 =	sadd.s32 @!p0 s3, s7;
	s7 =	simm.s32 @!p0 $0x108  }
0x21: {  	s3 =	sadd.s32 s3, s9;
	s6 =	sadd.s32 @!p0 $0x88, s6;
	s7 =	simm.s32 @p2 $0x1082  }
0x22: {  	[simem:s7], [sflag:s8] =	dma.local @!p0 [hbm:s6], $0xF7A  }
0x23: {  	s9 =	sor.u32 $0xD0000000, s2;
	s6 =	simm.s32 $0x108;
	_ =	swait.ge @!p0 [sflag:s8], $0x0  }
0x24: {  	s3 =	sadd.s32 $0x88, s3;
	s6 =	simm.s32 @!p1 $0x1082;
	[sflag:s4] =	ssyncset.s32 $0xFFFFF086  }
0x25: {  	[simem:s6], [sflag:s4] =	dma.local [hbm:s3], $0xF7A  }
0x26: {  	[smem:$0x3F62] =	sst s1;
	(tag) =	ssettag s2;
	_ =	strace s9  }
0x27: {  	s1 =	sld [smem:$0x3F72]  }
0x28: {  	s2 =	sld [smem:$0x3F73]  }
0x29: {  	s4 =	sld [smem:$0x3F75]  }
0x2a: {  	p0 =	seq.s32 s5, $0x0;
	s5 =	sld [smem:$0x3F76]  }
0x2b: {  	s6 =	sld [smem:$0x3F77]  }
0x2c: {  	s7 =	sld [smem:$0x3F78]  }
0x2d: {  	s3 =	simm.s32 $0x108;
	s8 =	sld [smem:$0x3F79]  }
0x2e: {  	s3 =	simm.s32 @!p0 $0x1082;
	s9 =	sld [smem:$0x3F7A]  }
0x2f: {  	lr =	sadd.s32 s0, s3;
	s0 =	sld [smem:$0x3F71]  }
0x30: {  	s3 =	sld [smem:$0x3F74]  }
0x31: {  	[smem:$0x3F7D] =	sst s10  }
0x32: {  	s10 =	sld [smem:$0x3F7B];
	_ =	sdelay $0x3  }
0x33: {  	p0 =	seq.s32 s10, $0x1;
	s10 =	sld [smem:$0x3F7D];
	_ =	sdelay $0x3  }
0x34: {  	[smem:$0x3F7D] =	sst s10  }
0x35: {  	s10 =	sld [smem:$0x3F7C];
	_ =	sdelay $0x3  }
0x36: {  	p1 =	seq.s32 s10, $0x1;
	s10 =	sld [smem:$0x3F7D];
	_ =	sdelay $0x3  }
0x37: {  	[smem:$0x3F7D] =	sst s10  }
0x38: {  	s10 =	sld [smem:$0x3F7E]  }
0x39: {  	_ = 	snop;
	(pc) =	sbr.ind lr, $3  }
0x3a: {  	_ = 	snop  }
0x3b: {  	_ = 	snop  }
0x3c: {  	p2 =	seq.s32 s10, $0x1;
	s10 =	sld [smem:$0x3F7D]  }
0x3d: {  	_ =	shalt  }
0x3e: {  	_ =	shalt  }
0x3f: {  	_ =	shalt  }
0x40: {  	_ =	shalt  }
0x41: {  	_ =	shalt  }
0x42: {  	_ =	shalt  }
0x43: {  	_ =	shalt  }
0x44: {  	_ =	shalt  }
0x45: {  	_ =	shalt  }
0x46: {  	_ =	shalt  }
0x47: {  	_ =	shalt  }
0x48: {  	_ =	shalt  }
0x49: {  	_ =	shalt  }
0x4a: {  	_ =	shalt  }
0x4b: {  	_ =	shalt  }
0x4c: {  	_ =	shalt  }
0x4d: {  	_ =	shalt  }
0x4e: {  	_ =	shalt  }
0x4f: {  	_ =	shalt  }
0x50: {  	_ =	shalt  }
0x51: {  	_ =	shalt  }
0x52: {  	_ =	shalt  }
0x53: {  	_ =	shalt  }
0x54: {  	_ =	shalt  }
0x55: {  	_ =	shalt  }
0x56: {  	_ =	shalt  }
0x57: {  	_ =	shalt  }
0x58: {  	_ =	shalt  }
0x59: {  	_ =	shalt  }
0x5a: {  	_ =	shalt  }
0x5b: {  	_ =	shalt  }
0x5c: {  	_ =	shalt  }
0x5d: {  	_ =	shalt  }
0x5e: {  	_ =	shalt  }
0x5f: {  	_ =	shalt  }
0x60: {  	_ =	shalt  }
0x61: {  	_ =	shalt  }
0x62: {  	_ =	shalt  }
0x63: {  	_ =	shalt  }
0x64: {  	_ =	shalt  }
0x65: {  	_ =	shalt  }
0x66: {  	_ =	shalt  }
0x67: {  	_ =	shalt  }
0x68: {  	_ =	shalt  }
0x69: {  	_ =	shalt  }
0x6a: {  	_ =	shalt  }
0x6b: {  	_ =	shalt  }
0x6c: {  	_ =	shalt  }
0x6d: {  	_ =	shalt  }
0x6e: {  	_ =	shalt  }
0x6f: {  	_ =	shalt  }
0x70: {  	_ =	shalt  }
0x71: {  	_ =	shalt  }
0x72: {  	_ =	shalt  }
0x73: {  	_ =	shalt  }
0x74: {  	_ =	shalt  }
0x75: {  	_ =	shalt  }
0x76: {  	_ =	shalt  }
0x77: {  	_ =	shalt  }
0x78: {  	_ =	shalt  }
0x79: {  	_ =	shalt  }
0x7a: {  	_ =	shalt  }
0x7b: {  	_ =	shalt  }
0x7c: {  	_ =	shalt  }
0x7d: {  	_ =	shalt  }
0x7e: {  	_ =	shalt  }
0x7f: {  	_ =	shalt  }
0x80: {  	_ =	shalt  }
0x81: {  	_ =	shalt  }
0x82: {  	_ =	shalt  }
0x83: {  	_ =	shalt  }
0x84: {  	_ =	shalt  }
0x85: {  	_ =	shalt  }
0x86: {  	_ =	shalt  }
0x87: {  	_ =	shalt  }
.Lfunc_end0:
.L_simem_size_0:
called_computation.3_lowered:
.L_overlay_start_0:
0x88: {  	s2 =	sld [smem:$0x3FD9]  }
0x89: {  	s3 =	sld [smem:$0x3FFE];
	_ =	sdelay $0x1  }
0x8a: {  	s1 =	srdreg.scid  }
0x8b: {  	s0 =	sand.u32 $0x1, s1  }
0x8c: {  	s16 =	sshll.u32 s0, $0xA;
	s2 =	sadd.s32 s3, s2  }
0x8d: {  	s2 =	sadd.s32 s2, s16  }
0x8e: {  	[smem:$0x3F89] =	sst s2  }
0x8f: {  	_ = 	snop  }
0x90: {  	(tm) =	ssettm $0x1  }
0x91: {  	s17 =	sld [smem:$0x3FFB];
	_ =	sdelay $0x3  }
0x92: {  	_ =	strace s17  }
0x93: {  	s2 =	sld [smem:$0x3FFC];
	_ =	sdelay $0x3  }
0x94: {  	_ =	strace s2  }
0x95: {  	s2 =	sld [smem:$0x3FFD];
	_ =	sdelay $0x3  }
0x96: {  	_ =	strace s2  }
0x97: {  	_ =	strace $0x8FFFFFFF  }
0x98: {  	s18 =	sld [smem:$0x3FDB];
	_ =	sdelay $0x1  }
0x99: {  	s19 =	simm.s32 $_scs_section_size  }
0x9a: {  	s4 =	simm.s32 $_size__tile_overlayer_lowered;
	s5 =	simm.s32 $_tile_overlayer_lowered  }
0x9b: {  	s22 =	simm.s32 $0x1BFF;
	s21 =	sshll.u32 s5, $0x1;
	s2 =	sadd.s32 s19, s18  }
0x9c: {  	s6 =	simm.s32 $0x0;
	s20 =	sshll.u32 s4, $0x1;
	s4 =	sadd.s32 s21, s2  }
0x9d: {  	[timem:s6], [sflag:s22] =	dma.local [hbm:s4], s20  }
0x9e: {  	_ =	swait.ge [sflag:s22], s20  }
0x9f: {  	s3 =	ssub.s32 $0x0, s20;
	[sflag:s22] =	ssyncset.done $0x0  }
0xa0: {  	[sflag:s22] =	ssyncadd.s32 s3;
	_ =	sdelay $0x1  }
0xa1: {  	s23 =	simm.s32 $0x1B8B  }
0xa2: {  	_ =	swait.ge [sflag:s23], $0x1  }
0xa3: {  	[sflag:s23] =	ssyncset.done $0x0  }
0xa4: {  	s25 =	simm.s32 $0x1B8E;
	s24 =	sld [smem:$0x3FFE];
	[sflag:s23] =	ssyncadd.s32 $0xFFFFFFFF  }
0xa5: {  	s26 =	simm.s32 $execute0_lowered;
	[smem:$0x3FD2] =	sst s25  }
0xa6: {  	s4 =	sshll.u32 s26, $0x1;
	_ =	strace $0x8000004F;
	[dreg:$0x1] =	wrdreg $0xFFFFFFFF  }
0xa7: {  	s28 =	simm.s32 $_size_execute0_lowered;
	s2 =	sadd.s32 s2, s4;
	[dreg:$0x0] =	wrdreg $0x0  }
0xa8: {  	s4 =	sshll.u32 s28, $0x1;
	[dreg:$0x2] =	wrdreg s2  }
0xa9: {  	[dreg:$0x3] =	wrdreg s4  }
0xaa: {  	[dreg:$0x4] =	wrdreg $0xC0  }
0xab: {  	_ =	task [dreg:s6], $0x5FFFF  }
0xac: {  	[dreg:$0x1] =	wrdreg $0xFFFFFFFF  }
0xad: {  	[dreg:$0x0] =	wrdreg $0x60  }
0xae: {  	[dreg:$0x2] =	wrdreg s24  }
0xaf: {  	[dreg:$0x3] =	wrdreg $0x68000  }
0xb0: {  	[dreg:$0x4] =	wrdreg $0x9  }
0xb1: {  	_ =	task.clear_ibuf [dreg:s6], $0x5FFFF;
	_ =	strace $0x9000004F  }
0xb2: {  	s29 =	simm.s32 $0x9;
	_ =	strace $0x80000051  }
0xb3: {  	_ =	swait.ge [sflag:s29], $0x1  }
0xb4: {  	[sflag:s29] =	ssyncadd.s32 $0xFFFFFFFF  }
0xb5: {  	_ =	strace $0x90000051  }
0xb6: {  	_ =	sfence  }
0xb7: {  	s30 =	sld [smem:$0x0];
	_ =	sdelay $0x2  }
0xb8: {  	s31 =	sshll.u32 s1, $0xD;
	s1 =	sshrl.u32 s1, $0x2  }
0xb9: {  	s3 =	sand.u32 $0x4000, s31;
	s1 =	sadd.s32 s1, s30  }
0xba: {  	s0 =	sor.u32 s3, s0;
	s1 =	sshll.u32 s1, $0x11  }
0xbb: {  	s0 =	sor.u32 s1, s0  }
0xbc: {  	s0 =	sadd.s32 $0x8F2B, s0  }
0xbd: {  	[sflag:s0] =	ssyncadd.remote.s32 $0x1  }
0xbe: {  	_ =	sfence.sel $0xFFFF  }
0xbf: {  	[dreg:$0x0] =	wrdreg $0xFFFFFFFF;
	(pc) =	sbr.abs _section_cstart, $3  }
0xc0: {  	[dreg:$0x1] =	wrdreg $0xFFFFFFFF  }
0xc1: {  	_ =	task.clear_ibuf [dreg:s6], $0x2FFFF;
	_ =	strace $0x9FFFFFFF  }
0xc2: {  	(tm) =	ssettm $0x7FFFFFFF  }
0xc3: {  	_ =	shalt  }
tec
execute0_lowered:
.L_overlay_start_1:
0x0: {  	(tag) =	ssettag $0x1  }
0x1: {  	s0 =	rddreg [dreg:$0x0]  }
0x2: {  	s1 =	rddreg [dreg:$0x1];
	s2 =	simm.s32 $0x0;
	s24 =	srdreg.scid  }
0x3: {  	s17 =	stileid.u32;
	[smem:$0x7FF] =	sst s2;
	s2 =	sand.u32 $0x1, s24  }
0x4: {  	s3 =	sshll.u32 s17, $0x1;
	s4 =	sadd.s32 $0x3A800, s0;
	s5 =	sadd.s32 $0x173600, s0  }
0x5: {  	s6 =	sadd.s32 $0x88C00, s0;
	s7 =	sadd.s32 $0x19A800, s0;
	s8 =	sadd.s32 $0xD6E00, s0  }
0x6: {  	s9 =	sadd.s32 $0xFE000, s0;
	s12 =	smul.u32 $0x13C00, s17;
	s10 =	sadd.s32 $0x125200, s0  }
0x7: {  	s11 =	sadd.s32 $0x14C400, s0;
	s25 =	smul.u32 $0x4F000, s17;
	p0 =	seq.s32 s17, $0xF  }
0x8: {  	s3 =	sor.u32 s2, s3;
	s14 =	ssub.s32 $0x2, s2;
	s2 =	smul.u32 $0x138800, s2  }
0x9: {  	s3 =	smul.u32 $0x280, s3;
	s13 =	sshrl.u32 s12, $0x3;
	s15 =	sshrl.u32 s14, $0x1  }
0xa: {  	_ =	strace $0x80000050;
	s13 =	sadd.s32 s13, s0;
	s15 =	ssub.s32 s14, s15  }
0xb: {  	s26 =	sshrl.u32 s2, $0x3;
	s2 =	sadd.s32 s12, s2;
	s3 =	sadd.s32 s3, s0  }
0xc: {  	s0 =	sadd.s32 $0x1C1A00, s0;
	s16 =	sadd.s32 $0x9000, s3;
	s3 =	sadd.s32 $0xE000, s3  }
0xd: {  	s12 =	simm.s32 $0x80;
	[dreg:$0x4] =	wrdreg s3;
	s3 =	sadd.s32 s0, s26  }
0xe: {  	s14 =	sadd.s32 $0x13000, s13;
	[dreg:$0x3] =	wrdreg s16;
	s13 =	sadd.s32 $0x25080, s3  }
0xf: {  	s2 =	sshrl.u32 s2, $0x3;
	s18 =	sadd.s32 $0x73280, s3;
	[dreg:$0x5] =	wrdreg s13  }
0x10: {  	s31 =	smax.u32 s15, $0x1;
	s19 =	sadd.s32 $0x10F680, s3;
	[dreg:$0x6] =	wrdreg s18  }
0x11: {  	s15 =	simm.s32 $0x1;
	s20 =	sadd.s32 $0x15D880, s3;
	[dreg:$0x7] =	wrdreg s19  }
0x12: {  	s16 =	sshrl.u32 s25, $0x2;
	s21 =	sadd.s32 $0x1ABA80, s3;
	[dreg:$0x8] =	wrdreg s20  }
0x13: {  	s22 =	sadd.s32 $0x1F9C80, s3;
	s23 =	sadd.s32 $0xC1480, s3;
	[dreg:$0x9] =	wrdreg s21  }
0x14: {  	s24 =	sadd.s32 $0x247E80, s3;
	s28 =	sadd.s32 s16, s1;
	[dreg:$0xa] =	wrdreg s22  }
0x15: {  	s3 =	simm.s32 $0x2;
	s16 =	simm.s32 $0x0;
	[dreg:$0xb] =	wrdreg s23  }
0x16: {  	s19 =	sadd.s32 s0, s2;
	[dreg:$0xc] =	wrdreg s24;
	s13 =	simm.s32 $0x2800  }
0x17: {  	s25 =	sadd.s32 $0x4E200, s19;
	s26 =	sadd.s32 $0x9C400, s19;
	s29 =	sadd.s32 $0x138800, s19  }
0x18: {  	s30 =	sadd.s32 $0x186A00, s19;
	s0 =	sadd.s32 $0x1D4C00, s19;
	[dreg:$0xd] =	wrdreg s25  }
0x19: {  	s2 =	sadd.s32 $0x222E00, s19;
	[dreg:$0xe] =	wrdreg s26;
	s26 =	sadd.s32 $0xEA600, s19  }
.LBB2_1:
0x1a: {  	s17 =	simm.s32 $0x0;
	s18 =	rddreg [dreg:$0x3]  }
0x1b: {  	[tilespmem:s17], [sflag:$0x2] =	stream.linear.gather [hbm4b:s18+s17], $0x1400, $0x38;
	[tilespmem:$0x1A400] =	vst v63  }
0x1c: {  	_ =	swait.ge [sflag:s3], $0x1400  }
0x1d: {  	[sflag:s3] =	ssyncset.done $0x0  }
0x1e: {  	s20 =	simm.s32 $0x1400;
	s22 =	rddreg [dreg:$0x4];
	[sflag:s3] =	ssyncadd.s32 $0xFFFFEC00  }
0x1f: {  	[tilespmem:s20], [sflag:$0x2] =	stream.linear.gather [hbm4b:s22+s17], $0x1400, $0x38;
	[tilespmem:$0x1A400] =	vst v63  }
0x20: {  	s23 =	stileid.u32;
	_ =	swait.ge [sflag:s3], $0x1400  }
0x21: {  	s17 =	sshll.u32 s23, $0x6;
	[sflag:s3] =	ssyncset.done $0x0  }
0x22: {  	s18 =	sshrl.u32 s28, $0x3;
	s17 =	sor.u32 $0x1C02, s17;
	[sflag:s3] =	ssyncadd.s32 $0xFFFFEC00  }
0x23: {  	[spmem:s18], [sflag:s17] =	dma.local [hbm:s14], $0x2780  }
0x24: {  	_ =	swait.ge [sflag:s3], $0x2780  }
0x25: {  	[sflag:s3] =	ssyncset.done $0x0  }
0x26: {  	[sflag:s3] =	ssyncadd.s32 $0xFFFFD880  }
0x27: {  	s24 =	simm.s32 $0x0;
	[bflag:$0x0] =	sbarrier.arrive $0xFFFF  }
0x28: {  	[tilespmem:s13], [sflag:$0x1] =	stream.indirect.gather [hbm4b:s4+s12], $0x80, s24, s12, $0xb8;
	[tilespmem:$0x1A400] =	vst v63  }
0x29: {  	_ =	swait.ge [sflag:s15], $0x4000  }
0x2a: {  	[sflag:s15] =	ssyncset.done $0x0  }
0x2b: {  	s25 =	simm.s32 $0x1400;
	[sflag:s15] =	ssyncadd.s32 $0xFFFFC000  }
0x2c: {  	[spmem:s1] =	stream.indirect.scatter.add.f32 [tilespmem:s13], [sflag:$0x2], $0x80, s25, s12, $0xb8;
	[tilespmem:$0x1A400] =	vst v63  }
0x2d: {  	_ =	swait.ge [sflag:s3], $0x4000  }
0x2e: {  	s21 =	simm.s32 $0x400;
	s20 =	simm.s32 $0x200;
	[sflag:s3] =	ssyncset.done $0x0  }
.LBB2_2:
0x2f: {  	s22 =	sshra.s32 s20, $0x2  }
0x30: {  	[sflag:s3] =	ssyncadd.s32 $0xFFFFC000;
	s20 =	smov.u32 s21;
	s23 =	sadd.s32 $0x200, s21  }
0x31: {  	[tilespmem:s13], [sflag:$0x1] =	stream.indirect.gather [hbm4b:s4+s12], $0x80, s22, s12, $0xb8;
	[tilespmem:$0x1A400] =	vst v63  }
0x32: {  	p1 =	sne.s32 s21, $0x4E00;
	_ =	swait.ge [sflag:s15], $0x4000  }
.Ltmp0:
0x33: {  	[sflag:s15] =	ssyncset.done $0x0;
	(pc) =	sbr.rel @p1 .LBB2_2-.Ltmp0, $4  }
0x34: {  	s21 =	sadd.s32 $0x1400, s22;
	[sflag:s15] =	ssyncadd.s32 $0xFFFFC000  }
0x35: {  	[spmem:s1] =	stream.indirect.scatter.add.f32 [tilespmem:s13], [sflag:$0x2], $0x80, s21, s12, $0xb8;
	[tilespmem:$0x1A400] =	vst v63  }
0x36: {  	_ =	swait.ge [sflag:s3], $0x4000  }
0x37: {  	s21 =	smov.u32 s23;
	[sflag:s3] =	ssyncset.done $0x0  }
0x38: {  	s20 =	sshra.s32 s20, $0x2;
	[sflag:s3] =	ssyncadd.s32 $0xFFFFC000  }
0x39: {  	[tilespmem:s13], [sflag:$0x1] =	stream.indirect.gather [hbm4b:s4+s12], $0x80, s20, s12, $0xb8;
	[tilespmem:$0x1A400] =	vst v63  }
0x3a: {  	_ =	swait.ge [sflag:s15], $0x4000  }
0x3b: {  	[sflag:s15] =	ssyncset.done $0x0  }
0x3c: {  	s20 =	sadd.s32 $0x1400, s20;
	[sflag:s15] =	ssyncadd.s32 $0xFFFFC000  }
0x3d: {  	[spmem:s1] =	stream.indirect.scatter.add.f32 [tilespmem:s13], [sflag:$0x2], $0x80, s20, s12, $0xb8;
	[tilespmem:$0x1A400] =	vst v63  }
0x3e: {  	_ =	swait.ge [sflag:s3], $0x4000  }
0x3f: {  	[sflag:s3] =	ssyncset.done $0x0  }
0x40: {  	[sflag:s3] =	ssyncadd.s32 $0xFFFFC000  }
0x41: {  	[bflag:$0x0] =	sbarrier.arrive $0xFFFF  }
0x42: {  	s20 =	sshrl.u32 @p0 s28, $0x3;
	s21 =	rddreg [dreg:$0x5]  }
0x43: {  	[hbm:s21], [sflag:s17] =	dma.local @p0 [spmem:s20], $0x2080  }
0x44: {  	s21 =	simm.s32 @p0 $0x2  }
0x45: {  	_ =	swait.ge @p0 [sflag:s21], $0x2080  }
0x46: {  	[sflag:s21] =	ssyncset.done @p0 $0x0  }
0x47: {  	s22 =	simm.s32 @!p0 $0x2;
	[sflag:s21] =	ssyncadd.s32 @p0 $0xFFFFDF80;
	s21 =	sshrl.u32 @!p0 s28, $0x3  }
0x48: {  	[hbm:s19], [sflag:s17] =	dma.local @!p0 [spmem:s21], $0x2780  }
0x49: {  	_ =	swait.ge @!p0 [sflag:s22], $0x2780  }
0x4a: {  	[sflag:s22] =	ssyncset.done @!p0 $0x0  }
0x4b: {  	[sflag:s22] =	ssyncadd.s32 @!p0 $0xFFFFD880  }
0x4c: {  	[bflag:$0x0] =	sbarrier.arrive $0xFFFF  }
0x4d: {  	[spmem:s18], [sflag:s17] =	dma.local [hbm:s14], $0x2780  }
0x4e: {  	_ =	swait.ge [sflag:s3], $0x2780  }
0x4f: {  	[sflag:s3] =	ssyncset.done $0x0  }
0x50: {  	[sflag:s3] =	ssyncadd.s32 $0xFFFFD880  }
0x51: {  	s24 =	simm.s32 $0x0;
	[bflag:$0x0] =	sbarrier.arrive $0xFFFF  }
0x52: {  	[tilespmem:s13], [sflag:$0x1] =	stream.indirect.gather [hbm4b:s6+s12], $0x80, s24, s12, $0xb8;
	[tilespmem:$0x1A400] =	vst v63  }
0x53: {  	_ =	swait.ge [sflag:s15], $0x4000  }
0x54: {  	[sflag:s15] =	ssyncset.done $0x0  }
0x55: {  	s25 =	simm.s32 $0x1400;
	[sflag:s15] =	ssyncadd.s32 $0xFFFFC000  }
0x56: {  	[spmem:s1] =	stream.indirect.scatter.add.f32 [tilespmem:s13], [sflag:$0x2], $0x80, s25, s12, $0xb8;
	[tilespmem:$0x1A400] =	vst v63  }
0x57: {  	_ =	swait.ge [sflag:s3], $0x4000  }
0x58: {  	s23 =	simm.s32 $0x400;
	s22 =	simm.s32 $0x200;
	[sflag:s3] =	ssyncset.done $0x0  }
.LBB2_4:
0x59: {  	s24 =	sshra.s32 s22, $0x2  }
0x5a: {  	[sflag:s3] =	ssyncadd.s32 $0xFFFFC000;
	s22 =	smov.u32 s23;
	s25 =	sadd.s32 $0x200, s23  }
0x5b: {  	[tilespmem:s13], [sflag:$0x1] =	stream.indirect.gather [hbm4b:s6+s12], $0x80, s24, s12, $0xb8;
	[tilespmem:$0x1A400] =	vst v63  }
0x5c: {  	p1 =	sne.s32 s23, $0x4E00;
	_ =	swait.ge [sflag:s15], $0x4000  }
.Ltmp1:
0x5d: {  	[sflag:s15] =	ssyncset.done $0x0;
	(pc) =	sbr.rel @p1 .LBB2_4-.Ltmp1, $4  }
0x5e: {  	s23 =	sadd.s32 $0x1400, s24;
	[sflag:s15] =	ssyncadd.s32 $0xFFFFC000  }
0x5f: {  	[spmem:s1] =	stream.indirect.scatter.add.f32 [tilespmem:s13], [sflag:$0x2], $0x80, s23, s12, $0xb8;
	[tilespmem:$0x1A400] =	vst v63  }
0x60: {  	_ =	swait.ge [sflag:s3], $0x4000  }
0x61: {  	s23 =	smov.u32 s25;
	[sflag:s3] =	ssyncset.done $0x0  }
0x62: {  	s22 =	sshra.s32 s22, $0x2;
	[sflag:s3] =	ssyncadd.s32 $0xFFFFC000  }
0x63: {  	[tilespmem:s13], [sflag:$0x1] =	stream.indirect.gather [hbm4b:s6+s12], $0x80, s22, s12, $0xb8;
	[tilespmem:$0x1A400] =	vst v63  }
0x64: {  	_ =	swait.ge [sflag:s15], $0x4000  }
0x65: {  	[sflag:s15] =	ssyncset.done $0x0  }
0x66: {  	s22 =	sadd.s32 $0x1400, s22;
	[sflag:s15] =	ssyncadd.s32 $0xFFFFC000  }
0x67: {  	[spmem:s1] =	stream.indirect.scatter.add.f32 [tilespmem:s13], [sflag:$0x2], $0x80, s22, s12, $0xb8;
	[tilespmem:$0x1A400] =	vst v63  }
0x68: {  	_ =	swait.ge [sflag:s3], $0x4000  }
0x69: {  	[sflag:s3] =	ssyncset.done $0x0  }
0x6a: {  	[sflag:s3] =	ssyncadd.s32 $0xFFFFC000  }
0x6b: {  	[bflag:$0x0] =	sbarrier.arrive $0xFFFF  }
0x6c: {  	s22 =	rddreg [dreg:$0x6]  }
0x6d: {  	[hbm:s22], [sflag:s17] =	dma.local @p0 [spmem:s20], $0x2080  }
0x6e: {  	s22 =	simm.s32 @p0 $0x2  }
0x6f: {  	_ =	swait.ge @p0 [sflag:s22], $0x2080  }
0x70: {  	[sflag:s22] =	ssyncset.done @p0 $0x0  }
0x71: {  	[sflag:s22] =	ssyncadd.s32 @p0 $0xFFFFDF80;
	s22 =	rddreg [dreg:$0xd]  }
0x72: {  	[hbm:s22], [sflag:s17] =	dma.local @!p0 [spmem:s21], $0x2780  }
0x73: {  	s22 =	simm.s32 @!p0 $0x2  }
0x74: {  	_ =	swait.ge @!p0 [sflag:s22], $0x2780  }
0x75: {  	[sflag:s22] =	ssyncset.done @!p0 $0x0  }
0x76: {  	[sflag:s22] =	ssyncadd.s32 @!p0 $0xFFFFD880  }
0x77: {  	[bflag:$0x0] =	sbarrier.arrive $0xFFFF  }
0x78: {  	[spmem:s18], [sflag:s17] =	dma.local [hbm:s14], $0x2780  }
0x79: {  	_ =	swait.ge [sflag:s3], $0x2780  }
0x7a: {  	[sflag:s3] =	ssyncset.done $0x0  }
0x7b: {  	[sflag:s3] =	ssyncadd.s32 $0xFFFFD880  }
0x7c: {  	s24 =	simm.s32 $0x0;
	[bflag:$0x0] =	sbarrier.arrive $0xFFFF  }
0x7d: {  	[tilespmem:s13], [sflag:$0x1] =	stream.indirect.gather [hbm4b:s5+s12], $0x80, s24, s12, $0xb8;
	[tilespmem:$0x1A400] =	vst v63  }
0x7e: {  	_ =	swait.ge [sflag:s15], $0x4000  }
0x7f: {  	[sflag:s15] =	ssyncset.done $0x0  }
0x80: {  	s25 =	simm.s32 $0x1400;
	[sflag:s15] =	ssyncadd.s32 $0xFFFFC000  }
0x81: {  	[spmem:s1] =	stream.indirect.scatter.add.f32 [tilespmem:s13], [sflag:$0x2], $0x80, s25, s12, $0xb8;
	[tilespmem:$0x1A400] =	vst v63  }
0x82: {  	_ =	swait.ge [sflag:s3], $0x4000  }
0x83: {  	s23 =	simm.s32 $0x400;
	s22 =	simm.s32 $0x200;
	[sflag:s3] =	ssyncset.done $0x0  }
.LBB2_6:
0x84: {  	s24 =	sshra.s32 s22, $0x2  }
0x85: {  	[sflag:s3] =	ssyncadd.s32 $0xFFFFC000;
	s22 =	smov.u32 s23;
	s25 =	sadd.s32 $0x200, s23  }
0x86: {  	[tilespmem:s13], [sflag:$0x1] =	stream.indirect.gather [hbm4b:s5+s12], $0x80, s24, s12, $0xb8;
	[tilespmem:$0x1A400] =	vst v63  }
0x87: {  	p1 =	sne.s32 s23, $0x4E00;
	_ =	swait.ge [sflag:s15], $0x4000  }
.Ltmp2:
0x88: {  	[sflag:s15] =	ssyncset.done $0x0;
	(pc) =	sbr.rel @p1 .LBB2_6-.Ltmp2, $4  }
0x89: {  	s23 =	sadd.s32 $0x1400, s24;
	[sflag:s15] =	ssyncadd.s32 $0xFFFFC000  }
0x8a: {  	[spmem:s1] =	stream.indirect.scatter.add.f32 [tilespmem:s13], [sflag:$0x2], $0x80, s23, s12, $0xb8;
	[tilespmem:$0x1A400] =	vst v63  }
0x8b: {  	_ =	swait.ge [sflag:s3], $0x4000  }
0x8c: {  	s23 =	smov.u32 s25;
	[sflag:s3] =	ssyncset.done $0x0  }
0x8d: {  	s22 =	sshra.s32 s22, $0x2;
	[sflag:s3] =	ssyncadd.s32 $0xFFFFC000  }
0x8e: {  	[tilespmem:s13], [sflag:$0x1] =	stream.indirect.gather [hbm4b:s5+s12], $0x80, s22, s12, $0xb8;
	[tilespmem:$0x1A400] =	vst v63  }
0x8f: {  	_ =	swait.ge [sflag:s15], $0x4000  }
0x90: {  	[sflag:s15] =	ssyncset.done $0x0  }
0x91: {  	s22 =	sadd.s32 $0x1400, s22;
	[sflag:s15] =	ssyncadd.s32 $0xFFFFC000  }
0x92: {  	[spmem:s1] =	stream.indirect.scatter.add.f32 [tilespmem:s13], [sflag:$0x2], $0x80, s22, s12, $0xb8;
	[tilespmem:$0x1A400] =	vst v63  }
0x93: {  	_ =	swait.ge [sflag:s3], $0x4000  }
0x94: {  	[sflag:s3] =	ssyncset.done $0x0  }
0x95: {  	[sflag:s3] =	ssyncadd.s32 $0xFFFFC000  }
0x96: {  	[bflag:$0x0] =	sbarrier.arrive $0xFFFF  }
0x97: {  	s22 =	rddreg [dreg:$0xb]  }
0x98: {  	[hbm:s22], [sflag:s17] =	dma.local @p0 [spmem:s20], $0x2080  }
0x99: {  	s22 =	simm.s32 @p0 $0x2  }
0x9a: {  	_ =	swait.ge @p0 [sflag:s22], $0x2080  }
0x9b: {  	[sflag:s22] =	ssyncset.done @p0 $0x0  }
0x9c: {  	[sflag:s22] =	ssyncadd.s32 @p0 $0xFFFFDF80;
	s22 =	rddreg [dreg:$0xe]  }
0x9d: {  	[hbm:s22], [sflag:s17] =	dma.local @!p0 [spmem:s21], $0x2780  }
0x9e: {  	s22 =	simm.s32 @!p0 $0x2  }
0x9f: {  	_ =	swait.ge @!p0 [sflag:s22], $0x2780  }
0xa0: {  	[sflag:s22] =	ssyncset.done @!p0 $0x0  }
0xa1: {  	[sflag:s22] =	ssyncadd.s32 @!p0 $0xFFFFD880  }
0xa2: {  	[bflag:$0x0] =	sbarrier.arrive $0xFFFF  }
0xa3: {  	[spmem:s18], [sflag:s17] =	dma.local [hbm:s14], $0x2780  }
0xa4: {  	_ =	swait.ge [sflag:s3], $0x2780  }
0xa5: {  	[sflag:s3] =	ssyncset.done $0x0  }
0xa6: {  	[sflag:s3] =	ssyncadd.s32 $0xFFFFD880  }
0xa7: {  	s24 =	simm.s32 $0x0;
	[bflag:$0x0] =	sbarrier.arrive $0xFFFF  }
0xa8: {  	[tilespmem:s13], [sflag:$0x1] =	stream.indirect.gather [hbm4b:s7+s12], $0x80, s24, s12, $0xb8;
	[tilespmem:$0x1A400] =	vst v63  }
0xa9: {  	_ =	swait.ge [sflag:s15], $0x4000  }
0xaa: {  	[sflag:s15] =	ssyncset.done $0x0  }
0xab: {  	s25 =	simm.s32 $0x1400;
	[sflag:s15] =	ssyncadd.s32 $0xFFFFC000  }
0xac: {  	[spmem:s1] =	stream.indirect.scatter.add.f32 [tilespmem:s13], [sflag:$0x2], $0x80, s25, s12, $0xb8;
	[tilespmem:$0x1A400] =	vst v63  }
0xad: {  	_ =	swait.ge [sflag:s3], $0x4000  }
0xae: {  	s23 =	simm.s32 $0x400;
	s22 =	simm.s32 $0x200;
	[sflag:s3] =	ssyncset.done $0x0  }
.LBB2_8:
0xaf: {  	s24 =	sshra.s32 s22, $0x2  }
0xb0: {  	[sflag:s3] =	ssyncadd.s32 $0xFFFFC000;
	s22 =	smov.u32 s23;
	s25 =	sadd.s32 $0x200, s23  }
0xb1: {  	[tilespmem:s13], [sflag:$0x1] =	stream.indirect.gather [hbm4b:s7+s12], $0x80, s24, s12, $0xb8;
	[tilespmem:$0x1A400] =	vst v63  }
0xb2: {  	p1 =	sne.s32 s23, $0x4E00;
	_ =	swait.ge [sflag:s15], $0x4000  }
.Ltmp3:
0xb3: {  	[sflag:s15] =	ssyncset.done $0x0;
	(pc) =	sbr.rel @p1 .LBB2_8-.Ltmp3, $4  }
0xb4: {  	s23 =	sadd.s32 $0x1400, s24;
	[sflag:s15] =	ssyncadd.s32 $0xFFFFC000  }
0xb5: {  	[spmem:s1] =	stream.indirect.scatter.add.f32 [tilespmem:s13], [sflag:$0x2], $0x80, s23, s12, $0xb8;
	[tilespmem:$0x1A400] =	vst v63  }
0xb6: {  	_ =	swait.ge [sflag:s3], $0x4000  }
0xb7: {  	s23 =	smov.u32 s25;
	[sflag:s3] =	ssyncset.done $0x0  }
0xb8: {  	s22 =	sshra.s32 s22, $0x2;
	[sflag:s3] =	ssyncadd.s32 $0xFFFFC000  }
0xb9: {  	[tilespmem:s13], [sflag:$0x1] =	stream.indirect.gather [hbm4b:s7+s12], $0x80, s22, s12, $0xb8;
	[tilespmem:$0x1A400] =	vst v63  }
0xba: {  	_ =	swait.ge [sflag:s15], $0x4000  }
0xbb: {  	[sflag:s15] =	ssyncset.done $0x0  }
0xbc: {  	s22 =	sadd.s32 $0x1400, s22;
	[sflag:s15] =	ssyncadd.s32 $0xFFFFC000  }
0xbd: {  	[spmem:s1] =	stream.indirect.scatter.add.f32 [tilespmem:s13], [sflag:$0x2], $0x80, s22, s12, $0xb8;
	[tilespmem:$0x1A400] =	vst v63  }
0xbe: {  	_ =	swait.ge [sflag:s3], $0x4000  }
0xbf: {  	[sflag:s3] =	ssyncset.done $0x0  }
0xc0: {  	[sflag:s3] =	ssyncadd.s32 $0xFFFFC000  }
0xc1: {  	[bflag:$0x0] =	sbarrier.arrive $0xFFFF  }
0xc2: {  	s22 =	rddreg [dreg:$0x7]  }
0xc3: {  	[hbm:s22], [sflag:s17] =	dma.local @p0 [spmem:s20], $0x2080  }
0xc4: {  	s22 =	simm.s32 @p0 $0x2  }
0xc5: {  	_ =	swait.ge @p0 [sflag:s22], $0x2080  }
0xc6: {  	[sflag:s22] =	ssyncset.done @p0 $0x0  }
0xc7: {  	[sflag:s22] =	ssyncadd.s32 @p0 $0xFFFFDF80;
	s22 =	simm.s32 @!p0 $0x2  }
0xc8: {  	[hbm:s26], [sflag:s17] =	dma.local @!p0 [spmem:s21], $0x2780  }
0xc9: {  	_ =	swait.ge @!p0 [sflag:s22], $0x2780  }
0xca: {  	[sflag:s22] =	ssyncset.done @!p0 $0x0  }
0xcb: {  	[sflag:s22] =	ssyncadd.s32 @!p0 $0xFFFFD880  }
0xcc: {  	[bflag:$0x0] =	sbarrier.arrive $0xFFFF  }
0xcd: {  	[spmem:s18], [sflag:s17] =	dma.local [hbm:s14], $0x2780  }
0xce: {  	_ =	swait.ge [sflag:s3], $0x2780  }
0xcf: {  	[sflag:s3] =	ssyncset.done $0x0  }
0xd0: {  	[sflag:s3] =	ssyncadd.s32 $0xFFFFD880  }
0xd1: {  	s24 =	simm.s32 $0x0;
	[bflag:$0x0] =	sbarrier.arrive $0xFFFF  }
0xd2: {  	[tilespmem:s13], [sflag:$0x1] =	stream.indirect.gather [hbm4b:s8+s12], $0x80, s24, s12, $0xb8;
	[tilespmem:$0x1A400] =	vst v63  }
0xd3: {  	_ =	swait.ge [sflag:s15], $0x4000  }
0xd4: {  	[sflag:s15] =	ssyncset.done $0x0  }
0xd5: {  	s25 =	simm.s32 $0x1400;
	[sflag:s15] =	ssyncadd.s32 $0xFFFFC000  }
0xd6: {  	[spmem:s1] =	stream.indirect.scatter.add.f32 [tilespmem:s13], [sflag:$0x2], $0x80, s25, s12, $0xb8;
	[tilespmem:$0x1A400] =	vst v63  }
0xd7: {  	_ =	swait.ge [sflag:s3], $0x4000  }
0xd8: {  	s23 =	simm.s32 $0x400;
	s22 =	simm.s32 $0x200;
	[sflag:s3] =	ssyncset.done $0x0  }
.LBB2_10:
0xd9: {  	s24 =	sshra.s32 s22, $0x2  }
0xda: {  	[sflag:s3] =	ssyncadd.s32 $0xFFFFC000;
	s22 =	smov.u32 s23;
	s25 =	sadd.s32 $0x200, s23  }
0xdb: {  	[tilespmem:s13], [sflag:$0x1] =	stream.indirect.gather [hbm4b:s8+s12], $0x80, s24, s12, $0xb8;
	[tilespmem:$0x1A400] =	vst v63  }
0xdc: {  	p1 =	sne.s32 s23, $0x4E00;
	_ =	swait.ge [sflag:s15], $0x4000  }
.Ltmp4:
0xdd: {  	[sflag:s15] =	ssyncset.done $0x0;
	(pc) =	sbr.rel @p1 .LBB2_10-.Ltmp4, $4  }
0xde: {  	s23 =	sadd.s32 $0x1400, s24;
	[sflag:s15] =	ssyncadd.s32 $0xFFFFC000  }
0xdf: {  	[spmem:s1] =	stream.indirect.scatter.add.f32 [tilespmem:s13], [sflag:$0x2], $0x80, s23, s12, $0xb8;
	[tilespmem:$0x1A400] =	vst v63  }
0xe0: {  	_ =	swait.ge [sflag:s3], $0x4000  }
0xe1: {  	s23 =	smov.u32 s25;
	[sflag:s3] =	ssyncset.done $0x0  }
0xe2: {  	s22 =	sshra.s32 s22, $0x2;
	[sflag:s3] =	ssyncadd.s32 $0xFFFFC000  }
0xe3: {  	[tilespmem:s13], [sflag:$0x1] =	stream.indirect.gather [hbm4b:s8+s12], $0x80, s22, s12, $0xb8;
	[tilespmem:$0x1A400] =	vst v63  }
0xe4: {  	_ =	swait.ge [sflag:s15], $0x4000  }
0xe5: {  	[sflag:s15] =	ssyncset.done $0x0  }
0xe6: {  	s22 =	sadd.s32 $0x1400, s22;
	[sflag:s15] =	ssyncadd.s32 $0xFFFFC000  }
0xe7: {  	[spmem:s1] =	stream.indirect.scatter.add.f32 [tilespmem:s13], [sflag:$0x2], $0x80, s22, s12, $0xb8;
	[tilespmem:$0x1A400] =	vst v63  }
0xe8: {  	_ =	swait.ge [sflag:s3], $0x4000  }
0xe9: {  	[sflag:s3] =	ssyncset.done $0x0  }
0xea: {  	[sflag:s3] =	ssyncadd.s32 $0xFFFFC000  }
0xeb: {  	[bflag:$0x0] =	sbarrier.arrive $0xFFFF  }
0xec: {  	s22 =	rddreg [dreg:$0x8]  }
0xed: {  	[hbm:s22], [sflag:s17] =	dma.local @p0 [spmem:s20], $0x2080  }
0xee: {  	s22 =	simm.s32 @p0 $0x2  }
0xef: {  	_ =	swait.ge @p0 [sflag:s22], $0x2080  }
0xf0: {  	[sflag:s22] =	ssyncset.done @p0 $0x0  }
0xf1: {  	[sflag:s22] =	ssyncadd.s32 @p0 $0xFFFFDF80;
	s22 =	simm.s32 @!p0 $0x2  }
0xf2: {  	[hbm:s29], [sflag:s17] =	dma.local @!p0 [spmem:s21], $0x2780  }
0xf3: {  	_ =	swait.ge @!p0 [sflag:s22], $0x2780  }
0xf4: {  	[sflag:s22] =	ssyncset.done @!p0 $0x0  }
0xf5: {  	[sflag:s22] =	ssyncadd.s32 @!p0 $0xFFFFD880  }
0xf6: {  	[bflag:$0x0] =	sbarrier.arrive $0xFFFF  }
0xf7: {  	[spmem:s18], [sflag:s17] =	dma.local [hbm:s14], $0x2780  }
0xf8: {  	_ =	swait.ge [sflag:s3], $0x2780  }
0xf9: {  	[sflag:s3] =	ssyncset.done $0x0  }
0xfa: {  	[sflag:s3] =	ssyncadd.s32 $0xFFFFD880  }
0xfb: {  	s24 =	simm.s32 $0x0;
	[bflag:$0x0] =	sbarrier.arrive $0xFFFF  }
0xfc: {  	[tilespmem:s13], [sflag:$0x1] =	stream.indirect.gather [hbm4b:s9+s12], $0x80, s24, s12, $0xb8;
	[tilespmem:$0x1A400] =	vst v63  }
0xfd: {  	_ =	swait.ge [sflag:s15], $0x4000  }
0xfe: {  	[sflag:s15] =	ssyncset.done $0x0  }
0xff: {  	s25 =	simm.s32 $0x1400;
	[sflag:s15] =	ssyncadd.s32 $0xFFFFC000  }
0x100: {  	[spmem:s1] =	stream.indirect.scatter.add.f32 [tilespmem:s13], [sflag:$0x2], $0x80, s25, s12, $0xb8;
	[tilespmem:$0x1A400] =	vst v63  }
0x101: {  	_ =	swait.ge [sflag:s3], $0x4000  }
0x102: {  	s23 =	simm.s32 $0x400;
	s22 =	simm.s32 $0x200;
	[sflag:s3] =	ssyncset.done $0x0  }
.LBB2_12:
0x103: {  	s24 =	sshra.s32 s22, $0x2  }
0x104: {  	[sflag:s3] =	ssyncadd.s32 $0xFFFFC000;
	s22 =	smov.u32 s23;
	s25 =	sadd.s32 $0x200, s23  }
0x105: {  	[tilespmem:s13], [sflag:$0x1] =	stream.indirect.gather [hbm4b:s9+s12], $0x80, s24, s12, $0xb8;
	[tilespmem:$0x1A400] =	vst v63  }
0x106: {  	p1 =	sne.s32 s23, $0x4E00;
	_ =	swait.ge [sflag:s15], $0x4000  }
.Ltmp5:
0x107: {  	[sflag:s15] =	ssyncset.done $0x0;
	(pc) =	sbr.rel @p1 .LBB2_12-.Ltmp5, $4  }
0x108: {  	s23 =	sadd.s32 $0x1400, s24;
	[sflag:s15] =	ssyncadd.s32 $0xFFFFC000  }
0x109: {  	[spmem:s1] =	stream.indirect.scatter.add.f32 [tilespmem:s13], [sflag:$0x2], $0x80, s23, s12, $0xb8;
	[tilespmem:$0x1A400] =	vst v63  }
0x10a: {  	_ =	swait.ge [sflag:s3], $0x4000  }
0x10b: {  	s23 =	smov.u32 s25;
	[sflag:s3] =	ssyncset.done $0x0  }
0x10c: {  	s22 =	sshra.s32 s22, $0x2;
	[sflag:s3] =	ssyncadd.s32 $0xFFFFC000  }
0x10d: {  	[tilespmem:s13], [sflag:$0x1] =	stream.indirect.gather [hbm4b:s9+s12], $0x80, s22, s12, $0xb8;
	[tilespmem:$0x1A400] =	vst v63  }
0x10e: {  	_ =	swait.ge [sflag:s15], $0x4000  }
0x10f: {  	[sflag:s15] =	ssyncset.done $0x0  }
0x110: {  	s22 =	sadd.s32 $0x1400, s22;
	[sflag:s15] =	ssyncadd.s32 $0xFFFFC000  }
0x111: {  	[spmem:s1] =	stream.indirect.scatter.add.f32 [tilespmem:s13], [sflag:$0x2], $0x80, s22, s12, $0xb8;
	[tilespmem:$0x1A400] =	vst v63  }
0x112: {  	_ =	swait.ge [sflag:s3], $0x4000  }
0x113: {  	[sflag:s3] =	ssyncset.done $0x0  }
0x114: {  	[sflag:s3] =	ssyncadd.s32 $0xFFFFC000  }
0x115: {  	[bflag:$0x0] =	sbarrier.arrive $0xFFFF  }
0x116: {  	s22 =	rddreg [dreg:$0x9]  }
0x117: {  	[hbm:s22], [sflag:s17] =	dma.local @p0 [spmem:s20], $0x2080  }
0x118: {  	s22 =	simm.s32 @p0 $0x2  }
0x119: {  	_ =	swait.ge @p0 [sflag:s22], $0x2080  }
0x11a: {  	[sflag:s22] =	ssyncset.done @p0 $0x0  }
0x11b: {  	[sflag:s22] =	ssyncadd.s32 @p0 $0xFFFFDF80;
	s22 =	simm.s32 @!p0 $0x2  }
0x11c: {  	[hbm:s30], [sflag:s17] =	dma.local @!p0 [spmem:s21], $0x2780  }
0x11d: {  	_ =	swait.ge @!p0 [sflag:s22], $0x2780  }
0x11e: {  	[sflag:s22] =	ssyncset.done @!p0 $0x0  }
0x11f: {  	[sflag:s22] =	ssyncadd.s32 @!p0 $0xFFFFD880  }
0x120: {  	[bflag:$0x0] =	sbarrier.arrive $0xFFFF  }
0x121: {  	[spmem:s18], [sflag:s17] =	dma.local [hbm:s14], $0x2780  }
0x122: {  	_ =	swait.ge [sflag:s3], $0x2780  }
0x123: {  	[sflag:s3] =	ssyncset.done $0x0  }
0x124: {  	[sflag:s3] =	ssyncadd.s32 $0xFFFFD880  }
0x125: {  	s24 =	simm.s32 $0x0;
	[bflag:$0x0] =	sbarrier.arrive $0xFFFF  }
0x126: {  	[tilespmem:s13], [sflag:$0x1] =	stream.indirect.gather [hbm4b:s10+s12], $0x80, s24, s12, $0xb8;
	[tilespmem:$0x1A400] =	vst v63  }
0x127: {  	_ =	swait.ge [sflag:s15], $0x4000  }
0x128: {  	[sflag:s15] =	ssyncset.done $0x0  }
0x129: {  	s25 =	simm.s32 $0x1400;
	[sflag:s15] =	ssyncadd.s32 $0xFFFFC000  }
0x12a: {  	[spmem:s1] =	stream.indirect.scatter.add.f32 [tilespmem:s13], [sflag:$0x2], $0x80, s25, s12, $0xb8;
	[tilespmem:$0x1A400] =	vst v63  }
0x12b: {  	_ =	swait.ge [sflag:s3], $0x4000  }
0x12c: {  	s23 =	simm.s32 $0x400;
	s22 =	simm.s32 $0x200;
	[sflag:s3] =	ssyncset.done $0x0  }
.LBB2_14:
0x12d: {  	s24 =	sshra.s32 s22, $0x2  }
0x12e: {  	[sflag:s3] =	ssyncadd.s32 $0xFFFFC000;
	s22 =	smov.u32 s23;
	s25 =	sadd.s32 $0x200, s23  }
0x12f: {  	[tilespmem:s13], [sflag:$0x1] =	stream.indirect.gather [hbm4b:s10+s12], $0x80, s24, s12, $0xb8;
	[tilespmem:$0x1A400] =	vst v63  }
0x130: {  	p1 =	sne.s32 s23, $0x4E00;
	_ =	swait.ge [sflag:s15], $0x4000  }
.Ltmp6:
0x131: {  	[sflag:s15] =	ssyncset.done $0x0;
	(pc) =	sbr.rel @p1 .LBB2_14-.Ltmp6, $4  }
0x132: {  	s23 =	sadd.s32 $0x1400, s24;
	[sflag:s15] =	ssyncadd.s32 $0xFFFFC000  }
0x133: {  	[spmem:s1] =	stream.indirect.scatter.add.f32 [tilespmem:s13], [sflag:$0x2], $0x80, s23, s12, $0xb8;
	[tilespmem:$0x1A400] =	vst v63  }
0x134: {  	_ =	swait.ge [sflag:s3], $0x4000  }
0x135: {  	s23 =	smov.u32 s25;
	[sflag:s3] =	ssyncset.done $0x0  }
0x136: {  	s22 =	sshra.s32 s22, $0x2;
	[sflag:s3] =	ssyncadd.s32 $0xFFFFC000  }
0x137: {  	[tilespmem:s13], [sflag:$0x1] =	stream.indirect.gather [hbm4b:s10+s12], $0x80, s22, s12, $0xb8;
	[tilespmem:$0x1A400] =	vst v63  }
0x138: {  	_ =	swait.ge [sflag:s15], $0x4000  }
0x139: {  	[sflag:s15] =	ssyncset.done $0x0  }
0x13a: {  	s22 =	sadd.s32 $0x1400, s22;
	[sflag:s15] =	ssyncadd.s32 $0xFFFFC000  }
0x13b: {  	[spmem:s1] =	stream.indirect.scatter.add.f32 [tilespmem:s13], [sflag:$0x2], $0x80, s22, s12, $0xb8;
	[tilespmem:$0x1A400] =	vst v63  }
0x13c: {  	_ =	swait.ge [sflag:s3], $0x4000  }
0x13d: {  	[sflag:s3] =	ssyncset.done $0x0  }
0x13e: {  	[sflag:s3] =	ssyncadd.s32 $0xFFFFC000  }
0x13f: {  	[bflag:$0x0] =	sbarrier.arrive $0xFFFF  }
0x140: {  	s22 =	rddreg [dreg:$0xa]  }
0x141: {  	[hbm:s22], [sflag:s17] =	dma.local @p0 [spmem:s20], $0x2080  }
0x142: {  	s22 =	simm.s32 @p0 $0x2  }
0x143: {  	_ =	swait.ge @p0 [sflag:s22], $0x2080  }
0x144: {  	[sflag:s22] =	ssyncset.done @p0 $0x0  }
0x145: {  	[sflag:s22] =	ssyncadd.s32 @p0 $0xFFFFDF80;
	s22 =	simm.s32 @!p0 $0x2  }
0x146: {  	[hbm:s0], [sflag:s17] =	dma.local @!p0 [spmem:s21], $0x2780  }
0x147: {  	_ =	swait.ge @!p0 [sflag:s22], $0x2780  }
0x148: {  	[sflag:s22] =	ssyncset.done @!p0 $0x0  }
0x149: {  	[sflag:s22] =	ssyncadd.s32 @!p0 $0xFFFFD880  }
0x14a: {  	[bflag:$0x0] =	sbarrier.arrive $0xFFFF  }
0x14b: {  	[spmem:s18], [sflag:s17] =	dma.local [hbm:s14], $0x2780  }
0x14c: {  	_ =	swait.ge [sflag:s3], $0x2780  }
0x14d: {  	[sflag:s3] =	ssyncset.done $0x0  }
0x14e: {  	[sflag:s3] =	ssyncadd.s32 $0xFFFFD880  }
0x14f: {  	s24 =	simm.s32 $0x0;
	[bflag:$0x0] =	sbarrier.arrive $0xFFFF  }
0x150: {  	[tilespmem:s13], [sflag:$0x1] =	stream.indirect.gather [hbm4b:s11+s12], $0x80, s24, s12, $0xb8;
	[tilespmem:$0x1A400] =	vst v63  }
0x151: {  	_ =	swait.ge [sflag:s15], $0x4000  }
0x152: {  	[sflag:s15] =	ssyncset.done $0x0  }
0x153: {  	s25 =	simm.s32 $0x1400;
	[sflag:s15] =	ssyncadd.s32 $0xFFFFC000  }
0x154: {  	[spmem:s1] =	stream.indirect.scatter.add.f32 [tilespmem:s13], [sflag:$0x2], $0x80, s25, s12, $0xb8;
	[tilespmem:$0x1A400] =	vst v63  }
0x155: {  	_ =	swait.ge [sflag:s3], $0x4000  }
0x156: {  	s22 =	simm.s32 $0x400;
	s18 =	simm.s32 $0x200;
	[sflag:s3] =	ssyncset.done $0x0  }
.LBB2_16:
0x157: {  	s23 =	sshra.s32 s18, $0x2  }
0x158: {  	[sflag:s3] =	ssyncadd.s32 $0xFFFFC000;
	s18 =	smov.u32 s22;
	s24 =	sadd.s32 $0x200, s22  }
0x159: {  	[tilespmem:s13], [sflag:$0x1] =	stream.indirect.gather [hbm4b:s11+s12], $0x80, s23, s12, $0xb8;
	[tilespmem:$0x1A400] =	vst v63  }
0x15a: {  	p1 =	sne.s32 s22, $0x4E00;
	_ =	swait.ge [sflag:s15], $0x4000  }
.Ltmp7:
0x15b: {  	[sflag:s15] =	ssyncset.done $0x0;
	(pc) =	sbr.rel @p1 .LBB2_16-.Ltmp7, $4  }
0x15c: {  	s22 =	sadd.s32 $0x1400, s23;
	[sflag:s15] =	ssyncadd.s32 $0xFFFFC000  }
0x15d: {  	[spmem:s1] =	stream.indirect.scatter.add.f32 [tilespmem:s13], [sflag:$0x2], $0x80, s22, s12, $0xb8;
	[tilespmem:$0x1A400] =	vst v63  }
0x15e: {  	_ =	swait.ge [sflag:s3], $0x4000  }
0x15f: {  	s22 =	smov.u32 s24;
	[sflag:s3] =	ssyncset.done $0x0  }
0x160: {  	s18 =	sshra.s32 s18, $0x2;
	[sflag:s3] =	ssyncadd.s32 $0xFFFFC000  }
0x161: {  	[tilespmem:s13], [sflag:$0x1] =	stream.indirect.gather [hbm4b:s11+s12], $0x80, s18, s12, $0xb8;
	[tilespmem:$0x1A400] =	vst v63  }
0x162: {  	_ =	swait.ge [sflag:s15], $0x4000  }
0x163: {  	[sflag:s15] =	ssyncset.done $0x0  }
0x164: {  	s18 =	sadd.s32 $0x1400, s18;
	[sflag:s15] =	ssyncadd.s32 $0xFFFFC000  }
0x165: {  	[spmem:s1] =	stream.indirect.scatter.add.f32 [tilespmem:s13], [sflag:$0x2], $0x80, s18, s12, $0xb8;
	[tilespmem:$0x1A400] =	vst v63  }
0x166: {  	_ =	swait.ge [sflag:s3], $0x4000  }
0x167: {  	[sflag:s3] =	ssyncset.done $0x0  }
0x168: {  	[sflag:s3] =	ssyncadd.s32 $0xFFFFC000  }
0x169: {  	[bflag:$0x0] =	sbarrier.arrive $0xFFFF  }
0x16a: {  	s18 =	rddreg [dreg:$0xc]  }
0x16b: {  	[hbm:s18], [sflag:s17] =	dma.local @p0 [spmem:s20], $0x2080  }
0x16c: {  	s18 =	simm.s32 @p0 $0x2  }
0x16d: {  	_ =	swait.ge @p0 [sflag:s18], $0x2080  }
0x16e: {  	[sflag:s18] =	ssyncset.done @p0 $0x0  }
0x16f: {  	s16 =	sadd.s32 $0x1, s16;
	[sflag:s18] =	ssyncadd.s32 @p0 $0xFFFFDF80  }
0x170: {  	[hbm:s2], [sflag:s17] =	dma.local @!p0 [spmem:s21], $0x2780  }
0x171: {  	p1 =	sne.s32 s16, s31;
	s17 =	simm.s32 @!p0 $0x2  }
.Ltmp8:
0x172: {  	_ =	swait.ge @!p0 [sflag:s17], $0x2780;
	(pc) =	sbr.rel @p1 .LBB2_1-.Ltmp8, $3  }
0x173: {  	[sflag:s17] =	ssyncset.done @!p0 $0x0  }
0x174: {  	[sflag:s17] =	ssyncadd.s32 @!p0 $0xFFFFD880  }
0x175: {  	[bflag:$0x0] =	sbarrier.arrive $0xFFFF;
	_ =	sdelay $0x1  }
0x176: {  	_ =	sfence.sel $0x180000  }
0x177: {  	[bflag:$0x0] =	sbarrier.arrive $0xFFFF  }
0x178: {  	_ =	strace $0x90000050  }
0x179: {  	s0 =	stileid.u32;
	[bflag:$0x2] =	sbarrier.arrive $0xFFFF  }
0x17a: {  	p0 =	sne.s32 s0, $0x0;
	s0 =	rddreg [dreg:$0x2]  }
0x17b: {  	s0 =	sadd.s32 @!p0 $0x100000, s0  }
0x17c: {  	[sflag:s0] =	ssyncadd.tile.s32 @!p0 $0x1;
	_ =	shalt  }
.Lfunc_end2:
_tile_overlayer_lowered:
.L_overlay_start_2:
0x17d: {  	(tag) =	ssettag $0x2  }
0x17e: {  	s0 =	rddreg [dreg:$0x0];
	s2 =	stileid.u32  }
0x17f: {  	s1 =	rddreg [dreg:$0x1];
	p0 =	sne.s32 s2, $0x0  }
0x180: {  	s3 =	rddreg [dreg:$0x2];
	[bflag:$0x3] =	sbarrier.arrive $0xFFFF;
	s2 =	simm.s32 @!p0 $0x1C02  }
0x181: {  	[timem:s3], [sflag:s2] =	dma.local @!p0 [hbm:s0], s1  }
0x182: {  	s0 =	simm.s32 @!p0 $0x2  }
0x183: {  	_ =	swait.ge @!p0 [sflag:s0], s1  }
0x184: {  	s1 =	ssub.s32 @!p0 $0x0, s1;
	[sflag:s0] =	ssyncset.done @!p0 $0x0  }
0x185: {  	[sflag:s0] =	ssyncadd.s32 @!p0 s1  }
0x186: {  	[bflag:$0x3] =	sbarrier.arrive $0xFFFF  }
0x187: {  	_ =	shalt  }

</sc_bundles>
